<compile_context>
chip_gen: v7x
topology: tpu7x:2x2x1
jax: 0.10.2.dev20260603
libtpu: 0.0.44.dev20260713+nightly
codegen_flags: <defaults>
</compile_context>

<pallas_src>
import functools
import jax
import jax.numpy as jnp
from jax import lax
from jax.experimental import pallas as pl
from jax.experimental.pallas import tpu as pltpu
from jax.experimental.pallas import tpu_sc as plsc

_B, _T, _D = 4, 8192, 1024
_NW = 32
_TPW = _T // _NW
_C = 32
_NCH = _TPW // _C
_STEPS = _NCH * _B


def _sc_body(x_hbm, pos_hbm, out_hbm, xv0, xv1, pv, sx0, sx1, so0, so1, sp):
    wid = lax.axis_index("s") * 2 + lax.axis_index("c")
    t0 = wid * _TPW
    xv, sx, so = (xv0, xv1), (sx0, sx1), (so0, so1)

    def x_slice(s):
        ci, b = divmod(s, _B)
        row = b * _T + t0 + ci * _C
        return x_hbm.at[pl.ds(row * _D, _C * _D)]

    def out_slice(s):
        ci, b = divmod(s, _B)
        row = b * _T + t0 + ci * _C
        return out_hbm.at[pl.ds(row * _D, _C * _D)]

    def pos_slice(ci):
        return pos_hbm.at[pl.ds((t0 + ci * _C) * _D, _C * _D)]

    pltpu.make_async_copy(pos_slice(0), pv, sp).start()
    pltpu.make_async_copy(x_slice(0), xv[0], sx[0]).start()

    for s in range(_STEPS):
        p = s % 2
        ci, b = divmod(s, _B)
        pltpu.make_async_copy(x_slice(s), xv[p], sx[p]).wait()
        if b == 0:
            pltpu.make_async_copy(pos_slice(ci), pv, sp).wait()
        if s + 1 < _STEPS:
            q = (s + 1) % 2
            if s >= 1:
                pltpu.make_async_copy(xv[q], out_slice(s - 1), so[q]).wait()
            pltpu.make_async_copy(x_slice(s + 1), xv[q], sx[q]).start()

        xbuf = xv[p]

        @plsc.parallel_loop(0, _C * _D // 16, unroll=8)
        def add_loop(i):
            sl = pl.ds(i * 16, 16)
            xbuf[sl] = xbuf[sl] + pv[sl]

        pltpu.make_async_copy(xbuf, out_slice(s), so[p]).start()
        if b == _B - 1 and ci + 1 < _NCH:
            pltpu.make_async_copy(pos_slice(ci + 1), pv, sp).start()

    pltpu.make_async_copy(xv[(_STEPS - 2) % 2], out_slice(_STEPS - 2),
                          so[(_STEPS - 2) % 2]).wait()
    pltpu.make_async_copy(xv[(_STEPS - 1) % 2], out_slice(_STEPS - 1),
                          so[(_STEPS - 1) % 2]).wait()


def kernel(x, pos_table):
    B, T, D = x.shape
    mesh = plsc.VectorSubcoreMesh(
        core_axis_name="c", subcore_axis_name="s", num_cores=2, num_subcores=16
    )
    body = functools.partial(
        pl.kernel,
        mesh=mesh,
        out_type=jax.ShapeDtypeStruct((B * T * D,), jnp.float32),
        scratch_types=[
            pltpu.VMEM((_C * _D,), jnp.float32),
            pltpu.VMEM((_C * _D,), jnp.float32),
            pltpu.VMEM((_C * _D,), jnp.float32),
            pltpu.SemaphoreType.DMA,
            pltpu.SemaphoreType.DMA,
            pltpu.SemaphoreType.DMA,
            pltpu.SemaphoreType.DMA,
            pltpu.SemaphoreType.DMA,
        ],
    )(_sc_body)
    out = body(x.reshape(-1), pos_table.reshape(-1))
    return out.reshape(x.shape)

# --- scband reference (transcript-rebuilt; emitter-appended) ---
"""Pipeline reference for scband-learned-positional-embedding-80161269612557 (READ-ONLY COPY).

The authoritative reference and input builder live on the scoring server;
editing this copy changes nothing except your own understanding.
"""

import jax, jax.numpy as jnp
import numpy as np

MAX_LEN = 8192
D_MODEL = 1024
B, T = 4, 8192


def setup_inputs(seed: int = 0) -> dict:
    key = jax.random.key(seed)
    k1, k2 = jax.random.split(key)
    x = jax.random.normal(k1, (B, T, D_MODEL), dtype=jnp.float32)
    # nn.Embedding default init: N(0, 1)
    pos_table = jax.random.normal(k2, (MAX_LEN, D_MODEL), dtype=jnp.float32)
    return {"x": x, "pos_table": pos_table}


def reference(x, pos_table):
    batch_size, seq_len, d_model = x.shape
    positions = jnp.arange(seq_len)
    position_embeddings = jnp.take(pos_table, positions, axis=0)  # (T, d_model)
    out = x + position_embeddings[None, :, :]  # broadcast over batch
    # dropout=0.0 -> identity
    return out

if __name__ == "__main__":
    import jax
    _d = setup_inputs()
    print(jax.jit(kernel)(*tuple(_d.values())))

</pallas_src>

<mosaic_0001>
#map = affine_map<(d0, d1) -> (0)>
module attributes {stable_mosaic.version = 14 : i64} {
  func.func @_sc_body(%arg0: i32, %arg1: i32, %arg2: memref<33554432xf32, #tpu.memory_space<hbm>>, %arg3: memref<8388608xf32, #tpu.memory_space<hbm>>, %arg4: memref<33554432xf32, #tpu.memory_space<hbm>>, %arg5: memref<32768xf32, #tpu.memory_space<vmem>>, %arg6: memref<32768xf32, #tpu.memory_space<vmem>>, %arg7: memref<32768xf32, #tpu.memory_space<vmem>>, %arg8: memref<!tpu.dma_semaphore, #tpu.memory_space<semaphore_mem>>, %arg9: memref<!tpu.dma_semaphore, #tpu.memory_space<semaphore_mem>>, %arg10: memref<!tpu.dma_semaphore, #tpu.memory_space<semaphore_mem>>, %arg11: memref<!tpu.dma_semaphore, #tpu.memory_space<semaphore_mem>>, %arg12: memref<!tpu.dma_semaphore, #tpu.memory_space<semaphore_mem>>) attributes {dimension_semantics = [#tpu.dimension_semantics<core_parallel>, #tpu.dimension_semantics<subcore_parallel>], iteration_bounds = array<i64: 2, 16>, scalar_prefetch = 0 : i64, scratch_operands = 8 : i64, tpu.core_type = #tpu.core_type<sc_vector_subcore>, window_params = [{transform_indices = #map}, {transform_indices = #map}, {transform_indices = #map}]} {
    %mul3A = arith.constant 2 : i32
    %mul3A_0 = arith.muli %arg1, %mul3A : i32
    %add3A = arith.addi %mul3A_0, %arg0 : i32
    %mul3A_1 = arith.constant 256 : i32
    %mul3A_2 = arith.muli %add3A, %mul3A_1 : i32
    %add3A_3 = arith.constant 0 : i32
    %add3A_4 = arith.addi %mul3A_2, %add3A_3 : i32
    %mul3A_5 = arith.constant 1024 : i32
    %mul3A_6 = arith.muli %add3A_4, %mul3A_5 : i32
    %dma_start3A = tpu.memref_slice %arg3[%mul3A_6] : memref<8388608xf32, #tpu.memory_space<hbm>> -> memref<32768xf32, #tpu.memory_space<hbm>>
    %dma_start3A_7 = tpu.memref_slice %arg3[%mul3A_6] : memref<8388608xf32, #tpu.memory_space<hbm>> -> memref<32768xf32, #tpu.memory_space<hbm>>
    tpu.enqueue_dma source(%dma_start3A_7 : memref<32768xf32, #tpu.memory_space<hbm>>) target(%arg7 : memref<32768xf32, #tpu.memory_space<vmem>>) target_semaphore(%arg12 : memref<!tpu.dma_semaphore, #tpu.memory_space<semaphore_mem>>)
    %add3A_8 = arith.constant 0 : i32
    %add3A_9 = arith.addi %add3A_8, %mul3A_2 : i32
    %add3A_10 = arith.constant 0 : i32
    %add3A_11 = arith.addi %add3A_9, %add3A_10 : i32
    %mul3A_12 = arith.constant 1024 : i32
    %mul3A_13 = arith.muli %add3A_11, %mul3A_12 : i32
    %dma_start3A_14 = tpu.memref_slice %arg2[%mul3A_13] : memref<33554432xf32, #tpu.memory_space<hbm>> -> memref<32768xf32, #tpu.memory_space<hbm>>
    %dma_start3A_15 = tpu.memref_slice %arg2[%mul3A_13] : memref<33554432xf32, #tpu.memory_space<hbm>> -> memref<32768xf32, #tpu.memory_space<hbm>>
    tpu.enqueue_dma source(%dma_start3A_15 : memref<32768xf32, #tpu.memory_space<hbm>>) target(%arg5 : memref<32768xf32, #tpu.memory_space<vmem>>) target_semaphore(%arg8 : memref<!tpu.dma_semaphore, #tpu.memory_space<semaphore_mem>>)
    %add3A_16 = arith.constant 0 : i32
    %add3A_17 = arith.addi %add3A_16, %mul3A_2 : i32
    %add3A_18 = arith.constant 0 : i32
    %add3A_19 = arith.addi %add3A_17, %add3A_18 : i32
    %mul3A_20 = arith.constant 1024 : i32
    %mul3A_21 = arith.muli %add3A_19, %mul3A_20 : i32
    %dma_wait3A = tpu.memref_slice %arg2[%mul3A_21] : memref<33554432xf32, #tpu.memory_space<hbm>> -> memref<32768xf32, #tpu.memory_space<hbm>>
    %dma_wait3A_22 = tpu.memref_slice %arg2[%mul3A_21] : memref<33554432xf32, #tpu.memory_space<hbm>> -> memref<32768xf32, #tpu.memory_space<hbm>>
    tpu.wait_dma2 semaphore(%arg8 : memref<!tpu.dma_semaphore, #tpu.memory_space<semaphore_mem>>) src(%dma_wait3A_22 : memref<32768xf32, #tpu.memory_space<hbm>>) dst(%arg5 : memref<32768xf32, #tpu.memory_space<vmem>>)
    %add3A_23 = arith.constant 0 : i32
    %add3A_24 = arith.addi %mul3A_2, %add3A_23 : i32
    %mul3A_25 = arith.constant 1024 : i32
    %mul3A_26 = arith.muli %add3A_24, %mul3A_25 : i32
    %dma_wait3A_27 = tpu.memref_slice %arg3[%mul3A_26] : memref<8388608xf32, #tpu.memory_space<hbm>> -> memref<32768xf32, #tpu.memory_space<hbm>>
    %dma_wait3A_28 = tpu.memref_slice %arg3[%mul3A_26] : memref<8388608xf32, #tpu.memory_space<hbm>> -> memref<32768xf32, #tpu.memory_space<hbm>>
    tpu.wait_dma2 semaphore(%arg12 : memref<!tpu.dma_semaphore, #tpu.memory_space<semaphore_mem>>) src(%dma_wait3A_28 : memref<32768xf32, #tpu.memory_space<hbm>>) dst(%arg7 : memref<32768xf32, #tpu.memory_space<vmem>>)
    %add3A_29 = arith.constant 8192 : i32
    %add3A_30 = arith.addi %add3A_29, %mul3A_2 : i32
    %add3A_31 = arith.constant 0 : i32
    %add3A_32 = arith.addi %add3A_30, %add3A_31 : i32
    %mul3A_33 = arith.constant 1024 : i32
    %mul3A_34 = arith.muli %add3A_32, %mul3A_33 : i32
    %dma_start3A_35 = tpu.memref_slice %arg2[%mul3A_34] : memref<33554432xf32, #tpu.memory_space<hbm>> -> memref<32768xf32, #tpu.memory_space<hbm>>
    %dma_start3A_36 = tpu.memref_slice %arg2[%mul3A_34] : memref<33554432xf32, #tpu.memory_space<hbm>> -> memref<32768xf32, #tpu.memory_space<hbm>>
    tpu.enqueue_dma source(%dma_start3A_36 : memref<32768xf32, #tpu.memory_space<hbm>>) target(%arg6 : memref<32768xf32, #tpu.memory_space<vmem>>) target_semaphore(%arg9 : memref<!tpu.dma_semaphore, #tpu.memory_space<semaphore_mem>>)
    %parallel_loop3A = arith.constant 0 : i32
    %parallel_loop3A_37 = arith.constant 2048 : i32
    %parallel_loop3A_38 = arith.constant 1 : i32
    scf.for %parallel_loop3A_1216 = %parallel_loop3A to %parallel_loop3A_37 step %parallel_loop3A_38  : i32 {
      %parallel_loop3A_1217 = arith.constant 16 : i32
      %parallel_loop3A_1218 = arith.muli %parallel_loop3A_1216, %parallel_loop3A_1217 : i32
      %parallel_loop3A_1219 = arith.index_cast %parallel_loop3A_1218 : i32 to index
      %parallel_loop3A_1220 = tpu.vector_load %arg5[%parallel_loop3A_1219] {strides = array<i32>} : memref<32768xf32, #tpu.memory_space<vmem>>, vector<16xf32>,
      %parallel_loop3A_1221 = vector.shape_cast %parallel_loop3A_1220 : vector<16xf32> to vector<16xf32>
      %parallel_loop3A_1222 = arith.index_cast %parallel_loop3A_1218 : i32 to index
      %parallel_loop3A_1223 = tpu.vector_load %arg7[%parallel_loop3A_1222] {strides = array<i32>} : memref<32768xf32, #tpu.memory_space<vmem>>, vector<16xf32>,
      %parallel_loop3A_1224 = vector.shape_cast %parallel_loop3A_1223 : vector<16xf32> to vector<16xf32>
      %parallel_loop3A_1225 = arith.addf %parallel_loop3A_1221, %parallel_loop3A_1224 : vector<16xf32>
      %parallel_loop3A_1226 = arith.index_cast %parallel_loop3A_1218 : i32 to index
      %parallel_loop3A_1227 = tpu.vector_load %arg5[%parallel_loop3A_1226] {strides = array<i32>} : memref<32768xf32, #tpu.memory_space<vmem>>, vector<16xf32>,
      %parallel_loop3A_1228 = vector.shape_cast %parallel_loop3A_1227 : vector<16xf32> to vector<16xf32>
      %parallel_loop3A_1229 = vector.shape_cast %parallel_loop3A_1225 : vector<16xf32> to vector<16xf32>
      tpu.vector_store %arg5[%parallel_loop3A_1226], %parallel_loop3A_1229 {strides = array<i32>} : memref<32768xf32, #tpu.memory_space<vmem>>, vector<16xf32>,
    } {sc.loop_unroll_factor = 8 : i64, sc.parallel_access}
    %add3A_39 = arith.constant 0 : i32
    %add3A_40 = arith.addi %add3A_39, %mul3A_2 : i32
    %add3A_41 = arith.constant 0 : i32
    %add3A_42 = arith.addi %add3A_40, %add3A_41 : i32
    %mul3A_43 = arith.constant 1024 : i32
    %mul3A_44 = arith.muli %add3A_42, %mul3A_43 : i32
    %dma_start3A_45 = tpu.memref_slice %arg4[%mul3A_44] : memref<33554432xf32, #tpu.memory_space<hbm>> -> memref<32768xf32, #tpu.memory_space<hbm>>
    %dma_start3A_46 = tpu.memref_slice %arg4[%mul3A_44] : memref<33554432xf32, #tpu.memory_space<hbm>> -> memref<32768xf32, #tpu.memory_space<hbm>>
    tpu.enqueue_dma source(%arg5 : memref<32768xf32, #tpu.memory_space<vmem>>) target(%dma_start3A_46 : memref<32768xf32, #tpu.memory_space<hbm>>) target_semaphore(%arg10 : memref<!tpu.dma_semaphore, #tpu.memory_space<semaphore_mem>>)
    %add3A_47 = arith.constant 8192 : i32
    %add3A_48 = arith.addi %add3A_47, %mul3A_2 : i32
    %add3A_49 = arith.constant 0 : i32
    %add3A_50 = arith.addi %add3A_48, %add3A_49 : i32
    %mul3A_51 = arith.constant 1024 : i32
    %mul3A_52 = arith.muli %add3A_50, %mul3A_51 : i32
    %dma_wait3A_53 = tpu.memref_slice %arg2[%mul3A_52] : memref<33554432xf32, #tpu.memory_space<hbm>> -> memref<32768xf32, #tpu.memory_space<hbm>>
    %dma_wait3A_54 = tpu.memref_slice %arg2[%mul3A_52] : memref<33554432xf32, #tpu.memory_space<hbm>> -> memref<32768xf32, #tpu.memory_space<hbm>>
    tpu.wait_dma2 semaphore(%arg9 : memref<!tpu.dma_semaphore, #tpu.memory_space<semaphore_mem>>) src(%dma_wait3A_54 : memref<32768xf32, #tpu.memory_space<hbm>>) dst(%arg6 : memref<32768xf32, #tpu.memory_space<vmem>>)
    %add3A_55 = arith.constant 0 : i32
    %add3A_56 = arith.addi %add3A_55, %mul3A_2 : i32
    %add3A_57 = arith.constant 0 : i32
    %add3A_58 = arith.addi %add3A_56, %add3A_57 : i32
    %mul3A_59 = arith.constant 1024 : i32
    %mul3A_60 = arith.muli %add3A_58, %mul3A_59 : i32
    %dma_wait3A_61 = tpu.memref_slice %arg4[%mul3A_60] : memref<33554432xf32, #tpu.memory_space<hbm>> -> memref<32768xf32, #tpu.memory_space<hbm>>
    %dma_wait3A_62 = tpu.memref_slice %arg4[%mul3A_60] : memref<33554432xf32, #tpu.memory_space<hbm>> -> memref<32768xf32, #tpu.memory_space<hbm>>
    tpu.wait_dma2 semaphore(%arg10 : memref<!tpu.dma_semaphore, #tpu.memory_space<semaphore_mem>>) src(%arg5 : memref<32768xf32, #tpu.memory_space<vmem>>) dst(%dma_wait3A_62 : memref<32768xf32, #tpu.memory_space<hbm>>)
    %add3A_63 = arith.constant 16384 : i32
    %add3A_64 = arith.addi %add3A_63, %mul3A_2 : i32
    %add3A_65 = arith.constant 0 : i32
    %add3A_66 = arith.addi %add3A_64, %add3A_65 : i32
    %mul3A_67 = arith.constant 1024 : i32
    %mul3A_68 = arith.muli %add3A_66, %mul3A_67 : i32
    %dma_start3A_69 = tpu.memref_slice %arg2[%mul3A_68] : memref<33554432xf32, #tpu.memory_space<hbm>> -> memref<32768xf32, #tpu.memory_space<hbm>>
    %dma_start3A_70 = tpu.memref_slice %arg2[%mul3A_68] : memref<33554432xf32, #tpu.memory_space<hbm>> -> memref<32768xf32, #tpu.memory_space<hbm>>
    tpu.enqueue_dma source(%dma_start3A_70 : memref<32768xf32, #tpu.memory_space<hbm>>) target(%arg5 : memref<32768xf32, #tpu.memory_space<vmem>>) target_semaphore(%arg8 : memref<!tpu.dma_semaphore, #tpu.memory_space<semaphore_mem>>)
    %parallel_loop3A_71 = arith.constant 0 : i32
    %parallel_loop3A_72 = arith.constant 2048 : i32
    %parallel_loop3A_73 = arith.constant 1 : i32
    scf.for %parallel_loop3A_1216 = %parallel_loop3A_71 to %parallel_loop3A_72 step %parallel_loop3A_73  : i32 {
      %parallel_loop3A_1217 = arith.constant 16 : i32
      %parallel_loop3A_1218 = arith.muli %parallel_loop3A_1216, %parallel_loop3A_1217 : i32
      %parallel_loop3A_1219 = arith.index_cast %parallel_loop3A_1218 : i32 to index
      %parallel_loop3A_1220 = tpu.vector_load %arg6[%parallel_loop3A_1219] {strides = array<i32>} : memref<32768xf32, #tpu.memory_space<vmem>>, vector<16xf32>,
      %parallel_loop3A_1221 = vector.shape_cast %parallel_loop3A_1220 : vector<16xf32> to vector<16xf32>
      %parallel_loop3A_1222 = arith.index_cast %parallel_loop3A_1218 : i32 to index
      %parallel_loop3A_1223 = tpu.vector_load %arg7[%parallel_loop3A_1222] {strides = array<i32>} : memref<32768xf32, #tpu.memory_space<vmem>>, vector<16xf32>,
      %parallel_loop3A_1224 = vector.shape_cast %parallel_loop3A_1223 : vector<16xf32> to vector<16xf32>
      %parallel_loop3A_1225 = arith.addf %parallel_loop3A_1221, %parallel_loop3A_1224 : vector<16xf32>
      %parallel_loop3A_1226 = arith.index_cast %parallel_loop3A_1218 : i32 to index
      %parallel_loop3A_1227 = tpu.vector_load %arg6[%parallel_loop3A_1226] {strides = array<i32>} : memref<32768xf32, #tpu.memory_space<vmem>>, vector<16xf32>,
      %parallel_loop3A_1228 = vector.shape_cast %parallel_loop3A_1227 : vector<16xf32> to vector<16xf32>
      %parallel_loop3A_1229 = vector.shape_cast %parallel_loop3A_1225 : vector<16xf32> to vector<16xf32>
      tpu.vector_store %arg6[%parallel_loop3A_1226], %parallel_loop3A_1229 {strides = array<i32>} : memref<32768xf32, #tpu.memory_space<vmem>>, vector<16xf32>,
    } {sc.loop_unroll_factor = 8 : i64, sc.parallel_access}
    %add3A_74 = arith.constant 8192 : i32
    %add3A_75 = arith.addi %add3A_74, %mul3A_2 : i32
    %add3A_76 = arith.constant 0 : i32
    %add3A_77 = arith.addi %add3A_75, %add3A_76 : i32
    %mul3A_78 = arith.constant 1024 : i32
    %mul3A_79 = arith.muli %add3A_77, %mul3A_78 : i32
    %dma_start3A_80 = tpu.memref_slice %arg4[%mul3A_79] : memref<33554432xf32, #tpu.memory_space<hbm>> -> memref<32768xf32, #tpu.memory_space<hbm>>
    %dma_start3A_81 = tpu.memref_slice %arg4[%mul3A_79] : memref<33554432xf32, #tpu.memory_space<hbm>> -> memref<32768xf32, #tpu.memory_space<hbm>>
    tpu.enqueue_dma source(%arg6 : memref<32768xf32, #tpu.memory_space<vmem>>) target(%dma_start3A_81 : memref<32768xf32, #tpu.memory_space<hbm>>) target_semaphore(%arg11 : memref<!tpu.dma_semaphore, #tpu.memory_space<semaphore_mem>>)
    %add3A_82 = arith.constant 16384 : i32
    %add3A_83 = arith.addi %add3A_82, %mul3A_2 : i32
    %add3A_84 = arith.constant 0 : i32
    %add3A_85 = arith.addi %add3A_83, %add3A_84 : i32
    %mul3A_86 = arith.constant 1024 : i32
    %mul3A_87 = arith.muli %add3A_85, %mul3A_86 : i32
    %dma_wait3A_88 = tpu.memref_slice %arg2[%mul3A_87] : memref<33554432xf32, #tpu.memory_space<hbm>> -> memref<32768xf32, #tpu.memory_space<hbm>>
    %dma_wait3A_89 = tpu.memref_slice %arg2[%mul3A_87] : memref<33554432xf32, #tpu.memory_space<hbm>> -> memref<32768xf32, #tpu.memory_space<hbm>>
    tpu.wait_dma2 semaphore(%arg8 : memref<!tpu.dma_semaphore, #tpu.memory_space<semaphore_mem>>) src(%dma_wait3A_89 : memref<32768xf32, #tpu.memory_space<hbm>>) dst(%arg5 : memref<32768xf32, #tpu.memory_space<vmem>>)
    %add3A_90 = arith.constant 8192 : i32
    %add3A_91 = arith.addi %add3A_90, %mul3A_2 : i32
    %add3A_92 = arith.constant 0 : i32
    %add3A_93 = arith.addi %add3A_91, %add3A_92 : i32
    %mul3A_94 = arith.constant 1024 : i32
    %mul3A_95 = arith.muli %add3A_93, %mul3A_94 : i32
    %dma_wait3A_96 = tpu.memref_slice %arg4[%mul3A_95] : memref<33554432xf32, #tpu.memory_space<hbm>> -> memref<32768xf32, #tpu.memory_space<hbm>>
    %dma_wait3A_97 = tpu.memref_slice %arg4[%mul3A_95] : memref<33554432xf32, #tpu.memory_space<hbm>> -> memref<32768xf32, #tpu.memory_space<hbm>>
    tpu.wait_dma2 semaphore(%arg11 : memref<!tpu.dma_semaphore, #tpu.memory_space<semaphore_mem>>) src(%arg6 : memref<32768xf32, #tpu.memory_space<vmem>>) dst(%dma_wait3A_97 : memref<32768xf32, #tpu.memory_space<hbm>>)
    %add3A_98 = arith.constant 24576 : i32
    %add3A_99 = arith.addi %add3A_98, %mul3A_2 : i32
    %add3A_100 = arith.constant 0 : i32
    %add3A_101 = arith.addi %add3A_99, %add3A_100 : i32
    %mul3A_102 = arith.constant 1024 : i32
    %mul3A_103 = arith.muli %add3A_101, %mul3A_102 : i32
    %dma_start3A_104 = tpu.memref_slice %arg2[%mul3A_103] : memref<33554432xf32, #tpu.memory_space<hbm>> -> memref<32768xf32, #tpu.memory_space<hbm>>
    %dma_start3A_105 = tpu.memref_slice %arg2[%mul3A_103] : memref<33554432xf32, #tpu.memory_space<hbm>> -> memref<32768xf32, #tpu.memory_space<hbm>>
    tpu.enqueue_dma source(%dma_start3A_105 : memref<32768xf32, #tpu.memory_space<hbm>>) target(%arg6 : memref<32768xf32, #tpu.memory_space<vmem>>) target_semaphore(%arg9 : memref<!tpu.dma_semaphore, #tpu.memory_space<semaphore_mem>>)
    %parallel_loop3A_106 = arith.constant 0 : i32
    %parallel_loop3A_107 = arith.constant 2048 : i32
    %parallel_loop3A_108 = arith.constant 1 : i32
    scf.for %parallel_loop3A_1216 = %parallel_loop3A_106 to %parallel_loop3A_107 step %parallel_loop3A_108  : i32 {
      %parallel_loop3A_1217 = arith.constant 16 : i32
      %parallel_loop3A_1218 = arith.muli %parallel_loop3A_1216, %parallel_loop3A_1217 : i32
      %parallel_loop3A_1219 = arith.index_cast %parallel_loop3A_1218 : i32 to index
      %parallel_loop3A_1220 = tpu.vector_load %arg5[%parallel_loop3A_1219] {strides = array<i32>} : memref<32768xf32, #tpu.memory_space<vmem>>, vector<16xf32>,
      %parallel_loop3A_1221 = vector.shape_cast %parallel_loop3A_1220 : vector<16xf32> to vector<16xf32>
      %parallel_loop3A_1222 = arith.index_cast %parallel_loop3A_1218 : i32 to index
      %parallel_loop3A_1223 = tpu.vector_load %arg7[%parallel_loop3A_1222] {strides = array<i32>} : memref<32768xf32, #tpu.memory_space<vmem>>, vector<16xf32>,
      %parallel_loop3A_1224 = vector.shape_cast %parallel_loop3A_1223 : vector<16xf32> to vector<16xf32>
      %parallel_loop3A_1225 = arith.addf %parallel_loop3A_1221, %parallel_loop3A_1224 : vector<16xf32>
      %parallel_loop3A_1226 = arith.index_cast %parallel_loop3A_1218 : i32 to index
      %parallel_loop3A_1227 = tpu.vector_load %arg5[%parallel_loop3A_1226] {strides = array<i32>} : memref<32768xf32, #tpu.memory_space<vmem>>, vector<16xf32>,
      %parallel_loop3A_1228 = vector.shape_cast %parallel_loop3A_1227 : vector<16xf32> to vector<16xf32>
      %parallel_loop3A_1229 = vector.shape_cast %parallel_loop3A_1225 : vector<16xf32> to vector<16xf32>
      tpu.vector_store %arg5[%parallel_loop3A_1226], %parallel_loop3A_1229 {strides = array<i32>} : memref<32768xf32, #tpu.memory_space<vmem>>, vector<16xf32>,
    } {sc.loop_unroll_factor = 8 : i64, sc.parallel_access}
    %add3A_109 = arith.constant 16384 : i32
    %add3A_110 = arith.addi %add3A_109, %mul3A_2 : i32
    %add3A_111 = arith.constant 0 : i32
    %add3A_112 = arith.addi %add3A_110, %add3A_111 : i32
    %mul3A_113 = arith.constant 1024 : i32
    %mul3A_114 = arith.muli %add3A_112, %mul3A_113 : i32
    %dma_start3A_115 = tpu.memref_slice %arg4[%mul3A_114] : memref<33554432xf32, #tpu.memory_space<hbm>> -> memref<32768xf32, #tpu.memory_space<hbm>>
    %dma_start3A_116 = tpu.memref_slice %arg4[%mul3A_114] : memref<33554432xf32, #tpu.memory_space<hbm>> -> memref<32768xf32, #tpu.memory_space<hbm>>
    tpu.enqueue_dma source(%arg5 : memref<32768xf32, #tpu.memory_space<vmem>>) target(%dma_start3A_116 : memref<32768xf32, #tpu.memory_space<hbm>>) target_semaphore(%arg10 : memref<!tpu.dma_semaphore, #tpu.memory_space<semaphore_mem>>)
    %add3A_117 = arith.constant 24576 : i32
    %add3A_118 = arith.addi %add3A_117, %mul3A_2 : i32
    %add3A_119 = arith.constant 0 : i32
    %add3A_120 = arith.addi %add3A_118, %add3A_119 : i32
    %mul3A_121 = arith.constant 1024 : i32
    %mul3A_122 = arith.muli %add3A_120, %mul3A_121 : i32
    %dma_wait3A_123 = tpu.memref_slice %arg2[%mul3A_122] : memref<33554432xf32, #tpu.memory_space<hbm>> -> memref<32768xf32, #tpu.memory_space<hbm>>
    %dma_wait3A_124 = tpu.memref_slice %arg2[%mul3A_122] : memref<33554432xf32, #tpu.memory_space<hbm>> -> memref<32768xf32, #tpu.memory_space<hbm>>
    tpu.wait_dma2 semaphore(%arg9 : memref<!tpu.dma_semaphore, #tpu.memory_space<semaphore_mem>>) src(%dma_wait3A_124 : memref<32768xf32, #tpu.memory_space<hbm>>) dst(%arg6 : memref<32768xf32, #tpu.memory_space<vmem>>)
    %add3A_125 = arith.constant 16384 : i32
    %add3A_126 = arith.addi %add3A_125, %mul3A_2 : i32
    %add3A_127 = arith.constant 0 : i32
    %add3A_128 = arith.addi %add3A_126, %add3A_127 : i32
    %mul3A_129 = arith.constant 1024 : i32
    %mul3A_130 = arith.muli %add3A_128, %mul3A_129 : i32
    %dma_wait3A_131 = tpu.memref_slice %arg4[%mul3A_130] : memref<33554432xf32, #tpu.memory_space<hbm>> -> memref<32768xf32, #tpu.memory_space<hbm>>
    %dma_wait3A_132 = tpu.memref_slice %arg4[%mul3A_130] : memref<33554432xf32, #tpu.memory_space<hbm>> -> memref<32768xf32, #tpu.memory_space<hbm>>
    tpu.wait_dma2 semaphore(%arg10 : memref<!tpu.dma_semaphore, #tpu.memory_space<semaphore_mem>>) src(%arg5 : memref<32768xf32, #tpu.memory_space<vmem>>) dst(%dma_wait3A_132 : memref<32768xf32, #tpu.memory_space<hbm>>)
    %add3A_133 = arith.constant 0 : i32
    %add3A_134 = arith.addi %add3A_133, %mul3A_2 : i32
    %add3A_135 = arith.constant 32 : i32
    %add3A_136 = arith.addi %add3A_134, %add3A_135 : i32
    %mul3A_137 = arith.constant 1024 : i32
    %mul3A_138 = arith.muli %add3A_136, %mul3A_137 : i32
    %dma_start3A_139 = tpu.memref_slice %arg2[%mul3A_138] : memref<33554432xf32, #tpu.memory_space<hbm>> -> memref<32768xf32, #tpu.memory_space<hbm>>
    %dma_start3A_140 = tpu.memref_slice %arg2[%mul3A_138] : memref<33554432xf32, #tpu.memory_space<hbm>> -> memref<32768xf32, #tpu.memory_space<hbm>>
    tpu.enqueue_dma source(%dma_start3A_140 : memref<32768xf32, #tpu.memory_space<hbm>>) target(%arg5 : memref<32768xf32, #tpu.memory_space<vmem>>) target_semaphore(%arg8 : memref<!tpu.dma_semaphore, #tpu.memory_space<semaphore_mem>>)
    %parallel_loop3A_141 = arith.constant 0 : i32
    %parallel_loop3A_142 = arith.constant 2048 : i32
    %parallel_loop3A_143 = arith.constant 1 : i32
    scf.for %parallel_loop3A_1216 = %parallel_loop3A_141 to %parallel_loop3A_142 step %parallel_loop3A_143  : i32 {
      %parallel_loop3A_1217 = arith.constant 16 : i32
      %parallel_loop3A_1218 = arith.muli %parallel_loop3A_1216, %parallel_loop3A_1217 : i32
      %parallel_loop3A_1219 = arith.index_cast %parallel_loop3A_1218 : i32 to index
      %parallel_loop3A_1220 = tpu.vector_load %arg6[%parallel_loop3A_1219] {strides = array<i32>} : memref<32768xf32, #tpu.memory_space<vmem>>, vector<16xf32>,
      %parallel_loop3A_1221 = vector.shape_cast %parallel_loop3A_1220 : vector<16xf32> to vector<16xf32>
      %parallel_loop3A_1222 = arith.index_cast %parallel_loop3A_1218 : i32 to index
      %parallel_loop3A_1223 = tpu.vector_load %arg7[%parallel_loop3A_1222] {strides = array<i32>} : memref<32768xf32, #tpu.memory_space<vmem>>, vector<16xf32>,
      %parallel_loop3A_1224 = vector.shape_cast %parallel_loop3A_1223 : vector<16xf32> to vector<16xf32>
      %parallel_loop3A_1225 = arith.addf %parallel_loop3A_1221, %parallel_loop3A_1224 : vector<16xf32>
      %parallel_loop3A_1226 = arith.index_cast %parallel_loop3A_1218 : i32 to index
      %parallel_loop3A_1227 = tpu.vector_load %arg6[%parallel_loop3A_1226] {strides = array<i32>} : memref<32768xf32, #tpu.memory_space<vmem>>, vector<16xf32>,
      %parallel_loop3A_1228 = vector.shape_cast %parallel_loop3A_1227 : vector<16xf32> to vector<16xf32>
      %parallel_loop3A_1229 = vector.shape_cast %parallel_loop3A_1225 : vector<16xf32> to vector<16xf32>
      tpu.vector_store %arg6[%parallel_loop3A_1226], %parallel_loop3A_1229 {strides = array<i32>} : memref<32768xf32, #tpu.memory_space<vmem>>, vector<16xf32>,
    } {sc.loop_unroll_factor = 8 : i64, sc.parallel_access}
    %add3A_144 = arith.constant 24576 : i32
    %add3A_145 = arith.addi %add3A_144, %mul3A_2 : i32
    %add3A_146 = arith.constant 0 : i32
    %add3A_147 = arith.addi %add3A_145, %add3A_146 : i32
    %mul3A_148 = arith.constant 1024 : i32
    %mul3A_149 = arith.muli %add3A_147, %mul3A_148 : i32
    %dma_start3A_150 = tpu.memref_slice %arg4[%mul3A_149] : memref<33554432xf32, #tpu.memory_space<hbm>> -> memref<32768xf32, #tpu.memory_space<hbm>>
    %dma_start3A_151 = tpu.memref_slice %arg4[%mul3A_149] : memref<33554432xf32, #tpu.memory_space<hbm>> -> memref<32768xf32, #tpu.memory_space<hbm>>
    tpu.enqueue_dma source(%arg6 : memref<32768xf32, #tpu.memory_space<vmem>>) target(%dma_start3A_151 : memref<32768xf32, #tpu.memory_space<hbm>>) target_semaphore(%arg11 : memref<!tpu.dma_semaphore, #tpu.memory_space<semaphore_mem>>)
    %add3A_152 = arith.constant 32 : i32
    %add3A_153 = arith.addi %mul3A_2, %add3A_152 : i32
    %mul3A_154 = arith.constant 1024 : i32
    %mul3A_155 = arith.muli %add3A_153, %mul3A_154 : i32
    %dma_start3A_156 = tpu.memref_slice %arg3[%mul3A_155] : memref<8388608xf32, #tpu.memory_space<hbm>> -> memref<32768xf32, #tpu.memory_space<hbm>>
    %dma_start3A_157 = tpu.memref_slice %arg3[%mul3A_155] : memref<8388608xf32, #tpu.memory_space<hbm>> -> memref<32768xf32, #tpu.memory_space<hbm>>
    tpu.enqueue_dma source(%dma_start3A_157 : memref<32768xf32, #tpu.memory_space<hbm>>) target(%arg7 : memref<32768xf32, #tpu.memory_space<vmem>>) target_semaphore(%arg12 : memref<!tpu.dma_semaphore, #tpu.memory_space<semaphore_mem>>)
    %add3A_158 = arith.constant 0 : i32
    %add3A_159 = arith.addi %add3A_158, %mul3A_2 : i32
    %add3A_160 = arith.constant 32 : i32
    %add3A_161 = arith.addi %add3A_159, %add3A_160 : i32
    %mul3A_162 = arith.constant 1024 : i32
    %mul3A_163 = arith.muli %add3A_161, %mul3A_162 : i32
    %dma_wait3A_164 = tpu.memref_slice %arg2[%mul3A_163] : memref<33554432xf32, #tpu.memory_space<hbm>> -> memref<32768xf32, #tpu.memory_space<hbm>>
    %dma_wait3A_165 = tpu.memref_slice %arg2[%mul3A_163] : memref<33554432xf32, #tpu.memory_space<hbm>> -> memref<32768xf32, #tpu.memory_space<hbm>>
    tpu.wait_dma2 semaphore(%arg8 : memref<!tpu.dma_semaphore, #tpu.memory_space<semaphore_mem>>) src(%dma_wait3A_165 : memref<32768xf32, #tpu.memory_space<hbm>>) dst(%arg5 : memref<32768xf32, #tpu.memory_space<vmem>>)
    %add3A_166 = arith.constant 32 : i32
    %add3A_167 = arith.addi %mul3A_2, %add3A_166 : i32
    %mul3A_168 = arith.constant 1024 : i32
    %mul3A_169 = arith.muli %add3A_167, %mul3A_168 : i32
    %dma_wait3A_170 = tpu.memref_slice %arg3[%mul3A_169] : memref<8388608xf32, #tpu.memory_space<hbm>> -> memref<32768xf32, #tpu.memory_space<hbm>>
    %dma_wait3A_171 = tpu.memref_slice %arg3[%mul3A_169] : memref<8388608xf32, #tpu.memory_space<hbm>> -> memref<32768xf32, #tpu.memory_space<hbm>>
    tpu.wait_dma2 semaphore(%arg12 : memref<!tpu.dma_semaphore, #tpu.memory_space<semaphore_mem>>) src(%dma_wait3A_171 : memref<32768xf32, #tpu.memory_space<hbm>>) dst(%arg7 : memref<32768xf32, #tpu.memory_space<vmem>>)
    %add3A_172 = arith.constant 24576 : i32
    %add3A_173 = arith.addi %add3A_172, %mul3A_2 : i32
    %add3A_174 = arith.constant 0 : i32
    %add3A_175 = arith.addi %add3A_173, %add3A_174 : i32
    %mul3A_176 = arith.constant 1024 : i32
    %mul3A_177 = arith.muli %add3A_175, %mul3A_176 : i32
    %dma_wait3A_178 = tpu.memref_slice %arg4[%mul3A_177] : memref<33554432xf32, #tpu.memory_space<hbm>> -> memref<32768xf32, #tpu.memory_space<hbm>>
    %dma_wait3A_179 = tpu.memref_slice %arg4[%mul3A_177] : memref<33554432xf32, #tpu.memory_space<hbm>> -> memref<32768xf32, #tpu.memory_space<hbm>>
    tpu.wait_dma2 semaphore(%arg11 : memref<!tpu.dma_semaphore, #tpu.memory_space<semaphore_mem>>) src(%arg6 : memref<32768xf32, #tpu.memory_space<vmem>>) dst(%dma_wait3A_179 : memref<32768xf32, #tpu.memory_space<hbm>>)
    %add3A_180 = arith.constant 8192 : i32
    %add3A_181 = arith.addi %add3A_180, %mul3A_2 : i32
    %add3A_182 = arith.constant 32 : i32
    %add3A_183 = arith.addi %add3A_181, %add3A_182 : i32
    %mul3A_184 = arith.constant 1024 : i32
    %mul3A_185 = arith.muli %add3A_183, %mul3A_184 : i32
    %dma_start3A_186 = tpu.memref_slice %arg2[%mul3A_185] : memref<33554432xf32, #tpu.memory_space<hbm>> -> memref<32768xf32, #tpu.memory_space<hbm>>
    %dma_start3A_187 = tpu.memref_slice %arg2[%mul3A_185] : memref<33554432xf32, #tpu.memory_space<hbm>> -> memref<32768xf32, #tpu.memory_space<hbm>>
    tpu.enqueue_dma source(%dma_start3A_187 : memref<32768xf32, #tpu.memory_space<hbm>>) target(%arg6 : memref<32768xf32, #tpu.memory_space<vmem>>) target_semaphore(%arg9 : memref<!tpu.dma_semaphore, #tpu.memory_space<semaphore_mem>>)
    %parallel_loop3A_188 = arith.constant 0 : i32
    %parallel_loop3A_189 = arith.constant 2048 : i32
    %parallel_loop3A_190 = arith.constant 1 : i32
    scf.for %parallel_loop3A_1216 = %parallel_loop3A_188 to %parallel_loop3A_189 step %parallel_loop3A_190  : i32 {
      %parallel_loop3A_1217 = arith.constant 16 : i32
      %parallel_loop3A_1218 = arith.muli %parallel_loop3A_1216, %parallel_loop3A_1217 : i32
      %parallel_loop3A_1219 = arith.index_cast %parallel_loop3A_1218 : i32 to index
      %parallel_loop3A_1220 = tpu.vector_load %arg5[%parallel_loop3A_1219] {strides = array<i32>} : memref<32768xf32, #tpu.memory_space<vmem>>, vector<16xf32>,
      %parallel_loop3A_1221 = vector.shape_cast %parallel_loop3A_1220 : vector<16xf32> to vector<16xf32>
      %parallel_loop3A_1222 = arith.index_cast %parallel_loop3A_1218 : i32 to index
      %parallel_loop3A_1223 = tpu.vector_load %arg7[%parallel_loop3A_1222] {strides = array<i32>} : memref<32768xf32, #tpu.memory_space<vmem>>, vector<16xf32>,
      %parallel_loop3A_1224 = vector.shape_cast %parallel_loop3A_1223 : vector<16xf32> to vector<16xf32>
      %parallel_loop3A_1225 = arith.addf %parallel_loop3A_1221, %parallel_loop3A_1224 : vector<16xf32>
      %parallel_loop3A_1226 = arith.index_cast %parallel_loop3A_1218 : i32 to index
      %parallel_loop3A_1227 = tpu.vector_load %arg5[%parallel_loop3A_1226] {strides = array<i32>} : memref<32768xf32, #tpu.memory_space<vmem>>, vector<16xf32>,
      %parallel_loop3A_1228 = vector.shape_cast %parallel_loop3A_1227 : vector<16xf32> to vector<16xf32>
      %parallel_loop3A_1229 = vector.shape_cast %parallel_loop3A_1225 : vector<16xf32> to vector<16xf32>
      tpu.vector_store %arg5[%parallel_loop3A_1226], %parallel_loop3A_1229 {strides = array<i32>} : memref<32768xf32, #tpu.memory_space<vmem>>, vector<16xf32>,
    } {sc.loop_unroll_factor = 8 : i64, sc.parallel_access}
    %add3A_191 = arith.constant 0 : i32
    %add3A_192 = arith.addi %add3A_191, %mul3A_2 : i32
    %add3A_193 = arith.constant 32 : i32
    %add3A_194 = arith.addi %add3A_192, %add3A_193 : i32
    %mul3A_195 = arith.constant 1024 : i32
    %mul3A_196 = arith.muli %add3A_194, %mul3A_195 : i32
    %dma_start3A_197 = tpu.memref_slice %arg4[%mul3A_196] : memref<33554432xf32, #tpu.memory_space<hbm>> -> memref<32768xf32, #tpu.memory_space<hbm>>
    %dma_start3A_198 = tpu.memref_slice %arg4[%mul3A_196] : memref<33554432xf32, #tpu.memory_space<hbm>> -> memref<32768xf32, #tpu.memory_space<hbm>>
    tpu.enqueue_dma source(%arg5 : memref<32768xf32, #tpu.memory_space<vmem>>) target(%dma_start3A_198 : memref<32768xf32, #tpu.memory_space<hbm>>) target_semaphore(%arg10 : memref<!tpu.dma_semaphore, #tpu.memory_space<semaphore_mem>>)
    %add3A_199 = arith.constant 8192 : i32
    %add3A_200 = arith.addi %add3A_199, %mul3A_2 : i32
    %add3A_201 = arith.constant 32 : i32
    %add3A_202 = arith.addi %add3A_200, %add3A_201 : i32
    %mul3A_203 = arith.constant 1024 : i32
    %mul3A_204 = arith.muli %add3A_202, %mul3A_203 : i32
    %dma_wait3A_205 = tpu.memref_slice %arg2[%mul3A_204] : memref<33554432xf32, #tpu.memory_space<hbm>> -> memref<32768xf32, #tpu.memory_space<hbm>>
    %dma_wait3A_206 = tpu.memref_slice %arg2[%mul3A_204] : memref<33554432xf32, #tpu.memory_space<hbm>> -> memref<32768xf32, #tpu.memory_space<hbm>>
    tpu.wait_dma2 semaphore(%arg9 : memref<!tpu.dma_semaphore, #tpu.memory_space<semaphore_mem>>) src(%dma_wait3A_206 : memref<32768xf32, #tpu.memory_space<hbm>>) dst(%arg6 : memref<32768xf32, #tpu.memory_space<vmem>>)
    %add3A_207 = arith.constant 0 : i32
    %add3A_208 = arith.addi %add3A_207, %mul3A_2 : i32
    %add3A_209 = arith.constant 32 : i32
    %add3A_210 = arith.addi %add3A_208, %add3A_209 : i32
    %mul3A_211 = arith.constant 1024 : i32
    %mul3A_212 = arith.muli %add3A_210, %mul3A_211 : i32
    %dma_wait3A_213 = tpu.memref_slice %arg4[%mul3A_212] : memref<33554432xf32, #tpu.memory_space<hbm>> -> memref<32768xf32, #tpu.memory_space<hbm>>
    %dma_wait3A_214 = tpu.memref_slice %arg4[%mul3A_212] : memref<33554432xf32, #tpu.memory_space<hbm>> -> memref<32768xf32, #tpu.memory_space<hbm>>
    tpu.wait_dma2 semaphore(%arg10 : memref<!tpu.dma_semaphore, #tpu.memory_space<semaphore_mem>>) src(%arg5 : memref<32768xf32, #tpu.memory_space<vmem>>) dst(%dma_wait3A_214 : memref<32768xf32, #tpu.memory_space<hbm>>)
    %add3A_215 = arith.constant 16384 : i32
    %add3A_216 = arith.addi %add3A_215, %mul3A_2 : i32
    %add3A_217 = arith.constant 32 : i32
    %add3A_218 = arith.addi %add3A_216, %add3A_217 : i32
    %mul3A_219 = arith.constant 1024 : i32
    %mul3A_220 = arith.muli %add3A_218, %mul3A_219 : i32
    %dma_start3A_221 = tpu.memref_slice %arg2[%mul3A_220] : memref<33554432xf32, #tpu.memory_space<hbm>> -> memref<32768xf32, #tpu.memory_space<hbm>>
    %dma_start3A_222 = tpu.memref_slice %arg2[%mul3A_220] : memref<33554432xf32, #tpu.memory_space<hbm>> -> memref<32768xf32, #tpu.memory_space<hbm>>
    tpu.enqueue_dma source(%dma_start3A_222 : memref<32768xf32, #tpu.memory_space<hbm>>) target(%arg5 : memref<32768xf32, #tpu.memory_space<vmem>>) target_semaphore(%arg8 : memref<!tpu.dma_semaphore, #tpu.memory_space<semaphore_mem>>)
    %parallel_loop3A_223 = arith.constant 0 : i32
    %parallel_loop3A_224 = arith.constant 2048 : i32
    %parallel_loop3A_225 = arith.constant 1 : i32
    scf.for %parallel_loop3A_1216 = %parallel_loop3A_223 to %parallel_loop3A_224 step %parallel_loop3A_225  : i32 {
      %parallel_loop3A_1217 = arith.constant 16 : i32
      %parallel_loop3A_1218 = arith.muli %parallel_loop3A_1216, %parallel_loop3A_1217 : i32
      %parallel_loop3A_1219 = arith.index_cast %parallel_loop3A_1218 : i32 to index
      %parallel_loop3A_1220 = tpu.vector_load %arg6[%parallel_loop3A_1219] {strides = array<i32>} : memref<32768xf32, #tpu.memory_space<vmem>>, vector<16xf32>,
      %parallel_loop3A_1221 = vector.shape_cast %parallel_loop3A_1220 : vector<16xf32> to vector<16xf32>
      %parallel_loop3A_1222 = arith.index_cast %parallel_loop3A_1218 : i32 to index
      %parallel_loop3A_1223 = tpu.vector_load %arg7[%parallel_loop3A_1222] {strides = array<i32>} : memref<32768xf32, #tpu.memory_space<vmem>>, vector<16xf32>,
      %parallel_loop3A_1224 = vector.shape_cast %parallel_loop3A_1223 : vector<16xf32> to vector<16xf32>
      %parallel_loop3A_1225 = arith.addf %parallel_loop3A_1221, %parallel_loop3A_1224 : vector<16xf32>
      %parallel_loop3A_1226 = arith.index_cast %parallel_loop3A_1218 : i32 to index
      %parallel_loop3A_1227 = tpu.vector_load %arg6[%parallel_loop3A_1226] {strides = array<i32>} : memref<32768xf32, #tpu.memory_space<vmem>>, vector<16xf32>,
      %parallel_loop3A_1228 = vector.shape_cast %parallel_loop3A_1227 : vector<16xf32> to vector<16xf32>
      %parallel_loop3A_1229 = vector.shape_cast %parallel_loop3A_1225 : vector<16xf32> to vector<16xf32>
      tpu.vector_store %arg6[%parallel_loop3A_1226], %parallel_loop3A_1229 {strides = array<i32>} : memref<32768xf32, #tpu.memory_space<vmem>>, vector<16xf32>,
    } {sc.loop_unroll_factor = 8 : i64, sc.parallel_access}
    %add3A_226 = arith.constant 8192 : i32
    %add3A_227 = arith.addi %add3A_226, %mul3A_2 : i32
    %add3A_228 = arith.constant 32 : i32
    %add3A_229 = arith.addi %add3A_227, %add3A_228 : i32
    %mul3A_230 = arith.constant 1024 : i32
    %mul3A_231 = arith.muli %add3A_229, %mul3A_230 : i32
    %dma_start3A_232 = tpu.memref_slice %arg4[%mul3A_231] : memref<33554432xf32, #tpu.memory_space<hbm>> -> memref<32768xf32, #tpu.memory_space<hbm>>
    %dma_start3A_233 = tpu.memref_slice %arg4[%mul3A_231] : memref<33554432xf32, #tpu.memory_space<hbm>> -> memref<32768xf32, #tpu.memory_space<hbm>>
    tpu.enqueue_dma source(%arg6 : memref<32768xf32, #tpu.memory_space<vmem>>) target(%dma_start3A_233 : memref<32768xf32, #tpu.memory_space<hbm>>) target_semaphore(%arg11 : memref<!tpu.dma_semaphore, #tpu.memory_space<semaphore_mem>>)
    %add3A_234 = arith.constant 16384 : i32
    %add3A_235 = arith.addi %add3A_234, %mul3A_2 : i32
    %add3A_236 = arith.constant 32 : i32
    %add3A_237 = arith.addi %add3A_235, %add3A_236 : i32
    %mul3A_238 = arith.constant 1024 : i32
    %mul3A_239 = arith.muli %add3A_237, %mul3A_238 : i32
    %dma_wait3A_240 = tpu.memref_slice %arg2[%mul3A_239] : memref<33554432xf32, #tpu.memory_space<hbm>> -> memref<32768xf32, #tpu.memory_space<hbm>>
    %dma_wait3A_241 = tpu.memref_slice %arg2[%mul3A_239] : memref<33554432xf32, #tpu.memory_space<hbm>> -> memref<32768xf32, #tpu.memory_space<hbm>>
    tpu.wait_dma2 semaphore(%arg8 : memref<!tpu.dma_semaphore, #tpu.memory_space<semaphore_mem>>) src(%dma_wait3A_241 : memref<32768xf32, #tpu.memory_space<hbm>>) dst(%arg5 : memref<32768xf32, #tpu.memory_space<vmem>>)
    %add3A_242 = arith.constant 8192 : i32
    %add3A_243 = arith.addi %add3A_242, %mul3A_2 : i32
    %add3A_244 = arith.constant 32 : i32
    %add3A_245 = arith.addi %add3A_243, %add3A_244 : i32
    %mul3A_246 = arith.constant 1024 : i32
    %mul3A_247 = arith.muli %add3A_245, %mul3A_246 : i32
    %dma_wait3A_248 = tpu.memref_slice %arg4[%mul3A_247] : memref<33554432xf32, #tpu.memory_space<hbm>> -> memref<32768xf32, #tpu.memory_space<hbm>>
    %dma_wait3A_249 = tpu.memref_slice %arg4[%mul3A_247] : memref<33554432xf32, #tpu.memory_space<hbm>> -> memref<32768xf32, #tpu.memory_space<hbm>>
    tpu.wait_dma2 semaphore(%arg11 : memref<!tpu.dma_semaphore, #tpu.memory_space<semaphore_mem>>) src(%arg6 : memref<32768xf32, #tpu.memory_space<vmem>>) dst(%dma_wait3A_249 : memref<32768xf32, #tpu.memory_space<hbm>>)
    %add3A_250 = arith.constant 24576 : i32
    %add3A_251 = arith.addi %add3A_250, %mul3A_2 : i32
    %add3A_252 = arith.constant 32 : i32
    %add3A_253 = arith.addi %add3A_251, %add3A_252 : i32
    %mul3A_254 = arith.constant 1024 : i32
    %mul3A_255 = arith.muli %add3A_253, %mul3A_254 : i32
    %dma_start3A_256 = tpu.memref_slice %arg2[%mul3A_255] : memref<33554432xf32, #tpu.memory_space<hbm>> -> memref<32768xf32, #tpu.memory_space<hbm>>
    %dma_start3A_257 = tpu.memref_slice %arg2[%mul3A_255] : memref<33554432xf32, #tpu.memory_space<hbm>> -> memref<32768xf32, #tpu.memory_space<hbm>>
    tpu.enqueue_dma source(%dma_start3A_257 : memref<32768xf32, #tpu.memory_space<hbm>>) target(%arg6 : memref<32768xf32, #tpu.memory_space<vmem>>) target_semaphore(%arg9 : memref<!tpu.dma_semaphore, #tpu.memory_space<semaphore_mem>>)
    %parallel_loop3A_258 = arith.constant 0 : i32
    %parallel_loop3A_259 = arith.constant 2048 : i32
    %parallel_loop3A_260 = arith.constant 1 : i32
    scf.for %parallel_loop3A_1216 = %parallel_loop3A_258 to %parallel_loop3A_259 step %parallel_loop3A_260  : i32 {
      %parallel_loop3A_1217 = arith.constant 16 : i32
      %parallel_loop3A_1218 = arith.muli %parallel_loop3A_1216, %parallel_loop3A_1217 : i32
      %parallel_loop3A_1219 = arith.index_cast %parallel_loop3A_1218 : i32 to index
      %parallel_loop3A_1220 = tpu.vector_load %arg5[%parallel_loop3A_1219] {strides = array<i32>} : memref<32768xf32, #tpu.memory_space<vmem>>, vector<16xf32>,
      %parallel_loop3A_1221 = vector.shape_cast %parallel_loop3A_1220 : vector<16xf32> to vector<16xf32>
      %parallel_loop3A_1222 = arith.index_cast %parallel_loop3A_1218 : i32 to index
      %parallel_loop3A_1223 = tpu.vector_load %arg7[%parallel_loop3A_1222] {strides = array<i32>} : memref<32768xf32, #tpu.memory_space<vmem>>, vector<16xf32>,
      %parallel_loop3A_1224 = vector.shape_cast %parallel_loop3A_1223 : vector<16xf32> to vector<16xf32>
      %parallel_loop3A_1225 = arith.addf %parallel_loop3A_1221, %parallel_loop3A_1224 : vector<16xf32>
      %parallel_loop3A_1226 = arith.index_cast %parallel_loop3A_1218 : i32 to index
      %parallel_loop3A_1227 = tpu.vector_load %arg5[%parallel_loop3A_1226] {strides = array<i32>} : memref<32768xf32, #tpu.memory_space<vmem>>, vector<16xf32>,
      %parallel_loop3A_1228 = vector.shape_cast %parallel_loop3A_1227 : vector<16xf32> to vector<16xf32>
      %parallel_loop3A_1229 = vector.shape_cast %parallel_loop3A_1225 : vector<16xf32> to vector<16xf32>
      tpu.vector_store %arg5[%parallel_loop3A_1226], %parallel_loop3A_1229 {strides = array<i32>} : memref<32768xf32, #tpu.memory_space<vmem>>, vector<16xf32>,
    } {sc.loop_unroll_factor = 8 : i64, sc.parallel_access}
    %add3A_261 = arith.constant 16384 : i32
    %add3A_262 = arith.addi %add3A_261, %mul3A_2 : i32
    %add3A_263 = arith.constant 32 : i32
    %add3A_264 = arith.addi %add3A_262, %add3A_263 : i32
    %mul3A_265 = arith.constant 1024 : i32
    %mul3A_266 = arith.muli %add3A_264, %mul3A_265 : i32
    %dma_start3A_267 = tpu.memref_slice %arg4[%mul3A_266] : memref<33554432xf32, #tpu.memory_space<hbm>> -> memref<32768xf32, #tpu.memory_space<hbm>>
    %dma_start3A_268 = tpu.memref_slice %arg4[%mul3A_266] : memref<33554432xf32, #tpu.memory_space<hbm>> -> memref<32768xf32, #tpu.memory_space<hbm>>
    tpu.enqueue_dma source(%arg5 : memref<32768xf32, #tpu.memory_space<vmem>>) target(%dma_start3A_268 : memref<32768xf32, #tpu.memory_space<hbm>>) target_semaphore(%arg10 : memref<!tpu.dma_semaphore, #tpu.memory_space<semaphore_mem>>)
    %add3A_269 = arith.constant 24576 : i32
    %add3A_270 = arith.addi %add3A_269, %mul3A_2 : i32
    %add3A_271 = arith.constant 32 : i32
    %add3A_272 = arith.addi %add3A_270, %add3A_271 : i32
    %mul3A_273 = arith.constant 1024 : i32
    %mul3A_274 = arith.muli %add3A_272, %mul3A_273 : i32
    %dma_wait3A_275 = tpu.memref_slice %arg2[%mul3A_274] : memref<33554432xf32, #tpu.memory_space<hbm>> -> memref<32768xf32, #tpu.memory_space<hbm>>
    %dma_wait3A_276 = tpu.memref_slice %arg2[%mul3A_274] : memref<33554432xf32, #tpu.memory_space<hbm>> -> memref<32768xf32, #tpu.memory_space<hbm>>
    tpu.wait_dma2 semaphore(%arg9 : memref<!tpu.dma_semaphore, #tpu.memory_space<semaphore_mem>>) src(%dma_wait3A_276 : memref<32768xf32, #tpu.memory_space<hbm>>) dst(%arg6 : memref<32768xf32, #tpu.memory_space<vmem>>)
    %add3A_277 = arith.constant 16384 : i32
    %add3A_278 = arith.addi %add3A_277, %mul3A_2 : i32
    %add3A_279 = arith.constant 32 : i32
    %add3A_280 = arith.addi %add3A_278, %add3A_279 : i32
    %mul3A_281 = arith.constant 1024 : i32
    %mul3A_282 = arith.muli %add3A_280, %mul3A_281 : i32
    %dma_wait3A_283 = tpu.memref_slice %arg4[%mul3A_282] : memref<33554432xf32, #tpu.memory_space<hbm>> -> memref<32768xf32, #tpu.memory_space<hbm>>
    %dma_wait3A_284 = tpu.memref_slice %arg4[%mul3A_282] : memref<33554432xf32, #tpu.memory_space<hbm>> -> memref<32768xf32, #tpu.memory_space<hbm>>
    tpu.wait_dma2 semaphore(%arg10 : memref<!tpu.dma_semaphore, #tpu.memory_space<semaphore_mem>>) src(%arg5 : memref<32768xf32, #tpu.memory_space<vmem>>) dst(%dma_wait3A_284 : memref<32768xf32, #tpu.memory_space<hbm>>)
    %add3A_285 = arith.constant 0 : i32
    %add3A_286 = arith.addi %add3A_285, %mul3A_2 : i32
    %add3A_287 = arith.constant 64 : i32
    %add3A_288 = arith.addi %add3A_286, %add3A_287 : i32
    %mul3A_289 = arith.constant 1024 : i32
    %mul3A_290 = arith.muli %add3A_288, %mul3A_289 : i32
    %dma_start3A_291 = tpu.memref_slice %arg2[%mul3A_290] : memref<33554432xf32, #tpu.memory_space<hbm>> -> memref<32768xf32, #tpu.memory_space<hbm>>
    %dma_start3A_292 = tpu.memref_slice %arg2[%mul3A_290] : memref<33554432xf32, #tpu.memory_space<hbm>> -> memref<32768xf32, #tpu.memory_space<hbm>>
    tpu.enqueue_dma source(%dma_start3A_292 : memref<32768xf32, #tpu.memory_space<hbm>>) target(%arg5 : memref<32768xf32, #tpu.memory_space<vmem>>) target_semaphore(%arg8 : memref<!tpu.dma_semaphore, #tpu.memory_space<semaphore_mem>>)
    %parallel_loop3A_293 = arith.constant 0 : i32
    %parallel_loop3A_294 = arith.constant 2048 : i32
    %parallel_loop3A_295 = arith.constant 1 : i32
    scf.for %parallel_loop3A_1216 = %parallel_loop3A_293 to %parallel_loop3A_294 step %parallel_loop3A_295  : i32 {
      %parallel_loop3A_1217 = arith.constant 16 : i32
      %parallel_loop3A_1218 = arith.muli %parallel_loop3A_1216, %parallel_loop3A_1217 : i32
      %parallel_loop3A_1219 = arith.index_cast %parallel_loop3A_1218 : i32 to index
      %parallel_loop3A_1220 = tpu.vector_load %arg6[%parallel_loop3A_1219] {strides = array<i32>} : memref<32768xf32, #tpu.memory_space<vmem>>, vector<16xf32>,
      %parallel_loop3A_1221 = vector.shape_cast %parallel_loop3A_1220 : vector<16xf32> to vector<16xf32>
      %parallel_loop3A_1222 = arith.index_cast %parallel_loop3A_1218 : i32 to index
      %parallel_loop3A_1223 = tpu.vector_load %arg7[%parallel_loop3A_1222] {strides = array<i32>} : memref<32768xf32, #tpu.memory_space<vmem>>, vector<16xf32>,
      %parallel_loop3A_1224 = vector.shape_cast %parallel_loop3A_1223 : vector<16xf32> to vector<16xf32>
      %parallel_loop3A_1225 = arith.addf %parallel_loop3A_1221, %parallel_loop3A_1224 : vector<16xf32>
      %parallel_loop3A_1226 = arith.index_cast %parallel_loop3A_1218 : i32 to index
      %parallel_loop3A_1227 = tpu.vector_load %arg6[%parallel_loop3A_1226] {strides = array<i32>} : memref<32768xf32, #tpu.memory_space<vmem>>, vector<16xf32>,
      %parallel_loop3A_1228 = vector.shape_cast %parallel_loop3A_1227 : vector<16xf32> to vector<16xf32>
      %parallel_loop3A_1229 = vector.shape_cast %parallel_loop3A_1225 : vector<16xf32> to vector<16xf32>
      tpu.vector_store %arg6[%parallel_loop3A_1226], %parallel_loop3A_1229 {strides = array<i32>} : memref<32768xf32, #tpu.memory_space<vmem>>, vector<16xf32>,
    } {sc.loop_unroll_factor = 8 : i64, sc.parallel_access}
    %add3A_296 = arith.constant 24576 : i32
    %add3A_297 = arith.addi %add3A_296, %mul3A_2 : i32
    %add3A_298 = arith.constant 32 : i32
    %add3A_299 = arith.addi %add3A_297, %add3A_298 : i32
    %mul3A_300 = arith.constant 1024 : i32
    %mul3A_301 = arith.muli %add3A_299, %mul3A_300 : i32
    %dma_start3A_302 = tpu.memref_slice %arg4[%mul3A_301] : memref<33554432xf32, #tpu.memory_space<hbm>> -> memref<32768xf32, #tpu.memory_space<hbm>>
    %dma_start3A_303 = tpu.memref_slice %arg4[%mul3A_301] : memref<33554432xf32, #tpu.memory_space<hbm>> -> memref<32768xf32, #tpu.memory_space<hbm>>
    tpu.enqueue_dma source(%arg6 : memref<32768xf32, #tpu.memory_space<vmem>>) target(%dma_start3A_303 : memref<32768xf32, #tpu.memory_space<hbm>>) target_semaphore(%arg11 : memref<!tpu.dma_semaphore, #tpu.memory_space<semaphore_mem>>)
    %add3A_304 = arith.constant 64 : i32
    %add3A_305 = arith.addi %mul3A_2, %add3A_304 : i32
    %mul3A_306 = arith.constant 1024 : i32
    %mul3A_307 = arith.muli %add3A_305, %mul3A_306 : i32
    %dma_start3A_308 = tpu.memref_slice %arg3[%mul3A_307] : memref<8388608xf32, #tpu.memory_space<hbm>> -> memref<32768xf32, #tpu.memory_space<hbm>>
    %dma_start3A_309 = tpu.memref_slice %arg3[%mul3A_307] : memref<8388608xf32, #tpu.memory_space<hbm>> -> memref<32768xf32, #tpu.memory_space<hbm>>
    tpu.enqueue_dma source(%dma_start3A_309 : memref<32768xf32, #tpu.memory_space<hbm>>) target(%arg7 : memref<32768xf32, #tpu.memory_space<vmem>>) target_semaphore(%arg12 : memref<!tpu.dma_semaphore, #tpu.memory_space<semaphore_mem>>)
    %add3A_310 = arith.constant 0 : i32
    %add3A_311 = arith.addi %add3A_310, %mul3A_2 : i32
    %add3A_312 = arith.constant 64 : i32
    %add3A_313 = arith.addi %add3A_311, %add3A_312 : i32
    %mul3A_314 = arith.constant 1024 : i32
    %mul3A_315 = arith.muli %add3A_313, %mul3A_314 : i32
    %dma_wait3A_316 = tpu.memref_slice %arg2[%mul3A_315] : memref<33554432xf32, #tpu.memory_space<hbm>> -> memref<32768xf32, #tpu.memory_space<hbm>>
    %dma_wait3A_317 = tpu.memref_slice %arg2[%mul3A_315] : memref<33554432xf32, #tpu.memory_space<hbm>> -> memref<32768xf32, #tpu.memory_space<hbm>>
    tpu.wait_dma2 semaphore(%arg8 : memref<!tpu.dma_semaphore, #tpu.memory_space<semaphore_mem>>) src(%dma_wait3A_317 : memref<32768xf32, #tpu.memory_space<hbm>>) dst(%arg5 : memref<32768xf32, #tpu.memory_space<vmem>>)
    %add3A_318 = arith.constant 64 : i32
    %add3A_319 = arith.addi %mul3A_2, %add3A_318 : i32
    %mul3A_320 = arith.constant 1024 : i32
    %mul3A_321 = arith.muli %add3A_319, %mul3A_320 : i32
    %dma_wait3A_322 = tpu.memref_slice %arg3[%mul3A_321] : memref<8388608xf32, #tpu.memory_space<hbm>> -> memref<32768xf32, #tpu.memory_space<hbm>>
    %dma_wait3A_323 = tpu.memref_slice %arg3[%mul3A_321] : memref<8388608xf32, #tpu.memory_space<hbm>> -> memref<32768xf32, #tpu.memory_space<hbm>>
    tpu.wait_dma2 semaphore(%arg12 : memref<!tpu.dma_semaphore, #tpu.memory_space<semaphore_mem>>) src(%dma_wait3A_323 : memref<32768xf32, #tpu.memory_space<hbm>>) dst(%arg7 : memref<32768xf32, #tpu.memory_space<vmem>>)
    %add3A_324 = arith.constant 24576 : i32
    %add3A_325 = arith.addi %add3A_324, %mul3A_2 : i32
    %add3A_326 = arith.constant 32 : i32
    %add3A_327 = arith.addi %add3A_325, %add3A_326 : i32
    %mul3A_328 = arith.constant 1024 : i32
    %mul3A_329 = arith.muli %add3A_327, %mul3A_328 : i32
    %dma_wait3A_330 = tpu.memref_slice %arg4[%mul3A_329] : memref<33554432xf32, #tpu.memory_space<hbm>> -> memref<32768xf32, #tpu.memory_space<hbm>>
    %dma_wait3A_331 = tpu.memref_slice %arg4[%mul3A_329] : memref<33554432xf32, #tpu.memory_space<hbm>> -> memref<32768xf32, #tpu.memory_space<hbm>>
    tpu.wait_dma2 semaphore(%arg11 : memref<!tpu.dma_semaphore, #tpu.memory_space<semaphore_mem>>) src(%arg6 : memref<32768xf32, #tpu.memory_space<vmem>>) dst(%dma_wait3A_331 : memref<32768xf32, #tpu.memory_space<hbm>>)
    %add3A_332 = arith.constant 8192 : i32
    %add3A_333 = arith.addi %add3A_332, %mul3A_2 : i32
    %add3A_334 = arith.constant 64 : i32
    %add3A_335 = arith.addi %add3A_333, %add3A_334 : i32
    %mul3A_336 = arith.constant 1024 : i32
    %mul3A_337 = arith.muli %add3A_335, %mul3A_336 : i32
    %dma_start3A_338 = tpu.memref_slice %arg2[%mul3A_337] : memref<33554432xf32, #tpu.memory_space<hbm>> -> memref<32768xf32, #tpu.memory_space<hbm>>
    %dma_start3A_339 = tpu.memref_slice %arg2[%mul3A_337] : memref<33554432xf32, #tpu.memory_space<hbm>> -> memref<32768xf32, #tpu.memory_space<hbm>>
    tpu.enqueue_dma source(%dma_start3A_339 : memref<32768xf32, #tpu.memory_space<hbm>>) target(%arg6 : memref<32768xf32, #tpu.memory_space<vmem>>) target_semaphore(%arg9 : memref<!tpu.dma_semaphore, #tpu.memory_space<semaphore_mem>>)
    %parallel_loop3A_340 = arith.constant 0 : i32
    %parallel_loop3A_341 = arith.constant 2048 : i32
    %parallel_loop3A_342 = arith.constant 1 : i32
    scf.for %parallel_loop3A_1216 = %parallel_loop3A_340 to %parallel_loop3A_341 step %parallel_loop3A_342  : i32 {
      %parallel_loop3A_1217 = arith.constant 16 : i32
      %parallel_loop3A_1218 = arith.muli %parallel_loop3A_1216, %parallel_loop3A_1217 : i32
      %parallel_loop3A_1219 = arith.index_cast %parallel_loop3A_1218 : i32 to index
      %parallel_loop3A_1220 = tpu.vector_load %arg5[%parallel_loop3A_1219] {strides = array<i32>} : memref<32768xf32, #tpu.memory_space<vmem>>, vector<16xf32>,
      %parallel_loop3A_1221 = vector.shape_cast %parallel_loop3A_1220 : vector<16xf32> to vector<16xf32>
      %parallel_loop3A_1222 = arith.index_cast %parallel_loop3A_1218 : i32 to index
      %parallel_loop3A_1223 = tpu.vector_load %arg7[%parallel_loop3A_1222] {strides = array<i32>} : memref<32768xf32, #tpu.memory_space<vmem>>, vector<16xf32>,
      %parallel_loop3A_1224 = vector.shape_cast %parallel_loop3A_1223 : vector<16xf32> to vector<16xf32>
      %parallel_loop3A_1225 = arith.addf %parallel_loop3A_1221, %parallel_loop3A_1224 : vector<16xf32>
      %parallel_loop3A_1226 = arith.index_cast %parallel_loop3A_1218 : i32 to index
      %parallel_loop3A_1227 = tpu.vector_load %arg5[%parallel_loop3A_1226] {strides = array<i32>} : memref<32768xf32, #tpu.memory_space<vmem>>, vector<16xf32>,
      %parallel_loop3A_1228 = vector.shape_cast %parallel_loop3A_1227 : vector<16xf32> to vector<16xf32>
      %parallel_loop3A_1229 = vector.shape_cast %parallel_loop3A_1225 : vector<16xf32> to vector<16xf32>
      tpu.vector_store %arg5[%parallel_loop3A_1226], %parallel_loop3A_1229 {strides = array<i32>} : memref<32768xf32, #tpu.memory_space<vmem>>, vector<16xf32>,
    } {sc.loop_unroll_factor = 8 : i64, sc.parallel_access}
    %add3A_343 = arith.constant 0 : i32
    %add3A_344 = arith.addi %add3A_343, %mul3A_2 : i32
    %add3A_345 = arith.constant 64 : i32
    %add3A_346 = arith.addi %add3A_344, %add3A_345 : i32
    %mul3A_347 = arith.constant 1024 : i32
    %mul3A_348 = arith.muli %add3A_346, %mul3A_347 : i32
    %dma_start3A_349 = tpu.memref_slice %arg4[%mul3A_348] : memref<33554432xf32, #tpu.memory_space<hbm>> -> memref<32768xf32, #tpu.memory_space<hbm>>
    %dma_start3A_350 = tpu.memref_slice %arg4[%mul3A_348] : memref<33554432xf32, #tpu.memory_space<hbm>> -> memref<32768xf32, #tpu.memory_space<hbm>>
    tpu.enqueue_dma source(%arg5 : memref<32768xf32, #tpu.memory_space<vmem>>) target(%dma_start3A_350 : memref<32768xf32, #tpu.memory_space<hbm>>) target_semaphore(%arg10 : memref<!tpu.dma_semaphore, #tpu.memory_space<semaphore_mem>>)
    %add3A_351 = arith.constant 8192 : i32
    %add3A_352 = arith.addi %add3A_351, %mul3A_2 : i32
    %add3A_353 = arith.constant 64 : i32
    %add3A_354 = arith.addi %add3A_352, %add3A_353 : i32
    %mul3A_355 = arith.constant 1024 : i32
    %mul3A_356 = arith.muli %add3A_354, %mul3A_355 : i32
    %dma_wait3A_357 = tpu.memref_slice %arg2[%mul3A_356] : memref<33554432xf32, #tpu.memory_space<hbm>> -> memref<32768xf32, #tpu.memory_space<hbm>>
    %dma_wait3A_358 = tpu.memref_slice %arg2[%mul3A_356] : memref<33554432xf32, #tpu.memory_space<hbm>> -> memref<32768xf32, #tpu.memory_space<hbm>>
    tpu.wait_dma2 semaphore(%arg9 : memref<!tpu.dma_semaphore, #tpu.memory_space<semaphore_mem>>) src(%dma_wait3A_358 : memref<32768xf32, #tpu.memory_space<hbm>>) dst(%arg6 : memref<32768xf32, #tpu.memory_space<vmem>>)
    %add3A_359 = arith.constant 0 : i32
    %add3A_360 = arith.addi %add3A_359, %mul3A_2 : i32
    %add3A_361 = arith.constant 64 : i32
    %add3A_362 = arith.addi %add3A_360, %add3A_361 : i32
    %mul3A_363 = arith.constant 1024 : i32
    %mul3A_364 = arith.muli %add3A_362, %mul3A_363 : i32
    %dma_wait3A_365 = tpu.memref_slice %arg4[%mul3A_364] : memref<33554432xf32, #tpu.memory_space<hbm>> -> memref<32768xf32, #tpu.memory_space<hbm>>
    %dma_wait3A_366 = tpu.memref_slice %arg4[%mul3A_364] : memref<33554432xf32, #tpu.memory_space<hbm>> -> memref<32768xf32, #tpu.memory_space<hbm>>
    tpu.wait_dma2 semaphore(%arg10 : memref<!tpu.dma_semaphore, #tpu.memory_space<semaphore_mem>>) src(%arg5 : memref<32768xf32, #tpu.memory_space<vmem>>) dst(%dma_wait3A_366 : memref<32768xf32, #tpu.memory_space<hbm>>)
    %add3A_367 = arith.constant 16384 : i32
    %add3A_368 = arith.addi %add3A_367, %mul3A_2 : i32
    %add3A_369 = arith.constant 64 : i32
    %add3A_370 = arith.addi %add3A_368, %add3A_369 : i32
    %mul3A_371 = arith.constant 1024 : i32
    %mul3A_372 = arith.muli %add3A_370, %mul3A_371 : i32
    %dma_start3A_373 = tpu.memref_slice %arg2[%mul3A_372] : memref<33554432xf32, #tpu.memory_space<hbm>> -> memref<32768xf32, #tpu.memory_space<hbm>>
    %dma_start3A_374 = tpu.memref_slice %arg2[%mul3A_372] : memref<33554432xf32, #tpu.memory_space<hbm>> -> memref<32768xf32, #tpu.memory_space<hbm>>
    tpu.enqueue_dma source(%dma_start3A_374 : memref<32768xf32, #tpu.memory_space<hbm>>) target(%arg5 : memref<32768xf32, #tpu.memory_space<vmem>>) target_semaphore(%arg8 : memref<!tpu.dma_semaphore, #tpu.memory_space<semaphore_mem>>)
    %parallel_loop3A_375 = arith.constant 0 : i32
    %parallel_loop3A_376 = arith.constant 2048 : i32
    %parallel_loop3A_377 = arith.constant 1 : i32
    scf.for %parallel_loop3A_1216 = %parallel_loop3A_375 to %parallel_loop3A_376 step %parallel_loop3A_377  : i32 {
      %parallel_loop3A_1217 = arith.constant 16 : i32
      %parallel_loop3A_1218 = arith.muli %parallel_loop3A_1216, %parallel_loop3A_1217 : i32
      %parallel_loop3A_1219 = arith.index_cast %parallel_loop3A_1218 : i32 to index
      %parallel_loop3A_1220 = tpu.vector_load %arg6[%parallel_loop3A_1219] {strides = array<i32>} : memref<32768xf32, #tpu.memory_space<vmem>>, vector<16xf32>,
      %parallel_loop3A_1221 = vector.shape_cast %parallel_loop3A_1220 : vector<16xf32> to vector<16xf32>
      %parallel_loop3A_1222 = arith.index_cast %parallel_loop3A_1218 : i32 to index
      %parallel_loop3A_1223 = tpu.vector_load %arg7[%parallel_loop3A_1222] {strides = array<i32>} : memref<32768xf32, #tpu.memory_space<vmem>>, vector<16xf32>,
      %parallel_loop3A_1224 = vector.shape_cast %parallel_loop3A_1223 : vector<16xf32> to vector<16xf32>
      %parallel_loop3A_1225 = arith.addf %parallel_loop3A_1221, %parallel_loop3A_1224 : vector<16xf32>
      %parallel_loop3A_1226 = arith.index_cast %parallel_loop3A_1218 : i32 to index
      %parallel_loop3A_1227 = tpu.vector_load %arg6[%parallel_loop3A_1226] {strides = array<i32>} : memref<32768xf32, #tpu.memory_space<vmem>>, vector<16xf32>,
      %parallel_loop3A_1228 = vector.shape_cast %parallel_loop3A_1227 : vector<16xf32> to vector<16xf32>
      %parallel_loop3A_1229 = vector.shape_cast %parallel_loop3A_1225 : vector<16xf32> to vector<16xf32>
      tpu.vector_store %arg6[%parallel_loop3A_1226], %parallel_loop3A_1229 {strides = array<i32>} : memref<32768xf32, #tpu.memory_space<vmem>>, vector<16xf32>,
    } {sc.loop_unroll_factor = 8 : i64, sc.parallel_access}
    %add3A_378 = arith.constant 8192 : i32
    %add3A_379 = arith.addi %add3A_378, %mul3A_2 : i32
    %add3A_380 = arith.constant 64 : i32
    %add3A_381 = arith.addi %add3A_379, %add3A_380 : i32
    %mul3A_382 = arith.constant 1024 : i32
    %mul3A_383 = arith.muli %add3A_381, %mul3A_382 : i32
    %dma_start3A_384 = tpu.memref_slice %arg4[%mul3A_383] : memref<33554432xf32, #tpu.memory_space<hbm>> -> memref<32768xf32, #tpu.memory_space<hbm>>
    %dma_start3A_385 = tpu.memref_slice %arg4[%mul3A_383] : memref<33554432xf32, #tpu.memory_space<hbm>> -> memref<32768xf32, #tpu.memory_space<hbm>>
    tpu.enqueue_dma source(%arg6 : memref<32768xf32, #tpu.memory_space<vmem>>) target(%dma_start3A_385 : memref<32768xf32, #tpu.memory_space<hbm>>) target_semaphore(%arg11 : memref<!tpu.dma_semaphore, #tpu.memory_space<semaphore_mem>>)
    %add3A_386 = arith.constant 16384 : i32
    %add3A_387 = arith.addi %add3A_386, %mul3A_2 : i32
    %add3A_388 = arith.constant 64 : i32
    %add3A_389 = arith.addi %add3A_387, %add3A_388 : i32
    %mul3A_390 = arith.constant 1024 : i32
    %mul3A_391 = arith.muli %add3A_389, %mul3A_390 : i32
    %dma_wait3A_392 = tpu.memref_slice %arg2[%mul3A_391] : memref<33554432xf32, #tpu.memory_space<hbm>> -> memref<32768xf32, #tpu.memory_space<hbm>>
    %dma_wait3A_393 = tpu.memref_slice %arg2[%mul3A_391] : memref<33554432xf32, #tpu.memory_space<hbm>> -> memref<32768xf32, #tpu.memory_space<hbm>>
    tpu.wait_dma2 semaphore(%arg8 : memref<!tpu.dma_semaphore, #tpu.memory_space<semaphore_mem>>) src(%dma_wait3A_393 : memref<32768xf32, #tpu.memory_space<hbm>>) dst(%arg5 : memref<32768xf32, #tpu.memory_space<vmem>>)
    %add3A_394 = arith.constant 8192 : i32
    %add3A_395 = arith.addi %add3A_394, %mul3A_2 : i32
    %add3A_396 = arith.constant 64 : i32
    %add3A_397 = arith.addi %add3A_395, %add3A_396 : i32
    %mul3A_398 = arith.constant 1024 : i32
    %mul3A_399 = arith.muli %add3A_397, %mul3A_398 : i32
    %dma_wait3A_400 = tpu.memref_slice %arg4[%mul3A_399] : memref<33554432xf32, #tpu.memory_space<hbm>> -> memref<32768xf32, #tpu.memory_space<hbm>>
    %dma_wait3A_401 = tpu.memref_slice %arg4[%mul3A_399] : memref<33554432xf32, #tpu.memory_space<hbm>> -> memref<32768xf32, #tpu.memory_space<hbm>>
    tpu.wait_dma2 semaphore(%arg11 : memref<!tpu.dma_semaphore, #tpu.memory_space<semaphore_mem>>) src(%arg6 : memref<32768xf32, #tpu.memory_space<vmem>>) dst(%dma_wait3A_401 : memref<32768xf32, #tpu.memory_space<hbm>>)
    %add3A_402 = arith.constant 24576 : i32
    %add3A_403 = arith.addi %add3A_402, %mul3A_2 : i32
    %add3A_404 = arith.constant 64 : i32
    %add3A_405 = arith.addi %add3A_403, %add3A_404 : i32
    %mul3A_406 = arith.constant 1024 : i32
    %mul3A_407 = arith.muli %add3A_405, %mul3A_406 : i32
    %dma_start3A_408 = tpu.memref_slice %arg2[%mul3A_407] : memref<33554432xf32, #tpu.memory_space<hbm>> -> memref<32768xf32, #tpu.memory_space<hbm>>
    %dma_start3A_409 = tpu.memref_slice %arg2[%mul3A_407] : memref<33554432xf32, #tpu.memory_space<hbm>> -> memref<32768xf32, #tpu.memory_space<hbm>>
    tpu.enqueue_dma source(%dma_start3A_409 : memref<32768xf32, #tpu.memory_space<hbm>>) target(%arg6 : memref<32768xf32, #tpu.memory_space<vmem>>) target_semaphore(%arg9 : memref<!tpu.dma_semaphore, #tpu.memory_space<semaphore_mem>>)
    %parallel_loop3A_410 = arith.constant 0 : i32
    %parallel_loop3A_411 = arith.constant 2048 : i32
    %parallel_loop3A_412 = arith.constant 1 : i32
    scf.for %parallel_loop3A_1216 = %parallel_loop3A_410 to %parallel_loop3A_411 step %parallel_loop3A_412  : i32 {
      %parallel_loop3A_1217 = arith.constant 16 : i32
      %parallel_loop3A_1218 = arith.muli %parallel_loop3A_1216, %parallel_loop3A_1217 : i32
      %parallel_loop3A_1219 = arith.index_cast %parallel_loop3A_1218 : i32 to index
      %parallel_loop3A_1220 = tpu.vector_load %arg5[%parallel_loop3A_1219] {strides = array<i32>} : memref<32768xf32, #tpu.memory_space<vmem>>, vector<16xf32>,
      %parallel_loop3A_1221 = vector.shape_cast %parallel_loop3A_1220 : vector<16xf32> to vector<16xf32>
      %parallel_loop3A_1222 = arith.index_cast %parallel_loop3A_1218 : i32 to index
      %parallel_loop3A_1223 = tpu.vector_load %arg7[%parallel_loop3A_1222] {strides = array<i32>} : memref<32768xf32, #tpu.memory_space<vmem>>, vector<16xf32>,
      %parallel_loop3A_1224 = vector.shape_cast %parallel_loop3A_1223 : vector<16xf32> to vector<16xf32>
      %parallel_loop3A_1225 = arith.addf %parallel_loop3A_1221, %parallel_loop3A_1224 : vector<16xf32>
      %parallel_loop3A_1226 = arith.index_cast %parallel_loop3A_1218 : i32 to index
      %parallel_loop3A_1227 = tpu.vector_load %arg5[%parallel_loop3A_1226] {strides = array<i32>} : memref<32768xf32, #tpu.memory_space<vmem>>, vector<16xf32>,
      %parallel_loop3A_1228 = vector.shape_cast %parallel_loop3A_1227 : vector<16xf32> to vector<16xf32>
      %parallel_loop3A_1229 = vector.shape_cast %parallel_loop3A_1225 : vector<16xf32> to vector<16xf32>
      tpu.vector_store %arg5[%parallel_loop3A_1226], %parallel_loop3A_1229 {strides = array<i32>} : memref<32768xf32, #tpu.memory_space<vmem>>, vector<16xf32>,
    } {sc.loop_unroll_factor = 8 : i64, sc.parallel_access}
    %add3A_413 = arith.constant 16384 : i32
    %add3A_414 = arith.addi %add3A_413, %mul3A_2 : i32
    %add3A_415 = arith.constant 64 : i32
    %add3A_416 = arith.addi %add3A_414, %add3A_415 : i32
    %mul3A_417 = arith.constant 1024 : i32
    %mul3A_418 = arith.muli %add3A_416, %mul3A_417 : i32
    %dma_start3A_419 = tpu.memref_slice %arg4[%mul3A_418] : memref<33554432xf32, #tpu.memory_space<hbm>> -> memref<32768xf32, #tpu.memory_space<hbm>>
    %dma_start3A_420 = tpu.memref_slice %arg4[%mul3A_418] : memref<33554432xf32, #tpu.memory_space<hbm>> -> memref<32768xf32, #tpu.memory_space<hbm>>
    tpu.enqueue_dma source(%arg5 : memref<32768xf32, #tpu.memory_space<vmem>>) target(%dma_start3A_420 : memref<32768xf32, #tpu.memory_space<hbm>>) target_semaphore(%arg10 : memref<!tpu.dma_semaphore, #tpu.memory_space<semaphore_mem>>)
    %add3A_421 = arith.constant 24576 : i32
    %add3A_422 = arith.addi %add3A_421, %mul3A_2 : i32
    %add3A_423 = arith.constant 64 : i32
    %add3A_424 = arith.addi %add3A_422, %add3A_423 : i32
    %mul3A_425 = arith.constant 1024 : i32
    %mul3A_426 = arith.muli %add3A_424, %mul3A_425 : i32
    %dma_wait3A_427 = tpu.memref_slice %arg2[%mul3A_426] : memref<33554432xf32, #tpu.memory_space<hbm>> -> memref<32768xf32, #tpu.memory_space<hbm>>
    %dma_wait3A_428 = tpu.memref_slice %arg2[%mul3A_426] : memref<33554432xf32, #tpu.memory_space<hbm>> -> memref<32768xf32, #tpu.memory_space<hbm>>
    tpu.wait_dma2 semaphore(%arg9 : memref<!tpu.dma_semaphore, #tpu.memory_space<semaphore_mem>>) src(%dma_wait3A_428 : memref<32768xf32, #tpu.memory_space<hbm>>) dst(%arg6 : memref<32768xf32, #tpu.memory_space<vmem>>)
    %add3A_429 = arith.constant 16384 : i32
    %add3A_430 = arith.addi %add3A_429, %mul3A_2 : i32
    %add3A_431 = arith.constant 64 : i32
    %add3A_432 = arith.addi %add3A_430, %add3A_431 : i32
    %mul3A_433 = arith.constant 1024 : i32
    %mul3A_434 = arith.muli %add3A_432, %mul3A_433 : i32
    %dma_wait3A_435 = tpu.memref_slice %arg4[%mul3A_434] : memref<33554432xf32, #tpu.memory_space<hbm>> -> memref<32768xf32, #tpu.memory_space<hbm>>
    %dma_wait3A_436 = tpu.memref_slice %arg4[%mul3A_434] : memref<33554432xf32, #tpu.memory_space<hbm>> -> memref<32768xf32, #tpu.memory_space<hbm>>
    tpu.wait_dma2 semaphore(%arg10 : memref<!tpu.dma_semaphore, #tpu.memory_space<semaphore_mem>>) src(%arg5 : memref<32768xf32, #tpu.memory_space<vmem>>) dst(%dma_wait3A_436 : memref<32768xf32, #tpu.memory_space<hbm>>)
    %add3A_437 = arith.constant 0 : i32
    %add3A_438 = arith.addi %add3A_437, %mul3A_2 : i32
    %add3A_439 = arith.constant 96 : i32
    %add3A_440 = arith.addi %add3A_438, %add3A_439 : i32
    %mul3A_441 = arith.constant 1024 : i32
    %mul3A_442 = arith.muli %add3A_440, %mul3A_441 : i32
    %dma_start3A_443 = tpu.memref_slice %arg2[%mul3A_442] : memref<33554432xf32, #tpu.memory_space<hbm>> -> memref<32768xf32, #tpu.memory_space<hbm>>
    %dma_start3A_444 = tpu.memref_slice %arg2[%mul3A_442] : memref<33554432xf32, #tpu.memory_space<hbm>> -> memref<32768xf32, #tpu.memory_space<hbm>>
    tpu.enqueue_dma source(%dma_start3A_444 : memref<32768xf32, #tpu.memory_space<hbm>>) target(%arg5 : memref<32768xf32, #tpu.memory_space<vmem>>) target_semaphore(%arg8 : memref<!tpu.dma_semaphore, #tpu.memory_space<semaphore_mem>>)
    %parallel_loop3A_445 = arith.constant 0 : i32
    %parallel_loop3A_446 = arith.constant 2048 : i32
    %parallel_loop3A_447 = arith.constant 1 : i32
    scf.for %parallel_loop3A_1216 = %parallel_loop3A_445 to %parallel_loop3A_446 step %parallel_loop3A_447  : i32 {
      %parallel_loop3A_1217 = arith.constant 16 : i32
      %parallel_loop3A_1218 = arith.muli %parallel_loop3A_1216, %parallel_loop3A_1217 : i32
      %parallel_loop3A_1219 = arith.index_cast %parallel_loop3A_1218 : i32 to index
      %parallel_loop3A_1220 = tpu.vector_load %arg6[%parallel_loop3A_1219] {strides = array<i32>} : memref<32768xf32, #tpu.memory_space<vmem>>, vector<16xf32>,
      %parallel_loop3A_1221 = vector.shape_cast %parallel_loop3A_1220 : vector<16xf32> to vector<16xf32>
      %parallel_loop3A_1222 = arith.index_cast %parallel_loop3A_1218 : i32 to index
      %parallel_loop3A_1223 = tpu.vector_load %arg7[%parallel_loop3A_1222] {strides = array<i32>} : memref<32768xf32, #tpu.memory_space<vmem>>, vector<16xf32>,
      %parallel_loop3A_1224 = vector.shape_cast %parallel_loop3A_1223 : vector<16xf32> to vector<16xf32>
      %parallel_loop3A_1225 = arith.addf %parallel_loop3A_1221, %parallel_loop3A_1224 : vector<16xf32>
      %parallel_loop3A_1226 = arith.index_cast %parallel_loop3A_1218 : i32 to index
      %parallel_loop3A_1227 = tpu.vector_load %arg6[%parallel_loop3A_1226] {strides = array<i32>} : memref<32768xf32, #tpu.memory_space<vmem>>, vector<16xf32>,
      %parallel_loop3A_1228 = vector.shape_cast %parallel_loop3A_1227 : vector<16xf32> to vector<16xf32>
      %parallel_loop3A_1229 = vector.shape_cast %parallel_loop3A_1225 : vector<16xf32> to vector<16xf32>
      tpu.vector_store %arg6[%parallel_loop3A_1226], %parallel_loop3A_1229 {strides = array<i32>} : memref<32768xf32, #tpu.memory_space<vmem>>, vector<16xf32>,
    } {sc.loop_unroll_factor = 8 : i64, sc.parallel_access}
    %add3A_448 = arith.constant 24576 : i32
    %add3A_449 = arith.addi %add3A_448, %mul3A_2 : i32
    %add3A_450 = arith.constant 64 : i32
    %add3A_451 = arith.addi %add3A_449, %add3A_450 : i32
    %mul3A_452 = arith.constant 1024 : i32
    %mul3A_453 = arith.muli %add3A_451, %mul3A_452 : i32
    %dma_start3A_454 = tpu.memref_slice %arg4[%mul3A_453] : memref<33554432xf32, #tpu.memory_space<hbm>> -> memref<32768xf32, #tpu.memory_space<hbm>>
    %dma_start3A_455 = tpu.memref_slice %arg4[%mul3A_453] : memref<33554432xf32, #tpu.memory_space<hbm>> -> memref<32768xf32, #tpu.memory_space<hbm>>
    tpu.enqueue_dma source(%arg6 : memref<32768xf32, #tpu.memory_space<vmem>>) target(%dma_start3A_455 : memref<32768xf32, #tpu.memory_space<hbm>>) target_semaphore(%arg11 : memref<!tpu.dma_semaphore, #tpu.memory_space<semaphore_mem>>)
    %add3A_456 = arith.constant 96 : i32
    %add3A_457 = arith.addi %mul3A_2, %add3A_456 : i32
    %mul3A_458 = arith.constant 1024 : i32
    %mul3A_459 = arith.muli %add3A_457, %mul3A_458 : i32
    %dma_start3A_460 = tpu.memref_slice %arg3[%mul3A_459] : memref<8388608xf32, #tpu.memory_space<hbm>> -> memref<32768xf32, #tpu.memory_space<hbm>>
    %dma_start3A_461 = tpu.memref_slice %arg3[%mul3A_459] : memref<8388608xf32, #tpu.memory_space<hbm>> -> memref<32768xf32, #tpu.memory_space<hbm>>
    tpu.enqueue_dma source(%dma_start3A_461 : memref<32768xf32, #tpu.memory_space<hbm>>) target(%arg7 : memref<32768xf32, #tpu.memory_space<vmem>>) target_semaphore(%arg12 : memref<!tpu.dma_semaphore, #tpu.memory_space<semaphore_mem>>)
    %add3A_462 = arith.constant 0 : i32
    %add3A_463 = arith.addi %add3A_462, %mul3A_2 : i32
    %add3A_464 = arith.constant 96 : i32
    %add3A_465 = arith.addi %add3A_463, %add3A_464 : i32
    %mul3A_466 = arith.constant 1024 : i32
    %mul3A_467 = arith.muli %add3A_465, %mul3A_466 : i32
    %dma_wait3A_468 = tpu.memref_slice %arg2[%mul3A_467] : memref<33554432xf32, #tpu.memory_space<hbm>> -> memref<32768xf32, #tpu.memory_space<hbm>>
    %dma_wait3A_469 = tpu.memref_slice %arg2[%mul3A_467] : memref<33554432xf32, #tpu.memory_space<hbm>> -> memref<32768xf32, #tpu.memory_space<hbm>>
    tpu.wait_dma2 semaphore(%arg8 : memref<!tpu.dma_semaphore, #tpu.memory_space<semaphore_mem>>) src(%dma_wait3A_469 : memref<32768xf32, #tpu.memory_space<hbm>>) dst(%arg5 : memref<32768xf32, #tpu.memory_space<vmem>>)
    %add3A_470 = arith.constant 96 : i32
    %add3A_471 = arith.addi %mul3A_2, %add3A_470 : i32
    %mul3A_472 = arith.constant 1024 : i32
    %mul3A_473 = arith.muli %add3A_471, %mul3A_472 : i32
    %dma_wait3A_474 = tpu.memref_slice %arg3[%mul3A_473] : memref<8388608xf32, #tpu.memory_space<hbm>> -> memref<32768xf32, #tpu.memory_space<hbm>>
    %dma_wait3A_475 = tpu.memref_slice %arg3[%mul3A_473] : memref<8388608xf32, #tpu.memory_space<hbm>> -> memref<32768xf32, #tpu.memory_space<hbm>>
    tpu.wait_dma2 semaphore(%arg12 : memref<!tpu.dma_semaphore, #tpu.memory_space<semaphore_mem>>) src(%dma_wait3A_475 : memref<32768xf32, #tpu.memory_space<hbm>>) dst(%arg7 : memref<32768xf32, #tpu.memory_space<vmem>>)
    %add3A_476 = arith.constant 24576 : i32
    %add3A_477 = arith.addi %add3A_476, %mul3A_2 : i32
    %add3A_478 = arith.constant 64 : i32
    %add3A_479 = arith.addi %add3A_477, %add3A_478 : i32
    %mul3A_480 = arith.constant 1024 : i32
    %mul3A_481 = arith.muli %add3A_479, %mul3A_480 : i32
    %dma_wait3A_482 = tpu.memref_slice %arg4[%mul3A_481] : memref<33554432xf32, #tpu.memory_space<hbm>> -> memref<32768xf32, #tpu.memory_space<hbm>>
    %dma_wait3A_483 = tpu.memref_slice %arg4[%mul3A_481] : memref<33554432xf32, #tpu.memory_space<hbm>> -> memref<32768xf32, #tpu.memory_space<hbm>>
    tpu.wait_dma2 semaphore(%arg11 : memref<!tpu.dma_semaphore, #tpu.memory_space<semaphore_mem>>) src(%arg6 : memref<32768xf32, #tpu.memory_space<vmem>>) dst(%dma_wait3A_483 : memref<32768xf32, #tpu.memory_space<hbm>>)
    %add3A_484 = arith.constant 8192 : i32
    %add3A_485 = arith.addi %add3A_484, %mul3A_2 : i32
    %add3A_486 = arith.constant 96 : i32
    %add3A_487 = arith.addi %add3A_485, %add3A_486 : i32
    %mul3A_488 = arith.constant 1024 : i32
    %mul3A_489 = arith.muli %add3A_487, %mul3A_488 : i32
    %dma_start3A_490 = tpu.memref_slice %arg2[%mul3A_489] : memref<33554432xf32, #tpu.memory_space<hbm>> -> memref<32768xf32, #tpu.memory_space<hbm>>
    %dma_start3A_491 = tpu.memref_slice %arg2[%mul3A_489] : memref<33554432xf32, #tpu.memory_space<hbm>> -> memref<32768xf32, #tpu.memory_space<hbm>>
    tpu.enqueue_dma source(%dma_start3A_491 : memref<32768xf32, #tpu.memory_space<hbm>>) target(%arg6 : memref<32768xf32, #tpu.memory_space<vmem>>) target_semaphore(%arg9 : memref<!tpu.dma_semaphore, #tpu.memory_space<semaphore_mem>>)
    %parallel_loop3A_492 = arith.constant 0 : i32
    %parallel_loop3A_493 = arith.constant 2048 : i32
    %parallel_loop3A_494 = arith.constant 1 : i32
    scf.for %parallel_loop3A_1216 = %parallel_loop3A_492 to %parallel_loop3A_493 step %parallel_loop3A_494  : i32 {
      %parallel_loop3A_1217 = arith.constant 16 : i32
      %parallel_loop3A_1218 = arith.muli %parallel_loop3A_1216, %parallel_loop3A_1217 : i32
      %parallel_loop3A_1219 = arith.index_cast %parallel_loop3A_1218 : i32 to index
      %parallel_loop3A_1220 = tpu.vector_load %arg5[%parallel_loop3A_1219] {strides = array<i32>} : memref<32768xf32, #tpu.memory_space<vmem>>, vector<16xf32>,
      %parallel_loop3A_1221 = vector.shape_cast %parallel_loop3A_1220 : vector<16xf32> to vector<16xf32>
      %parallel_loop3A_1222 = arith.index_cast %parallel_loop3A_1218 : i32 to index
      %parallel_loop3A_1223 = tpu.vector_load %arg7[%parallel_loop3A_1222] {strides = array<i32>} : memref<32768xf32, #tpu.memory_space<vmem>>, vector<16xf32>,
      %parallel_loop3A_1224 = vector.shape_cast %parallel_loop3A_1223 : vector<16xf32> to vector<16xf32>
      %parallel_loop3A_1225 = arith.addf %parallel_loop3A_1221, %parallel_loop3A_1224 : vector<16xf32>
      %parallel_loop3A_1226 = arith.index_cast %parallel_loop3A_1218 : i32 to index
      %parallel_loop3A_1227 = tpu.vector_load %arg5[%parallel_loop3A_1226] {strides = array<i32>} : memref<32768xf32, #tpu.memory_space<vmem>>, vector<16xf32>,
      %parallel_loop3A_1228 = vector.shape_cast %parallel_loop3A_1227 : vector<16xf32> to vector<16xf32>
      %parallel_loop3A_1229 = vector.shape_cast %parallel_loop3A_1225 : vector<16xf32> to vector<16xf32>
      tpu.vector_store %arg5[%parallel_loop3A_1226], %parallel_loop3A_1229 {strides = array<i32>} : memref<32768xf32, #tpu.memory_space<vmem>>, vector<16xf32>,
    } {sc.loop_unroll_factor = 8 : i64, sc.parallel_access}
    %add3A_495 = arith.constant 0 : i32
    %add3A_496 = arith.addi %add3A_495, %mul3A_2 : i32
    %add3A_497 = arith.constant 96 : i32
    %add3A_498 = arith.addi %add3A_496, %add3A_497 : i32
    %mul3A_499 = arith.constant 1024 : i32
    %mul3A_500 = arith.muli %add3A_498, %mul3A_499 : i32
    %dma_start3A_501 = tpu.memref_slice %arg4[%mul3A_500] : memref<33554432xf32, #tpu.memory_space<hbm>> -> memref<32768xf32, #tpu.memory_space<hbm>>
    %dma_start3A_502 = tpu.memref_slice %arg4[%mul3A_500] : memref<33554432xf32, #tpu.memory_space<hbm>> -> memref<32768xf32, #tpu.memory_space<hbm>>
    tpu.enqueue_dma source(%arg5 : memref<32768xf32, #tpu.memory_space<vmem>>) target(%dma_start3A_502 : memref<32768xf32, #tpu.memory_space<hbm>>) target_semaphore(%arg10 : memref<!tpu.dma_semaphore, #tpu.memory_space<semaphore_mem>>)
    %add3A_503 = arith.constant 8192 : i32
    %add3A_504 = arith.addi %add3A_503, %mul3A_2 : i32
    %add3A_505 = arith.constant 96 : i32
    %add3A_506 = arith.addi %add3A_504, %add3A_505 : i32
    %mul3A_507 = arith.constant 1024 : i32
    %mul3A_508 = arith.muli %add3A_506, %mul3A_507 : i32
    %dma_wait3A_509 = tpu.memref_slice %arg2[%mul3A_508] : memref<33554432xf32, #tpu.memory_space<hbm>> -> memref<32768xf32, #tpu.memory_space<hbm>>
    %dma_wait3A_510 = tpu.memref_slice %arg2[%mul3A_508] : memref<33554432xf32, #tpu.memory_space<hbm>> -> memref<32768xf32, #tpu.memory_space<hbm>>
    tpu.wait_dma2 semaphore(%arg9 : memref<!tpu.dma_semaphore, #tpu.memory_space<semaphore_mem>>) src(%dma_wait3A_510 : memref<32768xf32, #tpu.memory_space<hbm>>) dst(%arg6 : memref<32768xf32, #tpu.memory_space<vmem>>)
    %add3A_511 = arith.constant 0 : i32
    %add3A_512 = arith.addi %add3A_511, %mul3A_2 : i32
    %add3A_513 = arith.constant 96 : i32
    %add3A_514 = arith.addi %add3A_512, %add3A_513 : i32
    %mul3A_515 = arith.constant 1024 : i32
    %mul3A_516 = arith.muli %add3A_514, %mul3A_515 : i32
    %dma_wait3A_517 = tpu.memref_slice %arg4[%mul3A_516] : memref<33554432xf32, #tpu.memory_space<hbm>> -> memref<32768xf32, #tpu.memory_space<hbm>>
    %dma_wait3A_518 = tpu.memref_slice %arg4[%mul3A_516] : memref<33554432xf32, #tpu.memory_space<hbm>> -> memref<32768xf32, #tpu.memory_space<hbm>>
    tpu.wait_dma2 semaphore(%arg10 : memref<!tpu.dma_semaphore, #tpu.memory_space<semaphore_mem>>) src(%arg5 : memref<32768xf32, #tpu.memory_space<vmem>>) dst(%dma_wait3A_518 : memref<32768xf32, #tpu.memory_space<hbm>>)
    %add3A_519 = arith.constant 16384 : i32
    %add3A_520 = arith.addi %add3A_519, %mul3A_2 : i32
    %add3A_521 = arith.constant 96 : i32
    %add3A_522 = arith.addi %add3A_520, %add3A_521 : i32
    %mul3A_523 = arith.constant 1024 : i32
    %mul3A_524 = arith.muli %add3A_522, %mul3A_523 : i32
    %dma_start3A_525 = tpu.memref_slice %arg2[%mul3A_524] : memref<33554432xf32, #tpu.memory_space<hbm>> -> memref<32768xf32, #tpu.memory_space<hbm>>
    %dma_start3A_526 = tpu.memref_slice %arg2[%mul3A_524] : memref<33554432xf32, #tpu.memory_space<hbm>> -> memref<32768xf32, #tpu.memory_space<hbm>>
    tpu.enqueue_dma source(%dma_start3A_526 : memref<32768xf32, #tpu.memory_space<hbm>>) target(%arg5 : memref<32768xf32, #tpu.memory_space<vmem>>) target_semaphore(%arg8 : memref<!tpu.dma_semaphore, #tpu.memory_space<semaphore_mem>>)
    %parallel_loop3A_527 = arith.constant 0 : i32
    %parallel_loop3A_528 = arith.constant 2048 : i32
    %parallel_loop3A_529 = arith.constant 1 : i32
    scf.for %parallel_loop3A_1216 = %parallel_loop3A_527 to %parallel_loop3A_528 step %parallel_loop3A_529  : i32 {
      %parallel_loop3A_1217 = arith.constant 16 : i32
      %parallel_loop3A_1218 = arith.muli %parallel_loop3A_1216, %parallel_loop3A_1217 : i32
      %parallel_loop3A_1219 = arith.index_cast %parallel_loop3A_1218 : i32 to index
      %parallel_loop3A_1220 = tpu.vector_load %arg6[%parallel_loop3A_1219] {strides = array<i32>} : memref<32768xf32, #tpu.memory_space<vmem>>, vector<16xf32>,
      %parallel_loop3A_1221 = vector.shape_cast %parallel_loop3A_1220 : vector<16xf32> to vector<16xf32>
      %parallel_loop3A_1222 = arith.index_cast %parallel_loop3A_1218 : i32 to index
      %parallel_loop3A_1223 = tpu.vector_load %arg7[%parallel_loop3A_1222] {strides = array<i32>} : memref<32768xf32, #tpu.memory_space<vmem>>, vector<16xf32>,
      %parallel_loop3A_1224 = vector.shape_cast %parallel_loop3A_1223 : vector<16xf32> to vector<16xf32>
      %parallel_loop3A_1225 = arith.addf %parallel_loop3A_1221, %parallel_loop3A_1224 : vector<16xf32>
      %parallel_loop3A_1226 = arith.index_cast %parallel_loop3A_1218 : i32 to index
      %parallel_loop3A_1227 = tpu.vector_load %arg6[%parallel_loop3A_1226] {strides = array<i32>} : memref<32768xf32, #tpu.memory_space<vmem>>, vector<16xf32>,
      %parallel_loop3A_1228 = vector.shape_cast %parallel_loop3A_1227 : vector<16xf32> to vector<16xf32>
      %parallel_loop3A_1229 = vector.shape_cast %parallel_loop3A_1225 : vector<16xf32> to vector<16xf32>
      tpu.vector_store %arg6[%parallel_loop3A_1226], %parallel_loop3A_1229 {strides = array<i32>} : memref<32768xf32, #tpu.memory_space<vmem>>, vector<16xf32>,
    } {sc.loop_unroll_factor = 8 : i64, sc.parallel_access}
    %add3A_530 = arith.constant 8192 : i32
    %add3A_531 = arith.addi %add3A_530, %mul3A_2 : i32
    %add3A_532 = arith.constant 96 : i32
    %add3A_533 = arith.addi %add3A_531, %add3A_532 : i32
    %mul3A_534 = arith.constant 1024 : i32
    %mul3A_535 = arith.muli %add3A_533, %mul3A_534 : i32
    %dma_start3A_536 = tpu.memref_slice %arg4[%mul3A_535] : memref<33554432xf32, #tpu.memory_space<hbm>> -> memref<32768xf32, #tpu.memory_space<hbm>>
    %dma_start3A_537 = tpu.memref_slice %arg4[%mul3A_535] : memref<33554432xf32, #tpu.memory_space<hbm>> -> memref<32768xf32, #tpu.memory_space<hbm>>
    tpu.enqueue_dma source(%arg6 : memref<32768xf32, #tpu.memory_space<vmem>>) target(%dma_start3A_537 : memref<32768xf32, #tpu.memory_space<hbm>>) target_semaphore(%arg11 : memref<!tpu.dma_semaphore, #tpu.memory_space<semaphore_mem>>)
    %add3A_538 = arith.constant 16384 : i32
    %add3A_539 = arith.addi %add3A_538, %mul3A_2 : i32
    %add3A_540 = arith.constant 96 : i32
    %add3A_541 = arith.addi %add3A_539, %add3A_540 : i32
    %mul3A_542 = arith.constant 1024 : i32
    %mul3A_543 = arith.muli %add3A_541, %mul3A_542 : i32
    %dma_wait3A_544 = tpu.memref_slice %arg2[%mul3A_543] : memref<33554432xf32, #tpu.memory_space<hbm>> -> memref<32768xf32, #tpu.memory_space<hbm>>
    %dma_wait3A_545 = tpu.memref_slice %arg2[%mul3A_543] : memref<33554432xf32, #tpu.memory_space<hbm>> -> memref<32768xf32, #tpu.memory_space<hbm>>
    tpu.wait_dma2 semaphore(%arg8 : memref<!tpu.dma_semaphore, #tpu.memory_space<semaphore_mem>>) src(%dma_wait3A_545 : memref<32768xf32, #tpu.memory_space<hbm>>) dst(%arg5 : memref<32768xf32, #tpu.memory_space<vmem>>)
    %add3A_546 = arith.constant 8192 : i32
    %add3A_547 = arith.addi %add3A_546, %mul3A_2 : i32
    %add3A_548 = arith.constant 96 : i32
    %add3A_549 = arith.addi %add3A_547, %add3A_548 : i32
    %mul3A_550 = arith.constant 1024 : i32
    %mul3A_551 = arith.muli %add3A_549, %mul3A_550 : i32
    %dma_wait3A_552 = tpu.memref_slice %arg4[%mul3A_551] : memref<33554432xf32, #tpu.memory_space<hbm>> -> memref<32768xf32, #tpu.memory_space<hbm>>
    %dma_wait3A_553 = tpu.memref_slice %arg4[%mul3A_551] : memref<33554432xf32, #tpu.memory_space<hbm>> -> memref<32768xf32, #tpu.memory_space<hbm>>
    tpu.wait_dma2 semaphore(%arg11 : memref<!tpu.dma_semaphore, #tpu.memory_space<semaphore_mem>>) src(%arg6 : memref<32768xf32, #tpu.memory_space<vmem>>) dst(%dma_wait3A_553 : memref<32768xf32, #tpu.memory_space<hbm>>)
    %add3A_554 = arith.constant 24576 : i32
    %add3A_555 = arith.addi %add3A_554, %mul3A_2 : i32
    %add3A_556 = arith.constant 96 : i32
    %add3A_557 = arith.addi %add3A_555, %add3A_556 : i32
    %mul3A_558 = arith.constant 1024 : i32
    %mul3A_559 = arith.muli %add3A_557, %mul3A_558 : i32
    %dma_start3A_560 = tpu.memref_slice %arg2[%mul3A_559] : memref<33554432xf32, #tpu.memory_space<hbm>> -> memref<32768xf32, #tpu.memory_space<hbm>>
    %dma_start3A_561 = tpu.memref_slice %arg2[%mul3A_559] : memref<33554432xf32, #tpu.memory_space<hbm>> -> memref<32768xf32, #tpu.memory_space<hbm>>
    tpu.enqueue_dma source(%dma_start3A_561 : memref<32768xf32, #tpu.memory_space<hbm>>) target(%arg6 : memref<32768xf32, #tpu.memory_space<vmem>>) target_semaphore(%arg9 : memref<!tpu.dma_semaphore, #tpu.memory_space<semaphore_mem>>)
    %parallel_loop3A_562 = arith.constant 0 : i32
    %parallel_loop3A_563 = arith.constant 2048 : i32
    %parallel_loop3A_564 = arith.constant 1 : i32
    scf.for %parallel_loop3A_1216 = %parallel_loop3A_562 to %parallel_loop3A_563 step %parallel_loop3A_564  : i32 {
      %parallel_loop3A_1217 = arith.constant 16 : i32
      %parallel_loop3A_1218 = arith.muli %parallel_loop3A_1216, %parallel_loop3A_1217 : i32
      %parallel_loop3A_1219 = arith.index_cast %parallel_loop3A_1218 : i32 to index
      %parallel_loop3A_1220 = tpu.vector_load %arg5[%parallel_loop3A_1219] {strides = array<i32>} : memref<32768xf32, #tpu.memory_space<vmem>>, vector<16xf32>,
      %parallel_loop3A_1221 = vector.shape_cast %parallel_loop3A_1220 : vector<16xf32> to vector<16xf32>
      %parallel_loop3A_1222 = arith.index_cast %parallel_loop3A_1218 : i32 to index
      %parallel_loop3A_1223 = tpu.vector_load %arg7[%parallel_loop3A_1222] {strides = array<i32>} : memref<32768xf32, #tpu.memory_space<vmem>>, vector<16xf32>,
      %parallel_loop3A_1224 = vector.shape_cast %parallel_loop3A_1223 : vector<16xf32> to vector<16xf32>
      %parallel_loop3A_1225 = arith.addf %parallel_loop3A_1221, %parallel_loop3A_1224 : vector<16xf32>
      %parallel_loop3A_1226 = arith.index_cast %parallel_loop3A_1218 : i32 to index
      %parallel_loop3A_1227 = tpu.vector_load %arg5[%parallel_loop3A_1226] {strides = array<i32>} : memref<32768xf32, #tpu.memory_space<vmem>>, vector<16xf32>,
      %parallel_loop3A_1228 = vector.shape_cast %parallel_loop3A_1227 : vector<16xf32> to vector<16xf32>
      %parallel_loop3A_1229 = vector.shape_cast %parallel_loop3A_1225 : vector<16xf32> to vector<16xf32>
      tpu.vector_store %arg5[%parallel_loop3A_1226], %parallel_loop3A_1229 {strides = array<i32>} : memref<32768xf32, #tpu.memory_space<vmem>>, vector<16xf32>,
    } {sc.loop_unroll_factor = 8 : i64, sc.parallel_access}
    %add3A_565 = arith.constant 16384 : i32
    %add3A_566 = arith.addi %add3A_565, %mul3A_2 : i32
    %add3A_567 = arith.constant 96 : i32
    %add3A_568 = arith.addi %add3A_566, %add3A_567 : i32
    %mul3A_569 = arith.constant 1024 : i32
    %mul3A_570 = arith.muli %add3A_568, %mul3A_569 : i32
    %dma_start3A_571 = tpu.memref_slice %arg4[%mul3A_570] : memref<33554432xf32, #tpu.memory_space<hbm>> -> memref<32768xf32, #tpu.memory_space<hbm>>
    %dma_start3A_572 = tpu.memref_slice %arg4[%mul3A_570] : memref<33554432xf32, #tpu.memory_space<hbm>> -> memref<32768xf32, #tpu.memory_space<hbm>>
    tpu.enqueue_dma source(%arg5 : memref<32768xf32, #tpu.memory_space<vmem>>) target(%dma_start3A_572 : memref<32768xf32, #tpu.memory_space<hbm>>) target_semaphore(%arg10 : memref<!tpu.dma_semaphore, #tpu.memory_space<semaphore_mem>>)
    %add3A_573 = arith.constant 24576 : i32
    %add3A_574 = arith.addi %add3A_573, %mul3A_2 : i32
    %add3A_575 = arith.constant 96 : i32
    %add3A_576 = arith.addi %add3A_574, %add3A_575 : i32
    %mul3A_577 = arith.constant 1024 : i32
    %mul3A_578 = arith.muli %add3A_576, %mul3A_577 : i32
    %dma_wait3A_579 = tpu.memref_slice %arg2[%mul3A_578] : memref<33554432xf32, #tpu.memory_space<hbm>> -> memref<32768xf32, #tpu.memory_space<hbm>>
    %dma_wait3A_580 = tpu.memref_slice %arg2[%mul3A_578] : memref<33554432xf32, #tpu.memory_space<hbm>> -> memref<32768xf32, #tpu.memory_space<hbm>>
    tpu.wait_dma2 semaphore(%arg9 : memref<!tpu.dma_semaphore, #tpu.memory_space<semaphore_mem>>) src(%dma_wait3A_580 : memref<32768xf32, #tpu.memory_space<hbm>>) dst(%arg6 : memref<32768xf32, #tpu.memory_space<vmem>>)
    %add3A_581 = arith.constant 16384 : i32
    %add3A_582 = arith.addi %add3A_581, %mul3A_2 : i32
    %add3A_583 = arith.constant 96 : i32
    %add3A_584 = arith.addi %add3A_582, %add3A_583 : i32
    %mul3A_585 = arith.constant 1024 : i32
    %mul3A_586 = arith.muli %add3A_584, %mul3A_585 : i32
    %dma_wait3A_587 = tpu.memref_slice %arg4[%mul3A_586] : memref<33554432xf32, #tpu.memory_space<hbm>> -> memref<32768xf32, #tpu.memory_space<hbm>>
    %dma_wait3A_588 = tpu.memref_slice %arg4[%mul3A_586] : memref<33554432xf32, #tpu.memory_space<hbm>> -> memref<32768xf32, #tpu.memory_space<hbm>>
    tpu.wait_dma2 semaphore(%arg10 : memref<!tpu.dma_semaphore, #tpu.memory_space<semaphore_mem>>) src(%arg5 : memref<32768xf32, #tpu.memory_space<vmem>>) dst(%dma_wait3A_588 : memref<32768xf32, #tpu.memory_space<hbm>>)
    %add3A_589 = arith.constant 0 : i32
    %add3A_590 = arith.addi %add3A_589, %mul3A_2 : i32
    %add3A_591 = arith.constant 128 : i32
    %add3A_592 = arith.addi %add3A_590, %add3A_591 : i32
    %mul3A_593 = arith.constant 1024 : i32
    %mul3A_594 = arith.muli %add3A_592, %mul3A_593 : i32
    %dma_start3A_595 = tpu.memref_slice %arg2[%mul3A_594] : memref<33554432xf32, #tpu.memory_space<hbm>> -> memref<32768xf32, #tpu.memory_space<hbm>>
    %dma_start3A_596 = tpu.memref_slice %arg2[%mul3A_594] : memref<33554432xf32, #tpu.memory_space<hbm>> -> memref<32768xf32, #tpu.memory_space<hbm>>
    tpu.enqueue_dma source(%dma_start3A_596 : memref<32768xf32, #tpu.memory_space<hbm>>) target(%arg5 : memref<32768xf32, #tpu.memory_space<vmem>>) target_semaphore(%arg8 : memref<!tpu.dma_semaphore, #tpu.memory_space<semaphore_mem>>)
    %parallel_loop3A_597 = arith.constant 0 : i32
    %parallel_loop3A_598 = arith.constant 2048 : i32
    %parallel_loop3A_599 = arith.constant 1 : i32
    scf.for %parallel_loop3A_1216 = %parallel_loop3A_597 to %parallel_loop3A_598 step %parallel_loop3A_599  : i32 {
      %parallel_loop3A_1217 = arith.constant 16 : i32
      %parallel_loop3A_1218 = arith.muli %parallel_loop3A_1216, %parallel_loop3A_1217 : i32
      %parallel_loop3A_1219 = arith.index_cast %parallel_loop3A_1218 : i32 to index
      %parallel_loop3A_1220 = tpu.vector_load %arg6[%parallel_loop3A_1219] {strides = array<i32>} : memref<32768xf32, #tpu.memory_space<vmem>>, vector<16xf32>,
      %parallel_loop3A_1221 = vector.shape_cast %parallel_loop3A_1220 : vector<16xf32> to vector<16xf32>
      %parallel_loop3A_1222 = arith.index_cast %parallel_loop3A_1218 : i32 to index
      %parallel_loop3A_1223 = tpu.vector_load %arg7[%parallel_loop3A_1222] {strides = array<i32>} : memref<32768xf32, #tpu.memory_space<vmem>>, vector<16xf32>,
      %parallel_loop3A_1224 = vector.shape_cast %parallel_loop3A_1223 : vector<16xf32> to vector<16xf32>
      %parallel_loop3A_1225 = arith.addf %parallel_loop3A_1221, %parallel_loop3A_1224 : vector<16xf32>
      %parallel_loop3A_1226 = arith.index_cast %parallel_loop3A_1218 : i32 to index
      %parallel_loop3A_1227 = tpu.vector_load %arg6[%parallel_loop3A_1226] {strides = array<i32>} : memref<32768xf32, #tpu.memory_space<vmem>>, vector<16xf32>,
      %parallel_loop3A_1228 = vector.shape_cast %parallel_loop3A_1227 : vector<16xf32> to vector<16xf32>
      %parallel_loop3A_1229 = vector.shape_cast %parallel_loop3A_1225 : vector<16xf32> to vector<16xf32>
      tpu.vector_store %arg6[%parallel_loop3A_1226], %parallel_loop3A_1229 {strides = array<i32>} : memref<32768xf32, #tpu.memory_space<vmem>>, vector<16xf32>,
    } {sc.loop_unroll_factor = 8 : i64, sc.parallel_access}
    %add3A_600 = arith.constant 24576 : i32
    %add3A_601 = arith.addi %add3A_600, %mul3A_2 : i32
    %add3A_602 = arith.constant 96 : i32
    %add3A_603 = arith.addi %add3A_601, %add3A_602 : i32
    %mul3A_604 = arith.constant 1024 : i32
    %mul3A_605 = arith.muli %add3A_603, %mul3A_604 : i32
    %dma_start3A_606 = tpu.memref_slice %arg4[%mul3A_605] : memref<33554432xf32, #tpu.memory_space<hbm>> -> memref<32768xf32, #tpu.memory_space<hbm>>
    %dma_start3A_607 = tpu.memref_slice %arg4[%mul3A_605] : memref<33554432xf32, #tpu.memory_space<hbm>> -> memref<32768xf32, #tpu.memory_space<hbm>>
    tpu.enqueue_dma source(%arg6 : memref<32768xf32, #tpu.memory_space<vmem>>) target(%dma_start3A_607 : memref<32768xf32, #tpu.memory_space<hbm>>) target_semaphore(%arg11 : memref<!tpu.dma_semaphore, #tpu.memory_space<semaphore_mem>>)
    %add3A_608 = arith.constant 128 : i32
    %add3A_609 = arith.addi %mul3A_2, %add3A_608 : i32
    %mul3A_610 = arith.constant 1024 : i32
    %mul3A_611 = arith.muli %add3A_609, %mul3A_610 : i32
    %dma_start3A_612 = tpu.memref_slice %arg3[%mul3A_611] : memref<8388608xf32, #tpu.memory_space<hbm>> -> memref<32768xf32, #tpu.memory_space<hbm>>
    %dma_start3A_613 = tpu.memref_slice %arg3[%mul3A_611] : memref<8388608xf32, #tpu.memory_space<hbm>> -> memref<32768xf32, #tpu.memory_space<hbm>>
    tpu.enqueue_dma source(%dma_start3A_613 : memref<32768xf32, #tpu.memory_space<hbm>>) target(%arg7 : memref<32768xf32, #tpu.memory_space<vmem>>) target_semaphore(%arg12 : memref<!tpu.dma_semaphore, #tpu.memory_space<semaphore_mem>>)
    %add3A_614 = arith.constant 0 : i32
    %add3A_615 = arith.addi %add3A_614, %mul3A_2 : i32
    %add3A_616 = arith.constant 128 : i32
    %add3A_617 = arith.addi %add3A_615, %add3A_616 : i32
    %mul3A_618 = arith.constant 1024 : i32
    %mul3A_619 = arith.muli %add3A_617, %mul3A_618 : i32
    %dma_wait3A_620 = tpu.memref_slice %arg2[%mul3A_619] : memref<33554432xf32, #tpu.memory_space<hbm>> -> memref<32768xf32, #tpu.memory_space<hbm>>
    %dma_wait3A_621 = tpu.memref_slice %arg2[%mul3A_619] : memref<33554432xf32, #tpu.memory_space<hbm>> -> memref<32768xf32, #tpu.memory_space<hbm>>
    tpu.wait_dma2 semaphore(%arg8 : memref<!tpu.dma_semaphore, #tpu.memory_space<semaphore_mem>>) src(%dma_wait3A_621 : memref<32768xf32, #tpu.memory_space<hbm>>) dst(%arg5 : memref<32768xf32, #tpu.memory_space<vmem>>)
    %add3A_622 = arith.constant 128 : i32
    %add3A_623 = arith.addi %mul3A_2, %add3A_622 : i32
    %mul3A_624 = arith.constant 1024 : i32
    %mul3A_625 = arith.muli %add3A_623, %mul3A_624 : i32
    %dma_wait3A_626 = tpu.memref_slice %arg3[%mul3A_625] : memref<8388608xf32, #tpu.memory_space<hbm>> -> memref<32768xf32, #tpu.memory_space<hbm>>
    %dma_wait3A_627 = tpu.memref_slice %arg3[%mul3A_625] : memref<8388608xf32, #tpu.memory_space<hbm>> -> memref<32768xf32, #tpu.memory_space<hbm>>
    tpu.wait_dma2 semaphore(%arg12 : memref<!tpu.dma_semaphore, #tpu.memory_space<semaphore_mem>>) src(%dma_wait3A_627 : memref<32768xf32, #tpu.memory_space<hbm>>) dst(%arg7 : memref<32768xf32, #tpu.memory_space<vmem>>)
    %add3A_628 = arith.constant 24576 : i32
    %add3A_629 = arith.addi %add3A_628, %mul3A_2 : i32
    %add3A_630 = arith.constant 96 : i32
    %add3A_631 = arith.addi %add3A_629, %add3A_630 : i32
    %mul3A_632 = arith.constant 1024 : i32
    %mul3A_633 = arith.muli %add3A_631, %mul3A_632 : i32
    %dma_wait3A_634 = tpu.memref_slice %arg4[%mul3A_633] : memref<33554432xf32, #tpu.memory_space<hbm>> -> memref<32768xf32, #tpu.memory_space<hbm>>
    %dma_wait3A_635 = tpu.memref_slice %arg4[%mul3A_633] : memref<33554432xf32, #tpu.memory_space<hbm>> -> memref<32768xf32, #tpu.memory_space<hbm>>
    tpu.wait_dma2 semaphore(%arg11 : memref<!tpu.dma_semaphore, #tpu.memory_space<semaphore_mem>>) src(%arg6 : memref<32768xf32, #tpu.memory_space<vmem>>) dst(%dma_wait3A_635 : memref<32768xf32, #tpu.memory_space<hbm>>)
    %add3A_636 = arith.constant 8192 : i32
    %add3A_637 = arith.addi %add3A_636, %mul3A_2 : i32
    %add3A_638 = arith.constant 128 : i32
    %add3A_639 = arith.addi %add3A_637, %add3A_638 : i32
    %mul3A_640 = arith.constant 1024 : i32
    %mul3A_641 = arith.muli %add3A_639, %mul3A_640 : i32
    %dma_start3A_642 = tpu.memref_slice %arg2[%mul3A_641] : memref<33554432xf32, #tpu.memory_space<hbm>> -> memref<32768xf32, #tpu.memory_space<hbm>>
    %dma_start3A_643 = tpu.memref_slice %arg2[%mul3A_641] : memref<33554432xf32, #tpu.memory_space<hbm>> -> memref<32768xf32, #tpu.memory_space<hbm>>
    tpu.enqueue_dma source(%dma_start3A_643 : memref<32768xf32, #tpu.memory_space<hbm>>) target(%arg6 : memref<32768xf32, #tpu.memory_space<vmem>>) target_semaphore(%arg9 : memref<!tpu.dma_semaphore, #tpu.memory_space<semaphore_mem>>)
    %parallel_loop3A_644 = arith.constant 0 : i32
    %parallel_loop3A_645 = arith.constant 2048 : i32
    %parallel_loop3A_646 = arith.constant 1 : i32
    scf.for %parallel_loop3A_1216 = %parallel_loop3A_644 to %parallel_loop3A_645 step %parallel_loop3A_646  : i32 {
      %parallel_loop3A_1217 = arith.constant 16 : i32
      %parallel_loop3A_1218 = arith.muli %parallel_loop3A_1216, %parallel_loop3A_1217 : i32
      %parallel_loop3A_1219 = arith.index_cast %parallel_loop3A_1218 : i32 to index
      %parallel_loop3A_1220 = tpu.vector_load %arg5[%parallel_loop3A_1219] {strides = array<i32>} : memref<32768xf32, #tpu.memory_space<vmem>>, vector<16xf32>,
      %parallel_loop3A_1221 = vector.shape_cast %parallel_loop3A_1220 : vector<16xf32> to vector<16xf32>
      %parallel_loop3A_1222 = arith.index_cast %parallel_loop3A_1218 : i32 to index
      %parallel_loop3A_1223 = tpu.vector_load %arg7[%parallel_loop3A_1222] {strides = array<i32>} : memref<32768xf32, #tpu.memory_space<vmem>>, vector<16xf32>,
      %parallel_loop3A_1224 = vector.shape_cast %parallel_loop3A_1223 : vector<16xf32> to vector<16xf32>
      %parallel_loop3A_1225 = arith.addf %parallel_loop3A_1221, %parallel_loop3A_1224 : vector<16xf32>
      %parallel_loop3A_1226 = arith.index_cast %parallel_loop3A_1218 : i32 to index
      %parallel_loop3A_1227 = tpu.vector_load %arg5[%parallel_loop3A_1226] {strides = array<i32>} : memref<32768xf32, #tpu.memory_space<vmem>>, vector<16xf32>,
      %parallel_loop3A_1228 = vector.shape_cast %parallel_loop3A_1227 : vector<16xf32> to vector<16xf32>
      %parallel_loop3A_1229 = vector.shape_cast %parallel_loop3A_1225 : vector<16xf32> to vector<16xf32>
      tpu.vector_store %arg5[%parallel_loop3A_1226], %parallel_loop3A_1229 {strides = array<i32>} : memref<32768xf32, #tpu.memory_space<vmem>>, vector<16xf32>,
    } {sc.loop_unroll_factor = 8 : i64, sc.parallel_access}
    %add3A_647 = arith.constant 0 : i32
    %add3A_648 = arith.addi %add3A_647, %mul3A_2 : i32
    %add3A_649 = arith.constant 128 : i32
    %add3A_650 = arith.addi %add3A_648, %add3A_649 : i32
    %mul3A_651 = arith.constant 1024 : i32
    %mul3A_652 = arith.muli %add3A_650, %mul3A_651 : i32
    %dma_start3A_653 = tpu.memref_slice %arg4[%mul3A_652] : memref<33554432xf32, #tpu.memory_space<hbm>> -> memref<32768xf32, #tpu.memory_space<hbm>>
    %dma_start3A_654 = tpu.memref_slice %arg4[%mul3A_652] : memref<33554432xf32, #tpu.memory_space<hbm>> -> memref<32768xf32, #tpu.memory_space<hbm>>
    tpu.enqueue_dma source(%arg5 : memref<32768xf32, #tpu.memory_space<vmem>>) target(%dma_start3A_654 : memref<32768xf32, #tpu.memory_space<hbm>>) target_semaphore(%arg10 : memref<!tpu.dma_semaphore, #tpu.memory_space<semaphore_mem>>)
    %add3A_655 = arith.constant 8192 : i32
    %add3A_656 = arith.addi %add3A_655, %mul3A_2 : i32
    %add3A_657 = arith.constant 128 : i32
    %add3A_658 = arith.addi %add3A_656, %add3A_657 : i32
    %mul3A_659 = arith.constant 1024 : i32
    %mul3A_660 = arith.muli %add3A_658, %mul3A_659 : i32
    %dma_wait3A_661 = tpu.memref_slice %arg2[%mul3A_660] : memref<33554432xf32, #tpu.memory_space<hbm>> -> memref<32768xf32, #tpu.memory_space<hbm>>
    %dma_wait3A_662 = tpu.memref_slice %arg2[%mul3A_660] : memref<33554432xf32, #tpu.memory_space<hbm>> -> memref<32768xf32, #tpu.memory_space<hbm>>
    tpu.wait_dma2 semaphore(%arg9 : memref<!tpu.dma_semaphore, #tpu.memory_space<semaphore_mem>>) src(%dma_wait3A_662 : memref<32768xf32, #tpu.memory_space<hbm>>) dst(%arg6 : memref<32768xf32, #tpu.memory_space<vmem>>)
    %add3A_663 = arith.constant 0 : i32
    %add3A_664 = arith.addi %add3A_663, %mul3A_2 : i32
    %add3A_665 = arith.constant 128 : i32
    %add3A_666 = arith.addi %add3A_664, %add3A_665 : i32
    %mul3A_667 = arith.constant 1024 : i32
    %mul3A_668 = arith.muli %add3A_666, %mul3A_667 : i32
    %dma_wait3A_669 = tpu.memref_slice %arg4[%mul3A_668] : memref<33554432xf32, #tpu.memory_space<hbm>> -> memref<32768xf32, #tpu.memory_space<hbm>>
    %dma_wait3A_670 = tpu.memref_slice %arg4[%mul3A_668] : memref<33554432xf32, #tpu.memory_space<hbm>> -> memref<32768xf32, #tpu.memory_space<hbm>>
    tpu.wait_dma2 semaphore(%arg10 : memref<!tpu.dma_semaphore, #tpu.memory_space<semaphore_mem>>) src(%arg5 : memref<32768xf32, #tpu.memory_space<vmem>>) dst(%dma_wait3A_670 : memref<32768xf32, #tpu.memory_space<hbm>>)
    %add3A_671 = arith.constant 16384 : i32
    %add3A_672 = arith.addi %add3A_671, %mul3A_2 : i32
    %add3A_673 = arith.constant 128 : i32
    %add3A_674 = arith.addi %add3A_672, %add3A_673 : i32
    %mul3A_675 = arith.constant 1024 : i32
    %mul3A_676 = arith.muli %add3A_674, %mul3A_675 : i32
    %dma_start3A_677 = tpu.memref_slice %arg2[%mul3A_676] : memref<33554432xf32, #tpu.memory_space<hbm>> -> memref<32768xf32, #tpu.memory_space<hbm>>
    %dma_start3A_678 = tpu.memref_slice %arg2[%mul3A_676] : memref<33554432xf32, #tpu.memory_space<hbm>> -> memref<32768xf32, #tpu.memory_space<hbm>>
    tpu.enqueue_dma source(%dma_start3A_678 : memref<32768xf32, #tpu.memory_space<hbm>>) target(%arg5 : memref<32768xf32, #tpu.memory_space<vmem>>) target_semaphore(%arg8 : memref<!tpu.dma_semaphore, #tpu.memory_space<semaphore_mem>>)
    %parallel_loop3A_679 = arith.constant 0 : i32
    %parallel_loop3A_680 = arith.constant 2048 : i32
    %parallel_loop3A_681 = arith.constant 1 : i32
    scf.for %parallel_loop3A_1216 = %parallel_loop3A_679 to %parallel_loop3A_680 step %parallel_loop3A_681  : i32 {
      %parallel_loop3A_1217 = arith.constant 16 : i32
      %parallel_loop3A_1218 = arith.muli %parallel_loop3A_1216, %parallel_loop3A_1217 : i32
      %parallel_loop3A_1219 = arith.index_cast %parallel_loop3A_1218 : i32 to index
      %parallel_loop3A_1220 = tpu.vector_load %arg6[%parallel_loop3A_1219] {strides = array<i32>} : memref<32768xf32, #tpu.memory_space<vmem>>, vector<16xf32>,
      %parallel_loop3A_1221 = vector.shape_cast %parallel_loop3A_1220 : vector<16xf32> to vector<16xf32>
      %parallel_loop3A_1222 = arith.index_cast %parallel_loop3A_1218 : i32 to index
      %parallel_loop3A_1223 = tpu.vector_load %arg7[%parallel_loop3A_1222] {strides = array<i32>} : memref<32768xf32, #tpu.memory_space<vmem>>, vector<16xf32>,
      %parallel_loop3A_1224 = vector.shape_cast %parallel_loop3A_1223 : vector<16xf32> to vector<16xf32>
      %parallel_loop3A_1225 = arith.addf %parallel_loop3A_1221, %parallel_loop3A_1224 : vector<16xf32>
      %parallel_loop3A_1226 = arith.index_cast %parallel_loop3A_1218 : i32 to index
      %parallel_loop3A_1227 = tpu.vector_load %arg6[%parallel_loop3A_1226] {strides = array<i32>} : memref<32768xf32, #tpu.memory_space<vmem>>, vector<16xf32>,
      %parallel_loop3A_1228 = vector.shape_cast %parallel_loop3A_1227 : vector<16xf32> to vector<16xf32>
      %parallel_loop3A_1229 = vector.shape_cast %parallel_loop3A_1225 : vector<16xf32> to vector<16xf32>
      tpu.vector_store %arg6[%parallel_loop3A_1226], %parallel_loop3A_1229 {strides = array<i32>} : memref<32768xf32, #tpu.memory_space<vmem>>, vector<16xf32>,
    } {sc.loop_unroll_factor = 8 : i64, sc.parallel_access}
    %add3A_682 = arith.constant 8192 : i32
    %add3A_683 = arith.addi %add3A_682, %mul3A_2 : i32
    %add3A_684 = arith.constant 128 : i32
    %add3A_685 = arith.addi %add3A_683, %add3A_684 : i32
    %mul3A_686 = arith.constant 1024 : i32
    %mul3A_687 = arith.muli %add3A_685, %mul3A_686 : i32
    %dma_start3A_688 = tpu.memref_slice %arg4[%mul3A_687] : memref<33554432xf32, #tpu.memory_space<hbm>> -> memref<32768xf32, #tpu.memory_space<hbm>>
    %dma_start3A_689 = tpu.memref_slice %arg4[%mul3A_687] : memref<33554432xf32, #tpu.memory_space<hbm>> -> memref<32768xf32, #tpu.memory_space<hbm>>
    tpu.enqueue_dma source(%arg6 : memref<32768xf32, #tpu.memory_space<vmem>>) target(%dma_start3A_689 : memref<32768xf32, #tpu.memory_space<hbm>>) target_semaphore(%arg11 : memref<!tpu.dma_semaphore, #tpu.memory_space<semaphore_mem>>)
    %add3A_690 = arith.constant 16384 : i32
    %add3A_691 = arith.addi %add3A_690, %mul3A_2 : i32
    %add3A_692 = arith.constant 128 : i32
    %add3A_693 = arith.addi %add3A_691, %add3A_692 : i32
    %mul3A_694 = arith.constant 1024 : i32
    %mul3A_695 = arith.muli %add3A_693, %mul3A_694 : i32
    %dma_wait3A_696 = tpu.memref_slice %arg2[%mul3A_695] : memref<33554432xf32, #tpu.memory_space<hbm>> -> memref<32768xf32, #tpu.memory_space<hbm>>
    %dma_wait3A_697 = tpu.memref_slice %arg2[%mul3A_695] : memref<33554432xf32, #tpu.memory_space<hbm>> -> memref<32768xf32, #tpu.memory_space<hbm>>
    tpu.wait_dma2 semaphore(%arg8 : memref<!tpu.dma_semaphore, #tpu.memory_space<semaphore_mem>>) src(%dma_wait3A_697 : memref<32768xf32, #tpu.memory_space<hbm>>) dst(%arg5 : memref<32768xf32, #tpu.memory_space<vmem>>)
    %add3A_698 = arith.constant 8192 : i32
    %add3A_699 = arith.addi %add3A_698, %mul3A_2 : i32
    %add3A_700 = arith.constant 128 : i32
    %add3A_701 = arith.addi %add3A_699, %add3A_700 : i32
    %mul3A_702 = arith.constant 1024 : i32
    %mul3A_703 = arith.muli %add3A_701, %mul3A_702 : i32
    %dma_wait3A_704 = tpu.memref_slice %arg4[%mul3A_703] : memref<33554432xf32, #tpu.memory_space<hbm>> -> memref<32768xf32, #tpu.memory_space<hbm>>
    %dma_wait3A_705 = tpu.memref_slice %arg4[%mul3A_703] : memref<33554432xf32, #tpu.memory_space<hbm>> -> memref<32768xf32, #tpu.memory_space<hbm>>
    tpu.wait_dma2 semaphore(%arg11 : memref<!tpu.dma_semaphore, #tpu.memory_space<semaphore_mem>>) src(%arg6 : memref<32768xf32, #tpu.memory_space<vmem>>) dst(%dma_wait3A_705 : memref<32768xf32, #tpu.memory_space<hbm>>)
    %add3A_706 = arith.constant 24576 : i32
    %add3A_707 = arith.addi %add3A_706, %mul3A_2 : i32
    %add3A_708 = arith.constant 128 : i32
    %add3A_709 = arith.addi %add3A_707, %add3A_708 : i32
    %mul3A_710 = arith.constant 1024 : i32
    %mul3A_711 = arith.muli %add3A_709, %mul3A_710 : i32
    %dma_start3A_712 = tpu.memref_slice %arg2[%mul3A_711] : memref<33554432xf32, #tpu.memory_space<hbm>> -> memref<32768xf32, #tpu.memory_space<hbm>>
    %dma_start3A_713 = tpu.memref_slice %arg2[%mul3A_711] : memref<33554432xf32, #tpu.memory_space<hbm>> -> memref<32768xf32, #tpu.memory_space<hbm>>
    tpu.enqueue_dma source(%dma_start3A_713 : memref<32768xf32, #tpu.memory_space<hbm>>) target(%arg6 : memref<32768xf32, #tpu.memory_space<vmem>>) target_semaphore(%arg9 : memref<!tpu.dma_semaphore, #tpu.memory_space<semaphore_mem>>)
    %parallel_loop3A_714 = arith.constant 0 : i32
    %parallel_loop3A_715 = arith.constant 2048 : i32
    %parallel_loop3A_716 = arith.constant 1 : i32
    scf.for %parallel_loop3A_1216 = %parallel_loop3A_714 to %parallel_loop3A_715 step %parallel_loop3A_716  : i32 {
      %parallel_loop3A_1217 = arith.constant 16 : i32
      %parallel_loop3A_1218 = arith.muli %parallel_loop3A_1216, %parallel_loop3A_1217 : i32
      %parallel_loop3A_1219 = arith.index_cast %parallel_loop3A_1218 : i32 to index
      %parallel_loop3A_1220 = tpu.vector_load %arg5[%parallel_loop3A_1219] {strides = array<i32>} : memref<32768xf32, #tpu.memory_space<vmem>>, vector<16xf32>,
      %parallel_loop3A_1221 = vector.shape_cast %parallel_loop3A_1220 : vector<16xf32> to vector<16xf32>
      %parallel_loop3A_1222 = arith.index_cast %parallel_loop3A_1218 : i32 to index
      %parallel_loop3A_1223 = tpu.vector_load %arg7[%parallel_loop3A_1222] {strides = array<i32>} : memref<32768xf32, #tpu.memory_space<vmem>>, vector<16xf32>,
      %parallel_loop3A_1224 = vector.shape_cast %parallel_loop3A_1223 : vector<16xf32> to vector<16xf32>
      %parallel_loop3A_1225 = arith.addf %parallel_loop3A_1221, %parallel_loop3A_1224 : vector<16xf32>
      %parallel_loop3A_1226 = arith.index_cast %parallel_loop3A_1218 : i32 to index
      %parallel_loop3A_1227 = tpu.vector_load %arg5[%parallel_loop3A_1226] {strides = array<i32>} : memref<32768xf32, #tpu.memory_space<vmem>>, vector<16xf32>,
      %parallel_loop3A_1228 = vector.shape_cast %parallel_loop3A_1227 : vector<16xf32> to vector<16xf32>
      %parallel_loop3A_1229 = vector.shape_cast %parallel_loop3A_1225 : vector<16xf32> to vector<16xf32>
      tpu.vector_store %arg5[%parallel_loop3A_1226], %parallel_loop3A_1229 {strides = array<i32>} : memref<32768xf32, #tpu.memory_space<vmem>>, vector<16xf32>,
    } {sc.loop_unroll_factor = 8 : i64, sc.parallel_access}
    %add3A_717 = arith.constant 16384 : i32
    %add3A_718 = arith.addi %add3A_717, %mul3A_2 : i32
    %add3A_719 = arith.constant 128 : i32
    %add3A_720 = arith.addi %add3A_718, %add3A_719 : i32
    %mul3A_721 = arith.constant 1024 : i32
    %mul3A_722 = arith.muli %add3A_720, %mul3A_721 : i32
    %dma_start3A_723 = tpu.memref_slice %arg4[%mul3A_722] : memref<33554432xf32, #tpu.memory_space<hbm>> -> memref<32768xf32, #tpu.memory_space<hbm>>
    %dma_start3A_724 = tpu.memref_slice %arg4[%mul3A_722] : memref<33554432xf32, #tpu.memory_space<hbm>> -> memref<32768xf32, #tpu.memory_space<hbm>>
    tpu.enqueue_dma source(%arg5 : memref<32768xf32, #tpu.memory_space<vmem>>) target(%dma_start3A_724 : memref<32768xf32, #tpu.memory_space<hbm>>) target_semaphore(%arg10 : memref<!tpu.dma_semaphore, #tpu.memory_space<semaphore_mem>>)
    %add3A_725 = arith.constant 24576 : i32
    %add3A_726 = arith.addi %add3A_725, %mul3A_2 : i32
    %add3A_727 = arith.constant 128 : i32
    %add3A_728 = arith.addi %add3A_726, %add3A_727 : i32
    %mul3A_729 = arith.constant 1024 : i32
    %mul3A_730 = arith.muli %add3A_728, %mul3A_729 : i32
    %dma_wait3A_731 = tpu.memref_slice %arg2[%mul3A_730] : memref<33554432xf32, #tpu.memory_space<hbm>> -> memref<32768xf32, #tpu.memory_space<hbm>>
    %dma_wait3A_732 = tpu.memref_slice %arg2[%mul3A_730] : memref<33554432xf32, #tpu.memory_space<hbm>> -> memref<32768xf32, #tpu.memory_space<hbm>>
    tpu.wait_dma2 semaphore(%arg9 : memref<!tpu.dma_semaphore, #tpu.memory_space<semaphore_mem>>) src(%dma_wait3A_732 : memref<32768xf32, #tpu.memory_space<hbm>>) dst(%arg6 : memref<32768xf32, #tpu.memory_space<vmem>>)
    %add3A_733 = arith.constant 16384 : i32
    %add3A_734 = arith.addi %add3A_733, %mul3A_2 : i32
    %add3A_735 = arith.constant 128 : i32
    %add3A_736 = arith.addi %add3A_734, %add3A_735 : i32
    %mul3A_737 = arith.constant 1024 : i32
    %mul3A_738 = arith.muli %add3A_736, %mul3A_737 : i32
    %dma_wait3A_739 = tpu.memref_slice %arg4[%mul3A_738] : memref<33554432xf32, #tpu.memory_space<hbm>> -> memref<32768xf32, #tpu.memory_space<hbm>>
    %dma_wait3A_740 = tpu.memref_slice %arg4[%mul3A_738] : memref<33554432xf32, #tpu.memory_space<hbm>> -> memref<32768xf32, #tpu.memory_space<hbm>>
    tpu.wait_dma2 semaphore(%arg10 : memref<!tpu.dma_semaphore, #tpu.memory_space<semaphore_mem>>) src(%arg5 : memref<32768xf32, #tpu.memory_space<vmem>>) dst(%dma_wait3A_740 : memref<32768xf32, #tpu.memory_space<hbm>>)
    %add3A_741 = arith.constant 0 : i32
    %add3A_742 = arith.addi %add3A_741, %mul3A_2 : i32
    %add3A_743 = arith.constant 160 : i32
    %add3A_744 = arith.addi %add3A_742, %add3A_743 : i32
    %mul3A_745 = arith.constant 1024 : i32
    %mul3A_746 = arith.muli %add3A_744, %mul3A_745 : i32
    %dma_start3A_747 = tpu.memref_slice %arg2[%mul3A_746] : memref<33554432xf32, #tpu.memory_space<hbm>> -> memref<32768xf32, #tpu.memory_space<hbm>>
    %dma_start3A_748 = tpu.memref_slice %arg2[%mul3A_746] : memref<33554432xf32, #tpu.memory_space<hbm>> -> memref<32768xf32, #tpu.memory_space<hbm>>
    tpu.enqueue_dma source(%dma_start3A_748 : memref<32768xf32, #tpu.memory_space<hbm>>) target(%arg5 : memref<32768xf32, #tpu.memory_space<vmem>>) target_semaphore(%arg8 : memref<!tpu.dma_semaphore, #tpu.memory_space<semaphore_mem>>)
    %parallel_loop3A_749 = arith.constant 0 : i32
    %parallel_loop3A_750 = arith.constant 2048 : i32
    %parallel_loop3A_751 = arith.constant 1 : i32
    scf.for %parallel_loop3A_1216 = %parallel_loop3A_749 to %parallel_loop3A_750 step %parallel_loop3A_751  : i32 {
      %parallel_loop3A_1217 = arith.constant 16 : i32
      %parallel_loop3A_1218 = arith.muli %parallel_loop3A_1216, %parallel_loop3A_1217 : i32
      %parallel_loop3A_1219 = arith.index_cast %parallel_loop3A_1218 : i32 to index
      %parallel_loop3A_1220 = tpu.vector_load %arg6[%parallel_loop3A_1219] {strides = array<i32>} : memref<32768xf32, #tpu.memory_space<vmem>>, vector<16xf32>,
      %parallel_loop3A_1221 = vector.shape_cast %parallel_loop3A_1220 : vector<16xf32> to vector<16xf32>
      %parallel_loop3A_1222 = arith.index_cast %parallel_loop3A_1218 : i32 to index
      %parallel_loop3A_1223 = tpu.vector_load %arg7[%parallel_loop3A_1222] {strides = array<i32>} : memref<32768xf32, #tpu.memory_space<vmem>>, vector<16xf32>,
      %parallel_loop3A_1224 = vector.shape_cast %parallel_loop3A_1223 : vector<16xf32> to vector<16xf32>
      %parallel_loop3A_1225 = arith.addf %parallel_loop3A_1221, %parallel_loop3A_1224 : vector<16xf32>
      %parallel_loop3A_1226 = arith.index_cast %parallel_loop3A_1218 : i32 to index
      %parallel_loop3A_1227 = tpu.vector_load %arg6[%parallel_loop3A_1226] {strides = array<i32>} : memref<32768xf32, #tpu.memory_space<vmem>>, vector<16xf32>,
      %parallel_loop3A_1228 = vector.shape_cast %parallel_loop3A_1227 : vector<16xf32> to vector<16xf32>
      %parallel_loop3A_1229 = vector.shape_cast %parallel_loop3A_1225 : vector<16xf32> to vector<16xf32>
      tpu.vector_store %arg6[%parallel_loop3A_1226], %parallel_loop3A_1229 {strides = array<i32>} : memref<32768xf32, #tpu.memory_space<vmem>>, vector<16xf32>,
    } {sc.loop_unroll_factor = 8 : i64, sc.parallel_access}
    %add3A_752 = arith.constant 24576 : i32
    %add3A_753 = arith.addi %add3A_752, %mul3A_2 : i32
    %add3A_754 = arith.constant 128 : i32
    %add3A_755 = arith.addi %add3A_753, %add3A_754 : i32
    %mul3A_756 = arith.constant 1024 : i32
    %mul3A_757 = arith.muli %add3A_755, %mul3A_756 : i32
    %dma_start3A_758 = tpu.memref_slice %arg4[%mul3A_757] : memref<33554432xf32, #tpu.memory_space<hbm>> -> memref<32768xf32, #tpu.memory_space<hbm>>
    %dma_start3A_759 = tpu.memref_slice %arg4[%mul3A_757] : memref<33554432xf32, #tpu.memory_space<hbm>> -> memref<32768xf32, #tpu.memory_space<hbm>>
    tpu.enqueue_dma source(%arg6 : memref<32768xf32, #tpu.memory_space<vmem>>) target(%dma_start3A_759 : memref<32768xf32, #tpu.memory_space<hbm>>) target_semaphore(%arg11 : memref<!tpu.dma_semaphore, #tpu.memory_space<semaphore_mem>>)
    %add3A_760 = arith.constant 160 : i32
    %add3A_761 = arith.addi %mul3A_2, %add3A_760 : i32
    %mul3A_762 = arith.constant 1024 : i32
    %mul3A_763 = arith.muli %add3A_761, %mul3A_762 : i32
    %dma_start3A_764 = tpu.memref_slice %arg3[%mul3A_763] : memref<8388608xf32, #tpu.memory_space<hbm>> -> memref<32768xf32, #tpu.memory_space<hbm>>
    %dma_start3A_765 = tpu.memref_slice %arg3[%mul3A_763] : memref<8388608xf32, #tpu.memory_space<hbm>> -> memref<32768xf32, #tpu.memory_space<hbm>>
    tpu.enqueue_dma source(%dma_start3A_765 : memref<32768xf32, #tpu.memory_space<hbm>>) target(%arg7 : memref<32768xf32, #tpu.memory_space<vmem>>) target_semaphore(%arg12 : memref<!tpu.dma_semaphore, #tpu.memory_space<semaphore_mem>>)
    %add3A_766 = arith.constant 0 : i32
    %add3A_767 = arith.addi %add3A_766, %mul3A_2 : i32
    %add3A_768 = arith.constant 160 : i32
    %add3A_769 = arith.addi %add3A_767, %add3A_768 : i32
    %mul3A_770 = arith.constant 1024 : i32
    %mul3A_771 = arith.muli %add3A_769, %mul3A_770 : i32
    %dma_wait3A_772 = tpu.memref_slice %arg2[%mul3A_771] : memref<33554432xf32, #tpu.memory_space<hbm>> -> memref<32768xf32, #tpu.memory_space<hbm>>
    %dma_wait3A_773 = tpu.memref_slice %arg2[%mul3A_771] : memref<33554432xf32, #tpu.memory_space<hbm>> -> memref<32768xf32, #tpu.memory_space<hbm>>
    tpu.wait_dma2 semaphore(%arg8 : memref<!tpu.dma_semaphore, #tpu.memory_space<semaphore_mem>>) src(%dma_wait3A_773 : memref<32768xf32, #tpu.memory_space<hbm>>) dst(%arg5 : memref<32768xf32, #tpu.memory_space<vmem>>)
    %add3A_774 = arith.constant 160 : i32
    %add3A_775 = arith.addi %mul3A_2, %add3A_774 : i32
    %mul3A_776 = arith.constant 1024 : i32
    %mul3A_777 = arith.muli %add3A_775, %mul3A_776 : i32
    %dma_wait3A_778 = tpu.memref_slice %arg3[%mul3A_777] : memref<8388608xf32, #tpu.memory_space<hbm>> -> memref<32768xf32, #tpu.memory_space<hbm>>
    %dma_wait3A_779 = tpu.memref_slice %arg3[%mul3A_777] : memref<8388608xf32, #tpu.memory_space<hbm>> -> memref<32768xf32, #tpu.memory_space<hbm>>
    tpu.wait_dma2 semaphore(%arg12 : memref<!tpu.dma_semaphore, #tpu.memory_space<semaphore_mem>>) src(%dma_wait3A_779 : memref<32768xf32, #tpu.memory_space<hbm>>) dst(%arg7 : memref<32768xf32, #tpu.memory_space<vmem>>)
    %add3A_780 = arith.constant 24576 : i32
    %add3A_781 = arith.addi %add3A_780, %mul3A_2 : i32
    %add3A_782 = arith.constant 128 : i32
    %add3A_783 = arith.addi %add3A_781, %add3A_782 : i32
    %mul3A_784 = arith.constant 1024 : i32
    %mul3A_785 = arith.muli %add3A_783, %mul3A_784 : i32
    %dma_wait3A_786 = tpu.memref_slice %arg4[%mul3A_785] : memref<33554432xf32, #tpu.memory_space<hbm>> -> memref<32768xf32, #tpu.memory_space<hbm>>
    %dma_wait3A_787 = tpu.memref_slice %arg4[%mul3A_785] : memref<33554432xf32, #tpu.memory_space<hbm>> -> memref<32768xf32, #tpu.memory_space<hbm>>
    tpu.wait_dma2 semaphore(%arg11 : memref<!tpu.dma_semaphore, #tpu.memory_space<semaphore_mem>>) src(%arg6 : memref<32768xf32, #tpu.memory_space<vmem>>) dst(%dma_wait3A_787 : memref<32768xf32, #tpu.memory_space<hbm>>)
    %add3A_788 = arith.constant 8192 : i32
    %add3A_789 = arith.addi %add3A_788, %mul3A_2 : i32
    %add3A_790 = arith.constant 160 : i32
    %add3A_791 = arith.addi %add3A_789, %add3A_790 : i32
    %mul3A_792 = arith.constant 1024 : i32
    %mul3A_793 = arith.muli %add3A_791, %mul3A_792 : i32
    %dma_start3A_794 = tpu.memref_slice %arg2[%mul3A_793] : memref<33554432xf32, #tpu.memory_space<hbm>> -> memref<32768xf32, #tpu.memory_space<hbm>>
    %dma_start3A_795 = tpu.memref_slice %arg2[%mul3A_793] : memref<33554432xf32, #tpu.memory_space<hbm>> -> memref<32768xf32, #tpu.memory_space<hbm>>
    tpu.enqueue_dma source(%dma_start3A_795 : memref<32768xf32, #tpu.memory_space<hbm>>) target(%arg6 : memref<32768xf32, #tpu.memory_space<vmem>>) target_semaphore(%arg9 : memref<!tpu.dma_semaphore, #tpu.memory_space<semaphore_mem>>)
    %parallel_loop3A_796 = arith.constant 0 : i32
    %parallel_loop3A_797 = arith.constant 2048 : i32
    %parallel_loop3A_798 = arith.constant 1 : i32
    scf.for %parallel_loop3A_1216 = %parallel_loop3A_796 to %parallel_loop3A_797 step %parallel_loop3A_798  : i32 {
      %parallel_loop3A_1217 = arith.constant 16 : i32
      %parallel_loop3A_1218 = arith.muli %parallel_loop3A_1216, %parallel_loop3A_1217 : i32
      %parallel_loop3A_1219 = arith.index_cast %parallel_loop3A_1218 : i32 to index
      %parallel_loop3A_1220 = tpu.vector_load %arg5[%parallel_loop3A_1219] {strides = array<i32>} : memref<32768xf32, #tpu.memory_space<vmem>>, vector<16xf32>,
      %parallel_loop3A_1221 = vector.shape_cast %parallel_loop3A_1220 : vector<16xf32> to vector<16xf32>
      %parallel_loop3A_1222 = arith.index_cast %parallel_loop3A_1218 : i32 to index
      %parallel_loop3A_1223 = tpu.vector_load %arg7[%parallel_loop3A_1222] {strides = array<i32>} : memref<32768xf32, #tpu.memory_space<vmem>>, vector<16xf32>,
      %parallel_loop3A_1224 = vector.shape_cast %parallel_loop3A_1223 : vector<16xf32> to vector<16xf32>
      %parallel_loop3A_1225 = arith.addf %parallel_loop3A_1221, %parallel_loop3A_1224 : vector<16xf32>
      %parallel_loop3A_1226 = arith.index_cast %parallel_loop3A_1218 : i32 to index
      %parallel_loop3A_1227 = tpu.vector_load %arg5[%parallel_loop3A_1226] {strides = array<i32>} : memref<32768xf32, #tpu.memory_space<vmem>>, vector<16xf32>,
      %parallel_loop3A_1228 = vector.shape_cast %parallel_loop3A_1227 : vector<16xf32> to vector<16xf32>
      %parallel_loop3A_1229 = vector.shape_cast %parallel_loop3A_1225 : vector<16xf32> to vector<16xf32>
      tpu.vector_store %arg5[%parallel_loop3A_1226], %parallel_loop3A_1229 {strides = array<i32>} : memref<32768xf32, #tpu.memory_space<vmem>>, vector<16xf32>,
    } {sc.loop_unroll_factor = 8 : i64, sc.parallel_access}
    %add3A_799 = arith.constant 0 : i32
    %add3A_800 = arith.addi %add3A_799, %mul3A_2 : i32
    %add3A_801 = arith.constant 160 : i32
    %add3A_802 = arith.addi %add3A_800, %add3A_801 : i32
    %mul3A_803 = arith.constant 1024 : i32
    %mul3A_804 = arith.muli %add3A_802, %mul3A_803 : i32
    %dma_start3A_805 = tpu.memref_slice %arg4[%mul3A_804] : memref<33554432xf32, #tpu.memory_space<hbm>> -> memref<32768xf32, #tpu.memory_space<hbm>>
    %dma_start3A_806 = tpu.memref_slice %arg4[%mul3A_804] : memref<33554432xf32, #tpu.memory_space<hbm>> -> memref<32768xf32, #tpu.memory_space<hbm>>
    tpu.enqueue_dma source(%arg5 : memref<32768xf32, #tpu.memory_space<vmem>>) target(%dma_start3A_806 : memref<32768xf32, #tpu.memory_space<hbm>>) target_semaphore(%arg10 : memref<!tpu.dma_semaphore, #tpu.memory_space<semaphore_mem>>)
    %add3A_807 = arith.constant 8192 : i32
    %add3A_808 = arith.addi %add3A_807, %mul3A_2 : i32
    %add3A_809 = arith.constant 160 : i32
    %add3A_810 = arith.addi %add3A_808, %add3A_809 : i32
    %mul3A_811 = arith.constant 1024 : i32
    %mul3A_812 = arith.muli %add3A_810, %mul3A_811 : i32
    %dma_wait3A_813 = tpu.memref_slice %arg2[%mul3A_812] : memref<33554432xf32, #tpu.memory_space<hbm>> -> memref<32768xf32, #tpu.memory_space<hbm>>
    %dma_wait3A_814 = tpu.memref_slice %arg2[%mul3A_812] : memref<33554432xf32, #tpu.memory_space<hbm>> -> memref<32768xf32, #tpu.memory_space<hbm>>
    tpu.wait_dma2 semaphore(%arg9 : memref<!tpu.dma_semaphore, #tpu.memory_space<semaphore_mem>>) src(%dma_wait3A_814 : memref<32768xf32, #tpu.memory_space<hbm>>) dst(%arg6 : memref<32768xf32, #tpu.memory_space<vmem>>)
    %add3A_815 = arith.constant 0 : i32
    %add3A_816 = arith.addi %add3A_815, %mul3A_2 : i32
    %add3A_817 = arith.constant 160 : i32
    %add3A_818 = arith.addi %add3A_816, %add3A_817 : i32
    %mul3A_819 = arith.constant 1024 : i32
    %mul3A_820 = arith.muli %add3A_818, %mul3A_819 : i32
    %dma_wait3A_821 = tpu.memref_slice %arg4[%mul3A_820] : memref<33554432xf32, #tpu.memory_space<hbm>> -> memref<32768xf32, #tpu.memory_space<hbm>>
    %dma_wait3A_822 = tpu.memref_slice %arg4[%mul3A_820] : memref<33554432xf32, #tpu.memory_space<hbm>> -> memref<32768xf32, #tpu.memory_space<hbm>>
    tpu.wait_dma2 semaphore(%arg10 : memref<!tpu.dma_semaphore, #tpu.memory_space<semaphore_mem>>) src(%arg5 : memref<32768xf32, #tpu.memory_space<vmem>>) dst(%dma_wait3A_822 : memref<32768xf32, #tpu.memory_space<hbm>>)
    %add3A_823 = arith.constant 16384 : i32
    %add3A_824 = arith.addi %add3A_823, %mul3A_2 : i32
    %add3A_825 = arith.constant 160 : i32
    %add3A_826 = arith.addi %add3A_824, %add3A_825 : i32
    %mul3A_827 = arith.constant 1024 : i32
    %mul3A_828 = arith.muli %add3A_826, %mul3A_827 : i32
    %dma_start3A_829 = tpu.memref_slice %arg2[%mul3A_828] : memref<33554432xf32, #tpu.memory_space<hbm>> -> memref<32768xf32, #tpu.memory_space<hbm>>
    %dma_start3A_830 = tpu.memref_slice %arg2[%mul3A_828] : memref<33554432xf32, #tpu.memory_space<hbm>> -> memref<32768xf32, #tpu.memory_space<hbm>>
    tpu.enqueue_dma source(%dma_start3A_830 : memref<32768xf32, #tpu.memory_space<hbm>>) target(%arg5 : memref<32768xf32, #tpu.memory_space<vmem>>) target_semaphore(%arg8 : memref<!tpu.dma_semaphore, #tpu.memory_space<semaphore_mem>>)
    %parallel_loop3A_831 = arith.constant 0 : i32
    %parallel_loop3A_832 = arith.constant 2048 : i32
    %parallel_loop3A_833 = arith.constant 1 : i32
    scf.for %parallel_loop3A_1216 = %parallel_loop3A_831 to %parallel_loop3A_832 step %parallel_loop3A_833  : i32 {
      %parallel_loop3A_1217 = arith.constant 16 : i32
      %parallel_loop3A_1218 = arith.muli %parallel_loop3A_1216, %parallel_loop3A_1217 : i32
      %parallel_loop3A_1219 = arith.index_cast %parallel_loop3A_1218 : i32 to index
      %parallel_loop3A_1220 = tpu.vector_load %arg6[%parallel_loop3A_1219] {strides = array<i32>} : memref<32768xf32, #tpu.memory_space<vmem>>, vector<16xf32>,
      %parallel_loop3A_1221 = vector.shape_cast %parallel_loop3A_1220 : vector<16xf32> to vector<16xf32>
      %parallel_loop3A_1222 = arith.index_cast %parallel_loop3A_1218 : i32 to index
      %parallel_loop3A_1223 = tpu.vector_load %arg7[%parallel_loop3A_1222] {strides = array<i32>} : memref<32768xf32, #tpu.memory_space<vmem>>, vector<16xf32>,
      %parallel_loop3A_1224 = vector.shape_cast %parallel_loop3A_1223 : vector<16xf32> to vector<16xf32>
      %parallel_loop3A_1225 = arith.addf %parallel_loop3A_1221, %parallel_loop3A_1224 : vector<16xf32>
      %parallel_loop3A_1226 = arith.index_cast %parallel_loop3A_1218 : i32 to index
      %parallel_loop3A_1227 = tpu.vector_load %arg6[%parallel_loop3A_1226] {strides = array<i32>} : memref<32768xf32, #tpu.memory_space<vmem>>, vector<16xf32>,
      %parallel_loop3A_1228 = vector.shape_cast %parallel_loop3A_1227 : vector<16xf32> to vector<16xf32>
      %parallel_loop3A_1229 = vector.shape_cast %parallel_loop3A_1225 : vector<16xf32> to vector<16xf32>
      tpu.vector_store %arg6[%parallel_loop3A_1226], %parallel_loop3A_1229 {strides = array<i32>} : memref<32768xf32, #tpu.memory_space<vmem>>, vector<16xf32>,
    } {sc.loop_unroll_factor = 8 : i64, sc.parallel_access}
    %add3A_834 = arith.constant 8192 : i32
    %add3A_835 = arith.addi %add3A_834, %mul3A_2 : i32
    %add3A_836 = arith.constant 160 : i32
    %add3A_837 = arith.addi %add3A_835, %add3A_836 : i32
    %mul3A_838 = arith.constant 1024 : i32
    %mul3A_839 = arith.muli %add3A_837, %mul3A_838 : i32
    %dma_start3A_840 = tpu.memref_slice %arg4[%mul3A_839] : memref<33554432xf32, #tpu.memory_space<hbm>> -> memref<32768xf32, #tpu.memory_space<hbm>>
    %dma_start3A_841 = tpu.memref_slice %arg4[%mul3A_839] : memref<33554432xf32, #tpu.memory_space<hbm>> -> memref<32768xf32, #tpu.memory_space<hbm>>
    tpu.enqueue_dma source(%arg6 : memref<32768xf32, #tpu.memory_space<vmem>>) target(%dma_start3A_841 : memref<32768xf32, #tpu.memory_space<hbm>>) target_semaphore(%arg11 : memref<!tpu.dma_semaphore, #tpu.memory_space<semaphore_mem>>)
    %add3A_842 = arith.constant 16384 : i32
    %add3A_843 = arith.addi %add3A_842, %mul3A_2 : i32
    %add3A_844 = arith.constant 160 : i32
    %add3A_845 = arith.addi %add3A_843, %add3A_844 : i32
    %mul3A_846 = arith.constant 1024 : i32
    %mul3A_847 = arith.muli %add3A_845, %mul3A_846 : i32
    %dma_wait3A_848 = tpu.memref_slice %arg2[%mul3A_847] : memref<33554432xf32, #tpu.memory_space<hbm>> -> memref<32768xf32, #tpu.memory_space<hbm>>
    %dma_wait3A_849 = tpu.memref_slice %arg2[%mul3A_847] : memref<33554432xf32, #tpu.memory_space<hbm>> -> memref<32768xf32, #tpu.memory_space<hbm>>
    tpu.wait_dma2 semaphore(%arg8 : memref<!tpu.dma_semaphore, #tpu.memory_space<semaphore_mem>>) src(%dma_wait3A_849 : memref<32768xf32, #tpu.memory_space<hbm>>) dst(%arg5 : memref<32768xf32, #tpu.memory_space<vmem>>)
    %add3A_850 = arith.constant 8192 : i32
    %add3A_851 = arith.addi %add3A_850, %mul3A_2 : i32
    %add3A_852 = arith.constant 160 : i32
    %add3A_853 = arith.addi %add3A_851, %add3A_852 : i32
    %mul3A_854 = arith.constant 1024 : i32
    %mul3A_855 = arith.muli %add3A_853, %mul3A_854 : i32
    %dma_wait3A_856 = tpu.memref_slice %arg4[%mul3A_855] : memref<33554432xf32, #tpu.memory_space<hbm>> -> memref<32768xf32, #tpu.memory_space<hbm>>
    %dma_wait3A_857 = tpu.memref_slice %arg4[%mul3A_855] : memref<33554432xf32, #tpu.memory_space<hbm>> -> memref<32768xf32, #tpu.memory_space<hbm>>
    tpu.wait_dma2 semaphore(%arg11 : memref<!tpu.dma_semaphore, #tpu.memory_space<semaphore_mem>>) src(%arg6 : memref<32768xf32, #tpu.memory_space<vmem>>) dst(%dma_wait3A_857 : memref<32768xf32, #tpu.memory_space<hbm>>)
    %add3A_858 = arith.constant 24576 : i32
    %add3A_859 = arith.addi %add3A_858, %mul3A_2 : i32
    %add3A_860 = arith.constant 160 : i32
    %add3A_861 = arith.addi %add3A_859, %add3A_860 : i32
    %mul3A_862 = arith.constant 1024 : i32
    %mul3A_863 = arith.muli %add3A_861, %mul3A_862 : i32
    %dma_start3A_864 = tpu.memref_slice %arg2[%mul3A_863] : memref<33554432xf32, #tpu.memory_space<hbm>> -> memref<32768xf32, #tpu.memory_space<hbm>>
    %dma_start3A_865 = tpu.memref_slice %arg2[%mul3A_863] : memref<33554432xf32, #tpu.memory_space<hbm>> -> memref<32768xf32, #tpu.memory_space<hbm>>
    tpu.enqueue_dma source(%dma_start3A_865 : memref<32768xf32, #tpu.memory_space<hbm>>) target(%arg6 : memref<32768xf32, #tpu.memory_space<vmem>>) target_semaphore(%arg9 : memref<!tpu.dma_semaphore, #tpu.memory_space<semaphore_mem>>)
    %parallel_loop3A_866 = arith.constant 0 : i32
    %parallel_loop3A_867 = arith.constant 2048 : i32
    %parallel_loop3A_868 = arith.constant 1 : i32
    scf.for %parallel_loop3A_1216 = %parallel_loop3A_866 to %parallel_loop3A_867 step %parallel_loop3A_868  : i32 {
      %parallel_loop3A_1217 = arith.constant 16 : i32
      %parallel_loop3A_1218 = arith.muli %parallel_loop3A_1216, %parallel_loop3A_1217 : i32
      %parallel_loop3A_1219 = arith.index_cast %parallel_loop3A_1218 : i32 to index
      %parallel_loop3A_1220 = tpu.vector_load %arg5[%parallel_loop3A_1219] {strides = array<i32>} : memref<32768xf32, #tpu.memory_space<vmem>>, vector<16xf32>,
      %parallel_loop3A_1221 = vector.shape_cast %parallel_loop3A_1220 : vector<16xf32> to vector<16xf32>
      %parallel_loop3A_1222 = arith.index_cast %parallel_loop3A_1218 : i32 to index
      %parallel_loop3A_1223 = tpu.vector_load %arg7[%parallel_loop3A_1222] {strides = array<i32>} : memref<32768xf32, #tpu.memory_space<vmem>>, vector<16xf32>,
      %parallel_loop3A_1224 = vector.shape_cast %parallel_loop3A_1223 : vector<16xf32> to vector<16xf32>
      %parallel_loop3A_1225 = arith.addf %parallel_loop3A_1221, %parallel_loop3A_1224 : vector<16xf32>
      %parallel_loop3A_1226 = arith.index_cast %parallel_loop3A_1218 : i32 to index
      %parallel_loop3A_1227 = tpu.vector_load %arg5[%parallel_loop3A_1226] {strides = array<i32>} : memref<32768xf32, #tpu.memory_space<vmem>>, vector<16xf32>,
      %parallel_loop3A_1228 = vector.shape_cast %parallel_loop3A_1227 : vector<16xf32> to vector<16xf32>
      %parallel_loop3A_1229 = vector.shape_cast %parallel_loop3A_1225 : vector<16xf32> to vector<16xf32>
      tpu.vector_store %arg5[%parallel_loop3A_1226], %parallel_loop3A_1229 {strides = array<i32>} : memref<32768xf32, #tpu.memory_space<vmem>>, vector<16xf32>,
    } {sc.loop_unroll_factor = 8 : i64, sc.parallel_access}
    %add3A_869 = arith.constant 16384 : i32
    %add3A_870 = arith.addi %add3A_869, %mul3A_2 : i32
    %add3A_871 = arith.constant 160 : i32
    %add3A_872 = arith.addi %add3A_870, %add3A_871 : i32
    %mul3A_873 = arith.constant 1024 : i32
    %mul3A_874 = arith.muli %add3A_872, %mul3A_873 : i32
    %dma_start3A_875 = tpu.memref_slice %arg4[%mul3A_874] : memref<33554432xf32, #tpu.memory_space<hbm>> -> memref<32768xf32, #tpu.memory_space<hbm>>
    %dma_start3A_876 = tpu.memref_slice %arg4[%mul3A_874] : memref<33554432xf32, #tpu.memory_space<hbm>> -> memref<32768xf32, #tpu.memory_space<hbm>>
    tpu.enqueue_dma source(%arg5 : memref<32768xf32, #tpu.memory_space<vmem>>) target(%dma_start3A_876 : memref<32768xf32, #tpu.memory_space<hbm>>) target_semaphore(%arg10 : memref<!tpu.dma_semaphore, #tpu.memory_space<semaphore_mem>>)
    %add3A_877 = arith.constant 24576 : i32
    %add3A_878 = arith.addi %add3A_877, %mul3A_2 : i32
    %add3A_879 = arith.constant 160 : i32
    %add3A_880 = arith.addi %add3A_878, %add3A_879 : i32
    %mul3A_881 = arith.constant 1024 : i32
    %mul3A_882 = arith.muli %add3A_880, %mul3A_881 : i32
    %dma_wait3A_883 = tpu.memref_slice %arg2[%mul3A_882] : memref<33554432xf32, #tpu.memory_space<hbm>> -> memref<32768xf32, #tpu.memory_space<hbm>>
    %dma_wait3A_884 = tpu.memref_slice %arg2[%mul3A_882] : memref<33554432xf32, #tpu.memory_space<hbm>> -> memref<32768xf32, #tpu.memory_space<hbm>>
    tpu.wait_dma2 semaphore(%arg9 : memref<!tpu.dma_semaphore, #tpu.memory_space<semaphore_mem>>) src(%dma_wait3A_884 : memref<32768xf32, #tpu.memory_space<hbm>>) dst(%arg6 : memref<32768xf32, #tpu.memory_space<vmem>>)
    %add3A_885 = arith.constant 16384 : i32
    %add3A_886 = arith.addi %add3A_885, %mul3A_2 : i32
    %add3A_887 = arith.constant 160 : i32
    %add3A_888 = arith.addi %add3A_886, %add3A_887 : i32
    %mul3A_889 = arith.constant 1024 : i32
    %mul3A_890 = arith.muli %add3A_888, %mul3A_889 : i32
    %dma_wait3A_891 = tpu.memref_slice %arg4[%mul3A_890] : memref<33554432xf32, #tpu.memory_space<hbm>> -> memref<32768xf32, #tpu.memory_space<hbm>>
    %dma_wait3A_892 = tpu.memref_slice %arg4[%mul3A_890] : memref<33554432xf32, #tpu.memory_space<hbm>> -> memref<32768xf32, #tpu.memory_space<hbm>>
    tpu.wait_dma2 semaphore(%arg10 : memref<!tpu.dma_semaphore, #tpu.memory_space<semaphore_mem>>) src(%arg5 : memref<32768xf32, #tpu.memory_space<vmem>>) dst(%dma_wait3A_892 : memref<32768xf32, #tpu.memory_space<hbm>>)
    %add3A_893 = arith.constant 0 : i32
    %add3A_894 = arith.addi %add3A_893, %mul3A_2 : i32
    %add3A_895 = arith.constant 192 : i32
    %add3A_896 = arith.addi %add3A_894, %add3A_895 : i32
    %mul3A_897 = arith.constant 1024 : i32
    %mul3A_898 = arith.muli %add3A_896, %mul3A_897 : i32
    %dma_start3A_899 = tpu.memref_slice %arg2[%mul3A_898] : memref<33554432xf32, #tpu.memory_space<hbm>> -> memref<32768xf32, #tpu.memory_space<hbm>>
    %dma_start3A_900 = tpu.memref_slice %arg2[%mul3A_898] : memref<33554432xf32, #tpu.memory_space<hbm>> -> memref<32768xf32, #tpu.memory_space<hbm>>
    tpu.enqueue_dma source(%dma_start3A_900 : memref<32768xf32, #tpu.memory_space<hbm>>) target(%arg5 : memref<32768xf32, #tpu.memory_space<vmem>>) target_semaphore(%arg8 : memref<!tpu.dma_semaphore, #tpu.memory_space<semaphore_mem>>)
    %parallel_loop3A_901 = arith.constant 0 : i32
    %parallel_loop3A_902 = arith.constant 2048 : i32
    %parallel_loop3A_903 = arith.constant 1 : i32
    scf.for %parallel_loop3A_1216 = %parallel_loop3A_901 to %parallel_loop3A_902 step %parallel_loop3A_903  : i32 {
      %parallel_loop3A_1217 = arith.constant 16 : i32
      %parallel_loop3A_1218 = arith.muli %parallel_loop3A_1216, %parallel_loop3A_1217 : i32
      %parallel_loop3A_1219 = arith.index_cast %parallel_loop3A_1218 : i32 to index
      %parallel_loop3A_1220 = tpu.vector_load %arg6[%parallel_loop3A_1219] {strides = array<i32>} : memref<32768xf32, #tpu.memory_space<vmem>>, vector<16xf32>,
      %parallel_loop3A_1221 = vector.shape_cast %parallel_loop3A_1220 : vector<16xf32> to vector<16xf32>
      %parallel_loop3A_1222 = arith.index_cast %parallel_loop3A_1218 : i32 to index
      %parallel_loop3A_1223 = tpu.vector_load %arg7[%parallel_loop3A_1222] {strides = array<i32>} : memref<32768xf32, #tpu.memory_space<vmem>>, vector<16xf32>,
      %parallel_loop3A_1224 = vector.shape_cast %parallel_loop3A_1223 : vector<16xf32> to vector<16xf32>
      %parallel_loop3A_1225 = arith.addf %parallel_loop3A_1221, %parallel_loop3A_1224 : vector<16xf32>
      %parallel_loop3A_1226 = arith.index_cast %parallel_loop3A_1218 : i32 to index
      %parallel_loop3A_1227 = tpu.vector_load %arg6[%parallel_loop3A_1226] {strides = array<i32>} : memref<32768xf32, #tpu.memory_space<vmem>>, vector<16xf32>,
      %parallel_loop3A_1228 = vector.shape_cast %parallel_loop3A_1227 : vector<16xf32> to vector<16xf32>
      %parallel_loop3A_1229 = vector.shape_cast %parallel_loop3A_1225 : vector<16xf32> to vector<16xf32>
      tpu.vector_store %arg6[%parallel_loop3A_1226], %parallel_loop3A_1229 {strides = array<i32>} : memref<32768xf32, #tpu.memory_space<vmem>>, vector<16xf32>,
    } {sc.loop_unroll_factor = 8 : i64, sc.parallel_access}
    %add3A_904 = arith.constant 24576 : i32
    %add3A_905 = arith.addi %add3A_904, %mul3A_2 : i32
    %add3A_906 = arith.constant 160 : i32
    %add3A_907 = arith.addi %add3A_905, %add3A_906 : i32
    %mul3A_908 = arith.constant 1024 : i32
    %mul3A_909 = arith.muli %add3A_907, %mul3A_908 : i32
    %dma_start3A_910 = tpu.memref_slice %arg4[%mul3A_909] : memref<33554432xf32, #tpu.memory_space<hbm>> -> memref<32768xf32, #tpu.memory_space<hbm>>
    %dma_start3A_911 = tpu.memref_slice %arg4[%mul3A_909] : memref<33554432xf32, #tpu.memory_space<hbm>> -> memref<32768xf32, #tpu.memory_space<hbm>>
    tpu.enqueue_dma source(%arg6 : memref<32768xf32, #tpu.memory_space<vmem>>) target(%dma_start3A_911 : memref<32768xf32, #tpu.memory_space<hbm>>) target_semaphore(%arg11 : memref<!tpu.dma_semaphore, #tpu.memory_space<semaphore_mem>>)
    %add3A_912 = arith.constant 192 : i32
    %add3A_913 = arith.addi %mul3A_2, %add3A_912 : i32
    %mul3A_914 = arith.constant 1024 : i32
    %mul3A_915 = arith.muli %add3A_913, %mul3A_914 : i32
    %dma_start3A_916 = tpu.memref_slice %arg3[%mul3A_915] : memref<8388608xf32, #tpu.memory_space<hbm>> -> memref<32768xf32, #tpu.memory_space<hbm>>
    %dma_start3A_917 = tpu.memref_slice %arg3[%mul3A_915] : memref<8388608xf32, #tpu.memory_space<hbm>> -> memref<32768xf32, #tpu.memory_space<hbm>>
    tpu.enqueue_dma source(%dma_start3A_917 : memref<32768xf32, #tpu.memory_space<hbm>>) target(%arg7 : memref<32768xf32, #tpu.memory_space<vmem>>) target_semaphore(%arg12 : memref<!tpu.dma_semaphore, #tpu.memory_space<semaphore_mem>>)
    %add3A_918 = arith.constant 0 : i32
    %add3A_919 = arith.addi %add3A_918, %mul3A_2 : i32
    %add3A_920 = arith.constant 192 : i32
    %add3A_921 = arith.addi %add3A_919, %add3A_920 : i32
    %mul3A_922 = arith.constant 1024 : i32
    %mul3A_923 = arith.muli %add3A_921, %mul3A_922 : i32
    %dma_wait3A_924 = tpu.memref_slice %arg2[%mul3A_923] : memref<33554432xf32, #tpu.memory_space<hbm>> -> memref<32768xf32, #tpu.memory_space<hbm>>
    %dma_wait3A_925 = tpu.memref_slice %arg2[%mul3A_923] : memref<33554432xf32, #tpu.memory_space<hbm>> -> memref<32768xf32, #tpu.memory_space<hbm>>
    tpu.wait_dma2 semaphore(%arg8 : memref<!tpu.dma_semaphore, #tpu.memory_space<semaphore_mem>>) src(%dma_wait3A_925 : memref<32768xf32, #tpu.memory_space<hbm>>) dst(%arg5 : memref<32768xf32, #tpu.memory_space<vmem>>)
    %add3A_926 = arith.constant 192 : i32
    %add3A_927 = arith.addi %mul3A_2, %add3A_926 : i32
    %mul3A_928 = arith.constant 1024 : i32
    %mul3A_929 = arith.muli %add3A_927, %mul3A_928 : i32
    %dma_wait3A_930 = tpu.memref_slice %arg3[%mul3A_929] : memref<8388608xf32, #tpu.memory_space<hbm>> -> memref<32768xf32, #tpu.memory_space<hbm>>
    %dma_wait3A_931 = tpu.memref_slice %arg3[%mul3A_929] : memref<8388608xf32, #tpu.memory_space<hbm>> -> memref<32768xf32, #tpu.memory_space<hbm>>
    tpu.wait_dma2 semaphore(%arg12 : memref<!tpu.dma_semaphore, #tpu.memory_space<semaphore_mem>>) src(%dma_wait3A_931 : memref<32768xf32, #tpu.memory_space<hbm>>) dst(%arg7 : memref<32768xf32, #tpu.memory_space<vmem>>)
    %add3A_932 = arith.constant 24576 : i32
    %add3A_933 = arith.addi %add3A_932, %mul3A_2 : i32
    %add3A_934 = arith.constant 160 : i32
    %add3A_935 = arith.addi %add3A_933, %add3A_934 : i32
    %mul3A_936 = arith.constant 1024 : i32
    %mul3A_937 = arith.muli %add3A_935, %mul3A_936 : i32
    %dma_wait3A_938 = tpu.memref_slice %arg4[%mul3A_937] : memref<33554432xf32, #tpu.memory_space<hbm>> -> memref<32768xf32, #tpu.memory_space<hbm>>
    %dma_wait3A_939 = tpu.memref_slice %arg4[%mul3A_937] : memref<33554432xf32, #tpu.memory_space<hbm>> -> memref<32768xf32, #tpu.memory_space<hbm>>
    tpu.wait_dma2 semaphore(%arg11 : memref<!tpu.dma_semaphore, #tpu.memory_space<semaphore_mem>>) src(%arg6 : memref<32768xf32, #tpu.memory_space<vmem>>) dst(%dma_wait3A_939 : memref<32768xf32, #tpu.memory_space<hbm>>)
    %add3A_940 = arith.constant 8192 : i32
    %add3A_941 = arith.addi %add3A_940, %mul3A_2 : i32
    %add3A_942 = arith.constant 192 : i32
    %add3A_943 = arith.addi %add3A_941, %add3A_942 : i32
    %mul3A_944 = arith.constant 1024 : i32
    %mul3A_945 = arith.muli %add3A_943, %mul3A_944 : i32
    %dma_start3A_946 = tpu.memref_slice %arg2[%mul3A_945] : memref<33554432xf32, #tpu.memory_space<hbm>> -> memref<32768xf32, #tpu.memory_space<hbm>>
    %dma_start3A_947 = tpu.memref_slice %arg2[%mul3A_945] : memref<33554432xf32, #tpu.memory_space<hbm>> -> memref<32768xf32, #tpu.memory_space<hbm>>
    tpu.enqueue_dma source(%dma_start3A_947 : memref<32768xf32, #tpu.memory_space<hbm>>) target(%arg6 : memref<32768xf32, #tpu.memory_space<vmem>>) target_semaphore(%arg9 : memref<!tpu.dma_semaphore, #tpu.memory_space<semaphore_mem>>)
    %parallel_loop3A_948 = arith.constant 0 : i32
    %parallel_loop3A_949 = arith.constant 2048 : i32
    %parallel_loop3A_950 = arith.constant 1 : i32
    scf.for %parallel_loop3A_1216 = %parallel_loop3A_948 to %parallel_loop3A_949 step %parallel_loop3A_950  : i32 {
      %parallel_loop3A_1217 = arith.constant 16 : i32
      %parallel_loop3A_1218 = arith.muli %parallel_loop3A_1216, %parallel_loop3A_1217 : i32
      %parallel_loop3A_1219 = arith.index_cast %parallel_loop3A_1218 : i32 to index
      %parallel_loop3A_1220 = tpu.vector_load %arg5[%parallel_loop3A_1219] {strides = array<i32>} : memref<32768xf32, #tpu.memory_space<vmem>>, vector<16xf32>,
      %parallel_loop3A_1221 = vector.shape_cast %parallel_loop3A_1220 : vector<16xf32> to vector<16xf32>
      %parallel_loop3A_1222 = arith.index_cast %parallel_loop3A_1218 : i32 to index
      %parallel_loop3A_1223 = tpu.vector_load %arg7[%parallel_loop3A_1222] {strides = array<i32>} : memref<32768xf32, #tpu.memory_space<vmem>>, vector<16xf32>,
      %parallel_loop3A_1224 = vector.shape_cast %parallel_loop3A_1223 : vector<16xf32> to vector<16xf32>
      %parallel_loop3A_1225 = arith.addf %parallel_loop3A_1221, %parallel_loop3A_1224 : vector<16xf32>
      %parallel_loop3A_1226 = arith.index_cast %parallel_loop3A_1218 : i32 to index
      %parallel_loop3A_1227 = tpu.vector_load %arg5[%parallel_loop3A_1226] {strides = array<i32>} : memref<32768xf32, #tpu.memory_space<vmem>>, vector<16xf32>,
      %parallel_loop3A_1228 = vector.shape_cast %parallel_loop3A_1227 : vector<16xf32> to vector<16xf32>
      %parallel_loop3A_1229 = vector.shape_cast %parallel_loop3A_1225 : vector<16xf32> to vector<16xf32>
      tpu.vector_store %arg5[%parallel_loop3A_1226], %parallel_loop3A_1229 {strides = array<i32>} : memref<32768xf32, #tpu.memory_space<vmem>>, vector<16xf32>,
    } {sc.loop_unroll_factor = 8 : i64, sc.parallel_access}
    %add3A_951 = arith.constant 0 : i32
    %add3A_952 = arith.addi %add3A_951, %mul3A_2 : i32
    %add3A_953 = arith.constant 192 : i32
    %add3A_954 = arith.addi %add3A_952, %add3A_953 : i32
    %mul3A_955 = arith.constant 1024 : i32
    %mul3A_956 = arith.muli %add3A_954, %mul3A_955 : i32
    %dma_start3A_957 = tpu.memref_slice %arg4[%mul3A_956] : memref<33554432xf32, #tpu.memory_space<hbm>> -> memref<32768xf32, #tpu.memory_space<hbm>>
    %dma_start3A_958 = tpu.memref_slice %arg4[%mul3A_956] : memref<33554432xf32, #tpu.memory_space<hbm>> -> memref<32768xf32, #tpu.memory_space<hbm>>
    tpu.enqueue_dma source(%arg5 : memref<32768xf32, #tpu.memory_space<vmem>>) target(%dma_start3A_958 : memref<32768xf32, #tpu.memory_space<hbm>>) target_semaphore(%arg10 : memref<!tpu.dma_semaphore, #tpu.memory_space<semaphore_mem>>)
    %add3A_959 = arith.constant 8192 : i32
    %add3A_960 = arith.addi %add3A_959, %mul3A_2 : i32
    %add3A_961 = arith.constant 192 : i32
    %add3A_962 = arith.addi %add3A_960, %add3A_961 : i32
    %mul3A_963 = arith.constant 1024 : i32
    %mul3A_964 = arith.muli %add3A_962, %mul3A_963 : i32
    %dma_wait3A_965 = tpu.memref_slice %arg2[%mul3A_964] : memref<33554432xf32, #tpu.memory_space<hbm>> -> memref<32768xf32, #tpu.memory_space<hbm>>
    %dma_wait3A_966 = tpu.memref_slice %arg2[%mul3A_964] : memref<33554432xf32, #tpu.memory_space<hbm>> -> memref<32768xf32, #tpu.memory_space<hbm>>
    tpu.wait_dma2 semaphore(%arg9 : memref<!tpu.dma_semaphore, #tpu.memory_space<semaphore_mem>>) src(%dma_wait3A_966 : memref<32768xf32, #tpu.memory_space<hbm>>) dst(%arg6 : memref<32768xf32, #tpu.memory_space<vmem>>)
    %add3A_967 = arith.constant 0 : i32
    %add3A_968 = arith.addi %add3A_967, %mul3A_2 : i32
    %add3A_969 = arith.constant 192 : i32
    %add3A_970 = arith.addi %add3A_968, %add3A_969 : i32
    %mul3A_971 = arith.constant 1024 : i32
    %mul3A_972 = arith.muli %add3A_970, %mul3A_971 : i32
    %dma_wait3A_973 = tpu.memref_slice %arg4[%mul3A_972] : memref<33554432xf32, #tpu.memory_space<hbm>> -> memref<32768xf32, #tpu.memory_space<hbm>>
    %dma_wait3A_974 = tpu.memref_slice %arg4[%mul3A_972] : memref<33554432xf32, #tpu.memory_space<hbm>> -> memref<32768xf32, #tpu.memory_space<hbm>>
    tpu.wait_dma2 semaphore(%arg10 : memref<!tpu.dma_semaphore, #tpu.memory_space<semaphore_mem>>) src(%arg5 : memref<32768xf32, #tpu.memory_space<vmem>>) dst(%dma_wait3A_974 : memref<32768xf32, #tpu.memory_space<hbm>>)
    %add3A_975 = arith.constant 16384 : i32
    %add3A_976 = arith.addi %add3A_975, %mul3A_2 : i32
    %add3A_977 = arith.constant 192 : i32
    %add3A_978 = arith.addi %add3A_976, %add3A_977 : i32
    %mul3A_979 = arith.constant 1024 : i32
    %mul3A_980 = arith.muli %add3A_978, %mul3A_979 : i32
    %dma_start3A_981 = tpu.memref_slice %arg2[%mul3A_980] : memref<33554432xf32, #tpu.memory_space<hbm>> -> memref<32768xf32, #tpu.memory_space<hbm>>
    %dma_start3A_982 = tpu.memref_slice %arg2[%mul3A_980] : memref<33554432xf32, #tpu.memory_space<hbm>> -> memref<32768xf32, #tpu.memory_space<hbm>>
    tpu.enqueue_dma source(%dma_start3A_982 : memref<32768xf32, #tpu.memory_space<hbm>>) target(%arg5 : memref<32768xf32, #tpu.memory_space<vmem>>) target_semaphore(%arg8 : memref<!tpu.dma_semaphore, #tpu.memory_space<semaphore_mem>>)
    %parallel_loop3A_983 = arith.constant 0 : i32
    %parallel_loop3A_984 = arith.constant 2048 : i32
    %parallel_loop3A_985 = arith.constant 1 : i32
    scf.for %parallel_loop3A_1216 = %parallel_loop3A_983 to %parallel_loop3A_984 step %parallel_loop3A_985  : i32 {
      %parallel_loop3A_1217 = arith.constant 16 : i32
      %parallel_loop3A_1218 = arith.muli %parallel_loop3A_1216, %parallel_loop3A_1217 : i32
      %parallel_loop3A_1219 = arith.index_cast %parallel_loop3A_1218 : i32 to index
      %parallel_loop3A_1220 = tpu.vector_load %arg6[%parallel_loop3A_1219] {strides = array<i32>} : memref<32768xf32, #tpu.memory_space<vmem>>, vector<16xf32>,
      %parallel_loop3A_1221 = vector.shape_cast %parallel_loop3A_1220 : vector<16xf32> to vector<16xf32>
      %parallel_loop3A_1222 = arith.index_cast %parallel_loop3A_1218 : i32 to index
      %parallel_loop3A_1223 = tpu.vector_load %arg7[%parallel_loop3A_1222] {strides = array<i32>} : memref<32768xf32, #tpu.memory_space<vmem>>, vector<16xf32>,
      %parallel_loop3A_1224 = vector.shape_cast %parallel_loop3A_1223 : vector<16xf32> to vector<16xf32>
      %parallel_loop3A_1225 = arith.addf %parallel_loop3A_1221, %parallel_loop3A_1224 : vector<16xf32>
      %parallel_loop3A_1226 = arith.index_cast %parallel_loop3A_1218 : i32 to index
      %parallel_loop3A_1227 = tpu.vector_load %arg6[%parallel_loop3A_1226] {strides = array<i32>} : memref<32768xf32, #tpu.memory_space<vmem>>, vector<16xf32>,
      %parallel_loop3A_1228 = vector.shape_cast %parallel_loop3A_1227 : vector<16xf32> to vector<16xf32>
      %parallel_loop3A_1229 = vector.shape_cast %parallel_loop3A_1225 : vector<16xf32> to vector<16xf32>
      tpu.vector_store %arg6[%parallel_loop3A_1226], %parallel_loop3A_1229 {strides = array<i32>} : memref<32768xf32, #tpu.memory_space<vmem>>, vector<16xf32>,
    } {sc.loop_unroll_factor = 8 : i64, sc.parallel_access}
    %add3A_986 = arith.constant 8192 : i32
    %add3A_987 = arith.addi %add3A_986, %mul3A_2 : i32
    %add3A_988 = arith.constant 192 : i32
    %add3A_989 = arith.addi %add3A_987, %add3A_988 : i32
    %mul3A_990 = arith.constant 1024 : i32
    %mul3A_991 = arith.muli %add3A_989, %mul3A_990 : i32
    %dma_start3A_992 = tpu.memref_slice %arg4[%mul3A_991] : memref<33554432xf32, #tpu.memory_space<hbm>> -> memref<32768xf32, #tpu.memory_space<hbm>>
    %dma_start3A_993 = tpu.memref_slice %arg4[%mul3A_991] : memref<33554432xf32, #tpu.memory_space<hbm>> -> memref<32768xf32, #tpu.memory_space<hbm>>
    tpu.enqueue_dma source(%arg6 : memref<32768xf32, #tpu.memory_space<vmem>>) target(%dma_start3A_993 : memref<32768xf32, #tpu.memory_space<hbm>>) target_semaphore(%arg11 : memref<!tpu.dma_semaphore, #tpu.memory_space<semaphore_mem>>)
    %add3A_994 = arith.constant 16384 : i32
    %add3A_995 = arith.addi %add3A_994, %mul3A_2 : i32
    %add3A_996 = arith.constant 192 : i32
    %add3A_997 = arith.addi %add3A_995, %add3A_996 : i32
    %mul3A_998 = arith.constant 1024 : i32
    %mul3A_999 = arith.muli %add3A_997, %mul3A_998 : i32
    %dma_wait3A_1000 = tpu.memref_slice %arg2[%mul3A_999] : memref<33554432xf32, #tpu.memory_space<hbm>> -> memref<32768xf32, #tpu.memory_space<hbm>>
    %dma_wait3A_1001 = tpu.memref_slice %arg2[%mul3A_999] : memref<33554432xf32, #tpu.memory_space<hbm>> -> memref<32768xf32, #tpu.memory_space<hbm>>
    tpu.wait_dma2 semaphore(%arg8 : memref<!tpu.dma_semaphore, #tpu.memory_space<semaphore_mem>>) src(%dma_wait3A_1001 : memref<32768xf32, #tpu.memory_space<hbm>>) dst(%arg5 : memref<32768xf32, #tpu.memory_space<vmem>>)
    %add3A_1002 = arith.constant 8192 : i32
    %add3A_1003 = arith.addi %add3A_1002, %mul3A_2 : i32
    %add3A_1004 = arith.constant 192 : i32
    %add3A_1005 = arith.addi %add3A_1003, %add3A_1004 : i32
    %mul3A_1006 = arith.constant 1024 : i32
    %mul3A_1007 = arith.muli %add3A_1005, %mul3A_1006 : i32
    %dma_wait3A_1008 = tpu.memref_slice %arg4[%mul3A_1007] : memref<33554432xf32, #tpu.memory_space<hbm>> -> memref<32768xf32, #tpu.memory_space<hbm>>
    %dma_wait3A_1009 = tpu.memref_slice %arg4[%mul3A_1007] : memref<33554432xf32, #tpu.memory_space<hbm>> -> memref<32768xf32, #tpu.memory_space<hbm>>
    tpu.wait_dma2 semaphore(%arg11 : memref<!tpu.dma_semaphore, #tpu.memory_space<semaphore_mem>>) src(%arg6 : memref<32768xf32, #tpu.memory_space<vmem>>) dst(%dma_wait3A_1009 : memref<32768xf32, #tpu.memory_space<hbm>>)
    %add3A_1010 = arith.constant 24576 : i32
    %add3A_1011 = arith.addi %add3A_1010, %mul3A_2 : i32
    %add3A_1012 = arith.constant 192 : i32
    %add3A_1013 = arith.addi %add3A_1011, %add3A_1012 : i32
    %mul3A_1014 = arith.constant 1024 : i32
    %mul3A_1015 = arith.muli %add3A_1013, %mul3A_1014 : i32
    %dma_start3A_1016 = tpu.memref_slice %arg2[%mul3A_1015] : memref<33554432xf32, #tpu.memory_space<hbm>> -> memref<32768xf32, #tpu.memory_space<hbm>>
    %dma_start3A_1017 = tpu.memref_slice %arg2[%mul3A_1015] : memref<33554432xf32, #tpu.memory_space<hbm>> -> memref<32768xf32, #tpu.memory_space<hbm>>
    tpu.enqueue_dma source(%dma_start3A_1017 : memref<32768xf32, #tpu.memory_space<hbm>>) target(%arg6 : memref<32768xf32, #tpu.memory_space<vmem>>) target_semaphore(%arg9 : memref<!tpu.dma_semaphore, #tpu.memory_space<semaphore_mem>>)
    %parallel_loop3A_1018 = arith.constant 0 : i32
    %parallel_loop3A_1019 = arith.constant 2048 : i32
    %parallel_loop3A_1020 = arith.constant 1 : i32
    scf.for %parallel_loop3A_1216 = %parallel_loop3A_1018 to %parallel_loop3A_1019 step %parallel_loop3A_1020  : i32 {
      %parallel_loop3A_1217 = arith.constant 16 : i32
      %parallel_loop3A_1218 = arith.muli %parallel_loop3A_1216, %parallel_loop3A_1217 : i32
      %parallel_loop3A_1219 = arith.index_cast %parallel_loop3A_1218 : i32 to index
      %parallel_loop3A_1220 = tpu.vector_load %arg5[%parallel_loop3A_1219] {strides = array<i32>} : memref<32768xf32, #tpu.memory_space<vmem>>, vector<16xf32>,
      %parallel_loop3A_1221 = vector.shape_cast %parallel_loop3A_1220 : vector<16xf32> to vector<16xf32>
      %parallel_loop3A_1222 = arith.index_cast %parallel_loop3A_1218 : i32 to index
      %parallel_loop3A_1223 = tpu.vector_load %arg7[%parallel_loop3A_1222] {strides = array<i32>} : memref<32768xf32, #tpu.memory_space<vmem>>, vector<16xf32>,
      %parallel_loop3A_1224 = vector.shape_cast %parallel_loop3A_1223 : vector<16xf32> to vector<16xf32>
      %parallel_loop3A_1225 = arith.addf %parallel_loop3A_1221, %parallel_loop3A_1224 : vector<16xf32>
      %parallel_loop3A_1226 = arith.index_cast %parallel_loop3A_1218 : i32 to index
      %parallel_loop3A_1227 = tpu.vector_load %arg5[%parallel_loop3A_1226] {strides = array<i32>} : memref<32768xf32, #tpu.memory_space<vmem>>, vector<16xf32>,
      %parallel_loop3A_1228 = vector.shape_cast %parallel_loop3A_1227 : vector<16xf32> to vector<16xf32>
      %parallel_loop3A_1229 = vector.shape_cast %parallel_loop3A_1225 : vector<16xf32> to vector<16xf32>
      tpu.vector_store %arg5[%parallel_loop3A_1226], %parallel_loop3A_1229 {strides = array<i32>} : memref<32768xf32, #tpu.memory_space<vmem>>, vector<16xf32>,
    } {sc.loop_unroll_factor = 8 : i64, sc.parallel_access}
    %add3A_1021 = arith.constant 16384 : i32
    %add3A_1022 = arith.addi %add3A_1021, %mul3A_2 : i32
    %add3A_1023 = arith.constant 192 : i32
    %add3A_1024 = arith.addi %add3A_1022, %add3A_1023 : i32
    %mul3A_1025 = arith.constant 1024 : i32
    %mul3A_1026 = arith.muli %add3A_1024, %mul3A_1025 : i32
    %dma_start3A_1027 = tpu.memref_slice %arg4[%mul3A_1026] : memref<33554432xf32, #tpu.memory_space<hbm>> -> memref<32768xf32, #tpu.memory_space<hbm>>
    %dma_start3A_1028 = tpu.memref_slice %arg4[%mul3A_1026] : memref<33554432xf32, #tpu.memory_space<hbm>> -> memref<32768xf32, #tpu.memory_space<hbm>>
    tpu.enqueue_dma source(%arg5 : memref<32768xf32, #tpu.memory_space<vmem>>) target(%dma_start3A_1028 : memref<32768xf32, #tpu.memory_space<hbm>>) target_semaphore(%arg10 : memref<!tpu.dma_semaphore, #tpu.memory_space<semaphore_mem>>)
    %add3A_1029 = arith.constant 24576 : i32
    %add3A_1030 = arith.addi %add3A_1029, %mul3A_2 : i32
    %add3A_1031 = arith.constant 192 : i32
    %add3A_1032 = arith.addi %add3A_1030, %add3A_1031 : i32
    %mul3A_1033 = arith.constant 1024 : i32
    %mul3A_1034 = arith.muli %add3A_1032, %mul3A_1033 : i32
    %dma_wait3A_1035 = tpu.memref_slice %arg2[%mul3A_1034] : memref<33554432xf32, #tpu.memory_space<hbm>> -> memref<32768xf32, #tpu.memory_space<hbm>>
    %dma_wait3A_1036 = tpu.memref_slice %arg2[%mul3A_1034] : memref<33554432xf32, #tpu.memory_space<hbm>> -> memref<32768xf32, #tpu.memory_space<hbm>>
    tpu.wait_dma2 semaphore(%arg9 : memref<!tpu.dma_semaphore, #tpu.memory_space<semaphore_mem>>) src(%dma_wait3A_1036 : memref<32768xf32, #tpu.memory_space<hbm>>) dst(%arg6 : memref<32768xf32, #tpu.memory_space<vmem>>)
    %add3A_1037 = arith.constant 16384 : i32
    %add3A_1038 = arith.addi %add3A_1037, %mul3A_2 : i32
    %add3A_1039 = arith.constant 192 : i32
    %add3A_1040 = arith.addi %add3A_1038, %add3A_1039 : i32
    %mul3A_1041 = arith.constant 1024 : i32
    %mul3A_1042 = arith.muli %add3A_1040, %mul3A_1041 : i32
    %dma_wait3A_1043 = tpu.memref_slice %arg4[%mul3A_1042] : memref<33554432xf32, #tpu.memory_space<hbm>> -> memref<32768xf32, #tpu.memory_space<hbm>>
    %dma_wait3A_1044 = tpu.memref_slice %arg4[%mul3A_1042] : memref<33554432xf32, #tpu.memory_space<hbm>> -> memref<32768xf32, #tpu.memory_space<hbm>>
    tpu.wait_dma2 semaphore(%arg10 : memref<!tpu.dma_semaphore, #tpu.memory_space<semaphore_mem>>) src(%arg5 : memref<32768xf32, #tpu.memory_space<vmem>>) dst(%dma_wait3A_1044 : memref<32768xf32, #tpu.memory_space<hbm>>)
    %add3A_1045 = arith.constant 0 : i32
    %add3A_1046 = arith.addi %add3A_1045, %mul3A_2 : i32
    %add3A_1047 = arith.constant 224 : i32
    %add3A_1048 = arith.addi %add3A_1046, %add3A_1047 : i32
    %mul3A_1049 = arith.constant 1024 : i32
    %mul3A_1050 = arith.muli %add3A_1048, %mul3A_1049 : i32
    %dma_start3A_1051 = tpu.memref_slice %arg2[%mul3A_1050] : memref<33554432xf32, #tpu.memory_space<hbm>> -> memref<32768xf32, #tpu.memory_space<hbm>>
    %dma_start3A_1052 = tpu.memref_slice %arg2[%mul3A_1050] : memref<33554432xf32, #tpu.memory_space<hbm>> -> memref<32768xf32, #tpu.memory_space<hbm>>
    tpu.enqueue_dma source(%dma_start3A_1052 : memref<32768xf32, #tpu.memory_space<hbm>>) target(%arg5 : memref<32768xf32, #tpu.memory_space<vmem>>) target_semaphore(%arg8 : memref<!tpu.dma_semaphore, #tpu.memory_space<semaphore_mem>>)
    %parallel_loop3A_1053 = arith.constant 0 : i32
    %parallel_loop3A_1054 = arith.constant 2048 : i32
    %parallel_loop3A_1055 = arith.constant 1 : i32
    scf.for %parallel_loop3A_1216 = %parallel_loop3A_1053 to %parallel_loop3A_1054 step %parallel_loop3A_1055  : i32 {
      %parallel_loop3A_1217 = arith.constant 16 : i32
      %parallel_loop3A_1218 = arith.muli %parallel_loop3A_1216, %parallel_loop3A_1217 : i32
      %parallel_loop3A_1219 = arith.index_cast %parallel_loop3A_1218 : i32 to index
      %parallel_loop3A_1220 = tpu.vector_load %arg6[%parallel_loop3A_1219] {strides = array<i32>} : memref<32768xf32, #tpu.memory_space<vmem>>, vector<16xf32>,
      %parallel_loop3A_1221 = vector.shape_cast %parallel_loop3A_1220 : vector<16xf32> to vector<16xf32>
      %parallel_loop3A_1222 = arith.index_cast %parallel_loop3A_1218 : i32 to index
      %parallel_loop3A_1223 = tpu.vector_load %arg7[%parallel_loop3A_1222] {strides = array<i32>} : memref<32768xf32, #tpu.memory_space<vmem>>, vector<16xf32>,
      %parallel_loop3A_1224 = vector.shape_cast %parallel_loop3A_1223 : vector<16xf32> to vector<16xf32>
      %parallel_loop3A_1225 = arith.addf %parallel_loop3A_1221, %parallel_loop3A_1224 : vector<16xf32>
      %parallel_loop3A_1226 = arith.index_cast %parallel_loop3A_1218 : i32 to index
      %parallel_loop3A_1227 = tpu.vector_load %arg6[%parallel_loop3A_1226] {strides = array<i32>} : memref<32768xf32, #tpu.memory_space<vmem>>, vector<16xf32>,
      %parallel_loop3A_1228 = vector.shape_cast %parallel_loop3A_1227 : vector<16xf32> to vector<16xf32>
      %parallel_loop3A_1229 = vector.shape_cast %parallel_loop3A_1225 : vector<16xf32> to vector<16xf32>
      tpu.vector_store %arg6[%parallel_loop3A_1226], %parallel_loop3A_1229 {strides = array<i32>} : memref<32768xf32, #tpu.memory_space<vmem>>, vector<16xf32>,
    } {sc.loop_unroll_factor = 8 : i64, sc.parallel_access}
    %add3A_1056 = arith.constant 24576 : i32
    %add3A_1057 = arith.addi %add3A_1056, %mul3A_2 : i32
    %add3A_1058 = arith.constant 192 : i32
    %add3A_1059 = arith.addi %add3A_1057, %add3A_1058 : i32
    %mul3A_1060 = arith.constant 1024 : i32
    %mul3A_1061 = arith.muli %add3A_1059, %mul3A_1060 : i32
    %dma_start3A_1062 = tpu.memref_slice %arg4[%mul3A_1061] : memref<33554432xf32, #tpu.memory_space<hbm>> -> memref<32768xf32, #tpu.memory_space<hbm>>
    %dma_start3A_1063 = tpu.memref_slice %arg4[%mul3A_1061] : memref<33554432xf32, #tpu.memory_space<hbm>> -> memref<32768xf32, #tpu.memory_space<hbm>>
    tpu.enqueue_dma source(%arg6 : memref<32768xf32, #tpu.memory_space<vmem>>) target(%dma_start3A_1063 : memref<32768xf32, #tpu.memory_space<hbm>>) target_semaphore(%arg11 : memref<!tpu.dma_semaphore, #tpu.memory_space<semaphore_mem>>)
    %add3A_1064 = arith.constant 224 : i32
    %add3A_1065 = arith.addi %mul3A_2, %add3A_1064 : i32
    %mul3A_1066 = arith.constant 1024 : i32
    %mul3A_1067 = arith.muli %add3A_1065, %mul3A_1066 : i32
    %dma_start3A_1068 = tpu.memref_slice %arg3[%mul3A_1067] : memref<8388608xf32, #tpu.memory_space<hbm>> -> memref<32768xf32, #tpu.memory_space<hbm>>
    %dma_start3A_1069 = tpu.memref_slice %arg3[%mul3A_1067] : memref<8388608xf32, #tpu.memory_space<hbm>> -> memref<32768xf32, #tpu.memory_space<hbm>>
    tpu.enqueue_dma source(%dma_start3A_1069 : memref<32768xf32, #tpu.memory_space<hbm>>) target(%arg7 : memref<32768xf32, #tpu.memory_space<vmem>>) target_semaphore(%arg12 : memref<!tpu.dma_semaphore, #tpu.memory_space<semaphore_mem>>)
    %add3A_1070 = arith.constant 0 : i32
    %add3A_1071 = arith.addi %add3A_1070, %mul3A_2 : i32
    %add3A_1072 = arith.constant 224 : i32
    %add3A_1073 = arith.addi %add3A_1071, %add3A_1072 : i32
    %mul3A_1074 = arith.constant 1024 : i32
    %mul3A_1075 = arith.muli %add3A_1073, %mul3A_1074 : i32
    %dma_wait3A_1076 = tpu.memref_slice %arg2[%mul3A_1075] : memref<33554432xf32, #tpu.memory_space<hbm>> -> memref<32768xf32, #tpu.memory_space<hbm>>
    %dma_wait3A_1077 = tpu.memref_slice %arg2[%mul3A_1075] : memref<33554432xf32, #tpu.memory_space<hbm>> -> memref<32768xf32, #tpu.memory_space<hbm>>
    tpu.wait_dma2 semaphore(%arg8 : memref<!tpu.dma_semaphore, #tpu.memory_space<semaphore_mem>>) src(%dma_wait3A_1077 : memref<32768xf32, #tpu.memory_space<hbm>>) dst(%arg5 : memref<32768xf32, #tpu.memory_space<vmem>>)
    %add3A_1078 = arith.constant 224 : i32
    %add3A_1079 = arith.addi %mul3A_2, %add3A_1078 : i32
    %mul3A_1080 = arith.constant 1024 : i32
    %mul3A_1081 = arith.muli %add3A_1079, %mul3A_1080 : i32
    %dma_wait3A_1082 = tpu.memref_slice %arg3[%mul3A_1081] : memref<8388608xf32, #tpu.memory_space<hbm>> -> memref<32768xf32, #tpu.memory_space<hbm>>
    %dma_wait3A_1083 = tpu.memref_slice %arg3[%mul3A_1081] : memref<8388608xf32, #tpu.memory_space<hbm>> -> memref<32768xf32, #tpu.memory_space<hbm>>
    tpu.wait_dma2 semaphore(%arg12 : memref<!tpu.dma_semaphore, #tpu.memory_space<semaphore_mem>>) src(%dma_wait3A_1083 : memref<32768xf32, #tpu.memory_space<hbm>>) dst(%arg7 : memref<32768xf32, #tpu.memory_space<vmem>>)
    %add3A_1084 = arith.constant 24576 : i32
    %add3A_1085 = arith.addi %add3A_1084, %mul3A_2 : i32
    %add3A_1086 = arith.constant 192 : i32
    %add3A_1087 = arith.addi %add3A_1085, %add3A_1086 : i32
    %mul3A_1088 = arith.constant 1024 : i32
    %mul3A_1089 = arith.muli %add3A_1087, %mul3A_1088 : i32
    %dma_wait3A_1090 = tpu.memref_slice %arg4[%mul3A_1089] : memref<33554432xf32, #tpu.memory_space<hbm>> -> memref<32768xf32, #tpu.memory_space<hbm>>
    %dma_wait3A_1091 = tpu.memref_slice %arg4[%mul3A_1089] : memref<33554432xf32, #tpu.memory_space<hbm>> -> memref<32768xf32, #tpu.memory_space<hbm>>
    tpu.wait_dma2 semaphore(%arg11 : memref<!tpu.dma_semaphore, #tpu.memory_space<semaphore_mem>>) src(%arg6 : memref<32768xf32, #tpu.memory_space<vmem>>) dst(%dma_wait3A_1091 : memref<32768xf32, #tpu.memory_space<hbm>>)
    %add3A_1092 = arith.constant 8192 : i32
    %add3A_1093 = arith.addi %add3A_1092, %mul3A_2 : i32
    %add3A_1094 = arith.constant 224 : i32
    %add3A_1095 = arith.addi %add3A_1093, %add3A_1094 : i32
    %mul3A_1096 = arith.constant 1024 : i32
    %mul3A_1097 = arith.muli %add3A_1095, %mul3A_1096 : i32
    %dma_start3A_1098 = tpu.memref_slice %arg2[%mul3A_1097] : memref<33554432xf32, #tpu.memory_space<hbm>> -> memref<32768xf32, #tpu.memory_space<hbm>>
    %dma_start3A_1099 = tpu.memref_slice %arg2[%mul3A_1097] : memref<33554432xf32, #tpu.memory_space<hbm>> -> memref<32768xf32, #tpu.memory_space<hbm>>
    tpu.enqueue_dma source(%dma_start3A_1099 : memref<32768xf32, #tpu.memory_space<hbm>>) target(%arg6 : memref<32768xf32, #tpu.memory_space<vmem>>) target_semaphore(%arg9 : memref<!tpu.dma_semaphore, #tpu.memory_space<semaphore_mem>>)
    %parallel_loop3A_1100 = arith.constant 0 : i32
    %parallel_loop3A_1101 = arith.constant 2048 : i32
    %parallel_loop3A_1102 = arith.constant 1 : i32
    scf.for %parallel_loop3A_1216 = %parallel_loop3A_1100 to %parallel_loop3A_1101 step %parallel_loop3A_1102  : i32 {
      %parallel_loop3A_1217 = arith.constant 16 : i32
      %parallel_loop3A_1218 = arith.muli %parallel_loop3A_1216, %parallel_loop3A_1217 : i32
      %parallel_loop3A_1219 = arith.index_cast %parallel_loop3A_1218 : i32 to index
      %parallel_loop3A_1220 = tpu.vector_load %arg5[%parallel_loop3A_1219] {strides = array<i32>} : memref<32768xf32, #tpu.memory_space<vmem>>, vector<16xf32>,
      %parallel_loop3A_1221 = vector.shape_cast %parallel_loop3A_1220 : vector<16xf32> to vector<16xf32>
      %parallel_loop3A_1222 = arith.index_cast %parallel_loop3A_1218 : i32 to index
      %parallel_loop3A_1223 = tpu.vector_load %arg7[%parallel_loop3A_1222] {strides = array<i32>} : memref<32768xf32, #tpu.memory_space<vmem>>, vector<16xf32>,
      %parallel_loop3A_1224 = vector.shape_cast %parallel_loop3A_1223 : vector<16xf32> to vector<16xf32>
      %parallel_loop3A_1225 = arith.addf %parallel_loop3A_1221, %parallel_loop3A_1224 : vector<16xf32>
      %parallel_loop3A_1226 = arith.index_cast %parallel_loop3A_1218 : i32 to index
      %parallel_loop3A_1227 = tpu.vector_load %arg5[%parallel_loop3A_1226] {strides = array<i32>} : memref<32768xf32, #tpu.memory_space<vmem>>, vector<16xf32>,
      %parallel_loop3A_1228 = vector.shape_cast %parallel_loop3A_1227 : vector<16xf32> to vector<16xf32>
      %parallel_loop3A_1229 = vector.shape_cast %parallel_loop3A_1225 : vector<16xf32> to vector<16xf32>
      tpu.vector_store %arg5[%parallel_loop3A_1226], %parallel_loop3A_1229 {strides = array<i32>} : memref<32768xf32, #tpu.memory_space<vmem>>, vector<16xf32>,
    } {sc.loop_unroll_factor = 8 : i64, sc.parallel_access}
    %add3A_1103 = arith.constant 0 : i32
    %add3A_1104 = arith.addi %add3A_1103, %mul3A_2 : i32
    %add3A_1105 = arith.constant 224 : i32
    %add3A_1106 = arith.addi %add3A_1104, %add3A_1105 : i32
    %mul3A_1107 = arith.constant 1024 : i32
    %mul3A_1108 = arith.muli %add3A_1106, %mul3A_1107 : i32
    %dma_start3A_1109 = tpu.memref_slice %arg4[%mul3A_1108] : memref<33554432xf32, #tpu.memory_space<hbm>> -> memref<32768xf32, #tpu.memory_space<hbm>>
    %dma_start3A_1110 = tpu.memref_slice %arg4[%mul3A_1108] : memref<33554432xf32, #tpu.memory_space<hbm>> -> memref<32768xf32, #tpu.memory_space<hbm>>
    tpu.enqueue_dma source(%arg5 : memref<32768xf32, #tpu.memory_space<vmem>>) target(%dma_start3A_1110 : memref<32768xf32, #tpu.memory_space<hbm>>) target_semaphore(%arg10 : memref<!tpu.dma_semaphore, #tpu.memory_space<semaphore_mem>>)
    %add3A_1111 = arith.constant 8192 : i32
    %add3A_1112 = arith.addi %add3A_1111, %mul3A_2 : i32
    %add3A_1113 = arith.constant 224 : i32
    %add3A_1114 = arith.addi %add3A_1112, %add3A_1113 : i32
    %mul3A_1115 = arith.constant 1024 : i32
    %mul3A_1116 = arith.muli %add3A_1114, %mul3A_1115 : i32
    %dma_wait3A_1117 = tpu.memref_slice %arg2[%mul3A_1116] : memref<33554432xf32, #tpu.memory_space<hbm>> -> memref<32768xf32, #tpu.memory_space<hbm>>
    %dma_wait3A_1118 = tpu.memref_slice %arg2[%mul3A_1116] : memref<33554432xf32, #tpu.memory_space<hbm>> -> memref<32768xf32, #tpu.memory_space<hbm>>
    tpu.wait_dma2 semaphore(%arg9 : memref<!tpu.dma_semaphore, #tpu.memory_space<semaphore_mem>>) src(%dma_wait3A_1118 : memref<32768xf32, #tpu.memory_space<hbm>>) dst(%arg6 : memref<32768xf32, #tpu.memory_space<vmem>>)
    %add3A_1119 = arith.constant 0 : i32
    %add3A_1120 = arith.addi %add3A_1119, %mul3A_2 : i32
    %add3A_1121 = arith.constant 224 : i32
    %add3A_1122 = arith.addi %add3A_1120, %add3A_1121 : i32
    %mul3A_1123 = arith.constant 1024 : i32
    %mul3A_1124 = arith.muli %add3A_1122, %mul3A_1123 : i32
    %dma_wait3A_1125 = tpu.memref_slice %arg4[%mul3A_1124] : memref<33554432xf32, #tpu.memory_space<hbm>> -> memref<32768xf32, #tpu.memory_space<hbm>>
    %dma_wait3A_1126 = tpu.memref_slice %arg4[%mul3A_1124] : memref<33554432xf32, #tpu.memory_space<hbm>> -> memref<32768xf32, #tpu.memory_space<hbm>>
    tpu.wait_dma2 semaphore(%arg10 : memref<!tpu.dma_semaphore, #tpu.memory_space<semaphore_mem>>) src(%arg5 : memref<32768xf32, #tpu.memory_space<vmem>>) dst(%dma_wait3A_1126 : memref<32768xf32, #tpu.memory_space<hbm>>)
    %add3A_1127 = arith.constant 16384 : i32
    %add3A_1128 = arith.addi %add3A_1127, %mul3A_2 : i32
    %add3A_1129 = arith.constant 224 : i32
    %add3A_1130 = arith.addi %add3A_1128, %add3A_1129 : i32
    %mul3A_1131 = arith.constant 1024 : i32
    %mul3A_1132 = arith.muli %add3A_1130, %mul3A_1131 : i32
    %dma_start3A_1133 = tpu.memref_slice %arg2[%mul3A_1132] : memref<33554432xf32, #tpu.memory_space<hbm>> -> memref<32768xf32, #tpu.memory_space<hbm>>
    %dma_start3A_1134 = tpu.memref_slice %arg2[%mul3A_1132] : memref<33554432xf32, #tpu.memory_space<hbm>> -> memref<32768xf32, #tpu.memory_space<hbm>>
    tpu.enqueue_dma source(%dma_start3A_1134 : memref<32768xf32, #tpu.memory_space<hbm>>) target(%arg5 : memref<32768xf32, #tpu.memory_space<vmem>>) target_semaphore(%arg8 : memref<!tpu.dma_semaphore, #tpu.memory_space<semaphore_mem>>)
    %parallel_loop3A_1135 = arith.constant 0 : i32
    %parallel_loop3A_1136 = arith.constant 2048 : i32
    %parallel_loop3A_1137 = arith.constant 1 : i32
    scf.for %parallel_loop3A_1216 = %parallel_loop3A_1135 to %parallel_loop3A_1136 step %parallel_loop3A_1137  : i32 {
      %parallel_loop3A_1217 = arith.constant 16 : i32
      %parallel_loop3A_1218 = arith.muli %parallel_loop3A_1216, %parallel_loop3A_1217 : i32
      %parallel_loop3A_1219 = arith.index_cast %parallel_loop3A_1218 : i32 to index
      %parallel_loop3A_1220 = tpu.vector_load %arg6[%parallel_loop3A_1219] {strides = array<i32>} : memref<32768xf32, #tpu.memory_space<vmem>>, vector<16xf32>,
      %parallel_loop3A_1221 = vector.shape_cast %parallel_loop3A_1220 : vector<16xf32> to vector<16xf32>
      %parallel_loop3A_1222 = arith.index_cast %parallel_loop3A_1218 : i32 to index
      %parallel_loop3A_1223 = tpu.vector_load %arg7[%parallel_loop3A_1222] {strides = array<i32>} : memref<32768xf32, #tpu.memory_space<vmem>>, vector<16xf32>,
      %parallel_loop3A_1224 = vector.shape_cast %parallel_loop3A_1223 : vector<16xf32> to vector<16xf32>
      %parallel_loop3A_1225 = arith.addf %parallel_loop3A_1221, %parallel_loop3A_1224 : vector<16xf32>
      %parallel_loop3A_1226 = arith.index_cast %parallel_loop3A_1218 : i32 to index
      %parallel_loop3A_1227 = tpu.vector_load %arg6[%parallel_loop3A_1226] {strides = array<i32>} : memref<32768xf32, #tpu.memory_space<vmem>>, vector<16xf32>,
      %parallel_loop3A_1228 = vector.shape_cast %parallel_loop3A_1227 : vector<16xf32> to vector<16xf32>
      %parallel_loop3A_1229 = vector.shape_cast %parallel_loop3A_1225 : vector<16xf32> to vector<16xf32>
      tpu.vector_store %arg6[%parallel_loop3A_1226], %parallel_loop3A_1229 {strides = array<i32>} : memref<32768xf32, #tpu.memory_space<vmem>>, vector<16xf32>,
    } {sc.loop_unroll_factor = 8 : i64, sc.parallel_access}
    %add3A_1138 = arith.constant 8192 : i32
    %add3A_1139 = arith.addi %add3A_1138, %mul3A_2 : i32
    %add3A_1140 = arith.constant 224 : i32
    %add3A_1141 = arith.addi %add3A_1139, %add3A_1140 : i32
    %mul3A_1142 = arith.constant 1024 : i32
    %mul3A_1143 = arith.muli %add3A_1141, %mul3A_1142 : i32
    %dma_start3A_1144 = tpu.memref_slice %arg4[%mul3A_1143] : memref<33554432xf32, #tpu.memory_space<hbm>> -> memref<32768xf32, #tpu.memory_space<hbm>>
    %dma_start3A_1145 = tpu.memref_slice %arg4[%mul3A_1143] : memref<33554432xf32, #tpu.memory_space<hbm>> -> memref<32768xf32, #tpu.memory_space<hbm>>
    tpu.enqueue_dma source(%arg6 : memref<32768xf32, #tpu.memory_space<vmem>>) target(%dma_start3A_1145 : memref<32768xf32, #tpu.memory_space<hbm>>) target_semaphore(%arg11 : memref<!tpu.dma_semaphore, #tpu.memory_space<semaphore_mem>>)
    %add3A_1146 = arith.constant 16384 : i32
    %add3A_1147 = arith.addi %add3A_1146, %mul3A_2 : i32
    %add3A_1148 = arith.constant 224 : i32
    %add3A_1149 = arith.addi %add3A_1147, %add3A_1148 : i32
    %mul3A_1150 = arith.constant 1024 : i32
    %mul3A_1151 = arith.muli %add3A_1149, %mul3A_1150 : i32
    %dma_wait3A_1152 = tpu.memref_slice %arg2[%mul3A_1151] : memref<33554432xf32, #tpu.memory_space<hbm>> -> memref<32768xf32, #tpu.memory_space<hbm>>
    %dma_wait3A_1153 = tpu.memref_slice %arg2[%mul3A_1151] : memref<33554432xf32, #tpu.memory_space<hbm>> -> memref<32768xf32, #tpu.memory_space<hbm>>
    tpu.wait_dma2 semaphore(%arg8 : memref<!tpu.dma_semaphore, #tpu.memory_space<semaphore_mem>>) src(%dma_wait3A_1153 : memref<32768xf32, #tpu.memory_space<hbm>>) dst(%arg5 : memref<32768xf32, #tpu.memory_space<vmem>>)
    %add3A_1154 = arith.constant 8192 : i32
    %add3A_1155 = arith.addi %add3A_1154, %mul3A_2 : i32
    %add3A_1156 = arith.constant 224 : i32
    %add3A_1157 = arith.addi %add3A_1155, %add3A_1156 : i32
    %mul3A_1158 = arith.constant 1024 : i32
    %mul3A_1159 = arith.muli %add3A_1157, %mul3A_1158 : i32
    %dma_wait3A_1160 = tpu.memref_slice %arg4[%mul3A_1159] : memref<33554432xf32, #tpu.memory_space<hbm>> -> memref<32768xf32, #tpu.memory_space<hbm>>
    %dma_wait3A_1161 = tpu.memref_slice %arg4[%mul3A_1159] : memref<33554432xf32, #tpu.memory_space<hbm>> -> memref<32768xf32, #tpu.memory_space<hbm>>
    tpu.wait_dma2 semaphore(%arg11 : memref<!tpu.dma_semaphore, #tpu.memory_space<semaphore_mem>>) src(%arg6 : memref<32768xf32, #tpu.memory_space<vmem>>) dst(%dma_wait3A_1161 : memref<32768xf32, #tpu.memory_space<hbm>>)
    %add3A_1162 = arith.constant 24576 : i32
    %add3A_1163 = arith.addi %add3A_1162, %mul3A_2 : i32
    %add3A_1164 = arith.constant 224 : i32
    %add3A_1165 = arith.addi %add3A_1163, %add3A_1164 : i32
    %mul3A_1166 = arith.constant 1024 : i32
    %mul3A_1167 = arith.muli %add3A_1165, %mul3A_1166 : i32
    %dma_start3A_1168 = tpu.memref_slice %arg2[%mul3A_1167] : memref<33554432xf32, #tpu.memory_space<hbm>> -> memref<32768xf32, #tpu.memory_space<hbm>>
    %dma_start3A_1169 = tpu.memref_slice %arg2[%mul3A_1167] : memref<33554432xf32, #tpu.memory_space<hbm>> -> memref<32768xf32, #tpu.memory_space<hbm>>
    tpu.enqueue_dma source(%dma_start3A_1169 : memref<32768xf32, #tpu.memory_space<hbm>>) target(%arg6 : memref<32768xf32, #tpu.memory_space<vmem>>) target_semaphore(%arg9 : memref<!tpu.dma_semaphore, #tpu.memory_space<semaphore_mem>>)
    %parallel_loop3A_1170 = arith.constant 0 : i32
    %parallel_loop3A_1171 = arith.constant 2048 : i32
    %parallel_loop3A_1172 = arith.constant 1 : i32
    scf.for %parallel_loop3A_1216 = %parallel_loop3A_1170 to %parallel_loop3A_1171 step %parallel_loop3A_1172  : i32 {
      %parallel_loop3A_1217 = arith.constant 16 : i32
      %parallel_loop3A_1218 = arith.muli %parallel_loop3A_1216, %parallel_loop3A_1217 : i32
      %parallel_loop3A_1219 = arith.index_cast %parallel_loop3A_1218 : i32 to index
      %parallel_loop3A_1220 = tpu.vector_load %arg5[%parallel_loop3A_1219] {strides = array<i32>} : memref<32768xf32, #tpu.memory_space<vmem>>, vector<16xf32>,
      %parallel_loop3A_1221 = vector.shape_cast %parallel_loop3A_1220 : vector<16xf32> to vector<16xf32>
      %parallel_loop3A_1222 = arith.index_cast %parallel_loop3A_1218 : i32 to index
      %parallel_loop3A_1223 = tpu.vector_load %arg7[%parallel_loop3A_1222] {strides = array<i32>} : memref<32768xf32, #tpu.memory_space<vmem>>, vector<16xf32>,
      %parallel_loop3A_1224 = vector.shape_cast %parallel_loop3A_1223 : vector<16xf32> to vector<16xf32>
      %parallel_loop3A_1225 = arith.addf %parallel_loop3A_1221, %parallel_loop3A_1224 : vector<16xf32>
      %parallel_loop3A_1226 = arith.index_cast %parallel_loop3A_1218 : i32 to index
      %parallel_loop3A_1227 = tpu.vector_load %arg5[%parallel_loop3A_1226] {strides = array<i32>} : memref<32768xf32, #tpu.memory_space<vmem>>, vector<16xf32>,
      %parallel_loop3A_1228 = vector.shape_cast %parallel_loop3A_1227 : vector<16xf32> to vector<16xf32>
      %parallel_loop3A_1229 = vector.shape_cast %parallel_loop3A_1225 : vector<16xf32> to vector<16xf32>
      tpu.vector_store %arg5[%parallel_loop3A_1226], %parallel_loop3A_1229 {strides = array<i32>} : memref<32768xf32, #tpu.memory_space<vmem>>, vector<16xf32>,
    } {sc.loop_unroll_factor = 8 : i64, sc.parallel_access}
    %add3A_1173 = arith.constant 16384 : i32
    %add3A_1174 = arith.addi %add3A_1173, %mul3A_2 : i32
    %add3A_1175 = arith.constant 224 : i32
    %add3A_1176 = arith.addi %add3A_1174, %add3A_1175 : i32
    %mul3A_1177 = arith.constant 1024 : i32
    %mul3A_1178 = arith.muli %add3A_1176, %mul3A_1177 : i32
    %dma_start3A_1179 = tpu.memref_slice %arg4[%mul3A_1178] : memref<33554432xf32, #tpu.memory_space<hbm>> -> memref<32768xf32, #tpu.memory_space<hbm>>
    %dma_start3A_1180 = tpu.memref_slice %arg4[%mul3A_1178] : memref<33554432xf32, #tpu.memory_space<hbm>> -> memref<32768xf32, #tpu.memory_space<hbm>>
    tpu.enqueue_dma source(%arg5 : memref<32768xf32, #tpu.memory_space<vmem>>) target(%dma_start3A_1180 : memref<32768xf32, #tpu.memory_space<hbm>>) target_semaphore(%arg10 : memref<!tpu.dma_semaphore, #tpu.memory_space<semaphore_mem>>)
    %add3A_1181 = arith.constant 24576 : i32
    %add3A_1182 = arith.addi %add3A_1181, %mul3A_2 : i32
    %add3A_1183 = arith.constant 224 : i32
    %add3A_1184 = arith.addi %add3A_1182, %add3A_1183 : i32
    %mul3A_1185 = arith.constant 1024 : i32
    %mul3A_1186 = arith.muli %add3A_1184, %mul3A_1185 : i32
    %dma_wait3A_1187 = tpu.memref_slice %arg2[%mul3A_1186] : memref<33554432xf32, #tpu.memory_space<hbm>> -> memref<32768xf32, #tpu.memory_space<hbm>>
    %dma_wait3A_1188 = tpu.memref_slice %arg2[%mul3A_1186] : memref<33554432xf32, #tpu.memory_space<hbm>> -> memref<32768xf32, #tpu.memory_space<hbm>>
    tpu.wait_dma2 semaphore(%arg9 : memref<!tpu.dma_semaphore, #tpu.memory_space<semaphore_mem>>) src(%dma_wait3A_1188 : memref<32768xf32, #tpu.memory_space<hbm>>) dst(%arg6 : memref<32768xf32, #tpu.memory_space<vmem>>)
    %parallel_loop3A_1189 = arith.constant 0 : i32
    %parallel_loop3A_1190 = arith.constant 2048 : i32
    %parallel_loop3A_1191 = arith.constant 1 : i32
    scf.for %parallel_loop3A_1216 = %parallel_loop3A_1189 to %parallel_loop3A_1190 step %parallel_loop3A_1191  : i32 {
      %parallel_loop3A_1217 = arith.constant 16 : i32
      %parallel_loop3A_1218 = arith.muli %parallel_loop3A_1216, %parallel_loop3A_1217 : i32
      %parallel_loop3A_1219 = arith.index_cast %parallel_loop3A_1218 : i32 to index
      %parallel_loop3A_1220 = tpu.vector_load %arg6[%parallel_loop3A_1219] {strides = array<i32>} : memref<32768xf32, #tpu.memory_space<vmem>>, vector<16xf32>,
      %parallel_loop3A_1221 = vector.shape_cast %parallel_loop3A_1220 : vector<16xf32> to vector<16xf32>
      %parallel_loop3A_1222 = arith.index_cast %parallel_loop3A_1218 : i32 to index
      %parallel_loop3A_1223 = tpu.vector_load %arg7[%parallel_loop3A_1222] {strides = array<i32>} : memref<32768xf32, #tpu.memory_space<vmem>>, vector<16xf32>,
      %parallel_loop3A_1224 = vector.shape_cast %parallel_loop3A_1223 : vector<16xf32> to vector<16xf32>
      %parallel_loop3A_1225 = arith.addf %parallel_loop3A_1221, %parallel_loop3A_1224 : vector<16xf32>
      %parallel_loop3A_1226 = arith.index_cast %parallel_loop3A_1218 : i32 to index
      %parallel_loop3A_1227 = tpu.vector_load %arg6[%parallel_loop3A_1226] {strides = array<i32>} : memref<32768xf32, #tpu.memory_space<vmem>>, vector<16xf32>,
      %parallel_loop3A_1228 = vector.shape_cast %parallel_loop3A_1227 : vector<16xf32> to vector<16xf32>
      %parallel_loop3A_1229 = vector.shape_cast %parallel_loop3A_1225 : vector<16xf32> to vector<16xf32>
      tpu.vector_store %arg6[%parallel_loop3A_1226], %parallel_loop3A_1229 {strides = array<i32>} : memref<32768xf32, #tpu.memory_space<vmem>>, vector<16xf32>,
    } {sc.loop_unroll_factor = 8 : i64, sc.parallel_access}
    %add3A_1192 = arith.constant 24576 : i32
    %add3A_1193 = arith.addi %add3A_1192, %mul3A_2 : i32
    %add3A_1194 = arith.constant 224 : i32
    %add3A_1195 = arith.addi %add3A_1193, %add3A_1194 : i32
    %mul3A_1196 = arith.constant 1024 : i32
    %mul3A_1197 = arith.muli %add3A_1195, %mul3A_1196 : i32
    %dma_start3A_1198 = tpu.memref_slice %arg4[%mul3A_1197] : memref<33554432xf32, #tpu.memory_space<hbm>> -> memref<32768xf32, #tpu.memory_space<hbm>>
    %dma_start3A_1199 = tpu.memref_slice %arg4[%mul3A_1197] : memref<33554432xf32, #tpu.memory_space<hbm>> -> memref<32768xf32, #tpu.memory_space<hbm>>
    tpu.enqueue_dma source(%arg6 : memref<32768xf32, #tpu.memory_space<vmem>>) target(%dma_start3A_1199 : memref<32768xf32, #tpu.memory_space<hbm>>) target_semaphore(%arg11 : memref<!tpu.dma_semaphore, #tpu.memory_space<semaphore_mem>>)
    %add3A_1200 = arith.constant 16384 : i32
    %add3A_1201 = arith.addi %add3A_1200, %mul3A_2 : i32
    %add3A_1202 = arith.constant 224 : i32
    %add3A_1203 = arith.addi %add3A_1201, %add3A_1202 : i32
    %mul3A_1204 = arith.constant 1024 : i32
    %mul3A_1205 = arith.muli %add3A_1203, %mul3A_1204 : i32
    %dma_wait3A_1206 = tpu.memref_slice %arg4[%mul3A_1205] : memref<33554432xf32, #tpu.memory_space<hbm>> -> memref<32768xf32, #tpu.memory_space<hbm>>
    %dma_wait3A_1207 = tpu.memref_slice %arg4[%mul3A_1205] : memref<33554432xf32, #tpu.memory_space<hbm>> -> memref<32768xf32, #tpu.memory_space<hbm>>
    tpu.wait_dma2 semaphore(%arg10 : memref<!tpu.dma_semaphore, #tpu.memory_space<semaphore_mem>>) src(%arg5 : memref<32768xf32, #tpu.memory_space<vmem>>) dst(%dma_wait3A_1207 : memref<32768xf32, #tpu.memory_space<hbm>>)
    %add3A_1208 = arith.constant 24576 : i32
    %add3A_1209 = arith.addi %add3A_1208, %mul3A_2 : i32
    %add3A_1210 = arith.constant 224 : i32
    %add3A_1211 = arith.addi %add3A_1209, %add3A_1210 : i32
    %mul3A_1212 = arith.constant 1024 : i32
    %mul3A_1213 = arith.muli %add3A_1211, %mul3A_1212 : i32
    %dma_wait3A_1214 = tpu.memref_slice %arg4[%mul3A_1213] : memref<33554432xf32, #tpu.memory_space<hbm>> -> memref<32768xf32, #tpu.memory_space<hbm>>
    %dma_wait3A_1215 = tpu.memref_slice %arg4[%mul3A_1213] : memref<33554432xf32, #tpu.memory_space<hbm>> -> memref<32768xf32, #tpu.memory_space<hbm>>
    tpu.wait_dma2 semaphore(%arg11 : memref<!tpu.dma_semaphore, #tpu.memory_space<semaphore_mem>>) src(%arg6 : memref<32768xf32, #tpu.memory_space<vmem>>) dst(%dma_wait3A_1215 : memref<32768xf32, #tpu.memory_space<hbm>>)
    return
  }
}

</mosaic_0001>

<sc_bundles>
// kernel: kernel.3.cloned.1.call-start
scs
__scs_entry_jumppad:
0x0: {  	(pc) =	sbr.rel $0x88, $3  }
0x1: {  	(tag) =	ssettag $0x0;
	lr =	simm.s32 $0x1  }
0x2: {  	[smem:$0x3F9F] =	sst lr;
	_ =	strace $0xD0000000  }
0x3: {  	_ = 	snop  }
0x4: {  	_ = 	snop  }
0x5: {  	_ = 	snop  }
0x6: {  	_ = 	snop  }
0x7: {  	_ = 	snop  }
__scs_overlays_trampoline_lowered:
0x8: {  	[smem:$0x3FAE] =	sst s0  }
0x9: {  	[smem:$0x3FAF] =	sst s1  }
0xa: {  	[smem:$0x3FB0] =	sst s2  }
0xb: {  	[smem:$0x3FB1] =	sst s3  }
0xc: {  	[smem:$0x3FB2] =	sst s4  }
0xd: {  	[smem:$0x3FB3] =	sst s5  }
0xe: {  	[smem:$0x3FB4] =	sst s6  }
0xf: {  	[smem:$0x3FB5] =	sst s7  }
0x10: {  	[smem:$0x3FB6] =	sst s8  }
0x11: {  	[smem:$0x3FB7] =	sst s9;
	s0 =	simm.s32 @!p0 $0x0  }
0x12: {  	s1 =	sld [smem:$0x3F9D];
	s0 =	simm.s32 @p0 $0x1  }
0x13: {  	[smem:$0x3FB8] =	sst s0;
	s0 =	simm.s32 @!p1 $0x0  }
0x14: {  	s2 =	sld [smem:$0x3F9C];
	s0 =	simm.s32 @p1 $0x1  }
0x15: {  	[smem:$0x3FB9] =	sst s0;
	s0 =	simm.s32 @!p2 $0x0  }
0x16: {  	s3 =	sld [smem:$0x3FDB];
	s0 =	simm.s32 @p2 $0x1  }
0x17: {  	s4 =	simm.s32 $0x1BF5;
	[smem:$0x3FBB] =	sst s0  }
0x18: {  	s0 =	sld [smem:$0x3F9E];
	_ =	swait.ge [sflag:s4], $0x0  }
0x19: {  	s7 =	sld [smem:$0x3F9F]  }
0x1a: {  	s8 =	sadd.s32 $0xFFFFE003, lr  }
0x1b: {  	s9 =	sadd.s32 $0xFFFFFEF7, lr;
	s5 =	simm.s32 $0xFFFFFFFF;
	p2 =	slt.u32 s8, $0xFFFFF086  }
0x1c: {  	p1 =	slt.u32 s9, $0xF7A;
	s5 =	simm.s32 @!p2 $0x0  }
0x1d: {  	s5 =	simm.s32 @p1 $0x1;
	p0 =	seq.s32 s7, s2  }
0x1e: {  	s7 =	smul.u32 @!p0 $0xF7A, s2;
	p2 =	seq.s32 @!p0 s5, $0x0  }
0x1f: {  	s9 =	smul.u32 $0xF7A, s1;
	s8 =	simm.s32 @!p0 $0x1BF5;
	p2 =	por !p2, p0  }
0x20: {  	[sflag:s8] =	ssyncset.s32 @!p0 $0xFFFFF086;
	s6 =	sadd.s32 @!p0 s3, s7;
	s7 =	simm.s32 @!p0 $0x108  }
0x21: {  	s3 =	sadd.s32 s3, s9;
	s6 =	sadd.s32 @!p0 $0x88, s6;
	s7 =	simm.s32 @p2 $0x1082  }
0x22: {  	[simem:s7], [sflag:s8] =	dma.local @!p0 [hbm:s6], $0xF7A  }
0x23: {  	s9 =	sor.u32 $0xD0000000, s2;
	s6 =	simm.s32 $0x108;
	_ =	swait.ge @!p0 [sflag:s8], $0x0  }
0x24: {  	s3 =	sadd.s32 $0x88, s3;
	s6 =	simm.s32 @!p1 $0x1082;
	[sflag:s4] =	ssyncset.s32 $0xFFFFF086  }
0x25: {  	[simem:s6], [sflag:s4] =	dma.local [hbm:s3], $0xF7A  }
0x26: {  	[smem:$0x3F9F] =	sst s1;
	(tag) =	ssettag s2;
	_ =	strace s9  }
0x27: {  	s1 =	sld [smem:$0x3FAF]  }
0x28: {  	s2 =	sld [smem:$0x3FB0]  }
0x29: {  	s4 =	sld [smem:$0x3FB2]  }
0x2a: {  	p0 =	seq.s32 s5, $0x0;
	s5 =	sld [smem:$0x3FB3]  }
0x2b: {  	s6 =	sld [smem:$0x3FB4]  }
0x2c: {  	s7 =	sld [smem:$0x3FB5]  }
0x2d: {  	s3 =	simm.s32 $0x108;
	s8 =	sld [smem:$0x3FB6]  }
0x2e: {  	s3 =	simm.s32 @!p0 $0x1082;
	s9 =	sld [smem:$0x3FB7]  }
0x2f: {  	lr =	sadd.s32 s0, s3;
	s0 =	sld [smem:$0x3FAE]  }
0x30: {  	s3 =	sld [smem:$0x3FB1]  }
0x31: {  	[smem:$0x3FBA] =	sst s10  }
0x32: {  	s10 =	sld [smem:$0x3FB8];
	_ =	sdelay $0x3  }
0x33: {  	p0 =	seq.s32 s10, $0x1;
	s10 =	sld [smem:$0x3FBA];
	_ =	sdelay $0x3  }
0x34: {  	[smem:$0x3FBA] =	sst s10  }
0x35: {  	s10 =	sld [smem:$0x3FB9];
	_ =	sdelay $0x3  }
0x36: {  	p1 =	seq.s32 s10, $0x1;
	s10 =	sld [smem:$0x3FBA];
	_ =	sdelay $0x3  }
0x37: {  	[smem:$0x3FBA] =	sst s10  }
0x38: {  	s10 =	sld [smem:$0x3FBB]  }
0x39: {  	_ = 	snop;
	(pc) =	sbr.ind lr, $3  }
0x3a: {  	_ = 	snop  }
0x3b: {  	_ = 	snop  }
0x3c: {  	p2 =	seq.s32 s10, $0x1;
	s10 =	sld [smem:$0x3FBA]  }
0x3d: {  	_ =	shalt  }
0x3e: {  	_ =	shalt  }
0x3f: {  	_ =	shalt  }
0x40: {  	_ =	shalt  }
0x41: {  	_ =	shalt  }
0x42: {  	_ =	shalt  }
0x43: {  	_ =	shalt  }
0x44: {  	_ =	shalt  }
0x45: {  	_ =	shalt  }
0x46: {  	_ =	shalt  }
0x47: {  	_ =	shalt  }
0x48: {  	_ =	shalt  }
0x49: {  	_ =	shalt  }
0x4a: {  	_ =	shalt  }
0x4b: {  	_ =	shalt  }
0x4c: {  	_ =	shalt  }
0x4d: {  	_ =	shalt  }
0x4e: {  	_ =	shalt  }
0x4f: {  	_ =	shalt  }
0x50: {  	_ =	shalt  }
0x51: {  	_ =	shalt  }
0x52: {  	_ =	shalt  }
0x53: {  	_ =	shalt  }
0x54: {  	_ =	shalt  }
0x55: {  	_ =	shalt  }
0x56: {  	_ =	shalt  }
0x57: {  	_ =	shalt  }
0x58: {  	_ =	shalt  }
0x59: {  	_ =	shalt  }
0x5a: {  	_ =	shalt  }
0x5b: {  	_ =	shalt  }
0x5c: {  	_ =	shalt  }
0x5d: {  	_ =	shalt  }
0x5e: {  	_ =	shalt  }
0x5f: {  	_ =	shalt  }
0x60: {  	_ =	shalt  }
0x61: {  	_ =	shalt  }
0x62: {  	_ =	shalt  }
0x63: {  	_ =	shalt  }
0x64: {  	_ =	shalt  }
0x65: {  	_ =	shalt  }
0x66: {  	_ =	shalt  }
0x67: {  	_ =	shalt  }
0x68: {  	_ =	shalt  }
0x69: {  	_ =	shalt  }
0x6a: {  	_ =	shalt  }
0x6b: {  	_ =	shalt  }
0x6c: {  	_ =	shalt  }
0x6d: {  	_ =	shalt  }
0x6e: {  	_ =	shalt  }
0x6f: {  	_ =	shalt  }
0x70: {  	_ =	shalt  }
0x71: {  	_ =	shalt  }
0x72: {  	_ =	shalt  }
0x73: {  	_ =	shalt  }
0x74: {  	_ =	shalt  }
0x75: {  	_ =	shalt  }
0x76: {  	_ =	shalt  }
0x77: {  	_ =	shalt  }
0x78: {  	_ =	shalt  }
0x79: {  	_ =	shalt  }
0x7a: {  	_ =	shalt  }
0x7b: {  	_ =	shalt  }
0x7c: {  	_ =	shalt  }
0x7d: {  	_ =	shalt  }
0x7e: {  	_ =	shalt  }
0x7f: {  	_ =	shalt  }
0x80: {  	_ =	shalt  }
0x81: {  	_ =	shalt  }
0x82: {  	_ =	shalt  }
0x83: {  	_ =	shalt  }
0x84: {  	_ =	shalt  }
0x85: {  	_ =	shalt  }
0x86: {  	_ =	shalt  }
0x87: {  	_ =	shalt  }
.Lfunc_end0:
.L_simem_size_0:
called_computation.2_lowered:
.L_overlay_start_0:
0x88: {  	s2 =	sld [smem:$0x3FD9]  }
0x89: {  	s3 =	sld [smem:$0x3FFE];
	_ =	sdelay $0x1  }
0x8a: {  	s1 =	srdreg.scid  }
0x8b: {  	s0 =	sand.u32 $0x1, s1  }
0x8c: {  	s17 =	sshll.u32 s0, $0xA;
	s2 =	sadd.s32 s3, s2  }
0x8d: {  	s2 =	sadd.s32 s2, s17  }
0x8e: {  	[smem:$0x3FC6] =	sst s2  }
0x8f: {  	_ = 	snop  }
0x90: {  	s2 =	sld [smem:$0x3FD0];
	(tm) =	ssettm $0x1  }
0x91: {  	s18 =	sld [smem:$0x3FFB];
	_ =	sdelay $0x3  }
0x92: {  	_ =	strace s18  }
0x93: {  	s3 =	sld [smem:$0x3FFC];
	_ =	sdelay $0x3  }
0x94: {  	_ =	strace s3  }
0x95: {  	s3 =	sld [smem:$0x3FFD];
	_ =	sdelay $0x3  }
0x96: {  	_ =	strace s3  }
0x97: {  	_ =	strace $0x8FFFFFFF  }
0x98: {  	s19 =	sld [smem:$0x3FDB];
	_ =	sdelay $0x1  }
0x99: {  	s4 =	simm.s32 $_scs_section_size  }
0x9a: {  	s5 =	simm.s32 $_size__tile_overlayer_lowered;
	s6 =	simm.s32 $_tile_overlayer_lowered  }
0x9b: {  	s22 =	simm.s32 $0x1BFF;
	s21 =	sshll.u32 s6, $0x1;
	s3 =	sadd.s32 s4, s19  }
0x9c: {  	s7 =	simm.s32 $0x0;
	s20 =	sshll.u32 s5, $0x1;
	s5 =	sadd.s32 s21, s3  }
0x9d: {  	[timem:s7], [sflag:s22] =	dma.local [hbm:s5], s20  }
0x9e: {  	_ =	swait.ge [sflag:s22], s20  }
0x9f: {  	s4 =	ssub.s32 $0x0, s20;
	[sflag:s22] =	ssyncset.done $0x0  }
0xa0: {  	[sflag:s22] =	ssyncadd.s32 s4;
	_ =	sdelay $0x1  }
0xa1: {  	s23 =	simm.s32 $0x1B8B  }
0xa2: {  	_ =	swait.ge [sflag:s23], $0x1  }
0xa3: {  	[sflag:s23] =	ssyncset.done $0x0  }
0xa4: {  	s25 =	simm.s32 $0x1B8E;
	s24 =	sld [smem:$0x3FFE];
	[sflag:s23] =	ssyncadd.s32 $0xFFFFFFFF  }
0xa5: {  	s26 =	simm.s32 $execute0_lowered;
	[smem:$0x3FD2] =	sst s25  }
0xa6: {  	s5 =	sshll.u32 s26, $0x1;
	_ =	strace $0x8000004C;
	[dreg:$0x1] =	wrdreg $0xFFFFFFFF  }
0xa7: {  	s28 =	simm.s32 $_size_execute0_lowered;
	s3 =	sadd.s32 s3, s5;
	[dreg:$0x0] =	wrdreg $0x0  }
0xa8: {  	s5 =	sshll.u32 s28, $0x1;
	[dreg:$0x2] =	wrdreg s3  }
0xa9: {  	[dreg:$0x3] =	wrdreg s5  }
0xaa: {  	[dreg:$0x4] =	wrdreg $0xC0  }
0xab: {  	_ =	task [dreg:s7], $0x5FFFF  }
0xac: {  	[dreg:$0x1] =	wrdreg $0xFFFFFFFF  }
0xad: {  	[dreg:$0x0] =	wrdreg $0x60  }
0xae: {  	[dreg:$0x2] =	wrdreg s2  }
0xaf: {  	[dreg:$0x3] =	wrdreg s24  }
0xb0: {  	[dreg:$0x4] =	wrdreg $0x9  }
0xb1: {  	_ =	task.clear_ibuf [dreg:s7], $0x5FFFF;
	_ =	strace $0x9000004C  }
0xb2: {  	s29 =	simm.s32 $0x9;
	_ =	strace $0x8000004E  }
0xb3: {  	_ =	swait.ge [sflag:s29], $0x1  }
0xb4: {  	[sflag:s29] =	ssyncadd.s32 $0xFFFFFFFF  }
0xb5: {  	_ =	strace $0x9000004E  }
0xb6: {  	_ =	sfence  }
0xb7: {  	s30 =	sld [smem:$0x0];
	_ =	sdelay $0x2  }
0xb8: {  	s31 =	sshll.u32 s1, $0xD;
	s1 =	sshrl.u32 s1, $0x2  }
0xb9: {  	s3 =	sand.u32 $0x4000, s31;
	s1 =	sadd.s32 s1, s30  }
0xba: {  	s0 =	sor.u32 s3, s0;
	s1 =	sshll.u32 s1, $0x11  }
0xbb: {  	s0 =	sor.u32 s1, s0  }
0xbc: {  	s0 =	sadd.s32 $0x8F2B, s0  }
0xbd: {  	[sflag:s0] =	ssyncadd.remote.s32 $0x1  }
0xbe: {  	_ =	sfence.sel $0xFFFF  }
0xbf: {  	[dreg:$0x0] =	wrdreg $0xFFFFFFFF;
	(pc) =	sbr.abs _section_cstart, $3  }
0xc0: {  	[dreg:$0x1] =	wrdreg $0xFFFFFFFF  }
0xc1: {  	_ =	task.clear_ibuf [dreg:s7], $0x2FFFF;
	_ =	strace $0x9FFFFFFF  }
0xc2: {  	(tm) =	ssettm $0x7FFFFFFF  }
0xc3: {  	_ =	shalt  }
tec
execute0_lowered:
.L_overlay_start_1:
0x0: {  	(tag) =	ssettag $0x1  }
0x1: {  	s2 =	srdreg.scid  }
0x2: {  	s3 =	stileid.u32;
	s2 =	sand.u32 $0x1, s2  }
0x3: {  	s11 =	rddreg [dreg:$0x0];
	s4 =	sshll.u32 s3, $0x10;
	s5 =	sshll.u32 s2, $0xF  }
0x4: {  	s0 =	rddreg [dreg:$0x1];
	s1 =	simm.s32 $0x0;
	s10 =	sor.u32 s5, s4  }
0x5: {  	[smem:$0x7FF] =	sst s1;
	s4 =	sor.u32 $0x100000, s10  }
0x6: {  	s3 =	sadd.s32 $0xC00, s0;
	s25 =	sor.u32 $0x200000, s10;
	s24 =	sadd.s32 s11, s4  }
0x7: {  	s13 =	sadd.s32 $0x100C00, s0;
	s26 =	sadd.s32 s11, s25;
	[dreg:$0x3] =	wrdreg s24  }
0x8: {  	s5 =	sor.u32 $0x300000, s10;
	s4 =	sadd.s32 s13, s4;
	[dreg:$0x4] =	wrdreg s26  }
0x9: {  	s2 =	ssub.s32 $0x2, s2;
	s6 =	sadd.s32 s11, s5;
	[dreg:$0x5] =	wrdreg s4  }
0xa: {  	s7 =	sor.u32 $0x1000, s10;
	s0 =	sadd.s32 s13, s25;
	[dreg:$0x6] =	wrdreg s6  }
0xb: {  	s23 =	sshrl.u32 s2, $0x1;
	s8 =	sadd.s32 s11, s7;
	[dreg:$0x7] =	wrdreg s0  }
0xc: {  	s14 =	ssub.s32 s2, s23;
	s2 =	sadd.s32 s13, s5;
	[dreg:$0x8] =	wrdreg s8  }
0xd: {  	s9 =	sor.u32 $0x101000, s10;
	s12 =	sadd.s32 s3, s7;
	[dreg:$0x9] =	wrdreg s2  }
0xe: {  	s16 =	sor.u32 $0x201000, s10;
	s15 =	sadd.s32 s11, s9;
	[dreg:$0xa] =	wrdreg s12  }
0xf: {  	s18 =	sor.u32 $0x301000, s10;
	s17 =	sadd.s32 s11, s16;
	[dreg:$0xb] =	wrdreg s15  }
0x10: {  	s20 =	sor.u32 $0x2000, s10;
	s19 =	sadd.s32 s11, s18;
	[dreg:$0xd] =	wrdreg s17  }
0x11: {  	s21 =	sadd.s32 s11, s20;
	[dreg:$0xf] =	wrdreg s19  }
0x12: {  	s22 =	sadd.s32 s3, s20;
	[dreg:$0x11] =	wrdreg s21  }
0x13: {  	s0 =	sadd.s32 s13, s7;
	[dreg:$0x13] =	wrdreg s22  }
0x14: {  	s2 =	sadd.s32 s13, s9;
	[dreg:$0xc] =	wrdreg s0  }
0x15: {  	s23 =	sor.u32 $0x102000, s10;
	s4 =	sadd.s32 s13, s16;
	[dreg:$0xe] =	wrdreg s2  }
0x16: {  	s25 =	sor.u32 $0x202000, s10;
	s24 =	sadd.s32 s11, s23;
	[dreg:$0x10] =	wrdreg s4  }
0x17: {  	s26 =	sadd.s32 s11, s25;
	[dreg:$0x15] =	wrdreg s24  }
0x18: {  	s14 =	smax.u32 s14, $0x1;
	s0 =	sadd.s32 s13, s18;
	[dreg:$0x17] =	wrdreg s26  }
0x19: {  	s6 =	sor.u32 $0x3000, s10;
	s2 =	sadd.s32 s13, s20;
	[dreg:$0x12] =	wrdreg s0  }
0x1a: {  	s9 =	sor.u32 $0x103000, s10;
	s7 =	sadd.s32 s11, s6;
	[dreg:$0x14] =	wrdreg s2  }
0x1b: {  	s15 =	sor.u32 $0x203000, s10;
	s8 =	sadd.s32 s3, s6;
	[dreg:$0x1b] =	wrdreg s7  }
0x1c: {  	s17 =	sor.u32 $0x303000, s10;
	s12 =	sadd.s32 s11, s9;
	[dreg:$0x1c] =	wrdreg s8  }
0x1d: {  	s19 =	sor.u32 $0x4000, s10;
	s16 =	sadd.s32 s11, s15;
	[dreg:$0x1e] =	wrdreg s12  }
0x1e: {  	s22 =	sor.u32 $0x104000, s10;
	s18 =	sadd.s32 s11, s17;
	[smem:$0x7E4] =	sst s16  }
0x1f: {  	s4 =	sor.u32 $0x302000, s10;
	s20 =	sadd.s32 s11, s19;
	[smem:$0x7E6] =	sst s18  }
0x20: {  	s21 =	sadd.s32 s3, s19;
	s24 =	sadd.s32 s11, s22;
	[smem:$0x7E8] =	sst s20  }
0x21: {  	s0 =	sadd.s32 s13, s23;
	s5 =	sadd.s32 s11, s4;
	[smem:$0x7E9] =	sst s21  }
0x22: {  	s2 =	sadd.s32 s13, s9;
	s23 =	sor.u32 $0x204000, s10;
	[smem:$0x7EB] =	sst s24  }
0x23: {  	s12 =	sor.u32 $0x105000, s10;
	s16 =	sor.u32 $0x205000, s10;
	[dreg:$0x16] =	wrdreg s0  }
0x24: {  	s18 =	sor.u32 $0x305000, s10;
	s20 =	sor.u32 $0x6000, s10;
	[dreg:$0x19] =	wrdreg s5  }
0x25: {  	s0 =	sadd.s32 s13, s25;
	[dreg:$0x1f] =	wrdreg s2;
	s2 =	sadd.s32 s13, s17  }
0x26: {  	s25 =	sadd.s32 s11, s23;
	s26 =	sadd.s32 s13, s23;
	[dreg:$0x18] =	wrdreg s0  }
0x27: {  	s5 =	sor.u32 $0x5000, s10;
	s17 =	sadd.s32 s11, s16;
	[smem:$0x7E7] =	sst s2  }
0x28: {  	s21 =	sadd.s32 s11, s20;
	s23 =	sor.u32 $0x106000, s10;
	[smem:$0x7ED] =	sst s25  }
0x29: {  	s0 =	sadd.s32 s13, s4;
	[smem:$0x7EE] =	sst s26;
	s2 =	sor.u32 $0x304000, s10  }
0x2a: {  	s7 =	sadd.s32 s11, s5;
	s8 =	sadd.s32 s3, s5;
	[smem:$0x7F6] =	sst s17  }
0x2b: {  	s9 =	sadd.s32 s13, s5;
	[smem:$0x7FA] =	sst s21;
	s24 =	sadd.s32 s11, s23  }
0x2c: {  	s25 =	sor.u32 $0x206000, s10;
	s28 =	sadd.s32 s13, s23;
	[dreg:$0x1a] =	wrdreg s0  }
0x2d: {  	s26 =	sor.u32 $0x306000, s10;
	s5 =	sor.u32 $0x7000, s10;
	[smem:$0x7F1] =	sst s7  }
0x2e: {  	s17 =	simm.s32 $0x5;
	s21 =	simm.s32 $0x4;
	[smem:$0x7F2] =	sst s8  }
0x2f: {  	s0 =	sadd.s32 s13, s6;
	s6 =	sadd.s32 s11, s2;
	[smem:$0x7F3] =	sst s9  }
0x30: {  	[smem:$0x7FD] =	sst s24;
	s29 =	sadd.s32 s11, s25;
	s30 =	sadd.s32 s13, s25  }
0x31: {  	s31 =	sadd.s32 s11, s26;
	s4 =	sadd.s32 s11, s5;
	[dreg:$0x1d] =	wrdreg s0  }
0x32: {  	s7 =	sor.u32 $0x107000, s10;
	s0 =	sadd.s32 s13, s15;
	[smem:$0x7EF] =	sst s6  }
0x33: {  	s8 =	sadd.s32 s11, s10;
	s15 =	sadd.s32 s11, s12;
	[smem:$0x7E5] =	sst s0  }
0x34: {  	s9 =	sadd.s32 s13, s10;
	s0 =	sadd.s32 s13, s19;
	[smem:$0x7F4] =	sst s15  }
0x35: {  	s6 =	sadd.s32 s11, s7;
	s19 =	sadd.s32 s11, s18;
	[smem:$0x7EA] =	sst s0  }
0x36: {  	s7 =	sadd.s32 s13, s7;
	s0 =	sadd.s32 s13, s22;
	[smem:$0x7F8] =	sst s19  }
0x37: {  	s15 =	sor.u32 $0x307000, s10;
	s22 =	sadd.s32 s3, s20;
	[smem:$0x7EC] =	sst s0  }
0x38: {  	s19 =	simm.s32 $0x2;
	s0 =	sadd.s32 s13, s2;
	[smem:$0x7FB] =	sst s22  }
0x39: {  	s2 =	sadd.s32 s3, s10;
	s3 =	sadd.s32 s3, s5;
	s5 =	sadd.s32 s13, s5  }
0x3a: {  	s22 =	simm.s32 $0x0;
	[smem:$0x7F0] =	sst s0;
	s0 =	sadd.s32 s13, s12  }
0x3b: {  	s12 =	sor.u32 $0x207000, s10;
	[smem:$0x7F5] =	sst s0;
	s0 =	sadd.s32 s13, s16  }
0x3c: {  	s10 =	sadd.s32 s11, s12;
	s11 =	sadd.s32 s11, s15;
	s12 =	sadd.s32 s13, s12  }
0x3d: {  	s16 =	simm.s32 $0x1;
	[smem:$0x7F7] =	sst s0;
	s0 =	sadd.s32 s13, s18  }
0x3e: {  	s18 =	simm.s32 $0x8000;
	[smem:$0x7F9] =	sst s0;
	s0 =	sadd.s32 s13, s20  }
0x3f: {  	s20 =	simm.s32 $0x3;
	[smem:$0x7FC] =	sst s0;
	s0 =	sadd.s32 s13, s26  }
0x40: {  	s13 =	sadd.s32 s13, s15;
	s15 =	simm.s32 $0x10000;
	_ =	strace $0x8000004D  }
.LBB2_1:
0x41: {  	[tilespmem:s15], [sflag:$0x5] =	stream.linear.gather [hbm4b:s2+s1], $0x8000, $0x38;
	[tilespmem:$0x18000] =	vst v63  }
0x42: {  	_ = 	snop  }
0x43: {  	[tilespmem:s1], [sflag:$0x1] =	stream.linear.gather [hbm4b:s8+s1], $0x8000, $0x38;
	[tilespmem:$0x18000] =	vst v63  }
0x44: {  	_ =	swait.ge [sflag:s16], $0x8000  }
0x45: {  	[sflag:s16] =	ssyncset.done $0x0  }
0x46: {  	[sflag:s16] =	ssyncadd.s32 $0xFFFF8000  }
0x47: {  	_ =	swait.ge [sflag:s17], $0x8000  }
0x48: {  	[sflag:s17] =	ssyncset.done $0x0  }
0x49: {  	s23 =	rddreg [dreg:$0x3];
	[sflag:s17] =	ssyncadd.s32 $0xFFFF8000  }
0x4a: {  	[tilespmem:s18], [sflag:$0x2] =	stream.linear.gather [hbm4b:s23+s1], $0x8000, $0x38;
	[tilespmem:$0x18000] =	vst v63  }
0x4b: {  	s23 =	simm.s32 $0x40  }
0x4c: {  	s24 =	simm.s32 $0x10040;
	v1 =	vld [tilespmem:s23+$0x30]  }
0x4d: {  	v2 =	vld [tilespmem:s24+$0x30]  }
0x4e: {  	v0 =	vld [tilespmem:s24+$0xFFFFFFC0]  }
0x4f: {  	v3 =	vld [tilespmem:s23+$0xFFFFFFD0]  }
0x50: {  	v4 =	vld [tilespmem:s24+$0xFFFFFFD0]  }
0x51: {  	v5 =	vld [tilespmem:s23+$0xFFFFFFE0]  }
0x52: {  	v6 =	vld [tilespmem:s24+$0xFFFFFFE0]  }
0x53: {  	v7 =	vld [tilespmem:s23+$0xFFFFFFF0]  }
0x54: {  	v8 =	vld [tilespmem:s24+$0xFFFFFFF0]  }
0x55: {  	v9 =	vld [tilespmem:s23+$0x0]  }
0x56: {  	v10 =	vld [tilespmem:s24+$0x0];
	v2 =	vadd.f32 v2, v1  }
0x57: {  	v4 =	vadd.f32 v4, v3;
	v1 =	vld [tilespmem:s23+$0x10]  }
0x58: {  	v5 =	vadd.f32 v6, v5;
	v3 =	vld [tilespmem:s24+$0x10];
	[tilespmem:s23+$0x30] =	vst v2  }
0x59: {  	v6 =	vadd.f32 v8, v7;
	[tilespmem:s23+$0xFFFFFFD0] =	vst v4;
	v2 =	vld [tilespmem:s23+$0x20]  }
0x5a: {  	[tilespmem:s23+$0xFFFFFFE0] =	vst v5;
	v5 =	vld [tilespmem:s24+$0x20]  }
0x5b: {  	s25 =	simm.s32 $0x0;
	s26 =	simm.s32 $0xC0;
	v4 =	vld [tilespmem:s23+$0xFFFFFFC0];
	[tilespmem:s23+$0xFFFFFFF0] =	vst v6;
	v6 =	vadd.f32 v10, v9  }
.LBB2_2:
0x5c: {  	v7 =	vld [tilespmem:s26+$0x30];
	s24 =	sadd.s32 $0x80, s24  }
0x5d: {  	s25 =	sadd.s32 $0x8, s25;
	v8 =	vld [tilespmem:s24+$0x30];
	[tilespmem:s23+$0x0] =	vst v6;
	v1 =	vadd.f32 v3, v1  }
0x5e: {  	p0 =	slt.u32 s25, $0x7F8;
	v3 =	vld [tilespmem:s24+$0xFFFFFFC0]  }
0x5f: {  	v6 =	vld [tilespmem:s26+$0xFFFFFFD0];
	[tilespmem:s23+$0x10] =	vst v1;
	v1 =	vadd.f32 v5, v2  }
0x60: {  	v2 =	vld [tilespmem:s24+$0xFFFFFFD0];
	v9 =	vadd.f32 v0, v4  }
0x61: {  	v4 =	vld [tilespmem:s26+$0xFFFFFFE0];
	[tilespmem:s23+$0x20] =	vst v1  }
0x62: {  	v1 =	vld [tilespmem:s24+$0xFFFFFFE0];
	v5 =	vadd.f32 v8, v7;
	[tilespmem:s23+$0xFFFFFFC0] =	vst v9;
	s23 =	smov.u32 s26  }
0x63: {  	v7 =	vld [tilespmem:s26+$0xFFFFFFF0];
	v0 =	vmov v3  }
0x64: {  	v8 =	vld [tilespmem:s24+$0xFFFFFFF0];
	[tilespmem:s26+$0x30] =	vst v5  }
0x65: {  	v2 =	vadd.f32 v2, v6;
	v6 =	vld [tilespmem:s26+$0x0]  }
0x66: {  	v9 =	vld [tilespmem:s24+$0x0]  }
.Ltmp0:
0x67: {  	[tilespmem:s26+$0xFFFFFFD0] =	vst v2;
	v2 =	vadd.f32 v1, v4;
	v1 =	vld [tilespmem:s26+$0x10];
	(pc) =	sbr.rel @p0 .LBB2_2-.Ltmp0, $4  }
0x68: {  	v3 =	vld [tilespmem:s24+$0x10]  }
0x69: {  	[tilespmem:s26+$0xFFFFFFE0] =	vst v2;
	v7 =	vadd.f32 v8, v7;
	v2 =	vld [tilespmem:s26+$0x20]  }
0x6a: {  	v5 =	vld [tilespmem:s24+$0x20]  }
0x6b: {  	s26 =	sadd.s32 $0x80, s26;
	v4 =	vld [tilespmem:s23+$0xFFFFFFC0];
	[tilespmem:s23+$0xFFFFFFF0] =	vst v7;
	v6 =	vadd.f32 v9, v6  }
0x6c: {  	_ =	sdelay $0x1  }
0x6d: {  	v1 =	vadd.f32 v3, v1  }
0x6e: {  	[tilespmem:s23+$0x0] =	vst v6;
	v2 =	vadd.f32 v5, v2  }
0x6f: {  	[tilespmem:s23+$0x10] =	vst v1;
	v0 =	vadd.f32 v0, v4  }
0x70: {  	[tilespmem:s23+$0x20] =	vst v2  }
0x71: {  	[tilespmem:s23+$0xFFFFFFC0] =	vst v0  }
0x72: {  	[hbm4b:s9+s1] =	stream.linear.scatter [tilespmem:s1], [sflag:$0x3], $0x8000, $0x38;
	[tilespmem:$0x18000] =	vst v63  }
0x73: {  	_ =	swait.ge [sflag:s19], $0x8000  }
0x74: {  	[sflag:s19] =	ssyncset.done $0x0  }
0x75: {  	[sflag:s19] =	ssyncadd.s32 $0xFFFF8000  }
0x76: {  	_ =	swait.ge [sflag:s20], $0x8000  }
0x77: {  	[sflag:s20] =	ssyncset.done $0x0  }
0x78: {  	s23 =	simm.s32 $0x8040;
	s26 =	rddreg [dreg:$0x4];
	[sflag:s20] =	ssyncadd.s32 $0xFFFF8000  }
0x79: {  	[tilespmem:s1], [sflag:$0x1] =	stream.linear.gather [hbm4b:s26+s1], $0x8000, $0x38;
	[tilespmem:$0x18000] =	vst v63  }
0x7a: {  	s24 =	simm.s32 $0x10040;
	v1 =	vld [tilespmem:s23+$0x30]  }
0x7b: {  	v2 =	vld [tilespmem:s24+$0x30]  }
0x7c: {  	v0 =	vld [tilespmem:s24+$0xFFFFFFC0]  }
0x7d: {  	v3 =	vld [tilespmem:s23+$0xFFFFFFD0]  }
0x7e: {  	v4 =	vld [tilespmem:s24+$0xFFFFFFD0]  }
0x7f: {  	v5 =	vld [tilespmem:s23+$0xFFFFFFE0]  }
0x80: {  	v6 =	vld [tilespmem:s24+$0xFFFFFFE0]  }
0x81: {  	v7 =	vld [tilespmem:s23+$0xFFFFFFF0]  }
0x82: {  	v8 =	vld [tilespmem:s24+$0xFFFFFFF0]  }
0x83: {  	v9 =	vld [tilespmem:s23+$0x0]  }
0x84: {  	v10 =	vld [tilespmem:s24+$0x0];
	v2 =	vadd.f32 v2, v1  }
0x85: {  	v4 =	vadd.f32 v4, v3;
	v1 =	vld [tilespmem:s23+$0x10]  }
0x86: {  	v5 =	vadd.f32 v6, v5;
	v3 =	vld [tilespmem:s24+$0x10];
	[tilespmem:s23+$0x30] =	vst v2  }
0x87: {  	v6 =	vadd.f32 v8, v7;
	[tilespmem:s23+$0xFFFFFFD0] =	vst v4;
	v2 =	vld [tilespmem:s23+$0x20]  }
0x88: {  	[tilespmem:s23+$0xFFFFFFE0] =	vst v5;
	v5 =	vld [tilespmem:s24+$0x20]  }
0x89: {  	s25 =	simm.s32 $0x0;
	s26 =	simm.s32 $0x80C0;
	v4 =	vld [tilespmem:s23+$0xFFFFFFC0];
	[tilespmem:s23+$0xFFFFFFF0] =	vst v6;
	v6 =	vadd.f32 v10, v9  }
.LBB2_4:
0x8a: {  	v7 =	vld [tilespmem:s26+$0x30];
	s24 =	sadd.s32 $0x80, s24  }
0x8b: {  	s25 =	sadd.s32 $0x8, s25;
	v8 =	vld [tilespmem:s24+$0x30];
	[tilespmem:s23+$0x0] =	vst v6;
	v1 =	vadd.f32 v3, v1  }
0x8c: {  	p0 =	slt.u32 s25, $0x7F8;
	v3 =	vld [tilespmem:s24+$0xFFFFFFC0]  }
0x8d: {  	v6 =	vld [tilespmem:s26+$0xFFFFFFD0];
	[tilespmem:s23+$0x10] =	vst v1;
	v1 =	vadd.f32 v5, v2  }
0x8e: {  	v2 =	vld [tilespmem:s24+$0xFFFFFFD0];
	v9 =	vadd.f32 v0, v4  }
0x8f: {  	v4 =	vld [tilespmem:s26+$0xFFFFFFE0];
	[tilespmem:s23+$0x20] =	vst v1  }
0x90: {  	v1 =	vld [tilespmem:s24+$0xFFFFFFE0];
	v5 =	vadd.f32 v8, v7;
	[tilespmem:s23+$0xFFFFFFC0] =	vst v9;
	s23 =	smov.u32 s26  }
0x91: {  	v7 =	vld [tilespmem:s26+$0xFFFFFFF0];
	v0 =	vmov v3  }
0x92: {  	v8 =	vld [tilespmem:s24+$0xFFFFFFF0];
	[tilespmem:s26+$0x30] =	vst v5  }
0x93: {  	v2 =	vadd.f32 v2, v6;
	v6 =	vld [tilespmem:s26+$0x0]  }
0x94: {  	v9 =	vld [tilespmem:s24+$0x0]  }
.Ltmp1:
0x95: {  	[tilespmem:s26+$0xFFFFFFD0] =	vst v2;
	v2 =	vadd.f32 v1, v4;
	v1 =	vld [tilespmem:s26+$0x10];
	(pc) =	sbr.rel @p0 .LBB2_4-.Ltmp1, $4  }
0x96: {  	v3 =	vld [tilespmem:s24+$0x10]  }
0x97: {  	[tilespmem:s26+$0xFFFFFFE0] =	vst v2;
	v7 =	vadd.f32 v8, v7;
	v2 =	vld [tilespmem:s26+$0x20]  }
0x98: {  	v5 =	vld [tilespmem:s24+$0x20]  }
0x99: {  	s26 =	sadd.s32 $0x80, s26;
	v4 =	vld [tilespmem:s23+$0xFFFFFFC0];
	[tilespmem:s23+$0xFFFFFFF0] =	vst v7;
	v6 =	vadd.f32 v9, v6  }
0x9a: {  	_ =	sdelay $0x1  }
0x9b: {  	v1 =	vadd.f32 v3, v1  }
0x9c: {  	[tilespmem:s23+$0x0] =	vst v6;
	v2 =	vadd.f32 v5, v2  }
0x9d: {  	[tilespmem:s23+$0x10] =	vst v1;
	v0 =	vadd.f32 v0, v4  }
0x9e: {  	[tilespmem:s23+$0x20] =	vst v2  }
0x9f: {  	[tilespmem:s23+$0xFFFFFFC0] =	vst v0  }
0xa0: {  	s23 =	rddreg [dreg:$0x5]  }
0xa1: {  	[hbm4b:s23+s1] =	stream.linear.scatter [tilespmem:s18], [sflag:$0x4], $0x8000, $0x38;
	[tilespmem:$0x18000] =	vst v63  }
0xa2: {  	_ =	swait.ge [sflag:s16], $0x8000  }
0xa3: {  	[sflag:s16] =	ssyncset.done $0x0  }
0xa4: {  	[sflag:s16] =	ssyncadd.s32 $0xFFFF8000  }
0xa5: {  	_ =	swait.ge [sflag:s21], $0x8000  }
0xa6: {  	[sflag:s21] =	ssyncset.done $0x0  }
0xa7: {  	s23 =	simm.s32 $0x40;
	s26 =	rddreg [dreg:$0x6];
	[sflag:s21] =	ssyncadd.s32 $0xFFFF8000  }
0xa8: {  	[tilespmem:s18], [sflag:$0x2] =	stream.linear.gather [hbm4b:s26+s1], $0x8000, $0x38;
	[tilespmem:$0x18000] =	vst v63  }
0xa9: {  	s24 =	simm.s32 $0x10040;
	v1 =	vld [tilespmem:s23+$0x30]  }
0xaa: {  	v2 =	vld [tilespmem:s24+$0x30]  }
0xab: {  	v0 =	vld [tilespmem:s24+$0xFFFFFFC0]  }
0xac: {  	v3 =	vld [tilespmem:s23+$0xFFFFFFD0]  }
0xad: {  	v4 =	vld [tilespmem:s24+$0xFFFFFFD0]  }
0xae: {  	v5 =	vld [tilespmem:s23+$0xFFFFFFE0]  }
0xaf: {  	v6 =	vld [tilespmem:s24+$0xFFFFFFE0]  }
0xb0: {  	v7 =	vld [tilespmem:s23+$0xFFFFFFF0]  }
0xb1: {  	v8 =	vld [tilespmem:s24+$0xFFFFFFF0]  }
0xb2: {  	v9 =	vld [tilespmem:s23+$0x0]  }
0xb3: {  	v10 =	vld [tilespmem:s24+$0x0];
	v2 =	vadd.f32 v2, v1  }
0xb4: {  	v4 =	vadd.f32 v4, v3;
	v1 =	vld [tilespmem:s23+$0x10]  }
0xb5: {  	v5 =	vadd.f32 v6, v5;
	v3 =	vld [tilespmem:s24+$0x10];
	[tilespmem:s23+$0x30] =	vst v2  }
0xb6: {  	v6 =	vadd.f32 v8, v7;
	[tilespmem:s23+$0xFFFFFFD0] =	vst v4;
	v2 =	vld [tilespmem:s23+$0x20]  }
0xb7: {  	[tilespmem:s23+$0xFFFFFFE0] =	vst v5;
	v5 =	vld [tilespmem:s24+$0x20]  }
0xb8: {  	s25 =	simm.s32 $0x0;
	s26 =	simm.s32 $0xC0;
	v4 =	vld [tilespmem:s23+$0xFFFFFFC0];
	[tilespmem:s23+$0xFFFFFFF0] =	vst v6;
	v6 =	vadd.f32 v10, v9  }
.LBB2_6:
0xb9: {  	v7 =	vld [tilespmem:s26+$0x30];
	s24 =	sadd.s32 $0x80, s24  }
0xba: {  	s25 =	sadd.s32 $0x8, s25;
	v8 =	vld [tilespmem:s24+$0x30];
	[tilespmem:s23+$0x0] =	vst v6;
	v1 =	vadd.f32 v3, v1  }
0xbb: {  	p0 =	slt.u32 s25, $0x7F8;
	v3 =	vld [tilespmem:s24+$0xFFFFFFC0]  }
0xbc: {  	v6 =	vld [tilespmem:s26+$0xFFFFFFD0];
	[tilespmem:s23+$0x10] =	vst v1;
	v1 =	vadd.f32 v5, v2  }
0xbd: {  	v2 =	vld [tilespmem:s24+$0xFFFFFFD0];
	v9 =	vadd.f32 v0, v4  }
0xbe: {  	v4 =	vld [tilespmem:s26+$0xFFFFFFE0];
	[tilespmem:s23+$0x20] =	vst v1  }
0xbf: {  	v1 =	vld [tilespmem:s24+$0xFFFFFFE0];
	v5 =	vadd.f32 v8, v7;
	[tilespmem:s23+$0xFFFFFFC0] =	vst v9;
	s23 =	smov.u32 s26  }
0xc0: {  	v7 =	vld [tilespmem:s26+$0xFFFFFFF0];
	v0 =	vmov v3  }
0xc1: {  	v8 =	vld [tilespmem:s24+$0xFFFFFFF0];
	[tilespmem:s26+$0x30] =	vst v5  }
0xc2: {  	v2 =	vadd.f32 v2, v6;
	v6 =	vld [tilespmem:s26+$0x0]  }
0xc3: {  	v9 =	vld [tilespmem:s24+$0x0]  }
.Ltmp2:
0xc4: {  	[tilespmem:s26+$0xFFFFFFD0] =	vst v2;
	v2 =	vadd.f32 v1, v4;
	v1 =	vld [tilespmem:s26+$0x10];
	(pc) =	sbr.rel @p0 .LBB2_6-.Ltmp2, $4  }
0xc5: {  	v3 =	vld [tilespmem:s24+$0x10]  }
0xc6: {  	[tilespmem:s26+$0xFFFFFFE0] =	vst v2;
	v7 =	vadd.f32 v8, v7;
	v2 =	vld [tilespmem:s26+$0x20]  }
0xc7: {  	v5 =	vld [tilespmem:s24+$0x20]  }
0xc8: {  	s26 =	sadd.s32 $0x80, s26;
	v4 =	vld [tilespmem:s23+$0xFFFFFFC0];
	[tilespmem:s23+$0xFFFFFFF0] =	vst v7;
	v6 =	vadd.f32 v9, v6  }
0xc9: {  	_ =	sdelay $0x1  }
0xca: {  	v1 =	vadd.f32 v3, v1  }
0xcb: {  	[tilespmem:s23+$0x0] =	vst v6;
	v2 =	vadd.f32 v5, v2  }
0xcc: {  	[tilespmem:s23+$0x10] =	vst v1;
	v0 =	vadd.f32 v0, v4  }
0xcd: {  	[tilespmem:s23+$0x20] =	vst v2  }
0xce: {  	[tilespmem:s23+$0xFFFFFFC0] =	vst v0  }
0xcf: {  	s23 =	rddreg [dreg:$0x7]  }
0xd0: {  	[hbm4b:s23+s1] =	stream.linear.scatter [tilespmem:s1], [sflag:$0x3], $0x8000, $0x38;
	[tilespmem:$0x18000] =	vst v63  }
0xd1: {  	_ =	swait.ge [sflag:s19], $0x8000  }
0xd2: {  	[sflag:s19] =	ssyncset.done $0x0  }
0xd3: {  	[sflag:s19] =	ssyncadd.s32 $0xFFFF8000  }
0xd4: {  	_ =	swait.ge [sflag:s20], $0x8000  }
0xd5: {  	[sflag:s20] =	ssyncset.done $0x0  }
0xd6: {  	s23 =	simm.s32 $0x8040;
	s26 =	rddreg [dreg:$0x8];
	[sflag:s20] =	ssyncadd.s32 $0xFFFF8000  }
0xd7: {  	[tilespmem:s1], [sflag:$0x1] =	stream.linear.gather [hbm4b:s26+s1], $0x8000, $0x38;
	[tilespmem:$0x18000] =	vst v63  }
0xd8: {  	s24 =	simm.s32 $0x10040;
	v1 =	vld [tilespmem:s23+$0x30]  }
0xd9: {  	v2 =	vld [tilespmem:s24+$0x30]  }
0xda: {  	v0 =	vld [tilespmem:s24+$0xFFFFFFC0]  }
0xdb: {  	v3 =	vld [tilespmem:s23+$0xFFFFFFD0]  }
0xdc: {  	v4 =	vld [tilespmem:s24+$0xFFFFFFD0]  }
0xdd: {  	v5 =	vld [tilespmem:s23+$0xFFFFFFE0]  }
0xde: {  	v6 =	vld [tilespmem:s24+$0xFFFFFFE0]  }
0xdf: {  	v7 =	vld [tilespmem:s23+$0xFFFFFFF0]  }
0xe0: {  	v8 =	vld [tilespmem:s24+$0xFFFFFFF0]  }
0xe1: {  	v9 =	vld [tilespmem:s23+$0x0]  }
0xe2: {  	v10 =	vld [tilespmem:s24+$0x0];
	v2 =	vadd.f32 v2, v1  }
0xe3: {  	v4 =	vadd.f32 v4, v3;
	v1 =	vld [tilespmem:s23+$0x10]  }
0xe4: {  	v5 =	vadd.f32 v6, v5;
	v3 =	vld [tilespmem:s24+$0x10];
	[tilespmem:s23+$0x30] =	vst v2  }
0xe5: {  	v6 =	vadd.f32 v8, v7;
	[tilespmem:s23+$0xFFFFFFD0] =	vst v4;
	v2 =	vld [tilespmem:s23+$0x20]  }
0xe6: {  	[tilespmem:s23+$0xFFFFFFE0] =	vst v5;
	v5 =	vld [tilespmem:s24+$0x20]  }
0xe7: {  	s25 =	simm.s32 $0x0;
	s26 =	simm.s32 $0x80C0;
	v4 =	vld [tilespmem:s23+$0xFFFFFFC0];
	[tilespmem:s23+$0xFFFFFFF0] =	vst v6;
	v6 =	vadd.f32 v10, v9  }
.LBB2_8:
0xe8: {  	v7 =	vld [tilespmem:s26+$0x30];
	s24 =	sadd.s32 $0x80, s24  }
0xe9: {  	s25 =	sadd.s32 $0x8, s25;
	v8 =	vld [tilespmem:s24+$0x30];
	[tilespmem:s23+$0x0] =	vst v6;
	v1 =	vadd.f32 v3, v1  }
0xea: {  	p0 =	slt.u32 s25, $0x7F8;
	v3 =	vld [tilespmem:s24+$0xFFFFFFC0]  }
0xeb: {  	v6 =	vld [tilespmem:s26+$0xFFFFFFD0];
	[tilespmem:s23+$0x10] =	vst v1;
	v1 =	vadd.f32 v5, v2  }
0xec: {  	v2 =	vld [tilespmem:s24+$0xFFFFFFD0];
	v9 =	vadd.f32 v0, v4  }
0xed: {  	v4 =	vld [tilespmem:s26+$0xFFFFFFE0];
	[tilespmem:s23+$0x20] =	vst v1  }
0xee: {  	v1 =	vld [tilespmem:s24+$0xFFFFFFE0];
	v5 =	vadd.f32 v8, v7;
	[tilespmem:s23+$0xFFFFFFC0] =	vst v9;
	s23 =	smov.u32 s26  }
0xef: {  	v7 =	vld [tilespmem:s26+$0xFFFFFFF0];
	v0 =	vmov v3  }
0xf0: {  	v8 =	vld [tilespmem:s24+$0xFFFFFFF0];
	[tilespmem:s26+$0x30] =	vst v5  }
0xf1: {  	v2 =	vadd.f32 v2, v6;
	v6 =	vld [tilespmem:s26+$0x0]  }
0xf2: {  	v9 =	vld [tilespmem:s24+$0x0]  }
.Ltmp3:
0xf3: {  	[tilespmem:s26+$0xFFFFFFD0] =	vst v2;
	v2 =	vadd.f32 v1, v4;
	v1 =	vld [tilespmem:s26+$0x10];
	(pc) =	sbr.rel @p0 .LBB2_8-.Ltmp3, $4  }
0xf4: {  	v3 =	vld [tilespmem:s24+$0x10]  }
0xf5: {  	[tilespmem:s26+$0xFFFFFFE0] =	vst v2;
	v7 =	vadd.f32 v8, v7;
	v2 =	vld [tilespmem:s26+$0x20]  }
0xf6: {  	v5 =	vld [tilespmem:s24+$0x20]  }
0xf7: {  	s26 =	sadd.s32 $0x80, s26;
	v4 =	vld [tilespmem:s23+$0xFFFFFFC0];
	[tilespmem:s23+$0xFFFFFFF0] =	vst v7;
	v6 =	vadd.f32 v9, v6  }
0xf8: {  	_ =	sdelay $0x1  }
0xf9: {  	v1 =	vadd.f32 v3, v1  }
0xfa: {  	[tilespmem:s23+$0x0] =	vst v6;
	v2 =	vadd.f32 v5, v2  }
0xfb: {  	[tilespmem:s23+$0x10] =	vst v1;
	v0 =	vadd.f32 v0, v4  }
0xfc: {  	[tilespmem:s23+$0x20] =	vst v2  }
0xfd: {  	[tilespmem:s23+$0xFFFFFFC0] =	vst v0  }
0xfe: {  	s23 =	rddreg [dreg:$0x9]  }
0xff: {  	[hbm4b:s23+s1] =	stream.linear.scatter [tilespmem:s18], [sflag:$0x4], $0x8000, $0x38;
	[tilespmem:$0x18000] =	vst v63  }
0x100: {  	s25 =	rddreg [dreg:$0xa]  }
0x101: {  	[tilespmem:s15], [sflag:$0x5] =	stream.linear.gather [hbm4b:s25+s1], $0x8000, $0x38;
	[tilespmem:$0x18000] =	vst v63  }
0x102: {  	_ =	swait.ge [sflag:s16], $0x8000  }
0x103: {  	[sflag:s16] =	ssyncset.done $0x0  }
0x104: {  	[sflag:s16] =	ssyncadd.s32 $0xFFFF8000  }
0x105: {  	_ =	swait.ge [sflag:s17], $0x8000  }
0x106: {  	[sflag:s17] =	ssyncset.done $0x0  }
0x107: {  	[sflag:s17] =	ssyncadd.s32 $0xFFFF8000  }
0x108: {  	_ =	swait.ge [sflag:s21], $0x8000  }
0x109: {  	[sflag:s21] =	ssyncset.done $0x0  }
0x10a: {  	s23 =	simm.s32 $0x40;
	s26 =	rddreg [dreg:$0xb];
	[sflag:s21] =	ssyncadd.s32 $0xFFFF8000  }
0x10b: {  	[tilespmem:s18], [sflag:$0x2] =	stream.linear.gather [hbm4b:s26+s1], $0x8000, $0x38;
	[tilespmem:$0x18000] =	vst v63  }
0x10c: {  	s24 =	simm.s32 $0x10040;
	v1 =	vld [tilespmem:s23+$0x30]  }
0x10d: {  	v2 =	vld [tilespmem:s24+$0x30]  }
0x10e: {  	v0 =	vld [tilespmem:s24+$0xFFFFFFC0]  }
0x10f: {  	v3 =	vld [tilespmem:s23+$0xFFFFFFD0]  }
0x110: {  	v4 =	vld [tilespmem:s24+$0xFFFFFFD0]  }
0x111: {  	v5 =	vld [tilespmem:s23+$0xFFFFFFE0]  }
0x112: {  	v6 =	vld [tilespmem:s24+$0xFFFFFFE0]  }
0x113: {  	v7 =	vld [tilespmem:s23+$0xFFFFFFF0]  }
0x114: {  	v8 =	vld [tilespmem:s24+$0xFFFFFFF0]  }
0x115: {  	v9 =	vld [tilespmem:s23+$0x0]  }
0x116: {  	v10 =	vld [tilespmem:s24+$0x0];
	v2 =	vadd.f32 v2, v1  }
0x117: {  	v4 =	vadd.f32 v4, v3;
	v1 =	vld [tilespmem:s23+$0x10]  }
0x118: {  	v5 =	vadd.f32 v6, v5;
	v3 =	vld [tilespmem:s24+$0x10];
	[tilespmem:s23+$0x30] =	vst v2  }
0x119: {  	v6 =	vadd.f32 v8, v7;
	[tilespmem:s23+$0xFFFFFFD0] =	vst v4;
	v2 =	vld [tilespmem:s23+$0x20]  }
0x11a: {  	[tilespmem:s23+$0xFFFFFFE0] =	vst v5;
	v5 =	vld [tilespmem:s24+$0x20]  }
0x11b: {  	s25 =	simm.s32 $0x0;
	s26 =	simm.s32 $0xC0;
	v4 =	vld [tilespmem:s23+$0xFFFFFFC0];
	[tilespmem:s23+$0xFFFFFFF0] =	vst v6;
	v6 =	vadd.f32 v10, v9  }
.LBB2_10:
0x11c: {  	v7 =	vld [tilespmem:s26+$0x30];
	s24 =	sadd.s32 $0x80, s24  }
0x11d: {  	s25 =	sadd.s32 $0x8, s25;
	v8 =	vld [tilespmem:s24+$0x30];
	[tilespmem:s23+$0x0] =	vst v6;
	v1 =	vadd.f32 v3, v1  }
0x11e: {  	p0 =	slt.u32 s25, $0x7F8;
	v3 =	vld [tilespmem:s24+$0xFFFFFFC0]  }
0x11f: {  	v6 =	vld [tilespmem:s26+$0xFFFFFFD0];
	[tilespmem:s23+$0x10] =	vst v1;
	v1 =	vadd.f32 v5, v2  }
0x120: {  	v2 =	vld [tilespmem:s24+$0xFFFFFFD0];
	v9 =	vadd.f32 v0, v4  }
0x121: {  	v4 =	vld [tilespmem:s26+$0xFFFFFFE0];
	[tilespmem:s23+$0x20] =	vst v1  }
0x122: {  	v1 =	vld [tilespmem:s24+$0xFFFFFFE0];
	v5 =	vadd.f32 v8, v7;
	[tilespmem:s23+$0xFFFFFFC0] =	vst v9;
	s23 =	smov.u32 s26  }
0x123: {  	v7 =	vld [tilespmem:s26+$0xFFFFFFF0];
	v0 =	vmov v3  }
0x124: {  	v8 =	vld [tilespmem:s24+$0xFFFFFFF0];
	[tilespmem:s26+$0x30] =	vst v5  }
0x125: {  	v2 =	vadd.f32 v2, v6;
	v6 =	vld [tilespmem:s26+$0x0]  }
0x126: {  	v9 =	vld [tilespmem:s24+$0x0]  }
.Ltmp4:
0x127: {  	[tilespmem:s26+$0xFFFFFFD0] =	vst v2;
	v2 =	vadd.f32 v1, v4;
	v1 =	vld [tilespmem:s26+$0x10];
	(pc) =	sbr.rel @p0 .LBB2_10-.Ltmp4, $4  }
0x128: {  	v3 =	vld [tilespmem:s24+$0x10]  }
0x129: {  	[tilespmem:s26+$0xFFFFFFE0] =	vst v2;
	v7 =	vadd.f32 v8, v7;
	v2 =	vld [tilespmem:s26+$0x20]  }
0x12a: {  	v5 =	vld [tilespmem:s24+$0x20]  }
0x12b: {  	s26 =	sadd.s32 $0x80, s26;
	v4 =	vld [tilespmem:s23+$0xFFFFFFC0];
	[tilespmem:s23+$0xFFFFFFF0] =	vst v7;
	v6 =	vadd.f32 v9, v6  }
0x12c: {  	_ =	sdelay $0x1  }
0x12d: {  	v1 =	vadd.f32 v3, v1  }
0x12e: {  	[tilespmem:s23+$0x0] =	vst v6;
	v2 =	vadd.f32 v5, v2  }
0x12f: {  	[tilespmem:s23+$0x10] =	vst v1;
	v0 =	vadd.f32 v0, v4  }
0x130: {  	[tilespmem:s23+$0x20] =	vst v2  }
0x131: {  	[tilespmem:s23+$0xFFFFFFC0] =	vst v0  }
0x132: {  	s23 =	rddreg [dreg:$0xc]  }
0x133: {  	[hbm4b:s23+s1] =	stream.linear.scatter [tilespmem:s1], [sflag:$0x3], $0x8000, $0x38;
	[tilespmem:$0x18000] =	vst v63  }
0x134: {  	_ =	swait.ge [sflag:s19], $0x8000  }
0x135: {  	[sflag:s19] =	ssyncset.done $0x0  }
0x136: {  	[sflag:s19] =	ssyncadd.s32 $0xFFFF8000  }
0x137: {  	_ =	swait.ge [sflag:s20], $0x8000  }
0x138: {  	[sflag:s20] =	ssyncset.done $0x0  }
0x139: {  	s23 =	simm.s32 $0x8040;
	s26 =	rddreg [dreg:$0xd];
	[sflag:s20] =	ssyncadd.s32 $0xFFFF8000  }
0x13a: {  	[tilespmem:s1], [sflag:$0x1] =	stream.linear.gather [hbm4b:s26+s1], $0x8000, $0x38;
	[tilespmem:$0x18000] =	vst v63  }
0x13b: {  	s24 =	simm.s32 $0x10040;
	v1 =	vld [tilespmem:s23+$0x30]  }
0x13c: {  	v2 =	vld [tilespmem:s24+$0x30]  }
0x13d: {  	v0 =	vld [tilespmem:s24+$0xFFFFFFC0]  }
0x13e: {  	v3 =	vld [tilespmem:s23+$0xFFFFFFD0]  }
0x13f: {  	v4 =	vld [tilespmem:s24+$0xFFFFFFD0]  }
0x140: {  	v5 =	vld [tilespmem:s23+$0xFFFFFFE0]  }
0x141: {  	v6 =	vld [tilespmem:s24+$0xFFFFFFE0]  }
0x142: {  	v7 =	vld [tilespmem:s23+$0xFFFFFFF0]  }
0x143: {  	v8 =	vld [tilespmem:s24+$0xFFFFFFF0]  }
0x144: {  	v9 =	vld [tilespmem:s23+$0x0]  }
0x145: {  	v10 =	vld [tilespmem:s24+$0x0];
	v2 =	vadd.f32 v2, v1  }
0x146: {  	v4 =	vadd.f32 v4, v3;
	v1 =	vld [tilespmem:s23+$0x10]  }
0x147: {  	v5 =	vadd.f32 v6, v5;
	v3 =	vld [tilespmem:s24+$0x10];
	[tilespmem:s23+$0x30] =	vst v2  }
0x148: {  	v6 =	vadd.f32 v8, v7;
	[tilespmem:s23+$0xFFFFFFD0] =	vst v4;
	v2 =	vld [tilespmem:s23+$0x20]  }
0x149: {  	[tilespmem:s23+$0xFFFFFFE0] =	vst v5;
	v5 =	vld [tilespmem:s24+$0x20]  }
0x14a: {  	s25 =	simm.s32 $0x0;
	s26 =	simm.s32 $0x80C0;
	v4 =	vld [tilespmem:s23+$0xFFFFFFC0];
	[tilespmem:s23+$0xFFFFFFF0] =	vst v6;
	v6 =	vadd.f32 v10, v9  }
.LBB2_12:
0x14b: {  	v7 =	vld [tilespmem:s26+$0x30];
	s24 =	sadd.s32 $0x80, s24  }
0x14c: {  	s25 =	sadd.s32 $0x8, s25;
	v8 =	vld [tilespmem:s24+$0x30];
	[tilespmem:s23+$0x0] =	vst v6;
	v1 =	vadd.f32 v3, v1  }
0x14d: {  	p0 =	slt.u32 s25, $0x7F8;
	v3 =	vld [tilespmem:s24+$0xFFFFFFC0]  }
0x14e: {  	v6 =	vld [tilespmem:s26+$0xFFFFFFD0];
	[tilespmem:s23+$0x10] =	vst v1;
	v1 =	vadd.f32 v5, v2  }
0x14f: {  	v2 =	vld [tilespmem:s24+$0xFFFFFFD0];
	v9 =	vadd.f32 v0, v4  }
0x150: {  	v4 =	vld [tilespmem:s26+$0xFFFFFFE0];
	[tilespmem:s23+$0x20] =	vst v1  }
0x151: {  	v1 =	vld [tilespmem:s24+$0xFFFFFFE0];
	v5 =	vadd.f32 v8, v7;
	[tilespmem:s23+$0xFFFFFFC0] =	vst v9;
	s23 =	smov.u32 s26  }
0x152: {  	v7 =	vld [tilespmem:s26+$0xFFFFFFF0];
	v0 =	vmov v3  }
0x153: {  	v8 =	vld [tilespmem:s24+$0xFFFFFFF0];
	[tilespmem:s26+$0x30] =	vst v5  }
0x154: {  	v2 =	vadd.f32 v2, v6;
	v6 =	vld [tilespmem:s26+$0x0]  }
0x155: {  	v9 =	vld [tilespmem:s24+$0x0]  }
.Ltmp5:
0x156: {  	[tilespmem:s26+$0xFFFFFFD0] =	vst v2;
	v2 =	vadd.f32 v1, v4;
	v1 =	vld [tilespmem:s26+$0x10];
	(pc) =	sbr.rel @p0 .LBB2_12-.Ltmp5, $4  }
0x157: {  	v3 =	vld [tilespmem:s24+$0x10]  }
0x158: {  	[tilespmem:s26+$0xFFFFFFE0] =	vst v2;
	v7 =	vadd.f32 v8, v7;
	v2 =	vld [tilespmem:s26+$0x20]  }
0x159: {  	v5 =	vld [tilespmem:s24+$0x20]  }
0x15a: {  	s26 =	sadd.s32 $0x80, s26;
	v4 =	vld [tilespmem:s23+$0xFFFFFFC0];
	[tilespmem:s23+$0xFFFFFFF0] =	vst v7;
	v6 =	vadd.f32 v9, v6  }
0x15b: {  	_ =	sdelay $0x1  }
0x15c: {  	v1 =	vadd.f32 v3, v1  }
0x15d: {  	[tilespmem:s23+$0x0] =	vst v6;
	v2 =	vadd.f32 v5, v2  }
0x15e: {  	[tilespmem:s23+$0x10] =	vst v1;
	v0 =	vadd.f32 v0, v4  }
0x15f: {  	[tilespmem:s23+$0x20] =	vst v2  }
0x160: {  	[tilespmem:s23+$0xFFFFFFC0] =	vst v0  }
0x161: {  	s23 =	rddreg [dreg:$0xe]  }
0x162: {  	[hbm4b:s23+s1] =	stream.linear.scatter [tilespmem:s18], [sflag:$0x4], $0x8000, $0x38;
	[tilespmem:$0x18000] =	vst v63  }
0x163: {  	_ =	swait.ge [sflag:s16], $0x8000  }
0x164: {  	[sflag:s16] =	ssyncset.done $0x0  }
0x165: {  	[sflag:s16] =	ssyncadd.s32 $0xFFFF8000  }
0x166: {  	_ =	swait.ge [sflag:s21], $0x8000  }
0x167: {  	[sflag:s21] =	ssyncset.done $0x0  }
0x168: {  	s23 =	simm.s32 $0x40;
	s26 =	rddreg [dreg:$0xf];
	[sflag:s21] =	ssyncadd.s32 $0xFFFF8000  }
0x169: {  	[tilespmem:s18], [sflag:$0x2] =	stream.linear.gather [hbm4b:s26+s1], $0x8000, $0x38;
	[tilespmem:$0x18000] =	vst v63  }
0x16a: {  	s24 =	simm.s32 $0x10040;
	v1 =	vld [tilespmem:s23+$0x30]  }
0x16b: {  	v2 =	vld [tilespmem:s24+$0x30]  }
0x16c: {  	v0 =	vld [tilespmem:s24+$0xFFFFFFC0]  }
0x16d: {  	v3 =	vld [tilespmem:s23+$0xFFFFFFD0]  }
0x16e: {  	v4 =	vld [tilespmem:s24+$0xFFFFFFD0]  }
0x16f: {  	v5 =	vld [tilespmem:s23+$0xFFFFFFE0]  }
0x170: {  	v6 =	vld [tilespmem:s24+$0xFFFFFFE0]  }
0x171: {  	v7 =	vld [tilespmem:s23+$0xFFFFFFF0]  }
0x172: {  	v8 =	vld [tilespmem:s24+$0xFFFFFFF0]  }
0x173: {  	v9 =	vld [tilespmem:s23+$0x0]  }
0x174: {  	v10 =	vld [tilespmem:s24+$0x0];
	v2 =	vadd.f32 v2, v1  }
0x175: {  	v4 =	vadd.f32 v4, v3;
	v1 =	vld [tilespmem:s23+$0x10]  }
0x176: {  	v5 =	vadd.f32 v6, v5;
	v3 =	vld [tilespmem:s24+$0x10];
	[tilespmem:s23+$0x30] =	vst v2  }
0x177: {  	v6 =	vadd.f32 v8, v7;
	[tilespmem:s23+$0xFFFFFFD0] =	vst v4;
	v2 =	vld [tilespmem:s23+$0x20]  }
0x178: {  	[tilespmem:s23+$0xFFFFFFE0] =	vst v5;
	v5 =	vld [tilespmem:s24+$0x20]  }
0x179: {  	s25 =	simm.s32 $0x0;
	s26 =	simm.s32 $0xC0;
	v4 =	vld [tilespmem:s23+$0xFFFFFFC0];
	[tilespmem:s23+$0xFFFFFFF0] =	vst v6;
	v6 =	vadd.f32 v10, v9  }
.LBB2_14:
0x17a: {  	v7 =	vld [tilespmem:s26+$0x30];
	s24 =	sadd.s32 $0x80, s24  }
0x17b: {  	s25 =	sadd.s32 $0x8, s25;
	v8 =	vld [tilespmem:s24+$0x30];
	[tilespmem:s23+$0x0] =	vst v6;
	v1 =	vadd.f32 v3, v1  }
0x17c: {  	p0 =	slt.u32 s25, $0x7F8;
	v3 =	vld [tilespmem:s24+$0xFFFFFFC0]  }
0x17d: {  	v6 =	vld [tilespmem:s26+$0xFFFFFFD0];
	[tilespmem:s23+$0x10] =	vst v1;
	v1 =	vadd.f32 v5, v2  }
0x17e: {  	v2 =	vld [tilespmem:s24+$0xFFFFFFD0];
	v9 =	vadd.f32 v0, v4  }
0x17f: {  	v4 =	vld [tilespmem:s26+$0xFFFFFFE0];
	[tilespmem:s23+$0x20] =	vst v1  }
0x180: {  	v1 =	vld [tilespmem:s24+$0xFFFFFFE0];
	v5 =	vadd.f32 v8, v7;
	[tilespmem:s23+$0xFFFFFFC0] =	vst v9;
	s23 =	smov.u32 s26  }
0x181: {  	v7 =	vld [tilespmem:s26+$0xFFFFFFF0];
	v0 =	vmov v3  }
0x182: {  	v8 =	vld [tilespmem:s24+$0xFFFFFFF0];
	[tilespmem:s26+$0x30] =	vst v5  }
0x183: {  	v2 =	vadd.f32 v2, v6;
	v6 =	vld [tilespmem:s26+$0x0]  }
0x184: {  	v9 =	vld [tilespmem:s24+$0x0]  }
.Ltmp6:
0x185: {  	[tilespmem:s26+$0xFFFFFFD0] =	vst v2;
	v2 =	vadd.f32 v1, v4;
	v1 =	vld [tilespmem:s26+$0x10];
	(pc) =	sbr.rel @p0 .LBB2_14-.Ltmp6, $4  }
0x186: {  	v3 =	vld [tilespmem:s24+$0x10]  }
0x187: {  	[tilespmem:s26+$0xFFFFFFE0] =	vst v2;
	v7 =	vadd.f32 v8, v7;
	v2 =	vld [tilespmem:s26+$0x20]  }
0x188: {  	v5 =	vld [tilespmem:s24+$0x20]  }
0x189: {  	s26 =	sadd.s32 $0x80, s26;
	v4 =	vld [tilespmem:s23+$0xFFFFFFC0];
	[tilespmem:s23+$0xFFFFFFF0] =	vst v7;
	v6 =	vadd.f32 v9, v6  }
0x18a: {  	_ =	sdelay $0x1  }
0x18b: {  	v1 =	vadd.f32 v3, v1  }
0x18c: {  	[tilespmem:s23+$0x0] =	vst v6;
	v2 =	vadd.f32 v5, v2  }
0x18d: {  	[tilespmem:s23+$0x10] =	vst v1;
	v0 =	vadd.f32 v0, v4  }
0x18e: {  	[tilespmem:s23+$0x20] =	vst v2  }
0x18f: {  	[tilespmem:s23+$0xFFFFFFC0] =	vst v0  }
0x190: {  	s23 =	rddreg [dreg:$0x10]  }
0x191: {  	[hbm4b:s23+s1] =	stream.linear.scatter [tilespmem:s1], [sflag:$0x3], $0x8000, $0x38;
	[tilespmem:$0x18000] =	vst v63  }
0x192: {  	_ =	swait.ge [sflag:s19], $0x8000  }
0x193: {  	[sflag:s19] =	ssyncset.done $0x0  }
0x194: {  	[sflag:s19] =	ssyncadd.s32 $0xFFFF8000  }
0x195: {  	_ =	swait.ge [sflag:s20], $0x8000  }
0x196: {  	[sflag:s20] =	ssyncset.done $0x0  }
0x197: {  	s23 =	simm.s32 $0x8040;
	s26 =	rddreg [dreg:$0x11];
	[sflag:s20] =	ssyncadd.s32 $0xFFFF8000  }
0x198: {  	[tilespmem:s1], [sflag:$0x1] =	stream.linear.gather [hbm4b:s26+s1], $0x8000, $0x38;
	[tilespmem:$0x18000] =	vst v63  }
0x199: {  	s24 =	simm.s32 $0x10040;
	v1 =	vld [tilespmem:s23+$0x30]  }
0x19a: {  	v2 =	vld [tilespmem:s24+$0x30]  }
0x19b: {  	v0 =	vld [tilespmem:s24+$0xFFFFFFC0]  }
0x19c: {  	v3 =	vld [tilespmem:s23+$0xFFFFFFD0]  }
0x19d: {  	v4 =	vld [tilespmem:s24+$0xFFFFFFD0]  }
0x19e: {  	v5 =	vld [tilespmem:s23+$0xFFFFFFE0]  }
0x19f: {  	v6 =	vld [tilespmem:s24+$0xFFFFFFE0]  }
0x1a0: {  	v7 =	vld [tilespmem:s23+$0xFFFFFFF0]  }
0x1a1: {  	v8 =	vld [tilespmem:s24+$0xFFFFFFF0]  }
0x1a2: {  	v9 =	vld [tilespmem:s23+$0x0]  }
0x1a3: {  	v10 =	vld [tilespmem:s24+$0x0];
	v2 =	vadd.f32 v2, v1  }
0x1a4: {  	v4 =	vadd.f32 v4, v3;
	v1 =	vld [tilespmem:s23+$0x10]  }
0x1a5: {  	v5 =	vadd.f32 v6, v5;
	v3 =	vld [tilespmem:s24+$0x10];
	[tilespmem:s23+$0x30] =	vst v2  }
0x1a6: {  	v6 =	vadd.f32 v8, v7;
	[tilespmem:s23+$0xFFFFFFD0] =	vst v4;
	v2 =	vld [tilespmem:s23+$0x20]  }
0x1a7: {  	[tilespmem:s23+$0xFFFFFFE0] =	vst v5;
	v5 =	vld [tilespmem:s24+$0x20]  }
0x1a8: {  	s25 =	simm.s32 $0x0;
	s26 =	simm.s32 $0x80C0;
	v4 =	vld [tilespmem:s23+$0xFFFFFFC0];
	[tilespmem:s23+$0xFFFFFFF0] =	vst v6;
	v6 =	vadd.f32 v10, v9  }
.LBB2_16:
0x1a9: {  	v7 =	vld [tilespmem:s26+$0x30];
	s24 =	sadd.s32 $0x80, s24  }
0x1aa: {  	s25 =	sadd.s32 $0x8, s25;
	v8 =	vld [tilespmem:s24+$0x30];
	[tilespmem:s23+$0x0] =	vst v6;
	v1 =	vadd.f32 v3, v1  }
0x1ab: {  	p0 =	slt.u32 s25, $0x7F8;
	v3 =	vld [tilespmem:s24+$0xFFFFFFC0]  }
0x1ac: {  	v6 =	vld [tilespmem:s26+$0xFFFFFFD0];
	[tilespmem:s23+$0x10] =	vst v1;
	v1 =	vadd.f32 v5, v2  }
0x1ad: {  	v2 =	vld [tilespmem:s24+$0xFFFFFFD0];
	v9 =	vadd.f32 v0, v4  }
0x1ae: {  	v4 =	vld [tilespmem:s26+$0xFFFFFFE0];
	[tilespmem:s23+$0x20] =	vst v1  }
0x1af: {  	v1 =	vld [tilespmem:s24+$0xFFFFFFE0];
	v5 =	vadd.f32 v8, v7;
	[tilespmem:s23+$0xFFFFFFC0] =	vst v9;
	s23 =	smov.u32 s26  }
0x1b0: {  	v7 =	vld [tilespmem:s26+$0xFFFFFFF0];
	v0 =	vmov v3  }
0x1b1: {  	v8 =	vld [tilespmem:s24+$0xFFFFFFF0];
	[tilespmem:s26+$0x30] =	vst v5  }
0x1b2: {  	v2 =	vadd.f32 v2, v6;
	v6 =	vld [tilespmem:s26+$0x0]  }
0x1b3: {  	v9 =	vld [tilespmem:s24+$0x0]  }
.Ltmp7:
0x1b4: {  	[tilespmem:s26+$0xFFFFFFD0] =	vst v2;
	v2 =	vadd.f32 v1, v4;
	v1 =	vld [tilespmem:s26+$0x10];
	(pc) =	sbr.rel @p0 .LBB2_16-.Ltmp7, $4  }
0x1b5: {  	v3 =	vld [tilespmem:s24+$0x10]  }
0x1b6: {  	[tilespmem:s26+$0xFFFFFFE0] =	vst v2;
	v7 =	vadd.f32 v8, v7;
	v2 =	vld [tilespmem:s26+$0x20]  }
0x1b7: {  	v5 =	vld [tilespmem:s24+$0x20]  }
0x1b8: {  	s26 =	sadd.s32 $0x80, s26;
	v4 =	vld [tilespmem:s23+$0xFFFFFFC0];
	[tilespmem:s23+$0xFFFFFFF0] =	vst v7;
	v6 =	vadd.f32 v9, v6  }
0x1b9: {  	_ =	sdelay $0x1  }
0x1ba: {  	v1 =	vadd.f32 v3, v1  }
0x1bb: {  	[tilespmem:s23+$0x0] =	vst v6;
	v2 =	vadd.f32 v5, v2  }
0x1bc: {  	[tilespmem:s23+$0x10] =	vst v1;
	v0 =	vadd.f32 v0, v4  }
0x1bd: {  	[tilespmem:s23+$0x20] =	vst v2  }
0x1be: {  	[tilespmem:s23+$0xFFFFFFC0] =	vst v0  }
0x1bf: {  	s23 =	rddreg [dreg:$0x12]  }
0x1c0: {  	[hbm4b:s23+s1] =	stream.linear.scatter [tilespmem:s18], [sflag:$0x4], $0x8000, $0x38;
	[tilespmem:$0x18000] =	vst v63  }
0x1c1: {  	s25 =	rddreg [dreg:$0x13]  }
0x1c2: {  	[tilespmem:s15], [sflag:$0x5] =	stream.linear.gather [hbm4b:s25+s1], $0x8000, $0x38;
	[tilespmem:$0x18000] =	vst v63  }
0x1c3: {  	_ =	swait.ge [sflag:s16], $0x8000  }
0x1c4: {  	[sflag:s16] =	ssyncset.done $0x0  }
0x1c5: {  	[sflag:s16] =	ssyncadd.s32 $0xFFFF8000  }
0x1c6: {  	_ =	swait.ge [sflag:s17], $0x8000  }
0x1c7: {  	[sflag:s17] =	ssyncset.done $0x0  }
0x1c8: {  	[sflag:s17] =	ssyncadd.s32 $0xFFFF8000  }
0x1c9: {  	_ =	swait.ge [sflag:s21], $0x8000  }
0x1ca: {  	[sflag:s21] =	ssyncset.done $0x0  }
0x1cb: {  	s23 =	simm.s32 $0x40;
	s26 =	rddreg [dreg:$0x15];
	[sflag:s21] =	ssyncadd.s32 $0xFFFF8000  }
0x1cc: {  	[tilespmem:s18], [sflag:$0x2] =	stream.linear.gather [hbm4b:s26+s1], $0x8000, $0x38;
	[tilespmem:$0x18000] =	vst v63  }
0x1cd: {  	s24 =	simm.s32 $0x10040;
	v1 =	vld [tilespmem:s23+$0x30]  }
0x1ce: {  	v2 =	vld [tilespmem:s24+$0x30]  }
0x1cf: {  	v0 =	vld [tilespmem:s24+$0xFFFFFFC0]  }
0x1d0: {  	v3 =	vld [tilespmem:s23+$0xFFFFFFD0]  }
0x1d1: {  	v4 =	vld [tilespmem:s24+$0xFFFFFFD0]  }
0x1d2: {  	v5 =	vld [tilespmem:s23+$0xFFFFFFE0]  }
0x1d3: {  	v6 =	vld [tilespmem:s24+$0xFFFFFFE0]  }
0x1d4: {  	v7 =	vld [tilespmem:s23+$0xFFFFFFF0]  }
0x1d5: {  	v8 =	vld [tilespmem:s24+$0xFFFFFFF0]  }
0x1d6: {  	v9 =	vld [tilespmem:s23+$0x0]  }
0x1d7: {  	v10 =	vld [tilespmem:s24+$0x0];
	v2 =	vadd.f32 v2, v1  }
0x1d8: {  	v4 =	vadd.f32 v4, v3;
	v1 =	vld [tilespmem:s23+$0x10]  }
0x1d9: {  	v5 =	vadd.f32 v6, v5;
	v3 =	vld [tilespmem:s24+$0x10];
	[tilespmem:s23+$0x30] =	vst v2  }
0x1da: {  	v6 =	vadd.f32 v8, v7;
	[tilespmem:s23+$0xFFFFFFD0] =	vst v4;
	v2 =	vld [tilespmem:s23+$0x20]  }
0x1db: {  	[tilespmem:s23+$0xFFFFFFE0] =	vst v5;
	v5 =	vld [tilespmem:s24+$0x20]  }
0x1dc: {  	s25 =	simm.s32 $0x0;
	s26 =	simm.s32 $0xC0;
	v4 =	vld [tilespmem:s23+$0xFFFFFFC0];
	[tilespmem:s23+$0xFFFFFFF0] =	vst v6;
	v6 =	vadd.f32 v10, v9  }
.LBB2_18:
0x1dd: {  	v7 =	vld [tilespmem:s26+$0x30];
	s24 =	sadd.s32 $0x80, s24  }
0x1de: {  	s25 =	sadd.s32 $0x8, s25;
	v8 =	vld [tilespmem:s24+$0x30];
	[tilespmem:s23+$0x0] =	vst v6;
	v1 =	vadd.f32 v3, v1  }
0x1df: {  	p0 =	slt.u32 s25, $0x7F8;
	v3 =	vld [tilespmem:s24+$0xFFFFFFC0]  }
0x1e0: {  	v6 =	vld [tilespmem:s26+$0xFFFFFFD0];
	[tilespmem:s23+$0x10] =	vst v1;
	v1 =	vadd.f32 v5, v2  }
0x1e1: {  	v2 =	vld [tilespmem:s24+$0xFFFFFFD0];
	v9 =	vadd.f32 v0, v4  }
0x1e2: {  	v4 =	vld [tilespmem:s26+$0xFFFFFFE0];
	[tilespmem:s23+$0x20] =	vst v1  }
0x1e3: {  	v1 =	vld [tilespmem:s24+$0xFFFFFFE0];
	v5 =	vadd.f32 v8, v7;
	[tilespmem:s23+$0xFFFFFFC0] =	vst v9;
	s23 =	smov.u32 s26  }
0x1e4: {  	v7 =	vld [tilespmem:s26+$0xFFFFFFF0];
	v0 =	vmov v3  }
0x1e5: {  	v8 =	vld [tilespmem:s24+$0xFFFFFFF0];
	[tilespmem:s26+$0x30] =	vst v5  }
0x1e6: {  	v2 =	vadd.f32 v2, v6;
	v6 =	vld [tilespmem:s26+$0x0]  }
0x1e7: {  	v9 =	vld [tilespmem:s24+$0x0]  }
.Ltmp8:
0x1e8: {  	[tilespmem:s26+$0xFFFFFFD0] =	vst v2;
	v2 =	vadd.f32 v1, v4;
	v1 =	vld [tilespmem:s26+$0x10];
	(pc) =	sbr.rel @p0 .LBB2_18-.Ltmp8, $4  }
0x1e9: {  	v3 =	vld [tilespmem:s24+$0x10]  }
0x1ea: {  	[tilespmem:s26+$0xFFFFFFE0] =	vst v2;
	v7 =	vadd.f32 v8, v7;
	v2 =	vld [tilespmem:s26+$0x20]  }
0x1eb: {  	v5 =	vld [tilespmem:s24+$0x20]  }
0x1ec: {  	s26 =	sadd.s32 $0x80, s26;
	v4 =	vld [tilespmem:s23+$0xFFFFFFC0];
	[tilespmem:s23+$0xFFFFFFF0] =	vst v7;
	v6 =	vadd.f32 v9, v6  }
0x1ed: {  	_ =	sdelay $0x1  }
0x1ee: {  	v1 =	vadd.f32 v3, v1  }
0x1ef: {  	[tilespmem:s23+$0x0] =	vst v6;
	v2 =	vadd.f32 v5, v2  }
0x1f0: {  	[tilespmem:s23+$0x10] =	vst v1;
	v0 =	vadd.f32 v0, v4  }
0x1f1: {  	[tilespmem:s23+$0x20] =	vst v2  }
0x1f2: {  	[tilespmem:s23+$0xFFFFFFC0] =	vst v0  }
0x1f3: {  	s23 =	rddreg [dreg:$0x14]  }
0x1f4: {  	[hbm4b:s23+s1] =	stream.linear.scatter [tilespmem:s1], [sflag:$0x3], $0x8000, $0x38;
	[tilespmem:$0x18000] =	vst v63  }
0x1f5: {  	_ =	swait.ge [sflag:s19], $0x8000  }
0x1f6: {  	[sflag:s19] =	ssyncset.done $0x0  }
0x1f7: {  	[sflag:s19] =	ssyncadd.s32 $0xFFFF8000  }
0x1f8: {  	_ =	swait.ge [sflag:s20], $0x8000  }
0x1f9: {  	[sflag:s20] =	ssyncset.done $0x0  }
0x1fa: {  	s23 =	simm.s32 $0x8040;
	s26 =	rddreg [dreg:$0x17];
	[sflag:s20] =	ssyncadd.s32 $0xFFFF8000  }
0x1fb: {  	[tilespmem:s1], [sflag:$0x1] =	stream.linear.gather [hbm4b:s26+s1], $0x8000, $0x38;
	[tilespmem:$0x18000] =	vst v63  }
0x1fc: {  	s24 =	simm.s32 $0x10040;
	v1 =	vld [tilespmem:s23+$0x30]  }
0x1fd: {  	v2 =	vld [tilespmem:s24+$0x30]  }
0x1fe: {  	v0 =	vld [tilespmem:s24+$0xFFFFFFC0]  }
0x1ff: {  	v3 =	vld [tilespmem:s23+$0xFFFFFFD0]  }
0x200: {  	v4 =	vld [tilespmem:s24+$0xFFFFFFD0]  }
0x201: {  	v5 =	vld [tilespmem:s23+$0xFFFFFFE0]  }
0x202: {  	v6 =	vld [tilespmem:s24+$0xFFFFFFE0]  }
0x203: {  	v7 =	vld [tilespmem:s23+$0xFFFFFFF0]  }
0x204: {  	v8 =	vld [tilespmem:s24+$0xFFFFFFF0]  }
0x205: {  	v9 =	vld [tilespmem:s23+$0x0]  }
0x206: {  	v10 =	vld [tilespmem:s24+$0x0];
	v2 =	vadd.f32 v2, v1  }
0x207: {  	v4 =	vadd.f32 v4, v3;
	v1 =	vld [tilespmem:s23+$0x10]  }
0x208: {  	v5 =	vadd.f32 v6, v5;
	v3 =	vld [tilespmem:s24+$0x10];
	[tilespmem:s23+$0x30] =	vst v2  }
0x209: {  	v6 =	vadd.f32 v8, v7;
	[tilespmem:s23+$0xFFFFFFD0] =	vst v4;
	v2 =	vld [tilespmem:s23+$0x20]  }
0x20a: {  	[tilespmem:s23+$0xFFFFFFE0] =	vst v5;
	v5 =	vld [tilespmem:s24+$0x20]  }
0x20b: {  	s25 =	simm.s32 $0x0;
	s26 =	simm.s32 $0x80C0;
	v4 =	vld [tilespmem:s23+$0xFFFFFFC0];
	[tilespmem:s23+$0xFFFFFFF0] =	vst v6;
	v6 =	vadd.f32 v10, v9  }
.LBB2_20:
0x20c: {  	v7 =	vld [tilespmem:s26+$0x30];
	s24 =	sadd.s32 $0x80, s24  }
0x20d: {  	s25 =	sadd.s32 $0x8, s25;
	v8 =	vld [tilespmem:s24+$0x30];
	[tilespmem:s23+$0x0] =	vst v6;
	v1 =	vadd.f32 v3, v1  }
0x20e: {  	p0 =	slt.u32 s25, $0x7F8;
	v3 =	vld [tilespmem:s24+$0xFFFFFFC0]  }
0x20f: {  	v6 =	vld [tilespmem:s26+$0xFFFFFFD0];
	[tilespmem:s23+$0x10] =	vst v1;
	v1 =	vadd.f32 v5, v2  }
0x210: {  	v2 =	vld [tilespmem:s24+$0xFFFFFFD0];
	v9 =	vadd.f32 v0, v4  }
0x211: {  	v4 =	vld [tilespmem:s26+$0xFFFFFFE0];
	[tilespmem:s23+$0x20] =	vst v1  }
0x212: {  	v1 =	vld [tilespmem:s24+$0xFFFFFFE0];
	v5 =	vadd.f32 v8, v7;
	[tilespmem:s23+$0xFFFFFFC0] =	vst v9;
	s23 =	smov.u32 s26  }
0x213: {  	v7 =	vld [tilespmem:s26+$0xFFFFFFF0];
	v0 =	vmov v3  }
0x214: {  	v8 =	vld [tilespmem:s24+$0xFFFFFFF0];
	[tilespmem:s26+$0x30] =	vst v5  }
0x215: {  	v2 =	vadd.f32 v2, v6;
	v6 =	vld [tilespmem:s26+$0x0]  }
0x216: {  	v9 =	vld [tilespmem:s24+$0x0]  }
.Ltmp9:
0x217: {  	[tilespmem:s26+$0xFFFFFFD0] =	vst v2;
	v2 =	vadd.f32 v1, v4;
	v1 =	vld [tilespmem:s26+$0x10];
	(pc) =	sbr.rel @p0 .LBB2_20-.Ltmp9, $4  }
0x218: {  	v3 =	vld [tilespmem:s24+$0x10]  }
0x219: {  	[tilespmem:s26+$0xFFFFFFE0] =	vst v2;
	v7 =	vadd.f32 v8, v7;
	v2 =	vld [tilespmem:s26+$0x20]  }
0x21a: {  	v5 =	vld [tilespmem:s24+$0x20]  }
0x21b: {  	s26 =	sadd.s32 $0x80, s26;
	v4 =	vld [tilespmem:s23+$0xFFFFFFC0];
	[tilespmem:s23+$0xFFFFFFF0] =	vst v7;
	v6 =	vadd.f32 v9, v6  }
0x21c: {  	_ =	sdelay $0x1  }
0x21d: {  	v1 =	vadd.f32 v3, v1  }
0x21e: {  	[tilespmem:s23+$0x0] =	vst v6;
	v2 =	vadd.f32 v5, v2  }
0x21f: {  	[tilespmem:s23+$0x10] =	vst v1;
	v0 =	vadd.f32 v0, v4  }
0x220: {  	[tilespmem:s23+$0x20] =	vst v2  }
0x221: {  	[tilespmem:s23+$0xFFFFFFC0] =	vst v0  }
0x222: {  	s23 =	rddreg [dreg:$0x16]  }
0x223: {  	[hbm4b:s23+s1] =	stream.linear.scatter [tilespmem:s18], [sflag:$0x4], $0x8000, $0x38;
	[tilespmem:$0x18000] =	vst v63  }
0x224: {  	_ =	swait.ge [sflag:s16], $0x8000  }
0x225: {  	[sflag:s16] =	ssyncset.done $0x0  }
0x226: {  	[sflag:s16] =	ssyncadd.s32 $0xFFFF8000  }
0x227: {  	_ =	swait.ge [sflag:s21], $0x8000  }
0x228: {  	[sflag:s21] =	ssyncset.done $0x0  }
0x229: {  	s23 =	simm.s32 $0x40;
	s26 =	rddreg [dreg:$0x19];
	[sflag:s21] =	ssyncadd.s32 $0xFFFF8000  }
0x22a: {  	[tilespmem:s18], [sflag:$0x2] =	stream.linear.gather [hbm4b:s26+s1], $0x8000, $0x38;
	[tilespmem:$0x18000] =	vst v63  }
0x22b: {  	s24 =	simm.s32 $0x10040;
	v1 =	vld [tilespmem:s23+$0x30]  }
0x22c: {  	v2 =	vld [tilespmem:s24+$0x30]  }
0x22d: {  	v0 =	vld [tilespmem:s24+$0xFFFFFFC0]  }
0x22e: {  	v3 =	vld [tilespmem:s23+$0xFFFFFFD0]  }
0x22f: {  	v4 =	vld [tilespmem:s24+$0xFFFFFFD0]  }
0x230: {  	v5 =	vld [tilespmem:s23+$0xFFFFFFE0]  }
0x231: {  	v6 =	vld [tilespmem:s24+$0xFFFFFFE0]  }
0x232: {  	v7 =	vld [tilespmem:s23+$0xFFFFFFF0]  }
0x233: {  	v8 =	vld [tilespmem:s24+$0xFFFFFFF0]  }
0x234: {  	v9 =	vld [tilespmem:s23+$0x0]  }
0x235: {  	v10 =	vld [tilespmem:s24+$0x0];
	v2 =	vadd.f32 v2, v1  }
0x236: {  	v4 =	vadd.f32 v4, v3;
	v1 =	vld [tilespmem:s23+$0x10]  }
0x237: {  	v5 =	vadd.f32 v6, v5;
	v3 =	vld [tilespmem:s24+$0x10];
	[tilespmem:s23+$0x30] =	vst v2  }
0x238: {  	v6 =	vadd.f32 v8, v7;
	[tilespmem:s23+$0xFFFFFFD0] =	vst v4;
	v2 =	vld [tilespmem:s23+$0x20]  }
0x239: {  	[tilespmem:s23+$0xFFFFFFE0] =	vst v5;
	v5 =	vld [tilespmem:s24+$0x20]  }
0x23a: {  	s25 =	simm.s32 $0x0;
	s26 =	simm.s32 $0xC0;
	v4 =	vld [tilespmem:s23+$0xFFFFFFC0];
	[tilespmem:s23+$0xFFFFFFF0] =	vst v6;
	v6 =	vadd.f32 v10, v9  }
.LBB2_22:
0x23b: {  	v7 =	vld [tilespmem:s26+$0x30];
	s24 =	sadd.s32 $0x80, s24  }
0x23c: {  	s25 =	sadd.s32 $0x8, s25;
	v8 =	vld [tilespmem:s24+$0x30];
	[tilespmem:s23+$0x0] =	vst v6;
	v1 =	vadd.f32 v3, v1  }
0x23d: {  	p0 =	slt.u32 s25, $0x7F8;
	v3 =	vld [tilespmem:s24+$0xFFFFFFC0]  }
0x23e: {  	v6 =	vld [tilespmem:s26+$0xFFFFFFD0];
	[tilespmem:s23+$0x10] =	vst v1;
	v1 =	vadd.f32 v5, v2  }
0x23f: {  	v2 =	vld [tilespmem:s24+$0xFFFFFFD0];
	v9 =	vadd.f32 v0, v4  }
0x240: {  	v4 =	vld [tilespmem:s26+$0xFFFFFFE0];
	[tilespmem:s23+$0x20] =	vst v1  }
0x241: {  	v1 =	vld [tilespmem:s24+$0xFFFFFFE0];
	v5 =	vadd.f32 v8, v7;
	[tilespmem:s23+$0xFFFFFFC0] =	vst v9;
	s23 =	smov.u32 s26  }
0x242: {  	v7 =	vld [tilespmem:s26+$0xFFFFFFF0];
	v0 =	vmov v3  }
0x243: {  	v8 =	vld [tilespmem:s24+$0xFFFFFFF0];
	[tilespmem:s26+$0x30] =	vst v5  }
0x244: {  	v2 =	vadd.f32 v2, v6;
	v6 =	vld [tilespmem:s26+$0x0]  }
0x245: {  	v9 =	vld [tilespmem:s24+$0x0]  }
.Ltmp10:
0x246: {  	[tilespmem:s26+$0xFFFFFFD0] =	vst v2;
	v2 =	vadd.f32 v1, v4;
	v1 =	vld [tilespmem:s26+$0x10];
	(pc) =	sbr.rel @p0 .LBB2_22-.Ltmp10, $4  }
0x247: {  	v3 =	vld [tilespmem:s24+$0x10]  }
0x248: {  	[tilespmem:s26+$0xFFFFFFE0] =	vst v2;
	v7 =	vadd.f32 v8, v7;
	v2 =	vld [tilespmem:s26+$0x20]  }
0x249: {  	v5 =	vld [tilespmem:s24+$0x20]  }
0x24a: {  	s26 =	sadd.s32 $0x80, s26;
	v4 =	vld [tilespmem:s23+$0xFFFFFFC0];
	[tilespmem:s23+$0xFFFFFFF0] =	vst v7;
	v6 =	vadd.f32 v9, v6  }
0x24b: {  	_ =	sdelay $0x1  }
0x24c: {  	v1 =	vadd.f32 v3, v1  }
0x24d: {  	[tilespmem:s23+$0x0] =	vst v6;
	v2 =	vadd.f32 v5, v2  }
0x24e: {  	[tilespmem:s23+$0x10] =	vst v1;
	v0 =	vadd.f32 v0, v4  }
0x24f: {  	[tilespmem:s23+$0x20] =	vst v2  }
0x250: {  	[tilespmem:s23+$0xFFFFFFC0] =	vst v0  }
0x251: {  	s23 =	rddreg [dreg:$0x18]  }
0x252: {  	[hbm4b:s23+s1] =	stream.linear.scatter [tilespmem:s1], [sflag:$0x3], $0x8000, $0x38;
	[tilespmem:$0x18000] =	vst v63  }
0x253: {  	_ =	swait.ge [sflag:s19], $0x8000  }
0x254: {  	[sflag:s19] =	ssyncset.done $0x0  }
0x255: {  	[sflag:s19] =	ssyncadd.s32 $0xFFFF8000  }
0x256: {  	_ =	swait.ge [sflag:s20], $0x8000  }
0x257: {  	[sflag:s20] =	ssyncset.done $0x0  }
0x258: {  	s23 =	simm.s32 $0x8040;
	s26 =	rddreg [dreg:$0x1b];
	[sflag:s20] =	ssyncadd.s32 $0xFFFF8000  }
0x259: {  	[tilespmem:s1], [sflag:$0x1] =	stream.linear.gather [hbm4b:s26+s1], $0x8000, $0x38;
	[tilespmem:$0x18000] =	vst v63  }
0x25a: {  	s24 =	simm.s32 $0x10040;
	v1 =	vld [tilespmem:s23+$0x30]  }
0x25b: {  	v2 =	vld [tilespmem:s24+$0x30]  }
0x25c: {  	v0 =	vld [tilespmem:s24+$0xFFFFFFC0]  }
0x25d: {  	v3 =	vld [tilespmem:s23+$0xFFFFFFD0]  }
0x25e: {  	v4 =	vld [tilespmem:s24+$0xFFFFFFD0]  }
0x25f: {  	v5 =	vld [tilespmem:s23+$0xFFFFFFE0]  }
0x260: {  	v6 =	vld [tilespmem:s24+$0xFFFFFFE0]  }
0x261: {  	v7 =	vld [tilespmem:s23+$0xFFFFFFF0]  }
0x262: {  	v8 =	vld [tilespmem:s24+$0xFFFFFFF0]  }
0x263: {  	v9 =	vld [tilespmem:s23+$0x0]  }
0x264: {  	v10 =	vld [tilespmem:s24+$0x0];
	v2 =	vadd.f32 v2, v1  }
0x265: {  	v4 =	vadd.f32 v4, v3;
	v1 =	vld [tilespmem:s23+$0x10]  }
0x266: {  	v5 =	vadd.f32 v6, v5;
	v3 =	vld [tilespmem:s24+$0x10];
	[tilespmem:s23+$0x30] =	vst v2  }
0x267: {  	v6 =	vadd.f32 v8, v7;
	[tilespmem:s23+$0xFFFFFFD0] =	vst v4;
	v2 =	vld [tilespmem:s23+$0x20]  }
0x268: {  	[tilespmem:s23+$0xFFFFFFE0] =	vst v5;
	v5 =	vld [tilespmem:s24+$0x20]  }
0x269: {  	s25 =	simm.s32 $0x0;
	s26 =	simm.s32 $0x80C0;
	v4 =	vld [tilespmem:s23+$0xFFFFFFC0];
	[tilespmem:s23+$0xFFFFFFF0] =	vst v6;
	v6 =	vadd.f32 v10, v9  }
.LBB2_24:
0x26a: {  	v7 =	vld [tilespmem:s26+$0x30];
	s24 =	sadd.s32 $0x80, s24  }
0x26b: {  	s25 =	sadd.s32 $0x8, s25;
	v8 =	vld [tilespmem:s24+$0x30];
	[tilespmem:s23+$0x0] =	vst v6;
	v1 =	vadd.f32 v3, v1  }
0x26c: {  	p0 =	slt.u32 s25, $0x7F8;
	v3 =	vld [tilespmem:s24+$0xFFFFFFC0]  }
0x26d: {  	v6 =	vld [tilespmem:s26+$0xFFFFFFD0];
	[tilespmem:s23+$0x10] =	vst v1;
	v1 =	vadd.f32 v5, v2  }
0x26e: {  	v2 =	vld [tilespmem:s24+$0xFFFFFFD0];
	v9 =	vadd.f32 v0, v4  }
0x26f: {  	v4 =	vld [tilespmem:s26+$0xFFFFFFE0];
	[tilespmem:s23+$0x20] =	vst v1  }
0x270: {  	v1 =	vld [tilespmem:s24+$0xFFFFFFE0];
	v5 =	vadd.f32 v8, v7;
	[tilespmem:s23+$0xFFFFFFC0] =	vst v9;
	s23 =	smov.u32 s26  }
0x271: {  	v7 =	vld [tilespmem:s26+$0xFFFFFFF0];
	v0 =	vmov v3  }
0x272: {  	v8 =	vld [tilespmem:s24+$0xFFFFFFF0];
	[tilespmem:s26+$0x30] =	vst v5  }
0x273: {  	v2 =	vadd.f32 v2, v6;
	v6 =	vld [tilespmem:s26+$0x0]  }
0x274: {  	v9 =	vld [tilespmem:s24+$0x0]  }
.Ltmp11:
0x275: {  	[tilespmem:s26+$0xFFFFFFD0] =	vst v2;
	v2 =	vadd.f32 v1, v4;
	v1 =	vld [tilespmem:s26+$0x10];
	(pc) =	sbr.rel @p0 .LBB2_24-.Ltmp11, $4  }
0x276: {  	v3 =	vld [tilespmem:s24+$0x10]  }
0x277: {  	[tilespmem:s26+$0xFFFFFFE0] =	vst v2;
	v7 =	vadd.f32 v8, v7;
	v2 =	vld [tilespmem:s26+$0x20]  }
0x278: {  	v5 =	vld [tilespmem:s24+$0x20]  }
0x279: {  	s26 =	sadd.s32 $0x80, s26;
	v4 =	vld [tilespmem:s23+$0xFFFFFFC0];
	[tilespmem:s23+$0xFFFFFFF0] =	vst v7;
	v6 =	vadd.f32 v9, v6  }
0x27a: {  	_ =	sdelay $0x1  }
0x27b: {  	v1 =	vadd.f32 v3, v1  }
0x27c: {  	[tilespmem:s23+$0x0] =	vst v6;
	v2 =	vadd.f32 v5, v2  }
0x27d: {  	[tilespmem:s23+$0x10] =	vst v1;
	v0 =	vadd.f32 v0, v4  }
0x27e: {  	[tilespmem:s23+$0x20] =	vst v2  }
0x27f: {  	[tilespmem:s23+$0xFFFFFFC0] =	vst v0  }
0x280: {  	s23 =	rddreg [dreg:$0x1a]  }
0x281: {  	[hbm4b:s23+s1] =	stream.linear.scatter [tilespmem:s18], [sflag:$0x4], $0x8000, $0x38;
	[tilespmem:$0x18000] =	vst v63  }
0x282: {  	s25 =	rddreg [dreg:$0x1c]  }
0x283: {  	[tilespmem:s15], [sflag:$0x5] =	stream.linear.gather [hbm4b:s25+s1], $0x8000, $0x38;
	[tilespmem:$0x18000] =	vst v63  }
0x284: {  	_ =	swait.ge [sflag:s16], $0x8000  }
0x285: {  	[sflag:s16] =	ssyncset.done $0x0  }
0x286: {  	[sflag:s16] =	ssyncadd.s32 $0xFFFF8000  }
0x287: {  	_ =	swait.ge [sflag:s17], $0x8000  }
0x288: {  	[sflag:s17] =	ssyncset.done $0x0  }
0x289: {  	[sflag:s17] =	ssyncadd.s32 $0xFFFF8000  }
0x28a: {  	_ =	swait.ge [sflag:s21], $0x8000  }
0x28b: {  	[sflag:s21] =	ssyncset.done $0x0  }
0x28c: {  	s23 =	simm.s32 $0x40;
	s26 =	rddreg [dreg:$0x1e];
	[sflag:s21] =	ssyncadd.s32 $0xFFFF8000  }
0x28d: {  	[tilespmem:s18], [sflag:$0x2] =	stream.linear.gather [hbm4b:s26+s1], $0x8000, $0x38;
	[tilespmem:$0x18000] =	vst v63  }
0x28e: {  	s24 =	simm.s32 $0x10040;
	v1 =	vld [tilespmem:s23+$0x30]  }
0x28f: {  	v2 =	vld [tilespmem:s24+$0x30]  }
0x290: {  	v0 =	vld [tilespmem:s24+$0xFFFFFFC0]  }
0x291: {  	v3 =	vld [tilespmem:s23+$0xFFFFFFD0]  }
0x292: {  	v4 =	vld [tilespmem:s24+$0xFFFFFFD0]  }
0x293: {  	v5 =	vld [tilespmem:s23+$0xFFFFFFE0]  }
0x294: {  	v6 =	vld [tilespmem:s24+$0xFFFFFFE0]  }
0x295: {  	v7 =	vld [tilespmem:s23+$0xFFFFFFF0]  }
0x296: {  	v8 =	vld [tilespmem:s24+$0xFFFFFFF0]  }
0x297: {  	v9 =	vld [tilespmem:s23+$0x0]  }
0x298: {  	v10 =	vld [tilespmem:s24+$0x0];
	v2 =	vadd.f32 v2, v1  }
0x299: {  	v4 =	vadd.f32 v4, v3;
	v1 =	vld [tilespmem:s23+$0x10]  }
0x29a: {  	v5 =	vadd.f32 v6, v5;
	v3 =	vld [tilespmem:s24+$0x10];
	[tilespmem:s23+$0x30] =	vst v2  }
0x29b: {  	v6 =	vadd.f32 v8, v7;
	[tilespmem:s23+$0xFFFFFFD0] =	vst v4;
	v2 =	vld [tilespmem:s23+$0x20]  }
0x29c: {  	[tilespmem:s23+$0xFFFFFFE0] =	vst v5;
	v5 =	vld [tilespmem:s24+$0x20]  }
0x29d: {  	s25 =	simm.s32 $0x0;
	s26 =	simm.s32 $0xC0;
	v4 =	vld [tilespmem:s23+$0xFFFFFFC0];
	[tilespmem:s23+$0xFFFFFFF0] =	vst v6;
	v6 =	vadd.f32 v10, v9  }
.LBB2_26:
0x29e: {  	v7 =	vld [tilespmem:s26+$0x30];
	s24 =	sadd.s32 $0x80, s24  }
0x29f: {  	s25 =	sadd.s32 $0x8, s25;
	v8 =	vld [tilespmem:s24+$0x30];
	[tilespmem:s23+$0x0] =	vst v6;
	v1 =	vadd.f32 v3, v1  }
0x2a0: {  	p0 =	slt.u32 s25, $0x7F8;
	v3 =	vld [tilespmem:s24+$0xFFFFFFC0]  }
0x2a1: {  	v6 =	vld [tilespmem:s26+$0xFFFFFFD0];
	[tilespmem:s23+$0x10] =	vst v1;
	v1 =	vadd.f32 v5, v2  }
0x2a2: {  	v2 =	vld [tilespmem:s24+$0xFFFFFFD0];
	v9 =	vadd.f32 v0, v4  }
0x2a3: {  	v4 =	vld [tilespmem:s26+$0xFFFFFFE0];
	[tilespmem:s23+$0x20] =	vst v1  }
0x2a4: {  	v1 =	vld [tilespmem:s24+$0xFFFFFFE0];
	v5 =	vadd.f32 v8, v7;
	[tilespmem:s23+$0xFFFFFFC0] =	vst v9;
	s23 =	smov.u32 s26  }
0x2a5: {  	v7 =	vld [tilespmem:s26+$0xFFFFFFF0];
	v0 =	vmov v3  }
0x2a6: {  	v8 =	vld [tilespmem:s24+$0xFFFFFFF0];
	[tilespmem:s26+$0x30] =	vst v5  }
0x2a7: {  	v2 =	vadd.f32 v2, v6;
	v6 =	vld [tilespmem:s26+$0x0]  }
0x2a8: {  	v9 =	vld [tilespmem:s24+$0x0]  }
.Ltmp12:
0x2a9: {  	[tilespmem:s26+$0xFFFFFFD0] =	vst v2;
	v2 =	vadd.f32 v1, v4;
	v1 =	vld [tilespmem:s26+$0x10];
	(pc) =	sbr.rel @p0 .LBB2_26-.Ltmp12, $4  }
0x2aa: {  	v3 =	vld [tilespmem:s24+$0x10]  }
0x2ab: {  	[tilespmem:s26+$0xFFFFFFE0] =	vst v2;
	v7 =	vadd.f32 v8, v7;
	v2 =	vld [tilespmem:s26+$0x20]  }
0x2ac: {  	v5 =	vld [tilespmem:s24+$0x20]  }
0x2ad: {  	s26 =	sadd.s32 $0x80, s26;
	v4 =	vld [tilespmem:s23+$0xFFFFFFC0];
	[tilespmem:s23+$0xFFFFFFF0] =	vst v7;
	v6 =	vadd.f32 v9, v6  }
0x2ae: {  	_ =	sdelay $0x1  }
0x2af: {  	v1 =	vadd.f32 v3, v1  }
0x2b0: {  	[tilespmem:s23+$0x0] =	vst v6;
	v2 =	vadd.f32 v5, v2  }
0x2b1: {  	[tilespmem:s23+$0x10] =	vst v1;
	v0 =	vadd.f32 v0, v4  }
0x2b2: {  	[tilespmem:s23+$0x20] =	vst v2  }
0x2b3: {  	[tilespmem:s23+$0xFFFFFFC0] =	vst v0  }
0x2b4: {  	s23 =	rddreg [dreg:$0x1d]  }
0x2b5: {  	[hbm4b:s23+s1] =	stream.linear.scatter [tilespmem:s1], [sflag:$0x3], $0x8000, $0x38;
	[tilespmem:$0x18000] =	vst v63  }
0x2b6: {  	_ =	swait.ge [sflag:s19], $0x8000  }
0x2b7: {  	[sflag:s19] =	ssyncset.done $0x0  }
0x2b8: {  	[sflag:s19] =	ssyncadd.s32 $0xFFFF8000  }
0x2b9: {  	_ =	swait.ge [sflag:s20], $0x8000  }
0x2ba: {  	s26 =	sld [smem:$0x7E4]  }
0x2bb: {  	[sflag:s20] =	ssyncset.done $0x0  }
0x2bc: {  	s23 =	simm.s32 $0x8040;
	[sflag:s20] =	ssyncadd.s32 $0xFFFF8000  }
0x2bd: {  	[tilespmem:s1], [sflag:$0x1] =	stream.linear.gather [hbm4b:s26+s1], $0x8000, $0x38;
	[tilespmem:$0x18000] =	vst v63  }
0x2be: {  	s24 =	simm.s32 $0x10040;
	v1 =	vld [tilespmem:s23+$0x30]  }
0x2bf: {  	v2 =	vld [tilespmem:s24+$0x30]  }
0x2c0: {  	v0 =	vld [tilespmem:s24+$0xFFFFFFC0]  }
0x2c1: {  	v3 =	vld [tilespmem:s23+$0xFFFFFFD0]  }
0x2c2: {  	v4 =	vld [tilespmem:s24+$0xFFFFFFD0]  }
0x2c3: {  	v5 =	vld [tilespmem:s23+$0xFFFFFFE0]  }
0x2c4: {  	v6 =	vld [tilespmem:s24+$0xFFFFFFE0]  }
0x2c5: {  	v7 =	vld [tilespmem:s23+$0xFFFFFFF0]  }
0x2c6: {  	v8 =	vld [tilespmem:s24+$0xFFFFFFF0]  }
0x2c7: {  	v9 =	vld [tilespmem:s23+$0x0]  }
0x2c8: {  	v10 =	vld [tilespmem:s24+$0x0];
	v2 =	vadd.f32 v2, v1  }
0x2c9: {  	v4 =	vadd.f32 v4, v3;
	v1 =	vld [tilespmem:s23+$0x10]  }
0x2ca: {  	v5 =	vadd.f32 v6, v5;
	v3 =	vld [tilespmem:s24+$0x10];
	[tilespmem:s23+$0x30] =	vst v2  }
0x2cb: {  	v6 =	vadd.f32 v8, v7;
	[tilespmem:s23+$0xFFFFFFD0] =	vst v4;
	v2 =	vld [tilespmem:s23+$0x20]  }
0x2cc: {  	[tilespmem:s23+$0xFFFFFFE0] =	vst v5;
	v5 =	vld [tilespmem:s24+$0x20]  }
0x2cd: {  	s25 =	simm.s32 $0x0;
	s26 =	simm.s32 $0x80C0;
	v4 =	vld [tilespmem:s23+$0xFFFFFFC0];
	[tilespmem:s23+$0xFFFFFFF0] =	vst v6;
	v6 =	vadd.f32 v10, v9  }
.LBB2_28:
0x2ce: {  	v7 =	vld [tilespmem:s26+$0x30];
	s24 =	sadd.s32 $0x80, s24  }
0x2cf: {  	s25 =	sadd.s32 $0x8, s25;
	v8 =	vld [tilespmem:s24+$0x30];
	[tilespmem:s23+$0x0] =	vst v6;
	v1 =	vadd.f32 v3, v1  }
0x2d0: {  	p0 =	slt.u32 s25, $0x7F8;
	v3 =	vld [tilespmem:s24+$0xFFFFFFC0]  }
0x2d1: {  	v6 =	vld [tilespmem:s26+$0xFFFFFFD0];
	[tilespmem:s23+$0x10] =	vst v1;
	v1 =	vadd.f32 v5, v2  }
0x2d2: {  	v2 =	vld [tilespmem:s24+$0xFFFFFFD0];
	v9 =	vadd.f32 v0, v4  }
0x2d3: {  	v4 =	vld [tilespmem:s26+$0xFFFFFFE0];
	[tilespmem:s23+$0x20] =	vst v1  }
0x2d4: {  	v1 =	vld [tilespmem:s24+$0xFFFFFFE0];
	v5 =	vadd.f32 v8, v7;
	[tilespmem:s23+$0xFFFFFFC0] =	vst v9;
	s23 =	smov.u32 s26  }
0x2d5: {  	v7 =	vld [tilespmem:s26+$0xFFFFFFF0];
	v0 =	vmov v3  }
0x2d6: {  	v8 =	vld [tilespmem:s24+$0xFFFFFFF0];
	[tilespmem:s26+$0x30] =	vst v5  }
0x2d7: {  	v2 =	vadd.f32 v2, v6;
	v6 =	vld [tilespmem:s26+$0x0]  }
0x2d8: {  	v9 =	vld [tilespmem:s24+$0x0]  }
.Ltmp13:
0x2d9: {  	[tilespmem:s26+$0xFFFFFFD0] =	vst v2;
	v2 =	vadd.f32 v1, v4;
	v1 =	vld [tilespmem:s26+$0x10];
	(pc) =	sbr.rel @p0 .LBB2_28-.Ltmp13, $4  }
0x2da: {  	v3 =	vld [tilespmem:s24+$0x10]  }
0x2db: {  	[tilespmem:s26+$0xFFFFFFE0] =	vst v2;
	v7 =	vadd.f32 v8, v7;
	v2 =	vld [tilespmem:s26+$0x20]  }
0x2dc: {  	v5 =	vld [tilespmem:s24+$0x20]  }
0x2dd: {  	s26 =	sadd.s32 $0x80, s26;
	v4 =	vld [tilespmem:s23+$0xFFFFFFC0];
	[tilespmem:s23+$0xFFFFFFF0] =	vst v7;
	v6 =	vadd.f32 v9, v6  }
0x2de: {  	_ =	sdelay $0x1  }
0x2df: {  	v1 =	vadd.f32 v3, v1  }
0x2e0: {  	[tilespmem:s23+$0x0] =	vst v6;
	v2 =	vadd.f32 v5, v2  }
0x2e1: {  	[tilespmem:s23+$0x10] =	vst v1;
	v0 =	vadd.f32 v0, v4  }
0x2e2: {  	[tilespmem:s23+$0x20] =	vst v2  }
0x2e3: {  	[tilespmem:s23+$0xFFFFFFC0] =	vst v0  }
0x2e4: {  	s23 =	rddreg [dreg:$0x1f]  }
0x2e5: {  	[hbm4b:s23+s1] =	stream.linear.scatter [tilespmem:s18], [sflag:$0x4], $0x8000, $0x38;
	[tilespmem:$0x18000] =	vst v63  }
0x2e6: {  	_ =	swait.ge [sflag:s16], $0x8000  }
0x2e7: {  	[sflag:s16] =	ssyncset.done $0x0  }
0x2e8: {  	[sflag:s16] =	ssyncadd.s32 $0xFFFF8000  }
0x2e9: {  	_ =	swait.ge [sflag:s21], $0x8000  }
0x2ea: {  	s26 =	sld [smem:$0x7E6]  }
0x2eb: {  	[sflag:s21] =	ssyncset.done $0x0  }
0x2ec: {  	s23 =	simm.s32 $0x40;
	[sflag:s21] =	ssyncadd.s32 $0xFFFF8000  }
0x2ed: {  	[tilespmem:s18], [sflag:$0x2] =	stream.linear.gather [hbm4b:s26+s1], $0x8000, $0x38;
	[tilespmem:$0x18000] =	vst v63  }
0x2ee: {  	s24 =	simm.s32 $0x10040;
	v1 =	vld [tilespmem:s23+$0x30]  }
0x2ef: {  	v2 =	vld [tilespmem:s24+$0x30]  }
0x2f0: {  	v0 =	vld [tilespmem:s24+$0xFFFFFFC0]  }
0x2f1: {  	v3 =	vld [tilespmem:s23+$0xFFFFFFD0]  }
0x2f2: {  	v4 =	vld [tilespmem:s24+$0xFFFFFFD0]  }
0x2f3: {  	v5 =	vld [tilespmem:s23+$0xFFFFFFE0]  }
0x2f4: {  	v6 =	vld [tilespmem:s24+$0xFFFFFFE0]  }
0x2f5: {  	v7 =	vld [tilespmem:s23+$0xFFFFFFF0]  }
0x2f6: {  	v8 =	vld [tilespmem:s24+$0xFFFFFFF0]  }
0x2f7: {  	v9 =	vld [tilespmem:s23+$0x0]  }
0x2f8: {  	v10 =	vld [tilespmem:s24+$0x0];
	v2 =	vadd.f32 v2, v1  }
0x2f9: {  	v4 =	vadd.f32 v4, v3;
	v1 =	vld [tilespmem:s23+$0x10]  }
0x2fa: {  	v5 =	vadd.f32 v6, v5;
	v3 =	vld [tilespmem:s24+$0x10];
	[tilespmem:s23+$0x30] =	vst v2  }
0x2fb: {  	v6 =	vadd.f32 v8, v7;
	[tilespmem:s23+$0xFFFFFFD0] =	vst v4;
	v2 =	vld [tilespmem:s23+$0x20]  }
0x2fc: {  	[tilespmem:s23+$0xFFFFFFE0] =	vst v5;
	v5 =	vld [tilespmem:s24+$0x20]  }
0x2fd: {  	s25 =	simm.s32 $0x0;
	s26 =	simm.s32 $0xC0;
	v4 =	vld [tilespmem:s23+$0xFFFFFFC0];
	[tilespmem:s23+$0xFFFFFFF0] =	vst v6;
	v6 =	vadd.f32 v10, v9  }
.LBB2_30:
0x2fe: {  	v7 =	vld [tilespmem:s26+$0x30];
	s24 =	sadd.s32 $0x80, s24  }
0x2ff: {  	s25 =	sadd.s32 $0x8, s25;
	v8 =	vld [tilespmem:s24+$0x30];
	[tilespmem:s23+$0x0] =	vst v6;
	v1 =	vadd.f32 v3, v1  }
0x300: {  	p0 =	slt.u32 s25, $0x7F8;
	v3 =	vld [tilespmem:s24+$0xFFFFFFC0]  }
0x301: {  	v6 =	vld [tilespmem:s26+$0xFFFFFFD0];
	[tilespmem:s23+$0x10] =	vst v1;
	v1 =	vadd.f32 v5, v2  }
0x302: {  	v2 =	vld [tilespmem:s24+$0xFFFFFFD0];
	v9 =	vadd.f32 v0, v4  }
0x303: {  	v4 =	vld [tilespmem:s26+$0xFFFFFFE0];
	[tilespmem:s23+$0x20] =	vst v1  }
0x304: {  	v1 =	vld [tilespmem:s24+$0xFFFFFFE0];
	v5 =	vadd.f32 v8, v7;
	[tilespmem:s23+$0xFFFFFFC0] =	vst v9;
	s23 =	smov.u32 s26  }
0x305: {  	v7 =	vld [tilespmem:s26+$0xFFFFFFF0];
	v0 =	vmov v3  }
0x306: {  	v8 =	vld [tilespmem:s24+$0xFFFFFFF0];
	[tilespmem:s26+$0x30] =	vst v5  }
0x307: {  	v2 =	vadd.f32 v2, v6;
	v6 =	vld [tilespmem:s26+$0x0]  }
0x308: {  	v9 =	vld [tilespmem:s24+$0x0]  }
.Ltmp14:
0x309: {  	[tilespmem:s26+$0xFFFFFFD0] =	vst v2;
	v2 =	vadd.f32 v1, v4;
	v1 =	vld [tilespmem:s26+$0x10];
	(pc) =	sbr.rel @p0 .LBB2_30-.Ltmp14, $4  }
0x30a: {  	v3 =	vld [tilespmem:s24+$0x10]  }
0x30b: {  	[tilespmem:s26+$0xFFFFFFE0] =	vst v2;
	v7 =	vadd.f32 v8, v7;
	v2 =	vld [tilespmem:s26+$0x20]  }
0x30c: {  	v5 =	vld [tilespmem:s24+$0x20]  }
0x30d: {  	s26 =	sadd.s32 $0x80, s26;
	v4 =	vld [tilespmem:s23+$0xFFFFFFC0];
	[tilespmem:s23+$0xFFFFFFF0] =	vst v7;
	v6 =	vadd.f32 v9, v6  }
0x30e: {  	_ =	sdelay $0x1  }
0x30f: {  	v1 =	vadd.f32 v3, v1  }
0x310: {  	[tilespmem:s23+$0x0] =	vst v6;
	v2 =	vadd.f32 v5, v2  }
0x311: {  	[tilespmem:s23+$0x10] =	vst v1;
	v0 =	vadd.f32 v0, v4  }
0x312: {  	[tilespmem:s23+$0x20] =	vst v2  }
0x313: {  	[tilespmem:s23+$0xFFFFFFC0] =	vst v0  }
0x314: {  	s23 =	sld [smem:$0x7E5];
	_ =	sdelay $0x2  }
0x315: {  	[hbm4b:s23+s1] =	stream.linear.scatter [tilespmem:s1], [sflag:$0x3], $0x8000, $0x38;
	[tilespmem:$0x18000] =	vst v63  }
0x316: {  	_ =	swait.ge [sflag:s19], $0x8000  }
0x317: {  	[sflag:s19] =	ssyncset.done $0x0  }
0x318: {  	[sflag:s19] =	ssyncadd.s32 $0xFFFF8000  }
0x319: {  	_ =	swait.ge [sflag:s20], $0x8000  }
0x31a: {  	s26 =	sld [smem:$0x7E8]  }
0x31b: {  	[sflag:s20] =	ssyncset.done $0x0  }
0x31c: {  	s23 =	simm.s32 $0x8040;
	[sflag:s20] =	ssyncadd.s32 $0xFFFF8000  }
0x31d: {  	[tilespmem:s1], [sflag:$0x1] =	stream.linear.gather [hbm4b:s26+s1], $0x8000, $0x38;
	[tilespmem:$0x18000] =	vst v63  }
0x31e: {  	s24 =	simm.s32 $0x10040;
	v1 =	vld [tilespmem:s23+$0x30]  }
0x31f: {  	v2 =	vld [tilespmem:s24+$0x30]  }
0x320: {  	v0 =	vld [tilespmem:s24+$0xFFFFFFC0]  }
0x321: {  	v3 =	vld [tilespmem:s23+$0xFFFFFFD0]  }
0x322: {  	v4 =	vld [tilespmem:s24+$0xFFFFFFD0]  }
0x323: {  	v5 =	vld [tilespmem:s23+$0xFFFFFFE0]  }
0x324: {  	v6 =	vld [tilespmem:s24+$0xFFFFFFE0]  }
0x325: {  	v7 =	vld [tilespmem:s23+$0xFFFFFFF0]  }
0x326: {  	v8 =	vld [tilespmem:s24+$0xFFFFFFF0]  }
0x327: {  	v9 =	vld [tilespmem:s23+$0x0]  }
0x328: {  	v10 =	vld [tilespmem:s24+$0x0];
	v2 =	vadd.f32 v2, v1  }
0x329: {  	v4 =	vadd.f32 v4, v3;
	v1 =	vld [tilespmem:s23+$0x10]  }
0x32a: {  	v5 =	vadd.f32 v6, v5;
	v3 =	vld [tilespmem:s24+$0x10];
	[tilespmem:s23+$0x30] =	vst v2  }
0x32b: {  	v6 =	vadd.f32 v8, v7;
	[tilespmem:s23+$0xFFFFFFD0] =	vst v4;
	v2 =	vld [tilespmem:s23+$0x20]  }
0x32c: {  	[tilespmem:s23+$0xFFFFFFE0] =	vst v5;
	v5 =	vld [tilespmem:s24+$0x20]  }
0x32d: {  	s25 =	simm.s32 $0x0;
	s26 =	simm.s32 $0x80C0;
	v4 =	vld [tilespmem:s23+$0xFFFFFFC0];
	[tilespmem:s23+$0xFFFFFFF0] =	vst v6;
	v6 =	vadd.f32 v10, v9  }
.LBB2_32:
0x32e: {  	v7 =	vld [tilespmem:s26+$0x30];
	s24 =	sadd.s32 $0x80, s24  }
0x32f: {  	s25 =	sadd.s32 $0x8, s25;
	v8 =	vld [tilespmem:s24+$0x30];
	[tilespmem:s23+$0x0] =	vst v6;
	v1 =	vadd.f32 v3, v1  }
0x330: {  	p0 =	slt.u32 s25, $0x7F8;
	v3 =	vld [tilespmem:s24+$0xFFFFFFC0]  }
0x331: {  	v6 =	vld [tilespmem:s26+$0xFFFFFFD0];
	[tilespmem:s23+$0x10] =	vst v1;
	v1 =	vadd.f32 v5, v2  }
0x332: {  	v2 =	vld [tilespmem:s24+$0xFFFFFFD0];
	v9 =	vadd.f32 v0, v4  }
0x333: {  	v4 =	vld [tilespmem:s26+$0xFFFFFFE0];
	[tilespmem:s23+$0x20] =	vst v1  }
0x334: {  	v1 =	vld [tilespmem:s24+$0xFFFFFFE0];
	v5 =	vadd.f32 v8, v7;
	[tilespmem:s23+$0xFFFFFFC0] =	vst v9;
	s23 =	smov.u32 s26  }
0x335: {  	v7 =	vld [tilespmem:s26+$0xFFFFFFF0];
	v0 =	vmov v3  }
0x336: {  	v8 =	vld [tilespmem:s24+$0xFFFFFFF0];
	[tilespmem:s26+$0x30] =	vst v5  }
0x337: {  	v2 =	vadd.f32 v2, v6;
	v6 =	vld [tilespmem:s26+$0x0]  }
0x338: {  	v9 =	vld [tilespmem:s24+$0x0]  }
.Ltmp15:
0x339: {  	[tilespmem:s26+$0xFFFFFFD0] =	vst v2;
	v2 =	vadd.f32 v1, v4;
	v1 =	vld [tilespmem:s26+$0x10];
	(pc) =	sbr.rel @p0 .LBB2_32-.Ltmp15, $4  }
0x33a: {  	v3 =	vld [tilespmem:s24+$0x10]  }
0x33b: {  	[tilespmem:s26+$0xFFFFFFE0] =	vst v2;
	v7 =	vadd.f32 v8, v7;
	v2 =	vld [tilespmem:s26+$0x20]  }
0x33c: {  	v5 =	vld [tilespmem:s24+$0x20]  }
0x33d: {  	s26 =	sadd.s32 $0x80, s26;
	v4 =	vld [tilespmem:s23+$0xFFFFFFC0];
	[tilespmem:s23+$0xFFFFFFF0] =	vst v7;
	v6 =	vadd.f32 v9, v6  }
0x33e: {  	_ =	sdelay $0x1  }
0x33f: {  	v1 =	vadd.f32 v3, v1  }
0x340: {  	[tilespmem:s23+$0x0] =	vst v6;
	v2 =	vadd.f32 v5, v2  }
0x341: {  	[tilespmem:s23+$0x10] =	vst v1;
	v0 =	vadd.f32 v0, v4  }
0x342: {  	[tilespmem:s23+$0x20] =	vst v2  }
0x343: {  	[tilespmem:s23+$0xFFFFFFC0] =	vst v0  }
0x344: {  	s23 =	sld [smem:$0x7E7];
	_ =	sdelay $0x1  }
0x345: {  	s25 =	sld [smem:$0x7E9]  }
0x346: {  	[hbm4b:s23+s1] =	stream.linear.scatter [tilespmem:s18], [sflag:$0x4], $0x8000, $0x38;
	[tilespmem:$0x18000] =	vst v63  }
0x347: {  	_ = 	snop  }
0x348: {  	[tilespmem:s15], [sflag:$0x5] =	stream.linear.gather [hbm4b:s25+s1], $0x8000, $0x38;
	[tilespmem:$0x18000] =	vst v63  }
0x349: {  	_ =	swait.ge [sflag:s16], $0x8000  }
0x34a: {  	[sflag:s16] =	ssyncset.done $0x0  }
0x34b: {  	[sflag:s16] =	ssyncadd.s32 $0xFFFF8000  }
0x34c: {  	_ =	swait.ge [sflag:s17], $0x8000  }
0x34d: {  	[sflag:s17] =	ssyncset.done $0x0  }
0x34e: {  	[sflag:s17] =	ssyncadd.s32 $0xFFFF8000  }
0x34f: {  	_ =	swait.ge [sflag:s21], $0x8000  }
0x350: {  	s26 =	sld [smem:$0x7EB]  }
0x351: {  	[sflag:s21] =	ssyncset.done $0x0  }
0x352: {  	s23 =	simm.s32 $0x40;
	[sflag:s21] =	ssyncadd.s32 $0xFFFF8000  }
0x353: {  	[tilespmem:s18], [sflag:$0x2] =	stream.linear.gather [hbm4b:s26+s1], $0x8000, $0x38;
	[tilespmem:$0x18000] =	vst v63  }
0x354: {  	s24 =	simm.s32 $0x10040;
	v1 =	vld [tilespmem:s23+$0x30]  }
0x355: {  	v2 =	vld [tilespmem:s24+$0x30]  }
0x356: {  	v0 =	vld [tilespmem:s24+$0xFFFFFFC0]  }
0x357: {  	v3 =	vld [tilespmem:s23+$0xFFFFFFD0]  }
0x358: {  	v4 =	vld [tilespmem:s24+$0xFFFFFFD0]  }
0x359: {  	v5 =	vld [tilespmem:s23+$0xFFFFFFE0]  }
0x35a: {  	v6 =	vld [tilespmem:s24+$0xFFFFFFE0]  }
0x35b: {  	v7 =	vld [tilespmem:s23+$0xFFFFFFF0]  }
0x35c: {  	v8 =	vld [tilespmem:s24+$0xFFFFFFF0]  }
0x35d: {  	v9 =	vld [tilespmem:s23+$0x0]  }
0x35e: {  	v10 =	vld [tilespmem:s24+$0x0];
	v2 =	vadd.f32 v2, v1  }
0x35f: {  	v4 =	vadd.f32 v4, v3;
	v1 =	vld [tilespmem:s23+$0x10]  }
0x360: {  	v5 =	vadd.f32 v6, v5;
	v3 =	vld [tilespmem:s24+$0x10];
	[tilespmem:s23+$0x30] =	vst v2  }
0x361: {  	v6 =	vadd.f32 v8, v7;
	[tilespmem:s23+$0xFFFFFFD0] =	vst v4;
	v2 =	vld [tilespmem:s23+$0x20]  }
0x362: {  	[tilespmem:s23+$0xFFFFFFE0] =	vst v5;
	v5 =	vld [tilespmem:s24+$0x20]  }
0x363: {  	s25 =	simm.s32 $0x0;
	s26 =	simm.s32 $0xC0;
	v4 =	vld [tilespmem:s23+$0xFFFFFFC0];
	[tilespmem:s23+$0xFFFFFFF0] =	vst v6;
	v6 =	vadd.f32 v10, v9  }
.LBB2_34:
0x364: {  	v7 =	vld [tilespmem:s26+$0x30];
	s24 =	sadd.s32 $0x80, s24  }
0x365: {  	s25 =	sadd.s32 $0x8, s25;
	v8 =	vld [tilespmem:s24+$0x30];
	[tilespmem:s23+$0x0] =	vst v6;
	v1 =	vadd.f32 v3, v1  }
0x366: {  	p0 =	slt.u32 s25, $0x7F8;
	v3 =	vld [tilespmem:s24+$0xFFFFFFC0]  }
0x367: {  	v6 =	vld [tilespmem:s26+$0xFFFFFFD0];
	[tilespmem:s23+$0x10] =	vst v1;
	v1 =	vadd.f32 v5, v2  }
0x368: {  	v2 =	vld [tilespmem:s24+$0xFFFFFFD0];
	v9 =	vadd.f32 v0, v4  }
0x369: {  	v4 =	vld [tilespmem:s26+$0xFFFFFFE0];
	[tilespmem:s23+$0x20] =	vst v1  }
0x36a: {  	v1 =	vld [tilespmem:s24+$0xFFFFFFE0];
	v5 =	vadd.f32 v8, v7;
	[tilespmem:s23+$0xFFFFFFC0] =	vst v9;
	s23 =	smov.u32 s26  }
0x36b: {  	v7 =	vld [tilespmem:s26+$0xFFFFFFF0];
	v0 =	vmov v3  }
0x36c: {  	v8 =	vld [tilespmem:s24+$0xFFFFFFF0];
	[tilespmem:s26+$0x30] =	vst v5  }
0x36d: {  	v2 =	vadd.f32 v2, v6;
	v6 =	vld [tilespmem:s26+$0x0]  }
0x36e: {  	v9 =	vld [tilespmem:s24+$0x0]  }
.Ltmp16:
0x36f: {  	[tilespmem:s26+$0xFFFFFFD0] =	vst v2;
	v2 =	vadd.f32 v1, v4;
	v1 =	vld [tilespmem:s26+$0x10];
	(pc) =	sbr.rel @p0 .LBB2_34-.Ltmp16, $4  }
0x370: {  	v3 =	vld [tilespmem:s24+$0x10]  }
0x371: {  	[tilespmem:s26+$0xFFFFFFE0] =	vst v2;
	v7 =	vadd.f32 v8, v7;
	v2 =	vld [tilespmem:s26+$0x20]  }
0x372: {  	v5 =	vld [tilespmem:s24+$0x20]  }
0x373: {  	s26 =	sadd.s32 $0x80, s26;
	v4 =	vld [tilespmem:s23+$0xFFFFFFC0];
	[tilespmem:s23+$0xFFFFFFF0] =	vst v7;
	v6 =	vadd.f32 v9, v6  }
0x374: {  	_ =	sdelay $0x1  }
0x375: {  	v1 =	vadd.f32 v3, v1  }
0x376: {  	[tilespmem:s23+$0x0] =	vst v6;
	v2 =	vadd.f32 v5, v2  }
0x377: {  	[tilespmem:s23+$0x10] =	vst v1;
	v0 =	vadd.f32 v0, v4  }
0x378: {  	[tilespmem:s23+$0x20] =	vst v2  }
0x379: {  	[tilespmem:s23+$0xFFFFFFC0] =	vst v0  }
0x37a: {  	s23 =	sld [smem:$0x7EA];
	_ =	sdelay $0x2  }
0x37b: {  	[hbm4b:s23+s1] =	stream.linear.scatter [tilespmem:s1], [sflag:$0x3], $0x8000, $0x38;
	[tilespmem:$0x18000] =	vst v63  }
0x37c: {  	_ =	swait.ge [sflag:s19], $0x8000  }
0x37d: {  	[sflag:s19] =	ssyncset.done $0x0  }
0x37e: {  	[sflag:s19] =	ssyncadd.s32 $0xFFFF8000  }
0x37f: {  	_ =	swait.ge [sflag:s20], $0x8000  }
0x380: {  	s26 =	sld [smem:$0x7ED]  }
0x381: {  	[sflag:s20] =	ssyncset.done $0x0  }
0x382: {  	s23 =	simm.s32 $0x8040;
	[sflag:s20] =	ssyncadd.s32 $0xFFFF8000  }
0x383: {  	[tilespmem:s1], [sflag:$0x1] =	stream.linear.gather [hbm4b:s26+s1], $0x8000, $0x38;
	[tilespmem:$0x18000] =	vst v63  }
0x384: {  	s24 =	simm.s32 $0x10040;
	v1 =	vld [tilespmem:s23+$0x30]  }
0x385: {  	v2 =	vld [tilespmem:s24+$0x30]  }
0x386: {  	v0 =	vld [tilespmem:s24+$0xFFFFFFC0]  }
0x387: {  	v3 =	vld [tilespmem:s23+$0xFFFFFFD0]  }
0x388: {  	v4 =	vld [tilespmem:s24+$0xFFFFFFD0]  }
0x389: {  	v5 =	vld [tilespmem:s23+$0xFFFFFFE0]  }
0x38a: {  	v6 =	vld [tilespmem:s24+$0xFFFFFFE0]  }
0x38b: {  	v7 =	vld [tilespmem:s23+$0xFFFFFFF0]  }
0x38c: {  	v8 =	vld [tilespmem:s24+$0xFFFFFFF0]  }
0x38d: {  	v9 =	vld [tilespmem:s23+$0x0]  }
0x38e: {  	v10 =	vld [tilespmem:s24+$0x0];
	v2 =	vadd.f32 v2, v1  }
0x38f: {  	v4 =	vadd.f32 v4, v3;
	v1 =	vld [tilespmem:s23+$0x10]  }
0x390: {  	v5 =	vadd.f32 v6, v5;
	v3 =	vld [tilespmem:s24+$0x10];
	[tilespmem:s23+$0x30] =	vst v2  }
0x391: {  	v6 =	vadd.f32 v8, v7;
	[tilespmem:s23+$0xFFFFFFD0] =	vst v4;
	v2 =	vld [tilespmem:s23+$0x20]  }
0x392: {  	[tilespmem:s23+$0xFFFFFFE0] =	vst v5;
	v5 =	vld [tilespmem:s24+$0x20]  }
0x393: {  	s25 =	simm.s32 $0x0;
	s26 =	simm.s32 $0x80C0;
	v4 =	vld [tilespmem:s23+$0xFFFFFFC0];
	[tilespmem:s23+$0xFFFFFFF0] =	vst v6;
	v6 =	vadd.f32 v10, v9  }
.LBB2_36:
0x394: {  	v7 =	vld [tilespmem:s26+$0x30];
	s24 =	sadd.s32 $0x80, s24  }
0x395: {  	s25 =	sadd.s32 $0x8, s25;
	v8 =	vld [tilespmem:s24+$0x30];
	[tilespmem:s23+$0x0] =	vst v6;
	v1 =	vadd.f32 v3, v1  }
0x396: {  	p0 =	slt.u32 s25, $0x7F8;
	v3 =	vld [tilespmem:s24+$0xFFFFFFC0]  }
0x397: {  	v6 =	vld [tilespmem:s26+$0xFFFFFFD0];
	[tilespmem:s23+$0x10] =	vst v1;
	v1 =	vadd.f32 v5, v2  }
0x398: {  	v2 =	vld [tilespmem:s24+$0xFFFFFFD0];
	v9 =	vadd.f32 v0, v4  }
0x399: {  	v4 =	vld [tilespmem:s26+$0xFFFFFFE0];
	[tilespmem:s23+$0x20] =	vst v1  }
0x39a: {  	v1 =	vld [tilespmem:s24+$0xFFFFFFE0];
	v5 =	vadd.f32 v8, v7;
	[tilespmem:s23+$0xFFFFFFC0] =	vst v9;
	s23 =	smov.u32 s26  }
0x39b: {  	v7 =	vld [tilespmem:s26+$0xFFFFFFF0];
	v0 =	vmov v3  }
0x39c: {  	v8 =	vld [tilespmem:s24+$0xFFFFFFF0];
	[tilespmem:s26+$0x30] =	vst v5  }
0x39d: {  	v2 =	vadd.f32 v2, v6;
	v6 =	vld [tilespmem:s26+$0x0]  }
0x39e: {  	v9 =	vld [tilespmem:s24+$0x0]  }
.Ltmp17:
0x39f: {  	[tilespmem:s26+$0xFFFFFFD0] =	vst v2;
	v2 =	vadd.f32 v1, v4;
	v1 =	vld [tilespmem:s26+$0x10];
	(pc) =	sbr.rel @p0 .LBB2_36-.Ltmp17, $4  }
0x3a0: {  	v3 =	vld [tilespmem:s24+$0x10]  }
0x3a1: {  	[tilespmem:s26+$0xFFFFFFE0] =	vst v2;
	v7 =	vadd.f32 v8, v7;
	v2 =	vld [tilespmem:s26+$0x20]  }
0x3a2: {  	v5 =	vld [tilespmem:s24+$0x20]  }
0x3a3: {  	s26 =	sadd.s32 $0x80, s26;
	v4 =	vld [tilespmem:s23+$0xFFFFFFC0];
	[tilespmem:s23+$0xFFFFFFF0] =	vst v7;
	v6 =	vadd.f32 v9, v6  }
0x3a4: {  	_ =	sdelay $0x1  }
0x3a5: {  	v1 =	vadd.f32 v3, v1  }
0x3a6: {  	[tilespmem:s23+$0x0] =	vst v6;
	v2 =	vadd.f32 v5, v2  }
0x3a7: {  	[tilespmem:s23+$0x10] =	vst v1;
	v0 =	vadd.f32 v0, v4  }
0x3a8: {  	[tilespmem:s23+$0x20] =	vst v2  }
0x3a9: {  	[tilespmem:s23+$0xFFFFFFC0] =	vst v0  }
0x3aa: {  	s23 =	sld [smem:$0x7EC];
	_ =	sdelay $0x2  }
0x3ab: {  	[hbm4b:s23+s1] =	stream.linear.scatter [tilespmem:s18], [sflag:$0x4], $0x8000, $0x38;
	[tilespmem:$0x18000] =	vst v63  }
0x3ac: {  	_ =	swait.ge [sflag:s16], $0x8000  }
0x3ad: {  	[sflag:s16] =	ssyncset.done $0x0  }
0x3ae: {  	[sflag:s16] =	ssyncadd.s32 $0xFFFF8000  }
0x3af: {  	_ =	swait.ge [sflag:s21], $0x8000  }
0x3b0: {  	s26 =	sld [smem:$0x7EF]  }
0x3b1: {  	[sflag:s21] =	ssyncset.done $0x0  }
0x3b2: {  	s23 =	simm.s32 $0x40;
	[sflag:s21] =	ssyncadd.s32 $0xFFFF8000  }
0x3b3: {  	[tilespmem:s18], [sflag:$0x2] =	stream.linear.gather [hbm4b:s26+s1], $0x8000, $0x38;
	[tilespmem:$0x18000] =	vst v63  }
0x3b4: {  	s24 =	simm.s32 $0x10040;
	v1 =	vld [tilespmem:s23+$0x30]  }
0x3b5: {  	v2 =	vld [tilespmem:s24+$0x30]  }
0x3b6: {  	v0 =	vld [tilespmem:s24+$0xFFFFFFC0]  }
0x3b7: {  	v3 =	vld [tilespmem:s23+$0xFFFFFFD0]  }
0x3b8: {  	v4 =	vld [tilespmem:s24+$0xFFFFFFD0]  }
0x3b9: {  	v5 =	vld [tilespmem:s23+$0xFFFFFFE0]  }
0x3ba: {  	v6 =	vld [tilespmem:s24+$0xFFFFFFE0]  }
0x3bb: {  	v7 =	vld [tilespmem:s23+$0xFFFFFFF0]  }
0x3bc: {  	v8 =	vld [tilespmem:s24+$0xFFFFFFF0]  }
0x3bd: {  	v9 =	vld [tilespmem:s23+$0x0]  }
0x3be: {  	v10 =	vld [tilespmem:s24+$0x0];
	v2 =	vadd.f32 v2, v1  }
0x3bf: {  	v4 =	vadd.f32 v4, v3;
	v1 =	vld [tilespmem:s23+$0x10]  }
0x3c0: {  	v5 =	vadd.f32 v6, v5;
	v3 =	vld [tilespmem:s24+$0x10];
	[tilespmem:s23+$0x30] =	vst v2  }
0x3c1: {  	v6 =	vadd.f32 v8, v7;
	[tilespmem:s23+$0xFFFFFFD0] =	vst v4;
	v2 =	vld [tilespmem:s23+$0x20]  }
0x3c2: {  	[tilespmem:s23+$0xFFFFFFE0] =	vst v5;
	v5 =	vld [tilespmem:s24+$0x20]  }
0x3c3: {  	s25 =	simm.s32 $0x0;
	s26 =	simm.s32 $0xC0;
	v4 =	vld [tilespmem:s23+$0xFFFFFFC0];
	[tilespmem:s23+$0xFFFFFFF0] =	vst v6;
	v6 =	vadd.f32 v10, v9  }
.LBB2_38:
0x3c4: {  	v7 =	vld [tilespmem:s26+$0x30];
	s24 =	sadd.s32 $0x80, s24  }
0x3c5: {  	s25 =	sadd.s32 $0x8, s25;
	v8 =	vld [tilespmem:s24+$0x30];
	[tilespmem:s23+$0x0] =	vst v6;
	v1 =	vadd.f32 v3, v1  }
0x3c6: {  	p0 =	slt.u32 s25, $0x7F8;
	v3 =	vld [tilespmem:s24+$0xFFFFFFC0]  }
0x3c7: {  	v6 =	vld [tilespmem:s26+$0xFFFFFFD0];
	[tilespmem:s23+$0x10] =	vst v1;
	v1 =	vadd.f32 v5, v2  }
0x3c8: {  	v2 =	vld [tilespmem:s24+$0xFFFFFFD0];
	v9 =	vadd.f32 v0, v4  }
0x3c9: {  	v4 =	vld [tilespmem:s26+$0xFFFFFFE0];
	[tilespmem:s23+$0x20] =	vst v1  }
0x3ca: {  	v1 =	vld [tilespmem:s24+$0xFFFFFFE0];
	v5 =	vadd.f32 v8, v7;
	[tilespmem:s23+$0xFFFFFFC0] =	vst v9;
	s23 =	smov.u32 s26  }
0x3cb: {  	v7 =	vld [tilespmem:s26+$0xFFFFFFF0];
	v0 =	vmov v3  }
0x3cc: {  	v8 =	vld [tilespmem:s24+$0xFFFFFFF0];
	[tilespmem:s26+$0x30] =	vst v5  }
0x3cd: {  	v2 =	vadd.f32 v2, v6;
	v6 =	vld [tilespmem:s26+$0x0]  }
0x3ce: {  	v9 =	vld [tilespmem:s24+$0x0]  }
.Ltmp18:
0x3cf: {  	[tilespmem:s26+$0xFFFFFFD0] =	vst v2;
	v2 =	vadd.f32 v1, v4;
	v1 =	vld [tilespmem:s26+$0x10];
	(pc) =	sbr.rel @p0 .LBB2_38-.Ltmp18, $4  }
0x3d0: {  	v3 =	vld [tilespmem:s24+$0x10]  }
0x3d1: {  	[tilespmem:s26+$0xFFFFFFE0] =	vst v2;
	v7 =	vadd.f32 v8, v7;
	v2 =	vld [tilespmem:s26+$0x20]  }
0x3d2: {  	v5 =	vld [tilespmem:s24+$0x20]  }
0x3d3: {  	s26 =	sadd.s32 $0x80, s26;
	v4 =	vld [tilespmem:s23+$0xFFFFFFC0];
	[tilespmem:s23+$0xFFFFFFF0] =	vst v7;
	v6 =	vadd.f32 v9, v6  }
0x3d4: {  	_ =	sdelay $0x1  }
0x3d5: {  	v1 =	vadd.f32 v3, v1  }
0x3d6: {  	[tilespmem:s23+$0x0] =	vst v6;
	v2 =	vadd.f32 v5, v2  }
0x3d7: {  	[tilespmem:s23+$0x10] =	vst v1;
	v0 =	vadd.f32 v0, v4  }
0x3d8: {  	[tilespmem:s23+$0x20] =	vst v2  }
0x3d9: {  	[tilespmem:s23+$0xFFFFFFC0] =	vst v0  }
0x3da: {  	s23 =	sld [smem:$0x7EE];
	_ =	sdelay $0x2  }
0x3db: {  	[hbm4b:s23+s1] =	stream.linear.scatter [tilespmem:s1], [sflag:$0x3], $0x8000, $0x38;
	[tilespmem:$0x18000] =	vst v63  }
0x3dc: {  	_ =	swait.ge [sflag:s19], $0x8000  }
0x3dd: {  	[sflag:s19] =	ssyncset.done $0x0  }
0x3de: {  	[sflag:s19] =	ssyncadd.s32 $0xFFFF8000  }
0x3df: {  	_ =	swait.ge [sflag:s20], $0x8000  }
0x3e0: {  	s26 =	sld [smem:$0x7F1]  }
0x3e1: {  	[sflag:s20] =	ssyncset.done $0x0  }
0x3e2: {  	s23 =	simm.s32 $0x8040;
	[sflag:s20] =	ssyncadd.s32 $0xFFFF8000  }
0x3e3: {  	[tilespmem:s1], [sflag:$0x1] =	stream.linear.gather [hbm4b:s26+s1], $0x8000, $0x38;
	[tilespmem:$0x18000] =	vst v63  }
0x3e4: {  	s24 =	simm.s32 $0x10040;
	v1 =	vld [tilespmem:s23+$0x30]  }
0x3e5: {  	v2 =	vld [tilespmem:s24+$0x30]  }
0x3e6: {  	v0 =	vld [tilespmem:s24+$0xFFFFFFC0]  }
0x3e7: {  	v3 =	vld [tilespmem:s23+$0xFFFFFFD0]  }
0x3e8: {  	v4 =	vld [tilespmem:s24+$0xFFFFFFD0]  }
0x3e9: {  	v5 =	vld [tilespmem:s23+$0xFFFFFFE0]  }
0x3ea: {  	v6 =	vld [tilespmem:s24+$0xFFFFFFE0]  }
0x3eb: {  	v7 =	vld [tilespmem:s23+$0xFFFFFFF0]  }
0x3ec: {  	v8 =	vld [tilespmem:s24+$0xFFFFFFF0]  }
0x3ed: {  	v9 =	vld [tilespmem:s23+$0x0]  }
0x3ee: {  	v10 =	vld [tilespmem:s24+$0x0];
	v2 =	vadd.f32 v2, v1  }
0x3ef: {  	v4 =	vadd.f32 v4, v3;
	v1 =	vld [tilespmem:s23+$0x10]  }
0x3f0: {  	v5 =	vadd.f32 v6, v5;
	v3 =	vld [tilespmem:s24+$0x10];
	[tilespmem:s23+$0x30] =	vst v2  }
0x3f1: {  	v6 =	vadd.f32 v8, v7;
	[tilespmem:s23+$0xFFFFFFD0] =	vst v4;
	v2 =	vld [tilespmem:s23+$0x20]  }
0x3f2: {  	[tilespmem:s23+$0xFFFFFFE0] =	vst v5;
	v5 =	vld [tilespmem:s24+$0x20]  }
0x3f3: {  	s25 =	simm.s32 $0x0;
	s26 =	simm.s32 $0x80C0;
	v4 =	vld [tilespmem:s23+$0xFFFFFFC0];
	[tilespmem:s23+$0xFFFFFFF0] =	vst v6;
	v6 =	vadd.f32 v10, v9  }
.LBB2_40:
0x3f4: {  	v7 =	vld [tilespmem:s26+$0x30];
	s24 =	sadd.s32 $0x80, s24  }
0x3f5: {  	s25 =	sadd.s32 $0x8, s25;
	v8 =	vld [tilespmem:s24+$0x30];
	[tilespmem:s23+$0x0] =	vst v6;
	v1 =	vadd.f32 v3, v1  }
0x3f6: {  	p0 =	slt.u32 s25, $0x7F8;
	v3 =	vld [tilespmem:s24+$0xFFFFFFC0]  }
0x3f7: {  	v6 =	vld [tilespmem:s26+$0xFFFFFFD0];
	[tilespmem:s23+$0x10] =	vst v1;
	v1 =	vadd.f32 v5, v2  }
0x3f8: {  	v2 =	vld [tilespmem:s24+$0xFFFFFFD0];
	v9 =	vadd.f32 v0, v4  }
0x3f9: {  	v4 =	vld [tilespmem:s26+$0xFFFFFFE0];
	[tilespmem:s23+$0x20] =	vst v1  }
0x3fa: {  	v1 =	vld [tilespmem:s24+$0xFFFFFFE0];
	v5 =	vadd.f32 v8, v7;
	[tilespmem:s23+$0xFFFFFFC0] =	vst v9;
	s23 =	smov.u32 s26  }
0x3fb: {  	v7 =	vld [tilespmem:s26+$0xFFFFFFF0];
	v0 =	vmov v3  }
0x3fc: {  	v8 =	vld [tilespmem:s24+$0xFFFFFFF0];
	[tilespmem:s26+$0x30] =	vst v5  }
0x3fd: {  	v2 =	vadd.f32 v2, v6;
	v6 =	vld [tilespmem:s26+$0x0]  }
0x3fe: {  	v9 =	vld [tilespmem:s24+$0x0]  }
.Ltmp19:
0x3ff: {  	[tilespmem:s26+$0xFFFFFFD0] =	vst v2;
	v2 =	vadd.f32 v1, v4;
	v1 =	vld [tilespmem:s26+$0x10];
	(pc) =	sbr.rel @p0 .LBB2_40-.Ltmp19, $4  }
0x400: {  	v3 =	vld [tilespmem:s24+$0x10]  }
0x401: {  	[tilespmem:s26+$0xFFFFFFE0] =	vst v2;
	v7 =	vadd.f32 v8, v7;
	v2 =	vld [tilespmem:s26+$0x20]  }
0x402: {  	v5 =	vld [tilespmem:s24+$0x20]  }
0x403: {  	s26 =	sadd.s32 $0x80, s26;
	v4 =	vld [tilespmem:s23+$0xFFFFFFC0];
	[tilespmem:s23+$0xFFFFFFF0] =	vst v7;
	v6 =	vadd.f32 v9, v6  }
0x404: {  	_ =	sdelay $0x1  }
0x405: {  	v1 =	vadd.f32 v3, v1  }
0x406: {  	[tilespmem:s23+$0x0] =	vst v6;
	v2 =	vadd.f32 v5, v2  }
0x407: {  	[tilespmem:s23+$0x10] =	vst v1;
	v0 =	vadd.f32 v0, v4  }
0x408: {  	[tilespmem:s23+$0x20] =	vst v2  }
0x409: {  	[tilespmem:s23+$0xFFFFFFC0] =	vst v0  }
0x40a: {  	s23 =	sld [smem:$0x7F0];
	_ =	sdelay $0x1  }
0x40b: {  	s25 =	sld [smem:$0x7F2]  }
0x40c: {  	[hbm4b:s23+s1] =	stream.linear.scatter [tilespmem:s18], [sflag:$0x4], $0x8000, $0x38;
	[tilespmem:$0x18000] =	vst v63  }
0x40d: {  	_ = 	snop  }
0x40e: {  	[tilespmem:s15], [sflag:$0x5] =	stream.linear.gather [hbm4b:s25+s1], $0x8000, $0x38;
	[tilespmem:$0x18000] =	vst v63  }
0x40f: {  	_ =	swait.ge [sflag:s16], $0x8000  }
0x410: {  	[sflag:s16] =	ssyncset.done $0x0  }
0x411: {  	[sflag:s16] =	ssyncadd.s32 $0xFFFF8000  }
0x412: {  	_ =	swait.ge [sflag:s17], $0x8000  }
0x413: {  	[sflag:s17] =	ssyncset.done $0x0  }
0x414: {  	[sflag:s17] =	ssyncadd.s32 $0xFFFF8000  }
0x415: {  	_ =	swait.ge [sflag:s21], $0x8000  }
0x416: {  	s26 =	sld [smem:$0x7F4]  }
0x417: {  	[sflag:s21] =	ssyncset.done $0x0  }
0x418: {  	s23 =	simm.s32 $0x40;
	[sflag:s21] =	ssyncadd.s32 $0xFFFF8000  }
0x419: {  	[tilespmem:s18], [sflag:$0x2] =	stream.linear.gather [hbm4b:s26+s1], $0x8000, $0x38;
	[tilespmem:$0x18000] =	vst v63  }
0x41a: {  	s24 =	simm.s32 $0x10040;
	v1 =	vld [tilespmem:s23+$0x30]  }
0x41b: {  	v2 =	vld [tilespmem:s24+$0x30]  }
0x41c: {  	v0 =	vld [tilespmem:s24+$0xFFFFFFC0]  }
0x41d: {  	v3 =	vld [tilespmem:s23+$0xFFFFFFD0]  }
0x41e: {  	v4 =	vld [tilespmem:s24+$0xFFFFFFD0]  }
0x41f: {  	v5 =	vld [tilespmem:s23+$0xFFFFFFE0]  }
0x420: {  	v6 =	vld [tilespmem:s24+$0xFFFFFFE0]  }
0x421: {  	v7 =	vld [tilespmem:s23+$0xFFFFFFF0]  }
0x422: {  	v8 =	vld [tilespmem:s24+$0xFFFFFFF0]  }
0x423: {  	v9 =	vld [tilespmem:s23+$0x0]  }
0x424: {  	v10 =	vld [tilespmem:s24+$0x0];
	v2 =	vadd.f32 v2, v1  }
0x425: {  	v4 =	vadd.f32 v4, v3;
	v1 =	vld [tilespmem:s23+$0x10]  }
0x426: {  	v5 =	vadd.f32 v6, v5;
	v3 =	vld [tilespmem:s24+$0x10];
	[tilespmem:s23+$0x30] =	vst v2  }
0x427: {  	v6 =	vadd.f32 v8, v7;
	[tilespmem:s23+$0xFFFFFFD0] =	vst v4;
	v2 =	vld [tilespmem:s23+$0x20]  }
0x428: {  	[tilespmem:s23+$0xFFFFFFE0] =	vst v5;
	v5 =	vld [tilespmem:s24+$0x20]  }
0x429: {  	s25 =	simm.s32 $0x0;
	s26 =	simm.s32 $0xC0;
	v4 =	vld [tilespmem:s23+$0xFFFFFFC0];
	[tilespmem:s23+$0xFFFFFFF0] =	vst v6;
	v6 =	vadd.f32 v10, v9  }
.LBB2_42:
0x42a: {  	v7 =	vld [tilespmem:s26+$0x30];
	s24 =	sadd.s32 $0x80, s24  }
0x42b: {  	s25 =	sadd.s32 $0x8, s25;
	v8 =	vld [tilespmem:s24+$0x30];
	[tilespmem:s23+$0x0] =	vst v6;
	v1 =	vadd.f32 v3, v1  }
0x42c: {  	p0 =	slt.u32 s25, $0x7F8;
	v3 =	vld [tilespmem:s24+$0xFFFFFFC0]  }
0x42d: {  	v6 =	vld [tilespmem:s26+$0xFFFFFFD0];
	[tilespmem:s23+$0x10] =	vst v1;
	v1 =	vadd.f32 v5, v2  }
0x42e: {  	v2 =	vld [tilespmem:s24+$0xFFFFFFD0];
	v9 =	vadd.f32 v0, v4  }
0x42f: {  	v4 =	vld [tilespmem:s26+$0xFFFFFFE0];
	[tilespmem:s23+$0x20] =	vst v1  }
0x430: {  	v1 =	vld [tilespmem:s24+$0xFFFFFFE0];
	v5 =	vadd.f32 v8, v7;
	[tilespmem:s23+$0xFFFFFFC0] =	vst v9;
	s23 =	smov.u32 s26  }
0x431: {  	v7 =	vld [tilespmem:s26+$0xFFFFFFF0];
	v0 =	vmov v3  }
0x432: {  	v8 =	vld [tilespmem:s24+$0xFFFFFFF0];
	[tilespmem:s26+$0x30] =	vst v5  }
0x433: {  	v2 =	vadd.f32 v2, v6;
	v6 =	vld [tilespmem:s26+$0x0]  }
0x434: {  	v9 =	vld [tilespmem:s24+$0x0]  }
.Ltmp20:
0x435: {  	[tilespmem:s26+$0xFFFFFFD0] =	vst v2;
	v2 =	vadd.f32 v1, v4;
	v1 =	vld [tilespmem:s26+$0x10];
	(pc) =	sbr.rel @p0 .LBB2_42-.Ltmp20, $4  }
0x436: {  	v3 =	vld [tilespmem:s24+$0x10]  }
0x437: {  	[tilespmem:s26+$0xFFFFFFE0] =	vst v2;
	v7 =	vadd.f32 v8, v7;
	v2 =	vld [tilespmem:s26+$0x20]  }
0x438: {  	v5 =	vld [tilespmem:s24+$0x20]  }
0x439: {  	s26 =	sadd.s32 $0x80, s26;
	v4 =	vld [tilespmem:s23+$0xFFFFFFC0];
	[tilespmem:s23+$0xFFFFFFF0] =	vst v7;
	v6 =	vadd.f32 v9, v6  }
0x43a: {  	_ =	sdelay $0x1  }
0x43b: {  	v1 =	vadd.f32 v3, v1  }
0x43c: {  	[tilespmem:s23+$0x0] =	vst v6;
	v2 =	vadd.f32 v5, v2  }
0x43d: {  	[tilespmem:s23+$0x10] =	vst v1;
	v0 =	vadd.f32 v0, v4  }
0x43e: {  	[tilespmem:s23+$0x20] =	vst v2  }
0x43f: {  	[tilespmem:s23+$0xFFFFFFC0] =	vst v0  }
0x440: {  	s23 =	sld [smem:$0x7F3];
	_ =	sdelay $0x2  }
0x441: {  	[hbm4b:s23+s1] =	stream.linear.scatter [tilespmem:s1], [sflag:$0x3], $0x8000, $0x38;
	[tilespmem:$0x18000] =	vst v63  }
0x442: {  	_ =	swait.ge [sflag:s19], $0x8000  }
0x443: {  	[sflag:s19] =	ssyncset.done $0x0  }
0x444: {  	[sflag:s19] =	ssyncadd.s32 $0xFFFF8000  }
0x445: {  	_ =	swait.ge [sflag:s20], $0x8000  }
0x446: {  	s26 =	sld [smem:$0x7F6]  }
0x447: {  	[sflag:s20] =	ssyncset.done $0x0  }
0x448: {  	s23 =	simm.s32 $0x8040;
	[sflag:s20] =	ssyncadd.s32 $0xFFFF8000  }
0x449: {  	[tilespmem:s1], [sflag:$0x1] =	stream.linear.gather [hbm4b:s26+s1], $0x8000, $0x38;
	[tilespmem:$0x18000] =	vst v63  }
0x44a: {  	s24 =	simm.s32 $0x10040;
	v1 =	vld [tilespmem:s23+$0x30]  }
0x44b: {  	v2 =	vld [tilespmem:s24+$0x30]  }
0x44c: {  	v0 =	vld [tilespmem:s24+$0xFFFFFFC0]  }
0x44d: {  	v3 =	vld [tilespmem:s23+$0xFFFFFFD0]  }
0x44e: {  	v4 =	vld [tilespmem:s24+$0xFFFFFFD0]  }
0x44f: {  	v5 =	vld [tilespmem:s23+$0xFFFFFFE0]  }
0x450: {  	v6 =	vld [tilespmem:s24+$0xFFFFFFE0]  }
0x451: {  	v7 =	vld [tilespmem:s23+$0xFFFFFFF0]  }
0x452: {  	v8 =	vld [tilespmem:s24+$0xFFFFFFF0]  }
0x453: {  	v9 =	vld [tilespmem:s23+$0x0]  }
0x454: {  	v10 =	vld [tilespmem:s24+$0x0];
	v2 =	vadd.f32 v2, v1  }
0x455: {  	v4 =	vadd.f32 v4, v3;
	v1 =	vld [tilespmem:s23+$0x10]  }
0x456: {  	v5 =	vadd.f32 v6, v5;
	v3 =	vld [tilespmem:s24+$0x10];
	[tilespmem:s23+$0x30] =	vst v2  }
0x457: {  	v6 =	vadd.f32 v8, v7;
	[tilespmem:s23+$0xFFFFFFD0] =	vst v4;
	v2 =	vld [tilespmem:s23+$0x20]  }
0x458: {  	[tilespmem:s23+$0xFFFFFFE0] =	vst v5;
	v5 =	vld [tilespmem:s24+$0x20]  }
0x459: {  	s25 =	simm.s32 $0x0;
	s26 =	simm.s32 $0x80C0;
	v4 =	vld [tilespmem:s23+$0xFFFFFFC0];
	[tilespmem:s23+$0xFFFFFFF0] =	vst v6;
	v6 =	vadd.f32 v10, v9  }
.LBB2_44:
0x45a: {  	v7 =	vld [tilespmem:s26+$0x30];
	s24 =	sadd.s32 $0x80, s24  }
0x45b: {  	s25 =	sadd.s32 $0x8, s25;
	v8 =	vld [tilespmem:s24+$0x30];
	[tilespmem:s23+$0x0] =	vst v6;
	v1 =	vadd.f32 v3, v1  }
0x45c: {  	p0 =	slt.u32 s25, $0x7F8;
	v3 =	vld [tilespmem:s24+$0xFFFFFFC0]  }
0x45d: {  	v6 =	vld [tilespmem:s26+$0xFFFFFFD0];
	[tilespmem:s23+$0x10] =	vst v1;
	v1 =	vadd.f32 v5, v2  }
0x45e: {  	v2 =	vld [tilespmem:s24+$0xFFFFFFD0];
	v9 =	vadd.f32 v0, v4  }
0x45f: {  	v4 =	vld [tilespmem:s26+$0xFFFFFFE0];
	[tilespmem:s23+$0x20] =	vst v1  }
0x460: {  	v1 =	vld [tilespmem:s24+$0xFFFFFFE0];
	v5 =	vadd.f32 v8, v7;
	[tilespmem:s23+$0xFFFFFFC0] =	vst v9;
	s23 =	smov.u32 s26  }
0x461: {  	v7 =	vld [tilespmem:s26+$0xFFFFFFF0];
	v0 =	vmov v3  }
0x462: {  	v8 =	vld [tilespmem:s24+$0xFFFFFFF0];
	[tilespmem:s26+$0x30] =	vst v5  }
0x463: {  	v2 =	vadd.f32 v2, v6;
	v6 =	vld [tilespmem:s26+$0x0]  }
0x464: {  	v9 =	vld [tilespmem:s24+$0x0]  }
.Ltmp21:
0x465: {  	[tilespmem:s26+$0xFFFFFFD0] =	vst v2;
	v2 =	vadd.f32 v1, v4;
	v1 =	vld [tilespmem:s26+$0x10];
	(pc) =	sbr.rel @p0 .LBB2_44-.Ltmp21, $4  }
0x466: {  	v3 =	vld [tilespmem:s24+$0x10]  }
0x467: {  	[tilespmem:s26+$0xFFFFFFE0] =	vst v2;
	v7 =	vadd.f32 v8, v7;
	v2 =	vld [tilespmem:s26+$0x20]  }
0x468: {  	v5 =	vld [tilespmem:s24+$0x20]  }
0x469: {  	s26 =	sadd.s32 $0x80, s26;
	v4 =	vld [tilespmem:s23+$0xFFFFFFC0];
	[tilespmem:s23+$0xFFFFFFF0] =	vst v7;
	v6 =	vadd.f32 v9, v6  }
0x46a: {  	_ =	sdelay $0x1  }
0x46b: {  	v1 =	vadd.f32 v3, v1  }
0x46c: {  	[tilespmem:s23+$0x0] =	vst v6;
	v2 =	vadd.f32 v5, v2  }
0x46d: {  	[tilespmem:s23+$0x10] =	vst v1;
	v0 =	vadd.f32 v0, v4  }
0x46e: {  	[tilespmem:s23+$0x20] =	vst v2  }
0x46f: {  	[tilespmem:s23+$0xFFFFFFC0] =	vst v0  }
0x470: {  	s23 =	sld [smem:$0x7F5];
	_ =	sdelay $0x2  }
0x471: {  	[hbm4b:s23+s1] =	stream.linear.scatter [tilespmem:s18], [sflag:$0x4], $0x8000, $0x38;
	[tilespmem:$0x18000] =	vst v63  }
0x472: {  	_ =	swait.ge [sflag:s16], $0x8000  }
0x473: {  	[sflag:s16] =	ssyncset.done $0x0  }
0x474: {  	[sflag:s16] =	ssyncadd.s32 $0xFFFF8000  }
0x475: {  	_ =	swait.ge [sflag:s21], $0x8000  }
0x476: {  	s26 =	sld [smem:$0x7F8]  }
0x477: {  	[sflag:s21] =	ssyncset.done $0x0  }
0x478: {  	s23 =	simm.s32 $0x40;
	[sflag:s21] =	ssyncadd.s32 $0xFFFF8000  }
0x479: {  	[tilespmem:s18], [sflag:$0x2] =	stream.linear.gather [hbm4b:s26+s1], $0x8000, $0x38;
	[tilespmem:$0x18000] =	vst v63  }
0x47a: {  	s24 =	simm.s32 $0x10040;
	v1 =	vld [tilespmem:s23+$0x30]  }
0x47b: {  	v2 =	vld [tilespmem:s24+$0x30]  }
0x47c: {  	v0 =	vld [tilespmem:s24+$0xFFFFFFC0]  }
0x47d: {  	v3 =	vld [tilespmem:s23+$0xFFFFFFD0]  }
0x47e: {  	v4 =	vld [tilespmem:s24+$0xFFFFFFD0]  }
0x47f: {  	v5 =	vld [tilespmem:s23+$0xFFFFFFE0]  }
0x480: {  	v6 =	vld [tilespmem:s24+$0xFFFFFFE0]  }
0x481: {  	v7 =	vld [tilespmem:s23+$0xFFFFFFF0]  }
0x482: {  	v8 =	vld [tilespmem:s24+$0xFFFFFFF0]  }
0x483: {  	v9 =	vld [tilespmem:s23+$0x0]  }
0x484: {  	v10 =	vld [tilespmem:s24+$0x0];
	v2 =	vadd.f32 v2, v1  }
0x485: {  	v4 =	vadd.f32 v4, v3;
	v1 =	vld [tilespmem:s23+$0x10]  }
0x486: {  	v5 =	vadd.f32 v6, v5;
	v3 =	vld [tilespmem:s24+$0x10];
	[tilespmem:s23+$0x30] =	vst v2  }
0x487: {  	v6 =	vadd.f32 v8, v7;
	[tilespmem:s23+$0xFFFFFFD0] =	vst v4;
	v2 =	vld [tilespmem:s23+$0x20]  }
0x488: {  	[tilespmem:s23+$0xFFFFFFE0] =	vst v5;
	v5 =	vld [tilespmem:s24+$0x20]  }
0x489: {  	s25 =	simm.s32 $0x0;
	s26 =	simm.s32 $0xC0;
	v4 =	vld [tilespmem:s23+$0xFFFFFFC0];
	[tilespmem:s23+$0xFFFFFFF0] =	vst v6;
	v6 =	vadd.f32 v10, v9  }
.LBB2_46:
0x48a: {  	v7 =	vld [tilespmem:s26+$0x30];
	s24 =	sadd.s32 $0x80, s24  }
0x48b: {  	s25 =	sadd.s32 $0x8, s25;
	v8 =	vld [tilespmem:s24+$0x30];
	[tilespmem:s23+$0x0] =	vst v6;
	v1 =	vadd.f32 v3, v1  }
0x48c: {  	p0 =	slt.u32 s25, $0x7F8;
	v3 =	vld [tilespmem:s24+$0xFFFFFFC0]  }
0x48d: {  	v6 =	vld [tilespmem:s26+$0xFFFFFFD0];
	[tilespmem:s23+$0x10] =	vst v1;
	v1 =	vadd.f32 v5, v2  }
0x48e: {  	v2 =	vld [tilespmem:s24+$0xFFFFFFD0];
	v9 =	vadd.f32 v0, v4  }
0x48f: {  	v4 =	vld [tilespmem:s26+$0xFFFFFFE0];
	[tilespmem:s23+$0x20] =	vst v1  }
0x490: {  	v1 =	vld [tilespmem:s24+$0xFFFFFFE0];
	v5 =	vadd.f32 v8, v7;
	[tilespmem:s23+$0xFFFFFFC0] =	vst v9;
	s23 =	smov.u32 s26  }
0x491: {  	v7 =	vld [tilespmem:s26+$0xFFFFFFF0];
	v0 =	vmov v3  }
0x492: {  	v8 =	vld [tilespmem:s24+$0xFFFFFFF0];
	[tilespmem:s26+$0x30] =	vst v5  }
0x493: {  	v2 =	vadd.f32 v2, v6;
	v6 =	vld [tilespmem:s26+$0x0]  }
0x494: {  	v9 =	vld [tilespmem:s24+$0x0]  }
.Ltmp22:
0x495: {  	[tilespmem:s26+$0xFFFFFFD0] =	vst v2;
	v2 =	vadd.f32 v1, v4;
	v1 =	vld [tilespmem:s26+$0x10];
	(pc) =	sbr.rel @p0 .LBB2_46-.Ltmp22, $4  }
0x496: {  	v3 =	vld [tilespmem:s24+$0x10]  }
0x497: {  	[tilespmem:s26+$0xFFFFFFE0] =	vst v2;
	v7 =	vadd.f32 v8, v7;
	v2 =	vld [tilespmem:s26+$0x20]  }
0x498: {  	v5 =	vld [tilespmem:s24+$0x20]  }
0x499: {  	s26 =	sadd.s32 $0x80, s26;
	v4 =	vld [tilespmem:s23+$0xFFFFFFC0];
	[tilespmem:s23+$0xFFFFFFF0] =	vst v7;
	v6 =	vadd.f32 v9, v6  }
0x49a: {  	_ =	sdelay $0x1  }
0x49b: {  	v1 =	vadd.f32 v3, v1  }
0x49c: {  	[tilespmem:s23+$0x0] =	vst v6;
	v2 =	vadd.f32 v5, v2  }
0x49d: {  	[tilespmem:s23+$0x10] =	vst v1;
	v0 =	vadd.f32 v0, v4  }
0x49e: {  	[tilespmem:s23+$0x20] =	vst v2  }
0x49f: {  	[tilespmem:s23+$0xFFFFFFC0] =	vst v0  }
0x4a0: {  	s23 =	sld [smem:$0x7F7];
	_ =	sdelay $0x2  }
0x4a1: {  	[hbm4b:s23+s1] =	stream.linear.scatter [tilespmem:s1], [sflag:$0x3], $0x8000, $0x38;
	[tilespmem:$0x18000] =	vst v63  }
0x4a2: {  	_ =	swait.ge [sflag:s19], $0x8000  }
0x4a3: {  	[sflag:s19] =	ssyncset.done $0x0  }
0x4a4: {  	[sflag:s19] =	ssyncadd.s32 $0xFFFF8000  }
0x4a5: {  	_ =	swait.ge [sflag:s20], $0x8000  }
0x4a6: {  	s26 =	sld [smem:$0x7FA]  }
0x4a7: {  	[sflag:s20] =	ssyncset.done $0x0  }
0x4a8: {  	s23 =	simm.s32 $0x8040;
	[sflag:s20] =	ssyncadd.s32 $0xFFFF8000  }
0x4a9: {  	[tilespmem:s1], [sflag:$0x1] =	stream.linear.gather [hbm4b:s26+s1], $0x8000, $0x38;
	[tilespmem:$0x18000] =	vst v63  }
0x4aa: {  	s24 =	simm.s32 $0x10040;
	v1 =	vld [tilespmem:s23+$0x30]  }
0x4ab: {  	v2 =	vld [tilespmem:s24+$0x30]  }
0x4ac: {  	v0 =	vld [tilespmem:s24+$0xFFFFFFC0]  }
0x4ad: {  	v3 =	vld [tilespmem:s23+$0xFFFFFFD0]  }
0x4ae: {  	v4 =	vld [tilespmem:s24+$0xFFFFFFD0]  }
0x4af: {  	v5 =	vld [tilespmem:s23+$0xFFFFFFE0]  }
0x4b0: {  	v6 =	vld [tilespmem:s24+$0xFFFFFFE0]  }
0x4b1: {  	v7 =	vld [tilespmem:s23+$0xFFFFFFF0]  }
0x4b2: {  	v8 =	vld [tilespmem:s24+$0xFFFFFFF0]  }
0x4b3: {  	v9 =	vld [tilespmem:s23+$0x0]  }
0x4b4: {  	v10 =	vld [tilespmem:s24+$0x0];
	v2 =	vadd.f32 v2, v1  }
0x4b5: {  	v4 =	vadd.f32 v4, v3;
	v1 =	vld [tilespmem:s23+$0x10]  }
0x4b6: {  	v5 =	vadd.f32 v6, v5;
	v3 =	vld [tilespmem:s24+$0x10];
	[tilespmem:s23+$0x30] =	vst v2  }
0x4b7: {  	v6 =	vadd.f32 v8, v7;
	[tilespmem:s23+$0xFFFFFFD0] =	vst v4;
	v2 =	vld [tilespmem:s23+$0x20]  }
0x4b8: {  	[tilespmem:s23+$0xFFFFFFE0] =	vst v5;
	v5 =	vld [tilespmem:s24+$0x20]  }
0x4b9: {  	s25 =	simm.s32 $0x0;
	s26 =	simm.s32 $0x80C0;
	v4 =	vld [tilespmem:s23+$0xFFFFFFC0];
	[tilespmem:s23+$0xFFFFFFF0] =	vst v6;
	v6 =	vadd.f32 v10, v9  }
.LBB2_48:
0x4ba: {  	v7 =	vld [tilespmem:s26+$0x30];
	s24 =	sadd.s32 $0x80, s24  }
0x4bb: {  	s25 =	sadd.s32 $0x8, s25;
	v8 =	vld [tilespmem:s24+$0x30];
	[tilespmem:s23+$0x0] =	vst v6;
	v1 =	vadd.f32 v3, v1  }
0x4bc: {  	p0 =	slt.u32 s25, $0x7F8;
	v3 =	vld [tilespmem:s24+$0xFFFFFFC0]  }
0x4bd: {  	v6 =	vld [tilespmem:s26+$0xFFFFFFD0];
	[tilespmem:s23+$0x10] =	vst v1;
	v1 =	vadd.f32 v5, v2  }
0x4be: {  	v2 =	vld [tilespmem:s24+$0xFFFFFFD0];
	v9 =	vadd.f32 v0, v4  }
0x4bf: {  	v4 =	vld [tilespmem:s26+$0xFFFFFFE0];
	[tilespmem:s23+$0x20] =	vst v1  }
0x4c0: {  	v1 =	vld [tilespmem:s24+$0xFFFFFFE0];
	v5 =	vadd.f32 v8, v7;
	[tilespmem:s23+$0xFFFFFFC0] =	vst v9;
	s23 =	smov.u32 s26  }
0x4c1: {  	v7 =	vld [tilespmem:s26+$0xFFFFFFF0];
	v0 =	vmov v3  }
0x4c2: {  	v8 =	vld [tilespmem:s24+$0xFFFFFFF0];
	[tilespmem:s26+$0x30] =	vst v5  }
0x4c3: {  	v2 =	vadd.f32 v2, v6;
	v6 =	vld [tilespmem:s26+$0x0]  }
0x4c4: {  	v9 =	vld [tilespmem:s24+$0x0]  }
.Ltmp23:
0x4c5: {  	[tilespmem:s26+$0xFFFFFFD0] =	vst v2;
	v2 =	vadd.f32 v1, v4;
	v1 =	vld [tilespmem:s26+$0x10];
	(pc) =	sbr.rel @p0 .LBB2_48-.Ltmp23, $4  }
0x4c6: {  	v3 =	vld [tilespmem:s24+$0x10]  }
0x4c7: {  	[tilespmem:s26+$0xFFFFFFE0] =	vst v2;
	v7 =	vadd.f32 v8, v7;
	v2 =	vld [tilespmem:s26+$0x20]  }
0x4c8: {  	v5 =	vld [tilespmem:s24+$0x20]  }
0x4c9: {  	s26 =	sadd.s32 $0x80, s26;
	v4 =	vld [tilespmem:s23+$0xFFFFFFC0];
	[tilespmem:s23+$0xFFFFFFF0] =	vst v7;
	v6 =	vadd.f32 v9, v6  }
0x4ca: {  	_ =	sdelay $0x1  }
0x4cb: {  	v1 =	vadd.f32 v3, v1  }
0x4cc: {  	[tilespmem:s23+$0x0] =	vst v6;
	v2 =	vadd.f32 v5, v2  }
0x4cd: {  	[tilespmem:s23+$0x10] =	vst v1;
	v0 =	vadd.f32 v0, v4  }
0x4ce: {  	[tilespmem:s23+$0x20] =	vst v2  }
0x4cf: {  	[tilespmem:s23+$0xFFFFFFC0] =	vst v0  }
0x4d0: {  	s23 =	sld [smem:$0x7F9];
	_ =	sdelay $0x1  }
0x4d1: {  	s25 =	sld [smem:$0x7FB]  }
0x4d2: {  	[hbm4b:s23+s1] =	stream.linear.scatter [tilespmem:s18], [sflag:$0x4], $0x8000, $0x38;
	[tilespmem:$0x18000] =	vst v63  }
0x4d3: {  	_ = 	snop  }
0x4d4: {  	[tilespmem:s15], [sflag:$0x5] =	stream.linear.gather [hbm4b:s25+s1], $0x8000, $0x38;
	[tilespmem:$0x18000] =	vst v63  }
0x4d5: {  	_ =	swait.ge [sflag:s16], $0x8000  }
0x4d6: {  	[sflag:s16] =	ssyncset.done $0x0  }
0x4d7: {  	[sflag:s16] =	ssyncadd.s32 $0xFFFF8000  }
0x4d8: {  	_ =	swait.ge [sflag:s17], $0x8000  }
0x4d9: {  	[sflag:s17] =	ssyncset.done $0x0  }
0x4da: {  	[sflag:s17] =	ssyncadd.s32 $0xFFFF8000  }
0x4db: {  	_ =	swait.ge [sflag:s21], $0x8000  }
0x4dc: {  	s26 =	sld [smem:$0x7FD]  }
0x4dd: {  	[sflag:s21] =	ssyncset.done $0x0  }
0x4de: {  	s23 =	simm.s32 $0x40;
	[sflag:s21] =	ssyncadd.s32 $0xFFFF8000  }
0x4df: {  	[tilespmem:s18], [sflag:$0x2] =	stream.linear.gather [hbm4b:s26+s1], $0x8000, $0x38;
	[tilespmem:$0x18000] =	vst v63  }
0x4e0: {  	s24 =	simm.s32 $0x10040;
	v1 =	vld [tilespmem:s23+$0x30]  }
0x4e1: {  	v2 =	vld [tilespmem:s24+$0x30]  }
0x4e2: {  	v0 =	vld [tilespmem:s24+$0xFFFFFFC0]  }
0x4e3: {  	v3 =	vld [tilespmem:s23+$0xFFFFFFD0]  }
0x4e4: {  	v4 =	vld [tilespmem:s24+$0xFFFFFFD0]  }
0x4e5: {  	v5 =	vld [tilespmem:s23+$0xFFFFFFE0]  }
0x4e6: {  	v6 =	vld [tilespmem:s24+$0xFFFFFFE0]  }
0x4e7: {  	v7 =	vld [tilespmem:s23+$0xFFFFFFF0]  }
0x4e8: {  	v8 =	vld [tilespmem:s24+$0xFFFFFFF0]  }
0x4e9: {  	v9 =	vld [tilespmem:s23+$0x0]  }
0x4ea: {  	v10 =	vld [tilespmem:s24+$0x0];
	v2 =	vadd.f32 v2, v1  }
0x4eb: {  	v4 =	vadd.f32 v4, v3;
	v1 =	vld [tilespmem:s23+$0x10]  }
0x4ec: {  	v5 =	vadd.f32 v6, v5;
	v3 =	vld [tilespmem:s24+$0x10];
	[tilespmem:s23+$0x30] =	vst v2  }
0x4ed: {  	v6 =	vadd.f32 v8, v7;
	[tilespmem:s23+$0xFFFFFFD0] =	vst v4;
	v2 =	vld [tilespmem:s23+$0x20]  }
0x4ee: {  	[tilespmem:s23+$0xFFFFFFE0] =	vst v5;
	v5 =	vld [tilespmem:s24+$0x20]  }
0x4ef: {  	s25 =	simm.s32 $0x0;
	s26 =	simm.s32 $0xC0;
	v4 =	vld [tilespmem:s23+$0xFFFFFFC0];
	[tilespmem:s23+$0xFFFFFFF0] =	vst v6;
	v6 =	vadd.f32 v10, v9  }
.LBB2_50:
0x4f0: {  	v7 =	vld [tilespmem:s26+$0x30];
	s24 =	sadd.s32 $0x80, s24  }
0x4f1: {  	s25 =	sadd.s32 $0x8, s25;
	v8 =	vld [tilespmem:s24+$0x30];
	[tilespmem:s23+$0x0] =	vst v6;
	v1 =	vadd.f32 v3, v1  }
0x4f2: {  	p0 =	slt.u32 s25, $0x7F8;
	v3 =	vld [tilespmem:s24+$0xFFFFFFC0]  }
0x4f3: {  	v6 =	vld [tilespmem:s26+$0xFFFFFFD0];
	[tilespmem:s23+$0x10] =	vst v1;
	v1 =	vadd.f32 v5, v2  }
0x4f4: {  	v2 =	vld [tilespmem:s24+$0xFFFFFFD0];
	v9 =	vadd.f32 v0, v4  }
0x4f5: {  	v4 =	vld [tilespmem:s26+$0xFFFFFFE0];
	[tilespmem:s23+$0x20] =	vst v1  }
0x4f6: {  	v1 =	vld [tilespmem:s24+$0xFFFFFFE0];
	v5 =	vadd.f32 v8, v7;
	[tilespmem:s23+$0xFFFFFFC0] =	vst v9;
	s23 =	smov.u32 s26  }
0x4f7: {  	v7 =	vld [tilespmem:s26+$0xFFFFFFF0];
	v0 =	vmov v3  }
0x4f8: {  	v8 =	vld [tilespmem:s24+$0xFFFFFFF0];
	[tilespmem:s26+$0x30] =	vst v5  }
0x4f9: {  	v2 =	vadd.f32 v2, v6;
	v6 =	vld [tilespmem:s26+$0x0]  }
0x4fa: {  	v9 =	vld [tilespmem:s24+$0x0]  }
.Ltmp24:
0x4fb: {  	[tilespmem:s26+$0xFFFFFFD0] =	vst v2;
	v2 =	vadd.f32 v1, v4;
	v1 =	vld [tilespmem:s26+$0x10];
	(pc) =	sbr.rel @p0 .LBB2_50-.Ltmp24, $4  }
0x4fc: {  	v3 =	vld [tilespmem:s24+$0x10]  }
0x4fd: {  	[tilespmem:s26+$0xFFFFFFE0] =	vst v2;
	v7 =	vadd.f32 v8, v7;
	v2 =	vld [tilespmem:s26+$0x20]  }
0x4fe: {  	v5 =	vld [tilespmem:s24+$0x20]  }
0x4ff: {  	s26 =	sadd.s32 $0x80, s26;
	v4 =	vld [tilespmem:s23+$0xFFFFFFC0];
	[tilespmem:s23+$0xFFFFFFF0] =	vst v7;
	v6 =	vadd.f32 v9, v6  }
0x500: {  	_ =	sdelay $0x1  }
0x501: {  	v1 =	vadd.f32 v3, v1  }
0x502: {  	[tilespmem:s23+$0x0] =	vst v6;
	v2 =	vadd.f32 v5, v2  }
0x503: {  	[tilespmem:s23+$0x10] =	vst v1;
	v0 =	vadd.f32 v0, v4  }
0x504: {  	[tilespmem:s23+$0x20] =	vst v2  }
0x505: {  	[tilespmem:s23+$0xFFFFFFC0] =	vst v0  }
0x506: {  	s23 =	sld [smem:$0x7FC];
	_ =	sdelay $0x2  }
0x507: {  	[hbm4b:s23+s1] =	stream.linear.scatter [tilespmem:s1], [sflag:$0x3], $0x8000, $0x38;
	[tilespmem:$0x18000] =	vst v63  }
0x508: {  	_ =	swait.ge [sflag:s19], $0x8000  }
0x509: {  	[sflag:s19] =	ssyncset.done $0x0  }
0x50a: {  	[sflag:s19] =	ssyncadd.s32 $0xFFFF8000  }
0x50b: {  	_ =	swait.ge [sflag:s20], $0x8000  }
0x50c: {  	[sflag:s20] =	ssyncset.done $0x0  }
0x50d: {  	s23 =	simm.s32 $0x8040;
	[sflag:s20] =	ssyncadd.s32 $0xFFFF8000  }
0x50e: {  	[tilespmem:s1], [sflag:$0x1] =	stream.linear.gather [hbm4b:s29+s1], $0x8000, $0x38;
	[tilespmem:$0x18000] =	vst v63  }
0x50f: {  	s24 =	simm.s32 $0x10040;
	v1 =	vld [tilespmem:s23+$0x30]  }
0x510: {  	v2 =	vld [tilespmem:s24+$0x30]  }
0x511: {  	v0 =	vld [tilespmem:s24+$0xFFFFFFC0]  }
0x512: {  	v3 =	vld [tilespmem:s23+$0xFFFFFFD0]  }
0x513: {  	v4 =	vld [tilespmem:s24+$0xFFFFFFD0]  }
0x514: {  	v5 =	vld [tilespmem:s23+$0xFFFFFFE0]  }
0x515: {  	v6 =	vld [tilespmem:s24+$0xFFFFFFE0]  }
0x516: {  	v7 =	vld [tilespmem:s23+$0xFFFFFFF0]  }
0x517: {  	v8 =	vld [tilespmem:s24+$0xFFFFFFF0]  }
0x518: {  	v9 =	vld [tilespmem:s23+$0x0]  }
0x519: {  	v10 =	vld [tilespmem:s24+$0x0];
	v2 =	vadd.f32 v2, v1  }
0x51a: {  	v4 =	vadd.f32 v4, v3;
	v1 =	vld [tilespmem:s23+$0x10]  }
0x51b: {  	v5 =	vadd.f32 v6, v5;
	v3 =	vld [tilespmem:s24+$0x10];
	[tilespmem:s23+$0x30] =	vst v2  }
0x51c: {  	v6 =	vadd.f32 v8, v7;
	[tilespmem:s23+$0xFFFFFFD0] =	vst v4;
	v2 =	vld [tilespmem:s23+$0x20]  }
0x51d: {  	[tilespmem:s23+$0xFFFFFFE0] =	vst v5;
	v5 =	vld [tilespmem:s24+$0x20]  }
0x51e: {  	s25 =	simm.s32 $0x0;
	s26 =	simm.s32 $0x80C0;
	v4 =	vld [tilespmem:s23+$0xFFFFFFC0];
	[tilespmem:s23+$0xFFFFFFF0] =	vst v6;
	v6 =	vadd.f32 v10, v9  }
.LBB2_52:
0x51f: {  	v7 =	vld [tilespmem:s26+$0x30];
	s24 =	sadd.s32 $0x80, s24  }
0x520: {  	s25 =	sadd.s32 $0x8, s25;
	v8 =	vld [tilespmem:s24+$0x30];
	[tilespmem:s23+$0x0] =	vst v6;
	v1 =	vadd.f32 v3, v1  }
0x521: {  	p0 =	slt.u32 s25, $0x7F8;
	v3 =	vld [tilespmem:s24+$0xFFFFFFC0]  }
0x522: {  	v6 =	vld [tilespmem:s26+$0xFFFFFFD0];
	[tilespmem:s23+$0x10] =	vst v1;
	v1 =	vadd.f32 v5, v2  }
0x523: {  	v2 =	vld [tilespmem:s24+$0xFFFFFFD0];
	v9 =	vadd.f32 v0, v4  }
0x524: {  	v4 =	vld [tilespmem:s26+$0xFFFFFFE0];
	[tilespmem:s23+$0x20] =	vst v1  }
0x525: {  	v1 =	vld [tilespmem:s24+$0xFFFFFFE0];
	v5 =	vadd.f32 v8, v7;
	[tilespmem:s23+$0xFFFFFFC0] =	vst v9;
	s23 =	smov.u32 s26  }
0x526: {  	v7 =	vld [tilespmem:s26+$0xFFFFFFF0];
	v0 =	vmov v3  }
0x527: {  	v8 =	vld [tilespmem:s24+$0xFFFFFFF0];
	[tilespmem:s26+$0x30] =	vst v5  }
0x528: {  	v2 =	vadd.f32 v2, v6;
	v6 =	vld [tilespmem:s26+$0x0]  }
0x529: {  	v9 =	vld [tilespmem:s24+$0x0]  }
.Ltmp25:
0x52a: {  	[tilespmem:s26+$0xFFFFFFD0] =	vst v2;
	v2 =	vadd.f32 v1, v4;
	v1 =	vld [tilespmem:s26+$0x10];
	(pc) =	sbr.rel @p0 .LBB2_52-.Ltmp25, $4  }
0x52b: {  	v3 =	vld [tilespmem:s24+$0x10]  }
0x52c: {  	[tilespmem:s26+$0xFFFFFFE0] =	vst v2;
	v7 =	vadd.f32 v8, v7;
	v2 =	vld [tilespmem:s26+$0x20]  }
0x52d: {  	v5 =	vld [tilespmem:s24+$0x20]  }
0x52e: {  	s26 =	sadd.s32 $0x80, s26;
	v4 =	vld [tilespmem:s23+$0xFFFFFFC0];
	[tilespmem:s23+$0xFFFFFFF0] =	vst v7;
	v6 =	vadd.f32 v9, v6  }
0x52f: {  	_ =	sdelay $0x1  }
0x530: {  	v1 =	vadd.f32 v3, v1  }
0x531: {  	[tilespmem:s23+$0x0] =	vst v6;
	v2 =	vadd.f32 v5, v2  }
0x532: {  	[tilespmem:s23+$0x10] =	vst v1;
	v0 =	vadd.f32 v0, v4  }
0x533: {  	[tilespmem:s23+$0x20] =	vst v2  }
0x534: {  	[tilespmem:s23+$0xFFFFFFC0] =	vst v0  }
0x535: {  	[hbm4b:s28+s1] =	stream.linear.scatter [tilespmem:s18], [sflag:$0x4], $0x8000, $0x38;
	[tilespmem:$0x18000] =	vst v63  }
0x536: {  	_ =	swait.ge [sflag:s16], $0x8000  }
0x537: {  	[sflag:s16] =	ssyncset.done $0x0  }
0x538: {  	[sflag:s16] =	ssyncadd.s32 $0xFFFF8000  }
0x539: {  	_ =	swait.ge [sflag:s21], $0x8000  }
0x53a: {  	[sflag:s21] =	ssyncset.done $0x0  }
0x53b: {  	s23 =	simm.s32 $0x40;
	[sflag:s21] =	ssyncadd.s32 $0xFFFF8000  }
0x53c: {  	[tilespmem:s18], [sflag:$0x2] =	stream.linear.gather [hbm4b:s31+s1], $0x8000, $0x38;
	[tilespmem:$0x18000] =	vst v63  }
0x53d: {  	s24 =	simm.s32 $0x10040;
	v1 =	vld [tilespmem:s23+$0x30]  }
0x53e: {  	v2 =	vld [tilespmem:s24+$0x30]  }
0x53f: {  	v0 =	vld [tilespmem:s24+$0xFFFFFFC0]  }
0x540: {  	v3 =	vld [tilespmem:s23+$0xFFFFFFD0]  }
0x541: {  	v4 =	vld [tilespmem:s24+$0xFFFFFFD0]  }
0x542: {  	v5 =	vld [tilespmem:s23+$0xFFFFFFE0]  }
0x543: {  	v6 =	vld [tilespmem:s24+$0xFFFFFFE0]  }
0x544: {  	v7 =	vld [tilespmem:s23+$0xFFFFFFF0]  }
0x545: {  	v8 =	vld [tilespmem:s24+$0xFFFFFFF0]  }
0x546: {  	v9 =	vld [tilespmem:s23+$0x0]  }
0x547: {  	v10 =	vld [tilespmem:s24+$0x0];
	v2 =	vadd.f32 v2, v1  }
0x548: {  	v4 =	vadd.f32 v4, v3;
	v1 =	vld [tilespmem:s23+$0x10]  }
0x549: {  	v5 =	vadd.f32 v6, v5;
	v3 =	vld [tilespmem:s24+$0x10];
	[tilespmem:s23+$0x30] =	vst v2  }
0x54a: {  	v6 =	vadd.f32 v8, v7;
	[tilespmem:s23+$0xFFFFFFD0] =	vst v4;
	v2 =	vld [tilespmem:s23+$0x20]  }
0x54b: {  	[tilespmem:s23+$0xFFFFFFE0] =	vst v5;
	v5 =	vld [tilespmem:s24+$0x20]  }
0x54c: {  	s25 =	simm.s32 $0x0;
	s26 =	simm.s32 $0xC0;
	v4 =	vld [tilespmem:s23+$0xFFFFFFC0];
	[tilespmem:s23+$0xFFFFFFF0] =	vst v6;
	v6 =	vadd.f32 v10, v9  }
.LBB2_54:
0x54d: {  	v7 =	vld [tilespmem:s26+$0x30];
	s24 =	sadd.s32 $0x80, s24  }
0x54e: {  	s25 =	sadd.s32 $0x8, s25;
	v8 =	vld [tilespmem:s24+$0x30];
	[tilespmem:s23+$0x0] =	vst v6;
	v1 =	vadd.f32 v3, v1  }
0x54f: {  	p0 =	slt.u32 s25, $0x7F8;
	v3 =	vld [tilespmem:s24+$0xFFFFFFC0]  }
0x550: {  	v6 =	vld [tilespmem:s26+$0xFFFFFFD0];
	[tilespmem:s23+$0x10] =	vst v1;
	v1 =	vadd.f32 v5, v2  }
0x551: {  	v2 =	vld [tilespmem:s24+$0xFFFFFFD0];
	v9 =	vadd.f32 v0, v4  }
0x552: {  	v4 =	vld [tilespmem:s26+$0xFFFFFFE0];
	[tilespmem:s23+$0x20] =	vst v1  }
0x553: {  	v1 =	vld [tilespmem:s24+$0xFFFFFFE0];
	v5 =	vadd.f32 v8, v7;
	[tilespmem:s23+$0xFFFFFFC0] =	vst v9;
	s23 =	smov.u32 s26  }
0x554: {  	v7 =	vld [tilespmem:s26+$0xFFFFFFF0];
	v0 =	vmov v3  }
0x555: {  	v8 =	vld [tilespmem:s24+$0xFFFFFFF0];
	[tilespmem:s26+$0x30] =	vst v5  }
0x556: {  	v2 =	vadd.f32 v2, v6;
	v6 =	vld [tilespmem:s26+$0x0]  }
0x557: {  	v9 =	vld [tilespmem:s24+$0x0]  }
.Ltmp26:
0x558: {  	[tilespmem:s26+$0xFFFFFFD0] =	vst v2;
	v2 =	vadd.f32 v1, v4;
	v1 =	vld [tilespmem:s26+$0x10];
	(pc) =	sbr.rel @p0 .LBB2_54-.Ltmp26, $4  }
0x559: {  	v3 =	vld [tilespmem:s24+$0x10]  }
0x55a: {  	[tilespmem:s26+$0xFFFFFFE0] =	vst v2;
	v7 =	vadd.f32 v8, v7;
	v2 =	vld [tilespmem:s26+$0x20]  }
0x55b: {  	v5 =	vld [tilespmem:s24+$0x20]  }
0x55c: {  	s26 =	sadd.s32 $0x80, s26;
	v4 =	vld [tilespmem:s23+$0xFFFFFFC0];
	[tilespmem:s23+$0xFFFFFFF0] =	vst v7;
	v6 =	vadd.f32 v9, v6  }
0x55d: {  	_ =	sdelay $0x1  }
0x55e: {  	v1 =	vadd.f32 v3, v1  }
0x55f: {  	[tilespmem:s23+$0x0] =	vst v6;
	v2 =	vadd.f32 v5, v2  }
0x560: {  	[tilespmem:s23+$0x10] =	vst v1;
	v0 =	vadd.f32 v0, v4  }
0x561: {  	[tilespmem:s23+$0x20] =	vst v2  }
0x562: {  	[tilespmem:s23+$0xFFFFFFC0] =	vst v0  }
0x563: {  	[hbm4b:s30+s1] =	stream.linear.scatter [tilespmem:s1], [sflag:$0x3], $0x8000, $0x38;
	[tilespmem:$0x18000] =	vst v63  }
0x564: {  	_ =	swait.ge [sflag:s19], $0x8000  }
0x565: {  	[sflag:s19] =	ssyncset.done $0x0  }
0x566: {  	[sflag:s19] =	ssyncadd.s32 $0xFFFF8000  }
0x567: {  	_ =	swait.ge [sflag:s20], $0x8000  }
0x568: {  	[sflag:s20] =	ssyncset.done $0x0  }
0x569: {  	s23 =	simm.s32 $0x8040;
	[sflag:s20] =	ssyncadd.s32 $0xFFFF8000  }
0x56a: {  	[tilespmem:s1], [sflag:$0x1] =	stream.linear.gather [hbm4b:s4+s1], $0x8000, $0x38;
	[tilespmem:$0x18000] =	vst v63  }
0x56b: {  	s24 =	simm.s32 $0x10040;
	v1 =	vld [tilespmem:s23+$0x30]  }
0x56c: {  	v2 =	vld [tilespmem:s24+$0x30]  }
0x56d: {  	v0 =	vld [tilespmem:s24+$0xFFFFFFC0]  }
0x56e: {  	v3 =	vld [tilespmem:s23+$0xFFFFFFD0]  }
0x56f: {  	v4 =	vld [tilespmem:s24+$0xFFFFFFD0]  }
0x570: {  	v5 =	vld [tilespmem:s23+$0xFFFFFFE0]  }
0x571: {  	v6 =	vld [tilespmem:s24+$0xFFFFFFE0]  }
0x572: {  	v7 =	vld [tilespmem:s23+$0xFFFFFFF0]  }
0x573: {  	v8 =	vld [tilespmem:s24+$0xFFFFFFF0]  }
0x574: {  	v9 =	vld [tilespmem:s23+$0x0]  }
0x575: {  	v10 =	vld [tilespmem:s24+$0x0];
	v2 =	vadd.f32 v2, v1  }
0x576: {  	v4 =	vadd.f32 v4, v3;
	v1 =	vld [tilespmem:s23+$0x10]  }
0x577: {  	v5 =	vadd.f32 v6, v5;
	v3 =	vld [tilespmem:s24+$0x10];
	[tilespmem:s23+$0x30] =	vst v2  }
0x578: {  	v6 =	vadd.f32 v8, v7;
	[tilespmem:s23+$0xFFFFFFD0] =	vst v4;
	v2 =	vld [tilespmem:s23+$0x20]  }
0x579: {  	[tilespmem:s23+$0xFFFFFFE0] =	vst v5;
	v5 =	vld [tilespmem:s24+$0x20]  }
0x57a: {  	s25 =	simm.s32 $0x0;
	s26 =	simm.s32 $0x80C0;
	v4 =	vld [tilespmem:s23+$0xFFFFFFC0];
	[tilespmem:s23+$0xFFFFFFF0] =	vst v6;
	v6 =	vadd.f32 v10, v9  }
.LBB2_56:
0x57b: {  	v7 =	vld [tilespmem:s26+$0x30];
	s24 =	sadd.s32 $0x80, s24  }
0x57c: {  	s25 =	sadd.s32 $0x8, s25;
	v8 =	vld [tilespmem:s24+$0x30];
	[tilespmem:s23+$0x0] =	vst v6;
	v1 =	vadd.f32 v3, v1  }
0x57d: {  	p0 =	slt.u32 s25, $0x7F8;
	v3 =	vld [tilespmem:s24+$0xFFFFFFC0]  }
0x57e: {  	v6 =	vld [tilespmem:s26+$0xFFFFFFD0];
	[tilespmem:s23+$0x10] =	vst v1;
	v1 =	vadd.f32 v5, v2  }
0x57f: {  	v2 =	vld [tilespmem:s24+$0xFFFFFFD0];
	v9 =	vadd.f32 v0, v4  }
0x580: {  	v4 =	vld [tilespmem:s26+$0xFFFFFFE0];
	[tilespmem:s23+$0x20] =	vst v1  }
0x581: {  	v1 =	vld [tilespmem:s24+$0xFFFFFFE0];
	v5 =	vadd.f32 v8, v7;
	[tilespmem:s23+$0xFFFFFFC0] =	vst v9;
	s23 =	smov.u32 s26  }
0x582: {  	v7 =	vld [tilespmem:s26+$0xFFFFFFF0];
	v0 =	vmov v3  }
0x583: {  	v8 =	vld [tilespmem:s24+$0xFFFFFFF0];
	[tilespmem:s26+$0x30] =	vst v5  }
0x584: {  	v2 =	vadd.f32 v2, v6;
	v6 =	vld [tilespmem:s26+$0x0]  }
0x585: {  	v9 =	vld [tilespmem:s24+$0x0]  }
.Ltmp27:
0x586: {  	[tilespmem:s26+$0xFFFFFFD0] =	vst v2;
	v2 =	vadd.f32 v1, v4;
	v1 =	vld [tilespmem:s26+$0x10];
	(pc) =	sbr.rel @p0 .LBB2_56-.Ltmp27, $4  }
0x587: {  	v3 =	vld [tilespmem:s24+$0x10]  }
0x588: {  	[tilespmem:s26+$0xFFFFFFE0] =	vst v2;
	v7 =	vadd.f32 v8, v7;
	v2 =	vld [tilespmem:s26+$0x20]  }
0x589: {  	v5 =	vld [tilespmem:s24+$0x20]  }
0x58a: {  	s26 =	sadd.s32 $0x80, s26;
	v4 =	vld [tilespmem:s23+$0xFFFFFFC0];
	[tilespmem:s23+$0xFFFFFFF0] =	vst v7;
	v6 =	vadd.f32 v9, v6  }
0x58b: {  	_ =	sdelay $0x1  }
0x58c: {  	v1 =	vadd.f32 v3, v1  }
0x58d: {  	[tilespmem:s23+$0x0] =	vst v6;
	v2 =	vadd.f32 v5, v2  }
0x58e: {  	[tilespmem:s23+$0x10] =	vst v1;
	v0 =	vadd.f32 v0, v4  }
0x58f: {  	[tilespmem:s23+$0x20] =	vst v2  }
0x590: {  	[tilespmem:s23+$0xFFFFFFC0] =	vst v0  }
0x591: {  	[hbm4b:s0+s1] =	stream.linear.scatter [tilespmem:s18], [sflag:$0x4], $0x8000, $0x38;
	[tilespmem:$0x18000] =	vst v63  }
0x592: {  	_ = 	snop  }
0x593: {  	[tilespmem:s15], [sflag:$0x5] =	stream.linear.gather [hbm4b:s3+s1], $0x8000, $0x38;
	[tilespmem:$0x18000] =	vst v63  }
0x594: {  	_ =	swait.ge [sflag:s16], $0x8000  }
0x595: {  	[sflag:s16] =	ssyncset.done $0x0  }
0x596: {  	[sflag:s16] =	ssyncadd.s32 $0xFFFF8000  }
0x597: {  	_ =	swait.ge [sflag:s17], $0x8000  }
0x598: {  	[sflag:s17] =	ssyncset.done $0x0  }
0x599: {  	[sflag:s17] =	ssyncadd.s32 $0xFFFF8000  }
0x59a: {  	_ =	swait.ge [sflag:s21], $0x8000  }
0x59b: {  	[sflag:s21] =	ssyncset.done $0x0  }
0x59c: {  	s23 =	simm.s32 $0x40;
	[sflag:s21] =	ssyncadd.s32 $0xFFFF8000  }
0x59d: {  	[tilespmem:s18], [sflag:$0x2] =	stream.linear.gather [hbm4b:s6+s1], $0x8000, $0x38;
	[tilespmem:$0x18000] =	vst v63  }
0x59e: {  	s24 =	simm.s32 $0x10040;
	v1 =	vld [tilespmem:s23+$0x30]  }
0x59f: {  	v2 =	vld [tilespmem:s24+$0x30]  }
0x5a0: {  	v0 =	vld [tilespmem:s24+$0xFFFFFFC0]  }
0x5a1: {  	v3 =	vld [tilespmem:s23+$0xFFFFFFD0]  }
0x5a2: {  	v4 =	vld [tilespmem:s24+$0xFFFFFFD0]  }
0x5a3: {  	v5 =	vld [tilespmem:s23+$0xFFFFFFE0]  }
0x5a4: {  	v6 =	vld [tilespmem:s24+$0xFFFFFFE0]  }
0x5a5: {  	v7 =	vld [tilespmem:s23+$0xFFFFFFF0]  }
0x5a6: {  	v8 =	vld [tilespmem:s24+$0xFFFFFFF0]  }
0x5a7: {  	v9 =	vld [tilespmem:s23+$0x0]  }
0x5a8: {  	v10 =	vld [tilespmem:s24+$0x0];
	v2 =	vadd.f32 v2, v1  }
0x5a9: {  	v4 =	vadd.f32 v4, v3;
	v1 =	vld [tilespmem:s23+$0x10]  }
0x5aa: {  	v5 =	vadd.f32 v6, v5;
	v3 =	vld [tilespmem:s24+$0x10];
	[tilespmem:s23+$0x30] =	vst v2  }
0x5ab: {  	v6 =	vadd.f32 v8, v7;
	[tilespmem:s23+$0xFFFFFFD0] =	vst v4;
	v2 =	vld [tilespmem:s23+$0x20]  }
0x5ac: {  	[tilespmem:s23+$0xFFFFFFE0] =	vst v5;
	v5 =	vld [tilespmem:s24+$0x20]  }
0x5ad: {  	s25 =	simm.s32 $0x0;
	s26 =	simm.s32 $0xC0;
	v4 =	vld [tilespmem:s23+$0xFFFFFFC0];
	[tilespmem:s23+$0xFFFFFFF0] =	vst v6;
	v6 =	vadd.f32 v10, v9  }
.LBB2_58:
0x5ae: {  	v7 =	vld [tilespmem:s26+$0x30];
	s24 =	sadd.s32 $0x80, s24  }
0x5af: {  	s25 =	sadd.s32 $0x8, s25;
	v8 =	vld [tilespmem:s24+$0x30];
	[tilespmem:s23+$0x0] =	vst v6;
	v1 =	vadd.f32 v3, v1  }
0x5b0: {  	p0 =	slt.u32 s25, $0x7F8;
	v3 =	vld [tilespmem:s24+$0xFFFFFFC0]  }
0x5b1: {  	v6 =	vld [tilespmem:s26+$0xFFFFFFD0];
	[tilespmem:s23+$0x10] =	vst v1;
	v1 =	vadd.f32 v5, v2  }
0x5b2: {  	v2 =	vld [tilespmem:s24+$0xFFFFFFD0];
	v9 =	vadd.f32 v0, v4  }
0x5b3: {  	v4 =	vld [tilespmem:s26+$0xFFFFFFE0];
	[tilespmem:s23+$0x20] =	vst v1  }
0x5b4: {  	v1 =	vld [tilespmem:s24+$0xFFFFFFE0];
	v5 =	vadd.f32 v8, v7;
	[tilespmem:s23+$0xFFFFFFC0] =	vst v9;
	s23 =	smov.u32 s26  }
0x5b5: {  	v7 =	vld [tilespmem:s26+$0xFFFFFFF0];
	v0 =	vmov v3  }
0x5b6: {  	v8 =	vld [tilespmem:s24+$0xFFFFFFF0];
	[tilespmem:s26+$0x30] =	vst v5  }
0x5b7: {  	v2 =	vadd.f32 v2, v6;
	v6 =	vld [tilespmem:s26+$0x0]  }
0x5b8: {  	v9 =	vld [tilespmem:s24+$0x0]  }
.Ltmp28:
0x5b9: {  	[tilespmem:s26+$0xFFFFFFD0] =	vst v2;
	v2 =	vadd.f32 v1, v4;
	v1 =	vld [tilespmem:s26+$0x10];
	(pc) =	sbr.rel @p0 .LBB2_58-.Ltmp28, $4  }
0x5ba: {  	v3 =	vld [tilespmem:s24+$0x10]  }
0x5bb: {  	[tilespmem:s26+$0xFFFFFFE0] =	vst v2;
	v7 =	vadd.f32 v8, v7;
	v2 =	vld [tilespmem:s26+$0x20]  }
0x5bc: {  	v5 =	vld [tilespmem:s24+$0x20]  }
0x5bd: {  	s26 =	sadd.s32 $0x80, s26;
	v4 =	vld [tilespmem:s23+$0xFFFFFFC0];
	[tilespmem:s23+$0xFFFFFFF0] =	vst v7;
	v6 =	vadd.f32 v9, v6  }
0x5be: {  	_ =	sdelay $0x1  }
0x5bf: {  	v1 =	vadd.f32 v3, v1  }
0x5c0: {  	[tilespmem:s23+$0x0] =	vst v6;
	v2 =	vadd.f32 v5, v2  }
0x5c1: {  	[tilespmem:s23+$0x10] =	vst v1;
	v0 =	vadd.f32 v0, v4  }
0x5c2: {  	[tilespmem:s23+$0x20] =	vst v2  }
0x5c3: {  	[tilespmem:s23+$0xFFFFFFC0] =	vst v0  }
0x5c4: {  	[hbm4b:s5+s1] =	stream.linear.scatter [tilespmem:s1], [sflag:$0x3], $0x8000, $0x38;
	[tilespmem:$0x18000] =	vst v63  }
0x5c5: {  	_ =	swait.ge [sflag:s19], $0x8000  }
0x5c6: {  	[sflag:s19] =	ssyncset.done $0x0  }
0x5c7: {  	[sflag:s19] =	ssyncadd.s32 $0xFFFF8000  }
0x5c8: {  	_ =	swait.ge [sflag:s20], $0x8000  }
0x5c9: {  	[sflag:s20] =	ssyncset.done $0x0  }
0x5ca: {  	s23 =	simm.s32 $0x8040;
	[sflag:s20] =	ssyncadd.s32 $0xFFFF8000  }
0x5cb: {  	[tilespmem:s1], [sflag:$0x1] =	stream.linear.gather [hbm4b:s10+s1], $0x8000, $0x38;
	[tilespmem:$0x18000] =	vst v63  }
0x5cc: {  	s24 =	simm.s32 $0x10040;
	v1 =	vld [tilespmem:s23+$0x30]  }
0x5cd: {  	v2 =	vld [tilespmem:s24+$0x30]  }
0x5ce: {  	v0 =	vld [tilespmem:s24+$0xFFFFFFC0]  }
0x5cf: {  	v3 =	vld [tilespmem:s23+$0xFFFFFFD0]  }
0x5d0: {  	v4 =	vld [tilespmem:s24+$0xFFFFFFD0]  }
0x5d1: {  	v5 =	vld [tilespmem:s23+$0xFFFFFFE0]  }
0x5d2: {  	v6 =	vld [tilespmem:s24+$0xFFFFFFE0]  }
0x5d3: {  	v7 =	vld [tilespmem:s23+$0xFFFFFFF0]  }
0x5d4: {  	v8 =	vld [tilespmem:s24+$0xFFFFFFF0]  }
0x5d5: {  	v9 =	vld [tilespmem:s23+$0x0]  }
0x5d6: {  	v10 =	vld [tilespmem:s24+$0x0];
	v2 =	vadd.f32 v2, v1  }
0x5d7: {  	v4 =	vadd.f32 v4, v3;
	v1 =	vld [tilespmem:s23+$0x10]  }
0x5d8: {  	v5 =	vadd.f32 v6, v5;
	v3 =	vld [tilespmem:s24+$0x10];
	[tilespmem:s23+$0x30] =	vst v2  }
0x5d9: {  	v6 =	vadd.f32 v8, v7;
	[tilespmem:s23+$0xFFFFFFD0] =	vst v4;
	v2 =	vld [tilespmem:s23+$0x20]  }
0x5da: {  	[tilespmem:s23+$0xFFFFFFE0] =	vst v5;
	v5 =	vld [tilespmem:s24+$0x20]  }
0x5db: {  	s25 =	simm.s32 $0x0;
	s26 =	simm.s32 $0x80C0;
	v4 =	vld [tilespmem:s23+$0xFFFFFFC0];
	[tilespmem:s23+$0xFFFFFFF0] =	vst v6;
	v6 =	vadd.f32 v10, v9  }
.LBB2_60:
0x5dc: {  	v7 =	vld [tilespmem:s26+$0x30];
	s24 =	sadd.s32 $0x80, s24  }
0x5dd: {  	s25 =	sadd.s32 $0x8, s25;
	v8 =	vld [tilespmem:s24+$0x30];
	[tilespmem:s23+$0x0] =	vst v6;
	v1 =	vadd.f32 v3, v1  }
0x5de: {  	p0 =	slt.u32 s25, $0x7F8;
	v3 =	vld [tilespmem:s24+$0xFFFFFFC0]  }
0x5df: {  	v6 =	vld [tilespmem:s26+$0xFFFFFFD0];
	[tilespmem:s23+$0x10] =	vst v1;
	v1 =	vadd.f32 v5, v2  }
0x5e0: {  	v2 =	vld [tilespmem:s24+$0xFFFFFFD0];
	v9 =	vadd.f32 v0, v4  }
0x5e1: {  	v4 =	vld [tilespmem:s26+$0xFFFFFFE0];
	[tilespmem:s23+$0x20] =	vst v1  }
0x5e2: {  	v1 =	vld [tilespmem:s24+$0xFFFFFFE0];
	v5 =	vadd.f32 v8, v7;
	[tilespmem:s23+$0xFFFFFFC0] =	vst v9;
	s23 =	smov.u32 s26  }
0x5e3: {  	v7 =	vld [tilespmem:s26+$0xFFFFFFF0];
	v0 =	vmov v3  }
0x5e4: {  	v8 =	vld [tilespmem:s24+$0xFFFFFFF0];
	[tilespmem:s26+$0x30] =	vst v5  }
0x5e5: {  	v2 =	vadd.f32 v2, v6;
	v6 =	vld [tilespmem:s26+$0x0]  }
0x5e6: {  	v9 =	vld [tilespmem:s24+$0x0]  }
.Ltmp29:
0x5e7: {  	[tilespmem:s26+$0xFFFFFFD0] =	vst v2;
	v2 =	vadd.f32 v1, v4;
	v1 =	vld [tilespmem:s26+$0x10];
	(pc) =	sbr.rel @p0 .LBB2_60-.Ltmp29, $4  }
0x5e8: {  	v3 =	vld [tilespmem:s24+$0x10]  }
0x5e9: {  	[tilespmem:s26+$0xFFFFFFE0] =	vst v2;
	v7 =	vadd.f32 v8, v7;
	v2 =	vld [tilespmem:s26+$0x20]  }
0x5ea: {  	v5 =	vld [tilespmem:s24+$0x20]  }
0x5eb: {  	s26 =	sadd.s32 $0x80, s26;
	v4 =	vld [tilespmem:s23+$0xFFFFFFC0];
	[tilespmem:s23+$0xFFFFFFF0] =	vst v7;
	v6 =	vadd.f32 v9, v6  }
0x5ec: {  	_ =	sdelay $0x1  }
0x5ed: {  	v1 =	vadd.f32 v3, v1  }
0x5ee: {  	[tilespmem:s23+$0x0] =	vst v6;
	v2 =	vadd.f32 v5, v2  }
0x5ef: {  	[tilespmem:s23+$0x10] =	vst v1;
	v0 =	vadd.f32 v0, v4  }
0x5f0: {  	[tilespmem:s23+$0x20] =	vst v2  }
0x5f1: {  	[tilespmem:s23+$0xFFFFFFC0] =	vst v0  }
0x5f2: {  	[hbm4b:s7+s1] =	stream.linear.scatter [tilespmem:s18], [sflag:$0x4], $0x8000, $0x38;
	[tilespmem:$0x18000] =	vst v63  }
0x5f3: {  	_ =	swait.ge [sflag:s16], $0x8000  }
0x5f4: {  	[sflag:s16] =	ssyncset.done $0x0  }
0x5f5: {  	[sflag:s16] =	ssyncadd.s32 $0xFFFF8000  }
0x5f6: {  	_ =	swait.ge [sflag:s21], $0x8000  }
0x5f7: {  	[sflag:s21] =	ssyncset.done $0x0  }
0x5f8: {  	s23 =	simm.s32 $0x40;
	[sflag:s21] =	ssyncadd.s32 $0xFFFF8000  }
0x5f9: {  	[tilespmem:s18], [sflag:$0x2] =	stream.linear.gather [hbm4b:s11+s1], $0x8000, $0x38;
	[tilespmem:$0x18000] =	vst v63  }
0x5fa: {  	s24 =	simm.s32 $0x10040;
	v1 =	vld [tilespmem:s23+$0x30]  }
0x5fb: {  	v2 =	vld [tilespmem:s24+$0x30]  }
0x5fc: {  	v0 =	vld [tilespmem:s24+$0xFFFFFFC0]  }
0x5fd: {  	v3 =	vld [tilespmem:s23+$0xFFFFFFD0]  }
0x5fe: {  	v4 =	vld [tilespmem:s24+$0xFFFFFFD0]  }
0x5ff: {  	v5 =	vld [tilespmem:s23+$0xFFFFFFE0]  }
0x600: {  	v6 =	vld [tilespmem:s24+$0xFFFFFFE0]  }
0x601: {  	v7 =	vld [tilespmem:s23+$0xFFFFFFF0]  }
0x602: {  	v8 =	vld [tilespmem:s24+$0xFFFFFFF0]  }
0x603: {  	v9 =	vld [tilespmem:s23+$0x0]  }
0x604: {  	v10 =	vld [tilespmem:s24+$0x0];
	v2 =	vadd.f32 v2, v1  }
0x605: {  	v4 =	vadd.f32 v4, v3;
	v1 =	vld [tilespmem:s23+$0x10]  }
0x606: {  	v5 =	vadd.f32 v6, v5;
	v3 =	vld [tilespmem:s24+$0x10];
	[tilespmem:s23+$0x30] =	vst v2  }
0x607: {  	v6 =	vadd.f32 v8, v7;
	[tilespmem:s23+$0xFFFFFFD0] =	vst v4;
	v2 =	vld [tilespmem:s23+$0x20]  }
0x608: {  	[tilespmem:s23+$0xFFFFFFE0] =	vst v5;
	v5 =	vld [tilespmem:s24+$0x20]  }
0x609: {  	s25 =	simm.s32 $0x0;
	s26 =	simm.s32 $0xC0;
	v4 =	vld [tilespmem:s23+$0xFFFFFFC0];
	[tilespmem:s23+$0xFFFFFFF0] =	vst v6;
	v6 =	vadd.f32 v10, v9  }
.LBB2_62:
0x60a: {  	v7 =	vld [tilespmem:s26+$0x30];
	s24 =	sadd.s32 $0x80, s24  }
0x60b: {  	s25 =	sadd.s32 $0x8, s25;
	v8 =	vld [tilespmem:s24+$0x30];
	[tilespmem:s23+$0x0] =	vst v6;
	v1 =	vadd.f32 v3, v1  }
0x60c: {  	p0 =	slt.u32 s25, $0x7F8;
	v3 =	vld [tilespmem:s24+$0xFFFFFFC0]  }
0x60d: {  	v6 =	vld [tilespmem:s26+$0xFFFFFFD0];
	[tilespmem:s23+$0x10] =	vst v1;
	v1 =	vadd.f32 v5, v2  }
0x60e: {  	v2 =	vld [tilespmem:s24+$0xFFFFFFD0];
	v9 =	vadd.f32 v0, v4  }
0x60f: {  	v4 =	vld [tilespmem:s26+$0xFFFFFFE0];
	[tilespmem:s23+$0x20] =	vst v1  }
0x610: {  	v1 =	vld [tilespmem:s24+$0xFFFFFFE0];
	v5 =	vadd.f32 v8, v7;
	[tilespmem:s23+$0xFFFFFFC0] =	vst v9;
	s23 =	smov.u32 s26  }
0x611: {  	v7 =	vld [tilespmem:s26+$0xFFFFFFF0];
	v0 =	vmov v3  }
0x612: {  	v8 =	vld [tilespmem:s24+$0xFFFFFFF0];
	[tilespmem:s26+$0x30] =	vst v5  }
0x613: {  	v2 =	vadd.f32 v2, v6;
	v6 =	vld [tilespmem:s26+$0x0]  }
0x614: {  	v9 =	vld [tilespmem:s24+$0x0]  }
.Ltmp30:
0x615: {  	[tilespmem:s26+$0xFFFFFFD0] =	vst v2;
	v2 =	vadd.f32 v1, v4;
	v1 =	vld [tilespmem:s26+$0x10];
	(pc) =	sbr.rel @p0 .LBB2_62-.Ltmp30, $4  }
0x616: {  	v3 =	vld [tilespmem:s24+$0x10]  }
0x617: {  	[tilespmem:s26+$0xFFFFFFE0] =	vst v2;
	v7 =	vadd.f32 v8, v7;
	v2 =	vld [tilespmem:s26+$0x20]  }
0x618: {  	v5 =	vld [tilespmem:s24+$0x20]  }
0x619: {  	s26 =	sadd.s32 $0x80, s26;
	v4 =	vld [tilespmem:s23+$0xFFFFFFC0];
	[tilespmem:s23+$0xFFFFFFF0] =	vst v7;
	v6 =	vadd.f32 v9, v6  }
0x61a: {  	_ =	sdelay $0x1  }
0x61b: {  	v1 =	vadd.f32 v3, v1  }
0x61c: {  	[tilespmem:s23+$0x0] =	vst v6;
	v2 =	vadd.f32 v5, v2  }
0x61d: {  	[tilespmem:s23+$0x10] =	vst v1;
	v0 =	vadd.f32 v0, v4  }
0x61e: {  	[tilespmem:s23+$0x20] =	vst v2  }
0x61f: {  	[tilespmem:s23+$0xFFFFFFC0] =	vst v0  }
0x620: {  	[hbm4b:s12+s1] =	stream.linear.scatter [tilespmem:s1], [sflag:$0x3], $0x8000, $0x38;
	[tilespmem:$0x18000] =	vst v63  }
0x621: {  	_ =	swait.ge [sflag:s19], $0x8000  }
0x622: {  	[sflag:s19] =	ssyncset.done $0x0  }
0x623: {  	s23 =	simm.s32 $0x8040;
	[sflag:s19] =	ssyncadd.s32 $0xFFFF8000  }
0x624: {  	s24 =	simm.s32 $0x10040;
	v1 =	vld [tilespmem:s23+$0x30]  }
0x625: {  	v2 =	vld [tilespmem:s24+$0x30]  }
0x626: {  	v0 =	vld [tilespmem:s24+$0xFFFFFFC0]  }
0x627: {  	v3 =	vld [tilespmem:s23+$0xFFFFFFD0]  }
0x628: {  	v4 =	vld [tilespmem:s24+$0xFFFFFFD0]  }
0x629: {  	v5 =	vld [tilespmem:s23+$0xFFFFFFE0]  }
0x62a: {  	v6 =	vld [tilespmem:s24+$0xFFFFFFE0]  }
0x62b: {  	v7 =	vld [tilespmem:s23+$0xFFFFFFF0]  }
0x62c: {  	v8 =	vld [tilespmem:s24+$0xFFFFFFF0]  }
0x62d: {  	v9 =	vld [tilespmem:s23+$0x0]  }
0x62e: {  	v10 =	vld [tilespmem:s24+$0x0];
	v2 =	vadd.f32 v2, v1  }
0x62f: {  	v4 =	vadd.f32 v4, v3;
	v1 =	vld [tilespmem:s23+$0x10]  }
0x630: {  	v5 =	vadd.f32 v6, v5;
	v3 =	vld [tilespmem:s24+$0x10];
	[tilespmem:s23+$0x30] =	vst v2  }
0x631: {  	v6 =	vadd.f32 v8, v7;
	[tilespmem:s23+$0xFFFFFFD0] =	vst v4;
	v2 =	vld [tilespmem:s23+$0x20]  }
0x632: {  	[tilespmem:s23+$0xFFFFFFE0] =	vst v5;
	v5 =	vld [tilespmem:s24+$0x20]  }
0x633: {  	s25 =	simm.s32 $0x0;
	s26 =	simm.s32 $0x80C0;
	v4 =	vld [tilespmem:s23+$0xFFFFFFC0];
	[tilespmem:s23+$0xFFFFFFF0] =	vst v6;
	v6 =	vadd.f32 v10, v9  }
.LBB2_64:
0x634: {  	v7 =	vld [tilespmem:s26+$0x30];
	s24 =	sadd.s32 $0x80, s24  }
0x635: {  	s25 =	sadd.s32 $0x8, s25;
	v8 =	vld [tilespmem:s24+$0x30];
	[tilespmem:s23+$0x0] =	vst v6;
	v1 =	vadd.f32 v3, v1  }
0x636: {  	p0 =	slt.u32 s25, $0x7F8;
	v3 =	vld [tilespmem:s24+$0xFFFFFFC0]  }
0x637: {  	v6 =	vld [tilespmem:s26+$0xFFFFFFD0];
	[tilespmem:s23+$0x10] =	vst v1;
	v1 =	vadd.f32 v5, v2  }
0x638: {  	v2 =	vld [tilespmem:s24+$0xFFFFFFD0];
	v9 =	vadd.f32 v0, v4  }
0x639: {  	v4 =	vld [tilespmem:s26+$0xFFFFFFE0];
	[tilespmem:s23+$0x20] =	vst v1  }
0x63a: {  	v1 =	vld [tilespmem:s24+$0xFFFFFFE0];
	v5 =	vadd.f32 v8, v7;
	[tilespmem:s23+$0xFFFFFFC0] =	vst v9;
	s23 =	smov.u32 s26  }
0x63b: {  	v7 =	vld [tilespmem:s26+$0xFFFFFFF0];
	v0 =	vmov v3  }
0x63c: {  	v8 =	vld [tilespmem:s24+$0xFFFFFFF0];
	[tilespmem:s26+$0x30] =	vst v5  }
0x63d: {  	v2 =	vadd.f32 v2, v6;
	v6 =	vld [tilespmem:s26+$0x0]  }
0x63e: {  	v9 =	vld [tilespmem:s24+$0x0]  }
.Ltmp31:
0x63f: {  	[tilespmem:s26+$0xFFFFFFD0] =	vst v2;
	v2 =	vadd.f32 v1, v4;
	v1 =	vld [tilespmem:s26+$0x10];
	(pc) =	sbr.rel @p0 .LBB2_64-.Ltmp31, $4  }
0x640: {  	v3 =	vld [tilespmem:s24+$0x10]  }
0x641: {  	[tilespmem:s26+$0xFFFFFFE0] =	vst v2;
	v7 =	vadd.f32 v8, v7;
	v2 =	vld [tilespmem:s26+$0x20]  }
0x642: {  	v5 =	vld [tilespmem:s24+$0x20]  }
0x643: {  	s26 =	sadd.s32 $0x80, s26;
	v4 =	vld [tilespmem:s23+$0xFFFFFFC0];
	[tilespmem:s23+$0xFFFFFFF0] =	vst v7;
	v6 =	vadd.f32 v9, v6  }
0x644: {  	_ =	sdelay $0x1  }
0x645: {  	v1 =	vadd.f32 v3, v1  }
0x646: {  	[tilespmem:s23+$0x0] =	vst v6;
	v2 =	vadd.f32 v5, v2  }
0x647: {  	[tilespmem:s23+$0x10] =	vst v1;
	v0 =	vadd.f32 v0, v4  }
0x648: {  	[tilespmem:s23+$0x20] =	vst v2  }
0x649: {  	s22 =	sadd.s32 $0x1, s22;
	[tilespmem:s23+$0xFFFFFFC0] =	vst v0  }
0x64a: {  	[hbm4b:s13+s1] =	stream.linear.scatter [tilespmem:s18], [sflag:$0x4], $0x8000, $0x38;
	[tilespmem:$0x18000] =	vst v63  }
0x64b: {  	p0 =	sne.s32 s22, s14;
	_ =	swait.ge [sflag:s20], $0x8000  }
.Ltmp32:
0x64c: {  	[sflag:s20] =	ssyncset.done $0x0;
	(pc) =	sbr.rel @p0 .LBB2_1-.Ltmp32, $4  }
0x64d: {  	[sflag:s20] =	ssyncadd.s32 $0xFFFF8000  }
0x64e: {  	_ =	swait.ge [sflag:s21], $0x8000  }
0x64f: {  	[sflag:s21] =	ssyncset.done $0x0  }
0x650: {  	[sflag:s21] =	ssyncadd.s32 $0xFFFF8000  }
0x651: {  	_ =	sfence.sel $0x180000  }
0x652: {  	[bflag:$0x0] =	sbarrier.arrive $0xFFFF  }
0x653: {  	_ =	strace $0x9000004D  }
0x654: {  	s0 =	stileid.u32;
	[bflag:$0x2] =	sbarrier.arrive $0xFFFF  }
0x655: {  	p0 =	sne.s32 s0, $0x0;
	s0 =	rddreg [dreg:$0x2]  }
0x656: {  	s0 =	sadd.s32 @!p0 $0x100000, s0  }
0x657: {  	[sflag:s0] =	ssyncadd.tile.s32 @!p0 $0x1;
	_ =	shalt  }
.Lfunc_end2:
_tile_overlayer_lowered:
.L_overlay_start_2:
0x658: {  	(tag) =	ssettag $0x2  }
0x659: {  	s0 =	rddreg [dreg:$0x0];
	s2 =	stileid.u32  }
0x65a: {  	s1 =	rddreg [dreg:$0x1];
	p0 =	sne.s32 s2, $0x0  }
0x65b: {  	s3 =	rddreg [dreg:$0x2];
	[bflag:$0x3] =	sbarrier.arrive $0xFFFF;
	s2 =	simm.s32 @!p0 $0x1C06  }
0x65c: {  	[timem:s3], [sflag:s2] =	dma.local @!p0 [hbm:s0], s1  }
0x65d: {  	s0 =	simm.s32 @!p0 $0x6  }
0x65e: {  	_ =	swait.ge @!p0 [sflag:s0], s1  }
0x65f: {  	s1 =	ssub.s32 @!p0 $0x0, s1;
	[sflag:s0] =	ssyncset.done @!p0 $0x0  }
0x660: {  	[sflag:s0] =	ssyncadd.s32 @!p0 s1  }
0x661: {  	[bflag:$0x3] =	sbarrier.arrive $0xFFFF  }
0x662: {  	_ =	shalt  }

// kernel: sparse-core-data-format-call.1.cloned.1.call-start
scs
called_computation.1_lowered:
.L_overlay_start_0:
0x0: {  	s2 =	sld [smem:$0x3FD9]  }
0x1: {  	s3 =	sld [smem:$0x3FFE];
	_ =	sdelay $0x1  }
0x2: {  	s1 =	srdreg.scid  }
0x3: {  	s0 =	sand.u32 $0x1, s1  }
0x4: {  	s19 =	sshll.u32 s0, $0xA;
	s2 =	sadd.s32 s3, s2  }
0x5: {  	s2 =	sadd.s32 s2, s19  }
0x6: {  	[smem:$0x3FC6] =	sst s2  }
0x7: {  	_ = 	snop  }
0x8: {  	s20 =	sld [smem:$0x3FC9]  }
0x9: {  	s4 =	sld [smem:$0x3FD0];
	(tm) =	ssettm $0x1  }
0xa: {  	s21 =	sld [smem:$0x3FFB];
	_ =	sdelay $0x3  }
0xb: {  	_ =	strace s21  }
0xc: {  	s2 =	sld [smem:$0x3FFC];
	_ =	sdelay $0x3  }
0xd: {  	_ =	strace s2  }
0xe: {  	s2 =	sld [smem:$0x3FFD];
	_ =	sdelay $0x3  }
0xf: {  	_ =	strace s2  }
0x10: {  	_ =	strace $0x8FFFFFFF  }
0x11: {  	s22 =	sld [smem:$0x3FDB];
	_ =	sdelay $0x1  }
0x12: {  	s5 =	simm.s32 $_scs_section_size  }
0x13: {  	s6 =	simm.s32 $_size__tile_overlayer_lowered;
	s7 =	simm.s32 $_tile_overlayer_lowered  }
0x14: {  	s8 =	simm.s32 $0x1BFF;
	s23 =	sshll.u32 s7, $0x1;
	s5 =	sadd.s32 s5, s22  }
0x15: {  	s24 =	simm.s32 $0x0;
	s6 =	sshll.u32 s6, $0x1;
	s7 =	sadd.s32 s23, s5  }
0x16: {  	[timem:s24], [sflag:s8] =	dma.local [hbm:s7], s6  }
0x17: {  	_ =	swait.ge [sflag:s8], s6  }
0x18: {  	s6 =	ssub.s32 $0x0, s6;
	[sflag:s8] =	ssyncset.done $0x0  }
0x19: {  	[sflag:s8] =	ssyncadd.s32 s6;
	_ =	sdelay $0x1  }
0x1a: {  	s25 =	simm.s32 $0x1B8B  }
0x1b: {  	_ =	swait.ge [sflag:s25], $0x1  }
0x1c: {  	[sflag:s25] =	ssyncset.done $0x0  }
0x1d: {  	[sflag:s25] =	ssyncadd.s32 $0xFFFFFFFF  }
0x1e: {  	s6 =	sld [smem:$0x0]  }
0x1f: {  	s7 =	sand.u32 $0xFFFFFFFE, s1  }
0x20: {  	p0 =	sne.s32 s1, s7  }
0x21: {  	s7 =	sshll.u32 @p0 s7, $0xE  }
0x22: {  	s7 =	sadd.s32 @p0 $0x11B8D, s7;
	s8 =	sshll.u32 @p0 s6, $0x11  }
0x23: {  	s7 =	sor.u32 @p0 s8, s7  }
0x24: {  	[sflag:s7] =	ssyncadd.remote.s32 @p0 $0x1;
	_ =	sdelay $0x1  }
0x25: {  	s7 =	simm.s32 @p0 $0x1B8D  }
0x26: {  	_ =	swait.eq @p0 [sflag:s7], $0x1  }
0x27: {  	[sflag:s7] =	ssyncadd.s32 @p0 $0xFFFFFFFF  }
0x28: {  	s8 =	sshll.u32 @!p0 s1, $0xE  }
0x29: {  	s8 =	sor.u32 @!p0 $0x4000, s8;
	s7 =	simm.s32 @!p0 $0x1B8D  }
0x2a: {  	s6 =	sshll.u32 @!p0 s6, $0x11;
	s8 =	sadd.s32 @!p0 $0x11B8D, s8;
	_ =	swait.eq @!p0 [sflag:s7], $0x1  }
0x2b: {  	s6 =	sor.u32 @!p0 s6, s8;
	[sflag:s7] =	ssyncadd.s32 @!p0 $0xFFFFFFFF  }
0x2c: {  	s26 =	simm.s32 $0x1B8E;
	[sflag:s6] =	ssyncadd.remote.s32 @!p0 $0x1  }
0x2d: {  	s27 =	simm.s32 $execute0_lowered;
	[smem:$0x3FD2] =	sst s26  }
0x2e: {  	s6 =	sshll.u32 s27, $0x1;
	_ =	strace $0x80000049;
	[dreg:$0x1] =	wrdreg $0xFFFFFFFF  }
0x2f: {  	s28 =	simm.s32 $_size_execute0_lowered;
	s5 =	sadd.s32 s5, s6;
	[dreg:$0x0] =	wrdreg $0x0  }
0x30: {  	s6 =	sshll.u32 s28, $0x1;
	[dreg:$0x2] =	wrdreg s5  }
0x31: {  	[dreg:$0x3] =	wrdreg s6  }
0x32: {  	[dreg:$0x4] =	wrdreg $0xC0  }
0x33: {  	_ =	task [dreg:s24], $0x5FFFF  }
0x34: {  	[dreg:$0x1] =	wrdreg $0xFFFFFFFF  }
0x35: {  	[dreg:$0x0] =	wrdreg $0x60  }
0x36: {  	[dreg:$0x2] =	wrdreg s20  }
0x37: {  	[dreg:$0x3] =	wrdreg s4  }
0x38: {  	[dreg:$0x4] =	wrdreg $0xA  }
0x39: {  	_ =	task.clear_ibuf [dreg:s24], $0x5FFFF;
	_ =	strace $0x90000049  }
0x3a: {  	s29 =	simm.s32 $0xA;
	_ =	strace $0x8000004B  }
0x3b: {  	_ =	swait.ge [sflag:s29], $0x1  }
0x3c: {  	[sflag:s29] =	ssyncadd.s32 $0xFFFFFFFF  }
0x3d: {  	_ =	strace $0x9000004B  }
0x3e: {  	_ =	sfence  }
0x3f: {  	s30 =	sld [smem:$0x0];
	_ =	sdelay $0x2  }
0x40: {  	s31 =	sshll.u32 s1, $0xD;
	s1 =	sshrl.u32 s1, $0x2  }
0x41: {  	s4 =	sand.u32 $0x4000, s31;
	s1 =	sadd.s32 s1, s30  }
0x42: {  	s0 =	sor.u32 s4, s0;
	s1 =	sshll.u32 s1, $0x11  }
0x43: {  	s0 =	sor.u32 s1, s0  }
0x44: {  	s0 =	sadd.s32 $0x8F2B, s0  }
0x45: {  	[sflag:s0] =	ssyncadd.remote.s32 $0x1  }
0x46: {  	_ =	sfence.sel $0xFFFF  }
0x47: {  	[dreg:$0x0] =	wrdreg $0xFFFFFFFF;
	(pc) =	sbr.abs _section_cstart, $3  }
0x48: {  	[dreg:$0x1] =	wrdreg $0xFFFFFFFF  }
0x49: {  	_ =	task.clear_ibuf [dreg:s24], $0x2FFFF;
	_ =	strace $0x9FFFFFFF  }
0x4a: {  	(tm) =	ssettm $0x7FFFFFFF  }
0x4b: {  	_ =	shalt  }
tec
execute0_lowered:
.L_overlay_start_1:
0x0: {  	(tag) =	ssettag $0x1  }
0x1: {  	s0 =	srdreg.scid  }
0x2: {  	s1 =	sshll.u32 s0, $0x4  }
0x3: {  	s2 =	rddreg [dreg:$0x0];
	s0 =	stileid.u32;
	s1 =	sand.u32 $0x10, s1  }
0x4: {  	s4 =	rddreg [dreg:$0x1];
	s1 =	sor.u32 s0, s1  }
0x5: {  	s7 =	simm.s32 $0x1;
	s8 =	simm.s32 $0x2;
	s3 =	sshll.u32 s1, $0x1  }
0x6: {  	s9 =	simm.s32 $0x0;
	s12 =	simm.s32 $0x0;
	s6 =	ssub.s32 $0x1000, s3  }
.Ltmp0:
0x7: {  	s11 =	simm.s32 $0x0;
	s5 =	sand.u32 $0x3E, s6;
	(pc) =	sbr.rel .LBB1_1-.Ltmp0, $4  }
0x8: {  	s1 =	rddreg [dreg:$0x2];
	_ =	strace $0x8000004A;
	p0 =	sne.s32 s5, $0x0  }
0x9: {  	s6 =	sshrl.u32 s6, $0x6;
	s5 =	simm.s32 $0x1;
	s7 =	simm.s32 @!p0 $0x0  }
0xa: {  	s10 =	smov.u32 s3;
	[sflag:s5] =	ssyncpa.u1 $0x0;
	s6 =	sadd.s32 s7, s6  }
0xb: {  	[sflag:s8] =	ssyncpa.u1 $0x0;
	s8 =	simm.s32 $0x0;
	s7 =	sadd.s32 $0x1, s6  }
.LBB1_9:
0xc: {  	s14 =	sadd.s32 $0x40, s10  }
0xd: {  	p1 =	sgt.s32 s14, $0xFFF  }
0xe: {  	s14 =	smov.u32 @p1 s3;
	p1 =	sne.s32 s11, s7  }
.Ltmp1:
0xf: {  	p0 =	slt.u32 s11, $0x2;
	(pc) =	sbr.rel @!p1 .LBB1_10-.Ltmp1, $4  }
0x10: {  	s13 =	simm.s32 @!p0 $0x2  }
0x11: {  	s15 =	sadd.s32 $0x1, s11;
	_ =	swait.ge @!p0 [sflag:s13], $0x4000  }
0x12: {  	s12 =	smov.u32 s10;
	s9 =	sadd.s32 $0x4000, s9;
	[sflag:s13] =	ssyncset.done @!p0 $0x0  }
0x13: {  	s11 =	smov.u32 s15;
	s10 =	smov.u32 s14;
	[sflag:s13] =	ssyncadd.s32 @!p0 $0xFFFFC000  }
.LBB1_1:
0x14: {  	p0 =	sge.u32 s11, s6  }
0x15: {  	s13 =	sxor.u32 @!p0 $0xFFFFFFFF, s11  }
0x16: {  	s31 =	sadd.s32 $0xFFFFFFFF, s11;
	s14 =	sshll.u32 @!p0 s10, $0xA;
	s13 =	sshll.u32 @!p0 s13, $0xE  }
0x17: {  	s15 =	simm.s32 @!p0 $0x0;
	s14 =	sadd.s32 @!p0 s2, s14;
	s13 =	sand.u32 @!p0 $0x4000, s13  }
0x18: {  	[tilespmem:s13], [sflag:$0x1] =	stream.linear.gather @!p0 [hbm4b:s14+s15], $0x4000, $0x38;
	[tilespmem:$0x10000] =	vst v63  }
0x19: {  	p0 =	sge.u32 s31, s6  }
.Ltmp2:
0x1a: {  	_ = 	snop;
	(pc) =	sbr.rel @p0 .LBB1_9-.Ltmp2, $1  }
0x1b: {  	_ =	sdelay $0x3  }
0x1c: {  	s13 =	sshll.u32 s9, $0x2  }
0x1d: {  	_ =	swait.ge [sflag:s5], $0x4000;
	s14 =	sshll.u32 s11, $0xE;
	s16 =	simm.s32 $0x0  }
0x1e: {  	p1 =	por $0x1, $0x1;
	s13 =	sand.u32 $0x10000, s13;
	[sflag:s5] =	ssyncset.done $0x0  }
0x1f: {  	s14 =	sand.u32 $0x4000, s14;
	s15 =	sshrl.u32 s13, $0x2;
	[sflag:s5] =	ssyncadd.s32 $0xFFFFC000  }
0x20: {  	s13 =	sor.u32 $0x8000, s14;
	s14 =	sadd.s32 $0x8040, s15;
	s15 =	sadd.s32 $0x40, s15  }
.LBB1_3:
0x21: {  	s16 =	sshll.u32 s16, $0x2  }
0x22: {  	p0 =	por p1, p1;
	s17 =	sshra.s32 s16, $0x2  }
0x23: {  	s18 =	simm.s32 $0x0;
	s16 =	sadd.s32 s17, s14;
	s17 =	sadd.s32 s17, s15  }
.LBB1_4:
0x24: {  	v0 =	vmov s17;
	_ =	sdelay $0x3  }
0x25: {  	s20 =	simm.s32 $0x0  }
0x26: {  	v6 =	vld.idx.msk [tilespmem:v0+s20+$0x30 ss:$0x1], $0xffff  }
0x27: {  	v7 =	vld.idx.msk [tilespmem:v0+s20+$0xFFFFFFC0 ss:$0x1], $0xffff  }
0x28: {  	v5 =	vld.idx.msk [tilespmem:v0+s20+$0xFFFFFFD0 ss:$0x1], $0xffff  }
0x29: {  	v4 =	vld.idx.msk [tilespmem:v0+s20+$0xFFFFFFE0 ss:$0x1], $0xffff  }
0x2a: {  	v3 =	vld.idx.msk [tilespmem:v0+s20+$0xFFFFFFF0 ss:$0x1], $0xffff  }
0x2b: {  	v1 =	vld.idx.msk [tilespmem:v0+s20+$0x0 ss:$0x1], $0xffff  }
0x2c: {  	v2 =	vld.idx.msk [tilespmem:v0+s20+$0x10 ss:$0x1], $0xffff;
	[tilespmem:s16+$0x30] =	vst v6  }
0x2d: {  	s19 =	simm.s32 $0x80;
	s21 =	simm.s32 $0x400;
	[tilespmem:s16+$0xFFFFFFC0] =	vst v7;
	v6 =	vld.idx.msk [tilespmem:v0+s20+$0x20 ss:$0x1], $0xffff;
	s20 =	smov.u32 s16  }
.LBB1_5:
0x2e: {  	p1 =	sne.s32 s21, $0xE00;
	v7 =	vld.idx.msk [tilespmem:v0+s19+$0x30 ss:$0x1], $0xffff;
	[tilespmem:s20+$0xFFFFFFD0] =	vst v5  }
0x2f: {  	v8 =	vld.idx.msk [tilespmem:v0+s19+$0xFFFFFFC0 ss:$0x1], $0xffff;
	[tilespmem:s20+$0xFFFFFFE0] =	vst v4  }
0x30: {  	v5 =	vld.idx.msk [tilespmem:v0+s19+$0xFFFFFFD0 ss:$0x1], $0xffff;
	[tilespmem:s20+$0xFFFFFFF0] =	vst v3  }
.Ltmp3:
0x31: {  	v4 =	vld.idx.msk [tilespmem:v0+s19+$0xFFFFFFE0 ss:$0x1], $0xffff;
	[tilespmem:s20+$0x0] =	vst v1;
	(pc) =	sbr.rel @p1 .LBB1_5-.Ltmp3, $4  }
0x32: {  	v3 =	vld.idx.msk [tilespmem:v0+s19+$0xFFFFFFF0 ss:$0x1], $0xffff;
	[tilespmem:s20+$0x10] =	vst v2  }
0x33: {  	v1 =	vld.idx.msk [tilespmem:v0+s19+$0x0 ss:$0x1], $0xffff;
	[tilespmem:s20+$0x20] =	vst v6;
	s20 =	sadd.s32 $0x400, s20  }
0x34: {  	v2 =	vld.idx.msk [tilespmem:v0+s19+$0x10 ss:$0x1], $0xffff;
	[tilespmem:s20+$0x30] =	vst v7  }
0x35: {  	[tilespmem:s20+$0xFFFFFFC0] =	vst v8;
	v6 =	vld.idx.msk [tilespmem:v0+s19+$0x20 ss:$0x1], $0xffff;
	s19 =	sshra.s32 s21, $0x2;
	s21 =	sadd.s32 $0x200, s21  }
0x36: {  	_ =	sdelay $0x2  }
0x37: {  	[tilespmem:s20+$0xFFFFFFD0] =	vst v5  }
0x38: {  	v56 =	vld.idx.msk [tilespmem:v0+s19+$0x30 ss:$0x1], $0xffff;
	[tilespmem:s20+$0xFFFFFFE0] =	vst v4  }
0x39: {  	v57 =	vld.idx.msk [tilespmem:v0+s19+$0xFFFFFFC0 ss:$0x1], $0xffff;
	[tilespmem:s20+$0xFFFFFFF0] =	vst v3  }
0x3a: {  	v58 =	vld.idx.msk [tilespmem:v0+s19+$0xFFFFFFD0 ss:$0x1], $0xffff;
	[tilespmem:s20+$0x0] =	vst v1  }
0x3b: {  	v59 =	vld.idx.msk [tilespmem:v0+s19+$0xFFFFFFE0 ss:$0x1], $0xffff;
	[tilespmem:s20+$0x10] =	vst v2  }
0x3c: {  	v60 =	vld.idx.msk [tilespmem:v0+s19+$0xFFFFFFF0 ss:$0x1], $0xffff;
	s31 =	sadd.s32 $0x400, s20;
	[tilespmem:s20+$0x20] =	vst v6  }
0x3d: {  	v61 =	vld.idx.msk [tilespmem:v0+s19+$0x0 ss:$0x1], $0xffff;
	[tilespmem:s31+$0x30] =	vst v56  }
0x3e: {  	v62 =	vld.idx.msk [tilespmem:v0+s19+$0x10 ss:$0x1], $0xffff;
	s18 =	sadd.s32 $0x1, s18;
	[tilespmem:s31+$0xFFFFFFC0] =	vst v57  }
0x3f: {  	v63 =	vld.idx.msk [tilespmem:v0+s19+$0x20 ss:$0x1], $0xffff;
	p1 =	sne.s32 s18, $0x8;
	[tilespmem:s31+$0xFFFFFFD0] =	vst v58  }
.Ltmp4:
0x40: {  	[tilespmem:s31+$0xFFFFFFE0] =	vst v59;
	(pc) =	sbr.rel @p1 .LBB1_4-.Ltmp4, $4  }
0x41: {  	[tilespmem:s31+$0xFFFFFFF0] =	vst v60  }
0x42: {  	[tilespmem:s31+$0x0] =	vst v61  }
0x43: {  	[tilespmem:s31+$0x10] =	vst v62  }
0x44: {  	s16 =	sadd.s32 $0x80, s16;
	s17 =	sadd.s32 $0x400, s17;
	[tilespmem:s31+$0x20] =	vst v63  }
.Ltmp5:
0x45: {  	(pc) =	sbr.rel @p0 .LBB1_3-.Ltmp5, $2  }
0x46: {  	_ =	sdelay $0x2  }
0x47: {  	s16 =	simm.s32 $0x2000;
	p1 =	por $0x0, $0x0  }
.Ltmp6:
0x48: {  	(pc) =	sbr.rel .LBB1_9-.Ltmp6, $4  }
0x49: {  	_ = 	snop  }
0x4a: {  	s12 =	sshll.u32 s12, $0xA  }
0x4b: {  	s12 =	sadd.s32 s4, s12  }
0x4c: {  	[hbm4b:s12+s8] =	stream.linear.scatter [tilespmem:s13], [sflag:$0x2], $0x4000, $0x38;
	[tilespmem:$0x10000] =	vst v63  }
.LBB1_10:
0x4d: {  	_ =	sfence.sel $0x180000  }
0x4e: {  	s2 =	simm.s32 $0x1;
	[bflag:$0x0] =	sbarrier.arrive $0xFFFF  }
0x4f: {  	s31 =	simm.s32 $0x2;
	[sflag:s2] =	ssyncpa.u1 $0x1  }
0x50: {  	[sflag:s31] =	ssyncpa.u1 $0x1  }
0x51: {  	p0 =	sne.s32 s0, $0x0;
	_ =	strace $0x9000004A  }
0x52: {  	s0 =	sadd.s32 @!p0 $0x100000, s1;
	[bflag:$0x2] =	sbarrier.arrive $0xFFFF  }
0x53: {  	[sflag:s0] =	ssyncadd.tile.s32 @!p0 $0x1;
	_ =	shalt  }
.Lfunc_end1:
_tile_overlayer_lowered:
.L_overlay_start_2:
0x54: {  	(tag) =	ssettag $0x2  }
0x55: {  	s0 =	rddreg [dreg:$0x0];
	s2 =	stileid.u32  }
0x56: {  	s1 =	rddreg [dreg:$0x1];
	p0 =	sne.s32 s2, $0x0  }
0x57: {  	s3 =	rddreg [dreg:$0x2];
	[bflag:$0x3] =	sbarrier.arrive $0xFFFF;
	s2 =	simm.s32 @!p0 $0x1C01  }
0x58: {  	[timem:s3], [sflag:s2] =	dma.local @!p0 [hbm:s0], s1  }
0x59: {  	s0 =	simm.s32 @!p0 $0x1  }
0x5a: {  	_ =	swait.ge @!p0 [sflag:s0], s1  }
0x5b: {  	s1 =	ssub.s32 @!p0 $0x0, s1;
	[sflag:s0] =	ssyncset.done @!p0 $0x0  }
0x5c: {  	[sflag:s0] =	ssyncadd.s32 @!p0 s1  }
0x5d: {  	[bflag:$0x3] =	sbarrier.arrive $0xFFFF  }
0x5e: {  	_ =	shalt  }

// kernel: sparse-core-data-format-call.cloned.1.call-start
scs
called_computation_lowered:
.L_overlay_start_0:
0x0: {  	s2 =	sld [smem:$0x3FD9]  }
0x1: {  	s3 =	sld [smem:$0x3FFE];
	_ =	sdelay $0x1  }
0x2: {  	s1 =	srdreg.scid  }
0x3: {  	s0 =	sand.u32 $0x1, s1  }
0x4: {  	s18 =	sshll.u32 s0, $0xA;
	s2 =	sadd.s32 s3, s2  }
0x5: {  	s2 =	sadd.s32 s2, s18  }
0x6: {  	[smem:$0x3FC6] =	sst s2  }
0x7: {  	_ = 	snop  }
0x8: {  	s2 =	sld [smem:$0x3FC8];
	(tm) =	ssettm $0x1  }
0x9: {  	s19 =	sld [smem:$0x3FFB];
	_ =	sdelay $0x3  }
0xa: {  	_ =	strace s19  }
0xb: {  	s3 =	sld [smem:$0x3FFC];
	_ =	sdelay $0x3  }
0xc: {  	_ =	strace s3  }
0xd: {  	s3 =	sld [smem:$0x3FFD];
	_ =	sdelay $0x3  }
0xe: {  	_ =	strace s3  }
0xf: {  	_ =	strace $0x8FFFFFFF  }
0x10: {  	s20 =	sld [smem:$0x3FDB];
	_ =	sdelay $0x1  }
0x11: {  	s4 =	simm.s32 $_scs_section_size  }
0x12: {  	s5 =	simm.s32 $_size__tile_overlayer_lowered;
	s6 =	simm.s32 $_tile_overlayer_lowered  }
0x13: {  	s23 =	simm.s32 $0x1BFF;
	s22 =	sshll.u32 s6, $0x1;
	s3 =	sadd.s32 s4, s20  }
0x14: {  	s7 =	simm.s32 $0x0;
	s21 =	sshll.u32 s5, $0x1;
	s5 =	sadd.s32 s22, s3  }
0x15: {  	[timem:s7], [sflag:s23] =	dma.local [hbm:s5], s21  }
0x16: {  	_ =	swait.ge [sflag:s23], s21  }
0x17: {  	s4 =	ssub.s32 $0x0, s21;
	[sflag:s23] =	ssyncset.done $0x0  }
0x18: {  	[sflag:s23] =	ssyncadd.s32 s4;
	_ =	sdelay $0x1  }
0x19: {  	s24 =	simm.s32 $0x1B8B  }
0x1a: {  	_ =	swait.ge [sflag:s24], $0x1  }
0x1b: {  	[sflag:s24] =	ssyncset.done $0x0  }
0x1c: {  	s26 =	simm.s32 $0x1B8E;
	s25 =	sld [smem:$0x3FFE];
	[sflag:s24] =	ssyncadd.s32 $0xFFFFFFFF  }
0x1d: {  	s27 =	simm.s32 $execute0_lowered;
	[smem:$0x3FD2] =	sst s26  }
0x1e: {  	s5 =	sshll.u32 s27, $0x1;
	_ =	strace $0x80000046;
	[dreg:$0x1] =	wrdreg $0xFFFFFFFF  }
0x1f: {  	s28 =	simm.s32 $_size_execute0_lowered;
	s3 =	sadd.s32 s3, s5;
	[dreg:$0x0] =	wrdreg $0x0  }
0x20: {  	s5 =	sshll.u32 s28, $0x1;
	[dreg:$0x2] =	wrdreg s3  }
0x21: {  	[dreg:$0x3] =	wrdreg s5  }
0x22: {  	[dreg:$0x4] =	wrdreg $0xC0  }
0x23: {  	_ =	task [dreg:s7], $0x5FFFF  }
0x24: {  	[dreg:$0x1] =	wrdreg $0xFFFFFFFF  }
0x25: {  	[dreg:$0x0] =	wrdreg $0x60  }
0x26: {  	[dreg:$0x2] =	wrdreg s2  }
0x27: {  	[dreg:$0x3] =	wrdreg s25  }
0x28: {  	[dreg:$0x4] =	wrdreg $0x9  }
0x29: {  	_ =	task.clear_ibuf [dreg:s7], $0x5FFFF;
	_ =	strace $0x90000046  }
0x2a: {  	s29 =	simm.s32 $0x9;
	_ =	strace $0x80000048  }
0x2b: {  	_ =	swait.ge [sflag:s29], $0x1  }
0x2c: {  	[sflag:s29] =	ssyncadd.s32 $0xFFFFFFFF  }
0x2d: {  	_ =	strace $0x90000048  }
0x2e: {  	_ =	sfence  }
0x2f: {  	s30 =	sld [smem:$0x0];
	_ =	sdelay $0x2  }
0x30: {  	s31 =	sshll.u32 s1, $0xD;
	s1 =	sshrl.u32 s1, $0x2  }
0x31: {  	s3 =	sand.u32 $0x4000, s31;
	s1 =	sadd.s32 s1, s30  }
0x32: {  	s0 =	sor.u32 s3, s0;
	s1 =	sshll.u32 s1, $0x11  }
0x33: {  	s0 =	sor.u32 s1, s0  }
0x34: {  	s0 =	sadd.s32 $0x8F2B, s0  }
0x35: {  	[sflag:s0] =	ssyncadd.remote.s32 $0x1  }
0x36: {  	_ =	sfence.sel $0xFFFF  }
0x37: {  	[dreg:$0x0] =	wrdreg $0xFFFFFFFF;
	(pc) =	sbr.abs _section_cstart, $3  }
0x38: {  	[dreg:$0x1] =	wrdreg $0xFFFFFFFF  }
0x39: {  	_ =	task.clear_ibuf [dreg:s7], $0x2FFFF;
	_ =	strace $0x9FFFFFFF  }
0x3a: {  	(tm) =	ssettm $0x7FFFFFFF  }
0x3b: {  	_ =	shalt  }
tec
execute0_lowered:
.L_overlay_start_1:
0x0: {  	(tag) =	ssettag $0x1  }
0x1: {  	s0 =	srdreg.scid  }
0x2: {  	s1 =	sshll.u32 s0, $0x4  }
0x3: {  	s2 =	rddreg [dreg:$0x0];
	s0 =	stileid.u32;
	s1 =	sand.u32 $0x10, s1  }
0x4: {  	s4 =	rddreg [dreg:$0x1];
	s7 =	simm.s32 $0x1;
	s1 =	sor.u32 s0, s1  }
0x5: {  	s8 =	simm.s32 $0x2;
	s9 =	simm.s32 $0x0;
	s3 =	sshll.u32 s1, $0x1  }
0x6: {  	s12 =	simm.s32 $0x0;
	s11 =	simm.s32 $0x0;
	s6 =	ssub.s32 $0x400, s3  }
.Ltmp0:
0x7: {  	s4 =	sadd.s32 $0xC00, s4;
	s5 =	sand.u32 $0x3E, s6;
	(pc) =	sbr.rel .LBB1_1-.Ltmp0, $4  }
0x8: {  	s1 =	rddreg [dreg:$0x2];
	_ =	strace $0x80000047;
	p0 =	sne.s32 s5, $0x0  }
0x9: {  	s6 =	sshrl.u32 s6, $0x6;
	s5 =	simm.s32 $0x1;
	s7 =	simm.s32 @!p0 $0x0  }
0xa: {  	s10 =	smov.u32 s3;
	[sflag:s5] =	ssyncpa.u1 $0x0;
	s6 =	sadd.s32 s7, s6  }
0xb: {  	[sflag:s8] =	ssyncpa.u1 $0x0;
	s8 =	simm.s32 $0x0;
	s7 =	sadd.s32 $0x1, s6  }
.LBB1_9:
0xc: {  	s14 =	sadd.s32 $0x40, s10  }
0xd: {  	p1 =	sgt.s32 s14, $0x3FF  }
0xe: {  	s14 =	smov.u32 @p1 s3;
	p1 =	sne.s32 s11, s7  }
.Ltmp1:
0xf: {  	p0 =	slt.u32 s11, $0x2;
	(pc) =	sbr.rel @!p1 .LBB1_10-.Ltmp1, $4  }
0x10: {  	s13 =	simm.s32 @!p0 $0x2  }
0x11: {  	s15 =	sadd.s32 $0x1, s11;
	_ =	swait.ge @!p0 [sflag:s13], $0x4000  }
0x12: {  	s12 =	smov.u32 s10;
	s9 =	sadd.s32 $0x4000, s9;
	[sflag:s13] =	ssyncset.done @!p0 $0x0  }
0x13: {  	s11 =	smov.u32 s15;
	s10 =	smov.u32 s14;
	[sflag:s13] =	ssyncadd.s32 @!p0 $0xFFFFC000  }
.LBB1_1:
0x14: {  	p0 =	sge.u32 s11, s6  }
0x15: {  	s13 =	sxor.u32 @!p0 $0xFFFFFFFF, s11  }
0x16: {  	s31 =	sadd.s32 $0xFFFFFFFF, s11;
	s14 =	sshll.u32 @!p0 s10, $0xA;
	s13 =	sshll.u32 @!p0 s13, $0xE  }
0x17: {  	s15 =	simm.s32 @!p0 $0x0;
	s14 =	sadd.s32 @!p0 s2, s14;
	s13 =	sand.u32 @!p0 $0x4000, s13  }
0x18: {  	[tilespmem:s13], [sflag:$0x1] =	stream.linear.gather @!p0 [hbm4b:s14+s15], $0x4000, $0x38;
	[tilespmem:$0x10000] =	vst v63  }
0x19: {  	p0 =	sge.u32 s31, s6  }
.Ltmp2:
0x1a: {  	_ = 	snop;
	(pc) =	sbr.rel @p0 .LBB1_9-.Ltmp2, $1  }
0x1b: {  	_ =	sdelay $0x3  }
0x1c: {  	s13 =	sshll.u32 s9, $0x2  }
0x1d: {  	_ =	swait.ge [sflag:s5], $0x4000;
	s14 =	sshll.u32 s11, $0xE;
	s16 =	simm.s32 $0x0  }
0x1e: {  	p1 =	por $0x1, $0x1;
	s13 =	sand.u32 $0x10000, s13;
	[sflag:s5] =	ssyncset.done $0x0  }
0x1f: {  	s14 =	sand.u32 $0x4000, s14;
	s15 =	sshrl.u32 s13, $0x2;
	[sflag:s5] =	ssyncadd.s32 $0xFFFFC000  }
0x20: {  	s13 =	sor.u32 $0x8000, s14;
	s14 =	sadd.s32 $0x8040, s15;
	s15 =	sadd.s32 $0x40, s15  }
.LBB1_3:
0x21: {  	s16 =	sshll.u32 s16, $0x2  }
0x22: {  	p0 =	por p1, p1;
	s17 =	sshra.s32 s16, $0x2  }
0x23: {  	s18 =	simm.s32 $0x0;
	s16 =	sadd.s32 s17, s14;
	s17 =	sadd.s32 s17, s15  }
.LBB1_4:
0x24: {  	v0 =	vmov s17;
	_ =	sdelay $0x3  }
0x25: {  	s20 =	simm.s32 $0x0  }
0x26: {  	v6 =	vld.idx.msk [tilespmem:v0+s20+$0x30 ss:$0x1], $0xffff  }
0x27: {  	v7 =	vld.idx.msk [tilespmem:v0+s20+$0xFFFFFFC0 ss:$0x1], $0xffff  }
0x28: {  	v5 =	vld.idx.msk [tilespmem:v0+s20+$0xFFFFFFD0 ss:$0x1], $0xffff  }
0x29: {  	v4 =	vld.idx.msk [tilespmem:v0+s20+$0xFFFFFFE0 ss:$0x1], $0xffff  }
0x2a: {  	v3 =	vld.idx.msk [tilespmem:v0+s20+$0xFFFFFFF0 ss:$0x1], $0xffff  }
0x2b: {  	v1 =	vld.idx.msk [tilespmem:v0+s20+$0x0 ss:$0x1], $0xffff  }
0x2c: {  	v2 =	vld.idx.msk [tilespmem:v0+s20+$0x10 ss:$0x1], $0xffff;
	[tilespmem:s16+$0x30] =	vst v6  }
0x2d: {  	s19 =	simm.s32 $0x80;
	s21 =	simm.s32 $0x400;
	[tilespmem:s16+$0xFFFFFFC0] =	vst v7;
	v6 =	vld.idx.msk [tilespmem:v0+s20+$0x20 ss:$0x1], $0xffff;
	s20 =	smov.u32 s16  }
.LBB1_5:
0x2e: {  	p1 =	sne.s32 s21, $0xE00;
	v7 =	vld.idx.msk [tilespmem:v0+s19+$0x30 ss:$0x1], $0xffff;
	[tilespmem:s20+$0xFFFFFFD0] =	vst v5  }
0x2f: {  	v8 =	vld.idx.msk [tilespmem:v0+s19+$0xFFFFFFC0 ss:$0x1], $0xffff;
	[tilespmem:s20+$0xFFFFFFE0] =	vst v4  }
0x30: {  	v5 =	vld.idx.msk [tilespmem:v0+s19+$0xFFFFFFD0 ss:$0x1], $0xffff;
	[tilespmem:s20+$0xFFFFFFF0] =	vst v3  }
.Ltmp3:
0x31: {  	v4 =	vld.idx.msk [tilespmem:v0+s19+$0xFFFFFFE0 ss:$0x1], $0xffff;
	[tilespmem:s20+$0x0] =	vst v1;
	(pc) =	sbr.rel @p1 .LBB1_5-.Ltmp3, $4  }
0x32: {  	v3 =	vld.idx.msk [tilespmem:v0+s19+$0xFFFFFFF0 ss:$0x1], $0xffff;
	[tilespmem:s20+$0x10] =	vst v2  }
0x33: {  	v1 =	vld.idx.msk [tilespmem:v0+s19+$0x0 ss:$0x1], $0xffff;
	[tilespmem:s20+$0x20] =	vst v6;
	s20 =	sadd.s32 $0x400, s20  }
0x34: {  	v2 =	vld.idx.msk [tilespmem:v0+s19+$0x10 ss:$0x1], $0xffff;
	[tilespmem:s20+$0x30] =	vst v7  }
0x35: {  	[tilespmem:s20+$0xFFFFFFC0] =	vst v8;
	v6 =	vld.idx.msk [tilespmem:v0+s19+$0x20 ss:$0x1], $0xffff;
	s19 =	sshra.s32 s21, $0x2;
	s21 =	sadd.s32 $0x200, s21  }
0x36: {  	_ =	sdelay $0x2  }
0x37: {  	[tilespmem:s20+$0xFFFFFFD0] =	vst v5  }
0x38: {  	v56 =	vld.idx.msk [tilespmem:v0+s19+$0x30 ss:$0x1], $0xffff;
	[tilespmem:s20+$0xFFFFFFE0] =	vst v4  }
0x39: {  	v57 =	vld.idx.msk [tilespmem:v0+s19+$0xFFFFFFC0 ss:$0x1], $0xffff;
	[tilespmem:s20+$0xFFFFFFF0] =	vst v3  }
0x3a: {  	v58 =	vld.idx.msk [tilespmem:v0+s19+$0xFFFFFFD0 ss:$0x1], $0xffff;
	[tilespmem:s20+$0x0] =	vst v1  }
0x3b: {  	v59 =	vld.idx.msk [tilespmem:v0+s19+$0xFFFFFFE0 ss:$0x1], $0xffff;
	[tilespmem:s20+$0x10] =	vst v2  }
0x3c: {  	v60 =	vld.idx.msk [tilespmem:v0+s19+$0xFFFFFFF0 ss:$0x1], $0xffff;
	s31 =	sadd.s32 $0x400, s20;
	[tilespmem:s20+$0x20] =	vst v6  }
0x3d: {  	v61 =	vld.idx.msk [tilespmem:v0+s19+$0x0 ss:$0x1], $0xffff;
	[tilespmem:s31+$0x30] =	vst v56  }
0x3e: {  	v62 =	vld.idx.msk [tilespmem:v0+s19+$0x10 ss:$0x1], $0xffff;
	s18 =	sadd.s32 $0x1, s18;
	[tilespmem:s31+$0xFFFFFFC0] =	vst v57  }
0x3f: {  	v63 =	vld.idx.msk [tilespmem:v0+s19+$0x20 ss:$0x1], $0xffff;
	p1 =	sne.s32 s18, $0x8;
	[tilespmem:s31+$0xFFFFFFD0] =	vst v58  }
.Ltmp4:
0x40: {  	[tilespmem:s31+$0xFFFFFFE0] =	vst v59;
	(pc) =	sbr.rel @p1 .LBB1_4-.Ltmp4, $4  }
0x41: {  	[tilespmem:s31+$0xFFFFFFF0] =	vst v60  }
0x42: {  	[tilespmem:s31+$0x0] =	vst v61  }
0x43: {  	[tilespmem:s31+$0x10] =	vst v62  }
0x44: {  	s16 =	sadd.s32 $0x80, s16;
	s17 =	sadd.s32 $0x400, s17;
	[tilespmem:s31+$0x20] =	vst v63  }
.Ltmp5:
0x45: {  	(pc) =	sbr.rel @p0 .LBB1_3-.Ltmp5, $2  }
0x46: {  	_ =	sdelay $0x2  }
0x47: {  	s16 =	simm.s32 $0x2000;
	p1 =	por $0x0, $0x0  }
.Ltmp6:
0x48: {  	(pc) =	sbr.rel .LBB1_9-.Ltmp6, $4  }
0x49: {  	_ = 	snop  }
0x4a: {  	s12 =	sshll.u32 s12, $0xA  }
0x4b: {  	s12 =	sadd.s32 s4, s12  }
0x4c: {  	[hbm4b:s12+s8] =	stream.linear.scatter [tilespmem:s13], [sflag:$0x2], $0x4000, $0x38;
	[tilespmem:$0x10000] =	vst v63  }
.LBB1_10:
0x4d: {  	_ =	sfence.sel $0x180000  }
0x4e: {  	s2 =	simm.s32 $0x1;
	[bflag:$0x0] =	sbarrier.arrive $0xFFFF  }
0x4f: {  	s31 =	simm.s32 $0x2;
	[sflag:s2] =	ssyncpa.u1 $0x1  }
0x50: {  	[sflag:s31] =	ssyncpa.u1 $0x1  }
0x51: {  	p0 =	sne.s32 s0, $0x0;
	_ =	strace $0x90000047  }
0x52: {  	s0 =	sadd.s32 @!p0 $0x100000, s1;
	[bflag:$0x2] =	sbarrier.arrive $0xFFFF  }
0x53: {  	[sflag:s0] =	ssyncadd.tile.s32 @!p0 $0x1;
	_ =	shalt  }
.Lfunc_end1:
_tile_overlayer_lowered:
.L_overlay_start_2:
0x54: {  	(tag) =	ssettag $0x2  }
0x55: {  	s0 =	rddreg [dreg:$0x0];
	s2 =	stileid.u32  }
0x56: {  	s1 =	rddreg [dreg:$0x1];
	p0 =	sne.s32 s2, $0x0  }
0x57: {  	s3 =	rddreg [dreg:$0x2];
	[bflag:$0x3] =	sbarrier.arrive $0xFFFF;
	s2 =	simm.s32 @!p0 $0x1C01  }
0x58: {  	[timem:s3], [sflag:s2] =	dma.local @!p0 [hbm:s0], s1  }
0x59: {  	s0 =	simm.s32 @!p0 $0x1  }
0x5a: {  	_ =	swait.ge @!p0 [sflag:s0], s1  }
0x5b: {  	s1 =	ssub.s32 @!p0 $0x0, s1;
	[sflag:s0] =	ssyncset.done @!p0 $0x0  }
0x5c: {  	[sflag:s0] =	ssyncadd.s32 @!p0 s1  }
0x5d: {  	[bflag:$0x3] =	sbarrier.arrive $0xFFFF  }
0x5e: {  	_ =	shalt  }

</sc_bundles>
